<compile_context>
chip_gen: v7x
topology: tpu7x:2x2x1
jax: 0.10.2.dev20260603
libtpu: 0.0.44.dev20260713+nightly
codegen_flags: <defaults>
</compile_context>

<pallas_src>
import jax
import jax.numpy as jnp
from jax import lax
from jax.experimental import pallas as pl
from jax.experimental.pallas import tpu as pltpu
from jax.experimental.pallas import tpu_sc as plsc

_N = 10000
_E = 320000
_D = 128
_H = 64
_Z = 32

_NC = 2
_NS = 16
_NW = _NC * _NS
_EPW = _E // _NW
_C = 125
_NCH = _EPW // _C
_NSLOT = 4
_RPT = 624
_TAIL = _N - _RPT * _NS
_W = 32

_DW = 8
_GPT = _RPT // 16
_RROW = 40
_RD = _NS * _RROW + 8
_ZR = 104


def _sc_agg(ys, src3, dst3, rdeg_in):
    mesh = plsc.VectorSubcoreMesh(core_axis_name="c", subcore_axis_name="s")
    with_deg = rdeg_in is None
    nsl = len(ys)

    out_type = [jax.ShapeDtypeStruct((_NC, _N, _W), jnp.float32)] * nsl
    if with_deg:
        out_type.append(jax.ShapeDtypeStruct((_NC, _RD, 16), jnp.float32))

    scratch = [
        pltpu.VMEM((_NCH, _C), jnp.int32),
        pltpu.VMEM((2 if with_deg else 1, _NCH, _C), jnp.int32),
        [pltpu.VMEM((_C, _W), jnp.float32)] * _NSLOT,
        pltpu.VMEM((_ZR, _W), jnp.float32),
        pltpu.VMEM((_C, _DW), jnp.float32),
        pltpu.VMEM((_RPT, _W), jnp.float32),
        pltpu.VMEM((_RPT, _DW), jnp.float32),
        pltpu.VMEM((_RROW, 16), jnp.float32),
        [pltpu.VMEM_SHARED((_N, _W), jnp.float32)] * nsl,
        [pltpu.SemaphoreType.DMA] * _NSLOT,
        [pltpu.SemaphoreType.DMA] * _NSLOT,
    ]
    if with_deg:
        scratch.append(
            pltpu.VMEM_SHARED((_N, _DW), jnp.float32))

    def body(*args):
        y_hbms = args[:nsl]
        (src_hbm, dst_hbm, zdeg_hbm, ones_hbm, rdeg_hbm) = args[nsl:nsl + 5]
        refs = args[nsl + 5:]
        out_hbms = refs[:nsl]
        if with_deg:
            (rdeg_out, src_v, dst_v, bufs, zbuf, ones_v, av, dv,
             rv, accs, gsem, ssem, dacc) = refs[nsl:]
        else:
            (src_v, dst_v, bufs, zbuf, ones_v, av, dv,
             rv, accs, gsem, ssem) = refs[nsl:]
            dacc = rdeg_out = None
        cid = lax.axis_index("c")
        sid = lax.axis_index("s")
        r0 = sid * _RPT
        t0 = _RPT * _NS
        data_slab = cid if with_deg else 0
        iota16 = lax.iota(jnp.int32, 16)
        zeros16 = jnp.zeros((16,), jnp.int32)

        @pl.loop(0, _ZR)
        def _fill(i):
            for c in range(_W // 16):
                zbuf[i, pl.ds(c * 16, 16)] = jnp.zeros((16,), jnp.float32)

        for acc in accs:
            for t in range(_RPT // _ZR):
                pltpu.sync_copy(zbuf, acc.at[pl.ds(r0 + t * _ZR, _ZR)])
        pltpu.sync_copy(src_hbm.at[2 * sid + cid], src_v)
        if with_deg:
            pltpu.sync_copy(dst_hbm.at[pl.ds(2 * sid, 2)], dst_v)
            pltpu.sync_copy(ones_hbm, ones_v)
            pltpu.sync_copy(zdeg_hbm.at[pl.ds(r0, _RPT)],
                            dacc.at[pl.ds(r0, _RPT)])
        else:
            pltpu.sync_copy(dst_hbm.at[pl.ds(2 * sid + cid, 1)], dst_v)
            pltpu.sync_copy(rdeg_hbm.at[cid].at[pl.ds(_RROW * sid, _GPT)],
                            rv.at[pl.ds(0, _GPT)])

        @pl.when(sid == 0)
        def _zero_tail():
            for acc in accs:
                pltpu.sync_copy(zbuf.at[pl.ds(0, _TAIL)],
                                acc.at[pl.ds(t0, _TAIL)])
            if with_deg:
                pltpu.sync_copy(zdeg_hbm.at[pl.ds(t0, _TAIL)],
                                dacc.at[pl.ds(t0, _TAIL)])

        plsc.subcore_barrier()

        _VC = _NCH * nsl

        def issue_gather(vc, j):
            pltpu.async_copy(y_hbms[j % nsl].at[src_v.at[vc // nsl]],
                             bufs[j], gsem[j])

        def issue_scatter(vc, j):
            k = vc // nsl
            pltpu.async_copy(bufs[j],
                             accs[j % nsl].at[dst_v.at[data_slab].at[k]],
                             ssem[j], add=True)
            if with_deg and j % nsl == 0:
                for w in range(2):
                    pltpu.async_copy(ones_v, dacc.at[dst_v.at[w].at[k]],
                                     ssem[j], add=True)

        def wait_gather(j):
            pltpu.make_async_copy(y_hbms[0].at[pl.ds(0, _C)], bufs[j],
                                  gsem[j]).wait()

        def wait_scatter(j):
            pltpu.make_async_copy(y_hbms[0].at[pl.ds(0, _C)], bufs[j],
                                  ssem[j]).wait()
            if with_deg and j % nsl == 0:
                for _ in range(2):
                    pltpu.make_async_copy(ones_hbm, ones_v, ssem[j]).wait()

        for j in range(_NSLOT):
            issue_gather(j, j)

        @pl.loop(0, (_VC - _NSLOT) // _NSLOT)
        def group(h):
            base = h * _NSLOT
            for bank in (0, 1):
                for t in range(_NSLOT // 2):
                    j = (_NSLOT // 2) * bank + t
                    wait_gather(j)
                    issue_scatter(base + j, j)
                for t in range(_NSLOT // 2):
                    j = (_NSLOT // 2) * bank + t
                    wait_scatter(j)
                    issue_gather(base + _NSLOT + j, j)

        for j in range(_NSLOT):
            wait_gather(j)
            issue_scatter(_VC - _NSLOT + j, j)
        for j in range(_NSLOT):
            wait_scatter(j)

        plsc.subcore_barrier()

        def scale_rows(acc, row0, rvoff, ngroups, compute_recip):
            pltpu.sync_copy(acc.at[pl.ds(row0, ngroups * 16)],
                            av.at[pl.ds(0, ngroups * 16)])
            if compute_recip:
                pltpu.sync_copy(dacc.at[pl.ds(row0, ngroups * 16)],
                                dv.at[pl.ds(0, ngroups * 16)])

            @pl.loop(0, ngroups)
            def grp(g):
                if compute_recip:
                    dvals = plsc.load_gather(dv, [g * 16 + iota16, zeros16])
                    rv[rvoff + g] = 1.0 / jnp.maximum(dvals, 1.0)

                @pl.loop(0, 16)
                def node(t):
                    s = plsc.load_gather(
                        rv, [jnp.full((16,), rvoff + g, jnp.int32),
                             jnp.full((16,), t, jnp.int32)])
                    row = g * 16 + t
                    for c in range(_W // 16):
                        sl = pl.ds(c * 16, 16)
                        av[row, sl] = av[row, sl] * s

        for p in range(nsl):
            first = p == 0
            scale_rows(accs[p], r0, 0, _GPT, with_deg and first)
            pltpu.sync_copy(av, out_hbms[p].at[cid].at[pl.ds(r0, _RPT)])
            if with_deg and first:
                pltpu.sync_copy(
                    rv.at[pl.ds(0, _GPT)],
                    rdeg_out.at[cid].at[pl.ds(_RROW * sid, _GPT)])

            @pl.when(sid == 0)
            def _tail():
                if with_deg and first:
                    scale_rows(accs[p], t0, _GPT, _TAIL // 16, True)
                    pltpu.sync_copy(
                        rv.at[pl.ds(_GPT, _TAIL // 16)],
                        rdeg_out.at[cid].at[pl.ds(_NS * _RROW,
                                                  _TAIL // 16)])
                else:
                    if not with_deg and first:
                        pltpu.sync_copy(
                            rdeg_hbm.at[cid].at[pl.ds(_NS * _RROW, 1)],
                            rv.at[pl.ds(_GPT, 1)])
                    scale_rows(accs[p], t0, _GPT, _TAIL // 16, False)
                pltpu.sync_copy(
                    av.at[pl.ds(0, _TAIL)],
                    out_hbms[p].at[cid].at[pl.ds(t0, _TAIL)])

    zdeg = jnp.zeros((_N, _DW), jnp.float32)
    ones = jnp.ones((_C, _DW), jnp.float32)
    if rdeg_in is None:
        rdeg_in = jnp.zeros((_NC, _RD, 16), jnp.float32)
    k = pl.kernel(body, out_type=out_type, mesh=mesh, scratch_types=scratch,
                  compiler_params=pltpu.CompilerParams(
                      use_tc_tiling_on_sc=False,
                      needs_layout_passes=False))
    return k(*ys, src3, dst3, zdeg, ones, rdeg_in)


_Q = _N // 4


def _tc1_body(x4_ref, wa_ref, wb_ref, wra_ref, wrb_ref,
              y1a_ref, y1b_ref, r1a_ref, r1b_ref):
    xb = x4_ref[...]
    y1a_ref[...] = jnp.dot(xb, wa_ref[...], preferred_element_type=jnp.float32)
    y1b_ref[...] = jnp.dot(xb, wb_ref[...], preferred_element_type=jnp.float32)
    r1a_ref[...] = jnp.dot(xb, wra_ref[...],
                           preferred_element_type=jnp.float32)
    r1b_ref[...] = jnp.dot(xb, wrb_ref[...],
                           preferred_element_type=jnp.float32)


def _tc2_body(pma_ref, pmb_ref, r1a_ref, r1b_ref, b1a_ref, b1b_ref,
              wla_ref, wlb_ref, wra_ref, wrb_ref, y2_ref, r2_ref):
    va = pma_ref[...].reshape(2, _Q, 128)
    vb = pmb_ref[...].reshape(2, _Q, 128)
    ha = jnp.maximum(va[0] + va[1] + r1a_ref[...] + b1a_ref[...], 0.0)
    hb = jnp.maximum(vb[0] + vb[1] + r1b_ref[...] + b1b_ref[...], 0.0)
    y2_ref[...] = (
        jnp.dot(ha, wla_ref[...], preferred_element_type=jnp.float32)
        + jnp.dot(hb, wlb_ref[...], preferred_element_type=jnp.float32))
    r2_ref[...] = (
        jnp.dot(ha, wra_ref[...], preferred_element_type=jnp.float32)
        + jnp.dot(hb, wrb_ref[...], preferred_element_type=jnp.float32))


def _tc3_body(pm_ref, r2_ref, b2_ref, z_ref):
    v = pm_ref[...].reshape(2, _Q, 128)
    z_ref[...] = jnp.maximum(v[0] + v[1] + r2_ref[...] + b2_ref[...], 0.0)


def kernel(x, edge_index, W_l1, W_r1, b1, W_l2, W_r2, b2):
    src3 = edge_index[0].reshape(_NW, _NCH, _C)
    dst3 = edge_index[1].reshape(_NW, _NCH, _C)

    eye4 = jnp.eye(4, dtype=jnp.float32)
    x4 = x.reshape(_Q, 4 * _D)
    wa = jnp.kron(eye4, W_l1[:, :_W])
    wb = jnp.kron(eye4, W_l1[:, _W:])
    wra = jnp.kron(eye4, W_r1[:, :_W])
    wrb = jnp.kron(eye4, W_r1[:, _W:])

    def full2d(shape):
        return pl.BlockSpec(shape, lambda i: (0, 0))

    q128 = jax.ShapeDtypeStruct((_Q, 128), jnp.float32)
    y1a, y1b, r1a, r1b = pl.pallas_call(
        _tc1_body,
        grid=(1,),
        in_specs=[full2d((_Q, 4 * _D))] + [full2d((4 * _D, 128))] * 4,
        out_specs=[full2d((_Q, 128))] * 4,
        out_shape=[q128] * 4,
    )(x4, wa, wb, wra, wrb)

    pm1a, pm1b, rdeg = _sc_agg([y1a.reshape(_N, _W), y1b.reshape(_N, _W)],
                               src3, dst3, None)

    b1a = jnp.tile(b1[:_W], 4).reshape(1, 128)
    b1b = jnp.tile(b1[_W:], 4).reshape(1, 128)
    wla = jnp.kron(eye4, W_l2[:_W, :])
    wlb = jnp.kron(eye4, W_l2[_W:, :])
    wr2a = jnp.kron(eye4, W_r2[:_W, :])
    wr2b = jnp.kron(eye4, W_r2[_W:, :])
    y2, r2 = pl.pallas_call(
        _tc2_body,
        grid=(1,),
        in_specs=[full2d((2 * _Q, 128)), full2d((2 * _Q, 128)),
                  full2d((_Q, 128)), full2d((_Q, 128)),
                  full2d((1, 128)), full2d((1, 128))]
                 + [full2d((128, 128))] * 4,
        out_specs=[full2d((_Q, 128))] * 2,
        out_shape=[q128] * 2,
    )(pm1a.reshape(2 * _Q, 128), pm1b.reshape(2 * _Q, 128), r1a, r1b,
      b1a, b1b, wla, wlb, wr2a, wr2b)

    pm2, = _sc_agg([y2.reshape(_N, _Z)], src3, dst3, rdeg)

    b2t = jnp.tile(b2, 4).reshape(1, 128)
    zp = pl.pallas_call(
        _tc3_body,
        grid=(1,),
        in_specs=[full2d((2 * _Q, 128)), full2d((_Q, 128)),
                  full2d((1, 128))],
        out_specs=full2d((_Q, 128)),
        out_shape=q128,
    )(pm2.reshape(2 * _Q, 128), r2, b2t)

    return zp.reshape(_N, _Z)

# --- scband reference (transcript-rebuilt; emitter-appended) ---
"""Pipeline reference for scband-graph-nn-79809082294964 (READ-ONLY COPY).

The authoritative reference and input builder live on the scoring server;
editing this copy changes nothing except your own understanding.
"""

import jax, jax.numpy as jnp
import numpy as np

N = 10000
E = 320000
D = 128
H = 64
Z = 32


def setup_inputs(seed: int = 0) -> dict:
    key = jax.random.key(seed)
    ks = jax.random.split(key, 10)
    x = jax.random.normal(ks[0], (N, D), dtype=jnp.float32)
    edge_index = jax.random.randint(ks[1], (2, E), 0, N, dtype=jnp.int32)
    # SAGEConv layer 1: in D -> out H (lin_l on aggregated neighbors, lin_r on root)
    W_l1 = jax.random.normal(ks[2], (D, H), dtype=jnp.float32) * (1.0 / np.sqrt(D))
    W_r1 = jax.random.normal(ks[3], (D, H), dtype=jnp.float32) * (1.0 / np.sqrt(D))
    b1 = jnp.zeros((H,), dtype=jnp.float32)
    # SAGEConv layer 2: in H -> out Z (embedding_dimension)
    W_l2 = jax.random.normal(ks[4], (H, Z), dtype=jnp.float32) * (1.0 / np.sqrt(H))
    W_r2 = jax.random.normal(ks[5], (H, Z), dtype=jnp.float32) * (1.0 / np.sqrt(H))
    b2 = jnp.zeros((Z,), dtype=jnp.float32)
    return {"x": x, "edge_index": edge_index, "W_l1": W_l1, "W_r1": W_r1, "b1": b1,
            "W_l2": W_l2, "W_r2": W_r2, "b2": b2}


def _mean_aggr(x, src, dst, num_nodes):
    # gather messages from source nodes, scatter-mean onto destination nodes
    msgs = jnp.take(x, src, axis=0)
    summed = jax.ops.segment_sum(msgs, dst, num_segments=num_nodes)
    cnt = jax.ops.segment_sum(jnp.ones((src.shape[0], 1), dtype=x.dtype), dst, num_segments=num_nodes)
    return summed / jnp.maximum(cnt, 1.0)


def reference(x, edge_index, W_l1, W_r1, b1, W_l2, W_r2, b2):
    # HeteroConv with a single ('entity', rel, 'entity') edge type, aggr='mean'
    # SAGEConv: out_i = lin_l(mean_{j in N(i)} x_j) + lin_r(x_i)
    src = edge_index[0]
    dst = edge_index[1]
    # layer 1 (hidden_dimensions=64) + dropout(eval: identity) + relu
    agg1 = _mean_aggr(x, src, dst, N)
    h = agg1 @ W_l1 + x @ W_r1 + b1
    h = jax.nn.relu(h)
    # layer 2 (embedding_dimension=32) + dropout(eval: identity) + relu
    agg2 = _mean_aggr(h, src, dst, N)
    z = agg2 @ W_l2 + h @ W_r2 + b2
    z = jax.nn.relu(z)
    return z

if __name__ == "__main__":
    import jax
    _d = setup_inputs()
    print(jax.jit(kernel)(*tuple(_d.values())))

</pallas_src>

<mosaic_0001>
#map = affine_map<(d0, d1) -> (0, 0)>
#map1 = affine_map<(d0, d1) -> (0, 0, 0)>
module attributes {stable_mosaic.version = 14 : i64} {
  func.func @body(%arg0: i32, %arg1: i32, %arg2: memref<10000x32xf32, #tpu.memory_space<hbm>>, %arg3: memref<10000x32xf32, #tpu.memory_space<hbm>>, %arg4: memref<32x80x125xi32, #tpu.memory_space<hbm>>, %arg5: memref<32x80x125xi32, #tpu.memory_space<hbm>>, %arg6: memref<10000x8xf32, #tpu.memory_space<hbm>>, %arg7: memref<125x8xf32, #tpu.memory_space<hbm>>, %arg8: memref<2x648x16xf32, #tpu.memory_space<hbm>>, %arg9: memref<2x10000x32xf32, #tpu.memory_space<hbm>>, %arg10: memref<2x10000x32xf32, #tpu.memory_space<hbm>>, %arg11: memref<2x648x16xf32, #tpu.memory_space<hbm>>, %arg12: memref<80x125xi32, #tpu.memory_space<vmem>>, %arg13: memref<2x80x125xi32, #tpu.memory_space<vmem>>, %arg14: memref<125x32xf32, #tpu.memory_space<vmem>>, %arg15: memref<125x32xf32, #tpu.memory_space<vmem>>, %arg16: memref<125x32xf32, #tpu.memory_space<vmem>>, %arg17: memref<125x32xf32, #tpu.memory_space<vmem>>, %arg18: memref<104x32xf32, #tpu.memory_space<vmem>>, %arg19: memref<125x8xf32, #tpu.memory_space<vmem>>, %arg20: memref<624x32xf32, #tpu.memory_space<vmem>>, %arg21: memref<624x8xf32, #tpu.memory_space<vmem>>, %arg22: memref<40x16xf32, #tpu.memory_space<vmem>>, %arg23: memref<10000x32xf32, #tpu.memory_space<vmem_shared>>, %arg24: memref<10000x32xf32, #tpu.memory_space<vmem_shared>>, %arg25: memref<!tpu.dma_semaphore, #tpu.memory_space<semaphore_mem>>, %arg26: memref<!tpu.dma_semaphore, #tpu.memory_space<semaphore_mem>>, %arg27: memref<!tpu.dma_semaphore, #tpu.memory_space<semaphore_mem>>, %arg28: memref<!tpu.dma_semaphore, #tpu.memory_space<semaphore_mem>>, %arg29: memref<!tpu.dma_semaphore, #tpu.memory_space<semaphore_mem>>, %arg30: memref<!tpu.dma_semaphore, #tpu.memory_space<semaphore_mem>>, %arg31: memref<!tpu.dma_semaphore, #tpu.memory_space<semaphore_mem>>, %arg32: memref<!tpu.dma_semaphore, #tpu.memory_space<semaphore_mem>>, %arg33: memref<10000x8xf32, #tpu.memory_space<vmem_shared>>) attributes {dimension_semantics = [#tpu.dimension_semantics<core_parallel>, #tpu.dimension_semantics<subcore_parallel>], iteration_bounds = array<i64: 2, 16>, scalar_prefetch = 0 : i64, scratch_operands = 22 : i64, tpu.core_type = #tpu.core_type<sc_vector_subcore>, window_params = [{transform_indices = #map}, {transform_indices = #map}, {transform_indices = #map1}, {transform_indices = #map1}, {transform_indices = #map}, {transform_indices = #map}, {transform_indices = #map1}, {transform_indices = #map1}, {transform_indices = #map1}, {transform_indices = #map1}]} {
    %mul3A = arith.constant 624 : i32
    %mul3A_0 = arith.muli %arg1, %mul3A : i32
    %iota3A = tpu.iota {dimensions = array<i32: 0>} : vector<16xi32>
    %broadcast_in_dim3A = arith.constant 0 : i32
    %broadcast_in_dim3A_1 = vector.broadcast %broadcast_in_dim3A : i32 to vector<16xi32>
    %scan3A = arith.constant 0 : i32
    %scan3A_2 = arith.constant 104 : i32
    %scan3A_3 = arith.addi %scan3A, %scan3A_2 : i32
    %scan3A_4 = arith.constant 1 : i32
    scf.for %scan3A_230 = %scan3A to %scan3A_3 step %scan3A_4  : i32 {
      %mul3A_231 = arith.constant 1 : i32
      %mul3A_232 = arith.muli %scan3A_230, %mul3A_231 : i32
      %add3A_233 = arith.constant 0 : i32
      %add3A_234 = arith.addi %add3A_233, %mul3A_232 : i32
      %broadcast_in_dim3A_235 = arith.constant 0.000000e+00 : f32
      %broadcast_in_dim3A_236 = vector.broadcast %broadcast_in_dim3A_235 : f32 to vector<16xf32>
      %swap3A = arith.index_cast %add3A_234 : i32 to index
      %swap3A_237 = arith.constant 0 : index
      %swap3A_238 = tpu.vector_load %arg18[%swap3A, %swap3A_237] {strides = array<i32>} : memref<104x32xf32, #tpu.memory_space<vmem>>, vector<16xf32>,
      tpu.vector_store %arg18[%swap3A, %swap3A_237], %broadcast_in_dim3A_236 {strides = array<i32>} : memref<104x32xf32, #tpu.memory_space<vmem>>, vector<16xf32>,
      %broadcast_in_dim3A_239 = arith.constant 0.000000e+00 : f32
      %broadcast_in_dim3A_240 = vector.broadcast %broadcast_in_dim3A_239 : f32 to vector<16xf32>
      %swap3A_241 = arith.index_cast %add3A_234 : i32 to index
      %swap3A_242 = arith.constant 16 : index
      %swap3A_243 = tpu.vector_load %arg18[%swap3A_241, %swap3A_242] {strides = array<i32>} : memref<104x32xf32, #tpu.memory_space<vmem>>, vector<16xf32>,
      tpu.vector_store %arg18[%swap3A_241, %swap3A_242], %broadcast_in_dim3A_240 {strides = array<i32>} : memref<104x32xf32, #tpu.memory_space<vmem>>, vector<16xf32>,
    }
    %scan3A_5 = arith.constant 104 : i32
    %add3A = arith.constant 0 : i32
    %add3A_6 = arith.addi %mul3A_0, %add3A : i32
    "tpu.region"() ({
      %run_scoped3A = tpu.sem_alloc : memref<!tpu.dma_semaphore, #tpu.memory_space<semaphore_mem>>
      %dma_start3A_230 = arith.constant 0 : i32
      %dma_start3A_231 = tpu.memref_slice %arg23[%add3A_6, %dma_start3A_230] : memref<10000x32xf32, #tpu.memory_space<vmem_shared>> -> memref<104x32xf32, #tpu.memory_space<vmem_shared>>
      %dma_start3A_232 = arith.constant 0 : i32
      %dma_start3A_233 = tpu.memref_slice %arg23[%add3A_6, %dma_start3A_232] : memref<10000x32xf32, #tpu.memory_space<vmem_shared>> -> memref<104x32xf32, #tpu.memory_space<vmem_shared>>
      tpu.enqueue_dma source(%arg18 : memref<104x32xf32, #tpu.memory_space<vmem>>) target(%dma_start3A_233 : memref<104x32xf32, #tpu.memory_space<vmem_shared>>) target_semaphore(%run_scoped3A : memref<!tpu.dma_semaphore, #tpu.memory_space<semaphore_mem>>)
      %dma_wait3A_234 = arith.constant 0 : i32
      %dma_wait3A_235 = tpu.memref_slice %arg23[%add3A_6, %dma_wait3A_234] : memref<10000x32xf32, #tpu.memory_space<vmem_shared>> -> memref<104x32xf32, #tpu.memory_space<vmem_shared>>
      %dma_wait3A_236 = arith.constant 0 : i32
      %dma_wait3A_237 = tpu.memref_slice %arg23[%add3A_6, %dma_wait3A_236] : memref<10000x32xf32, #tpu.memory_space<vmem_shared>> -> memref<104x32xf32, #tpu.memory_space<vmem_shared>>
      tpu.wait_dma2 semaphore(%run_scoped3A : memref<!tpu.dma_semaphore, #tpu.memory_space<semaphore_mem>>) src(%arg18 : memref<104x32xf32, #tpu.memory_space<vmem>>) dst(%dma_wait3A_237 : memref<104x32xf32, #tpu.memory_space<vmem_shared>>)
      tpu.yield
    }) : () -> ()
    %add3A_7 = arith.constant 104 : i32
    %add3A_8 = arith.addi %mul3A_0, %add3A_7 : i32
    "tpu.region"() ({
      %run_scoped3A = tpu.sem_alloc : memref<!tpu.dma_semaphore, #tpu.memory_space<semaphore_mem>>
      %dma_start3A_230 = arith.constant 0 : i32
      %dma_start3A_231 = tpu.memref_slice %arg23[%add3A_8, %dma_start3A_230] : memref<10000x32xf32, #tpu.memory_space<vmem_shared>> -> memref<104x32xf32, #tpu.memory_space<vmem_shared>>
      %dma_start3A_232 = arith.constant 0 : i32
      %dma_start3A_233 = tpu.memref_slice %arg23[%add3A_8, %dma_start3A_232] : memref<10000x32xf32, #tpu.memory_space<vmem_shared>> -> memref<104x32xf32, #tpu.memory_space<vmem_shared>>
      tpu.enqueue_dma source(%arg18 : memref<104x32xf32, #tpu.memory_space<vmem>>) target(%dma_start3A_233 : memref<104x32xf32, #tpu.memory_space<vmem_shared>>) target_semaphore(%run_scoped3A : memref<!tpu.dma_semaphore, #tpu.memory_space<semaphore_mem>>)
      %dma_wait3A_234 = arith.constant 0 : i32
      %dma_wait3A_235 = tpu.memref_slice %arg23[%add3A_8, %dma_wait3A_234] : memref<10000x32xf32, #tpu.memory_space<vmem_shared>> -> memref<104x32xf32, #tpu.memory_space<vmem_shared>>
      %dma_wait3A_236 = arith.constant 0 : i32
      %dma_wait3A_237 = tpu.memref_slice %arg23[%add3A_8, %dma_wait3A_236] : memref<10000x32xf32, #tpu.memory_space<vmem_shared>> -> memref<104x32xf32, #tpu.memory_space<vmem_shared>>
      tpu.wait_dma2 semaphore(%run_scoped3A : memref<!tpu.dma_semaphore, #tpu.memory_space<semaphore_mem>>) src(%arg18 : memref<104x32xf32, #tpu.memory_space<vmem>>) dst(%dma_wait3A_237 : memref<104x32xf32, #tpu.memory_space<vmem_shared>>)
      tpu.yield
    }) : () -> ()
    %add3A_9 = arith.constant 208 : i32
    %add3A_10 = arith.addi %mul3A_0, %add3A_9 : i32
    "tpu.region"() ({
      %run_scoped3A = tpu.sem_alloc : memref<!tpu.dma_semaphore, #tpu.memory_space<semaphore_mem>>
      %dma_start3A_230 = arith.constant 0 : i32
      %dma_start3A_231 = tpu.memref_slice %arg23[%add3A_10, %dma_start3A_230] : memref<10000x32xf32, #tpu.memory_space<vmem_shared>> -> memref<104x32xf32, #tpu.memory_space<vmem_shared>>
      %dma_start3A_232 = arith.constant 0 : i32
      %dma_start3A_233 = tpu.memref_slice %arg23[%add3A_10, %dma_start3A_232] : memref<10000x32xf32, #tpu.memory_space<vmem_shared>> -> memref<104x32xf32, #tpu.memory_space<vmem_shared>>
      tpu.enqueue_dma source(%arg18 : memref<104x32xf32, #tpu.memory_space<vmem>>) target(%dma_start3A_233 : memref<104x32xf32, #tpu.memory_space<vmem_shared>>) target_semaphore(%run_scoped3A : memref<!tpu.dma_semaphore, #tpu.memory_space<semaphore_mem>>)
      %dma_wait3A_234 = arith.constant 0 : i32
      %dma_wait3A_235 = tpu.memref_slice %arg23[%add3A_10, %dma_wait3A_234] : memref<10000x32xf32, #tpu.memory_space<vmem_shared>> -> memref<104x32xf32, #tpu.memory_space<vmem_shared>>
      %dma_wait3A_236 = arith.constant 0 : i32
      %dma_wait3A_237 = tpu.memref_slice %arg23[%add3A_10, %dma_wait3A_236] : memref<10000x32xf32, #tpu.memory_space<vmem_shared>> -> memref<104x32xf32, #tpu.memory_space<vmem_shared>>
      tpu.wait_dma2 semaphore(%run_scoped3A : memref<!tpu.dma_semaphore, #tpu.memory_space<semaphore_mem>>) src(%arg18 : memref<104x32xf32, #tpu.memory_space<vmem>>) dst(%dma_wait3A_237 : memref<104x32xf32, #tpu.memory_space<vmem_shared>>)
      tpu.yield
    }) : () -> ()
    %add3A_11 = arith.constant 312 : i32
    %add3A_12 = arith.addi %mul3A_0, %add3A_11 : i32
    "tpu.region"() ({
      %run_scoped3A = tpu.sem_alloc : memref<!tpu.dma_semaphore, #tpu.memory_space<semaphore_mem>>
      %dma_start3A_230 = arith.constant 0 : i32
      %dma_start3A_231 = tpu.memref_slice %arg23[%add3A_12, %dma_start3A_230] : memref<10000x32xf32, #tpu.memory_space<vmem_shared>> -> memref<104x32xf32, #tpu.memory_space<vmem_shared>>
      %dma_start3A_232 = arith.constant 0 : i32
      %dma_start3A_233 = tpu.memref_slice %arg23[%add3A_12, %dma_start3A_232] : memref<10000x32xf32, #tpu.memory_space<vmem_shared>> -> memref<104x32xf32, #tpu.memory_space<vmem_shared>>
      tpu.enqueue_dma source(%arg18 : memref<104x32xf32, #tpu.memory_space<vmem>>) target(%dma_start3A_233 : memref<104x32xf32, #tpu.memory_space<vmem_shared>>) target_semaphore(%run_scoped3A : memref<!tpu.dma_semaphore, #tpu.memory_space<semaphore_mem>>)
      %dma_wait3A_234 = arith.constant 0 : i32
      %dma_wait3A_235 = tpu.memref_slice %arg23[%add3A_12, %dma_wait3A_234] : memref<10000x32xf32, #tpu.memory_space<vmem_shared>> -> memref<104x32xf32, #tpu.memory_space<vmem_shared>>
      %dma_wait3A_236 = arith.constant 0 : i32
      %dma_wait3A_237 = tpu.memref_slice %arg23[%add3A_12, %dma_wait3A_236] : memref<10000x32xf32, #tpu.memory_space<vmem_shared>> -> memref<104x32xf32, #tpu.memory_space<vmem_shared>>
      tpu.wait_dma2 semaphore(%run_scoped3A : memref<!tpu.dma_semaphore, #tpu.memory_space<semaphore_mem>>) src(%arg18 : memref<104x32xf32, #tpu.memory_space<vmem>>) dst(%dma_wait3A_237 : memref<104x32xf32, #tpu.memory_space<vmem_shared>>)
      tpu.yield
    }) : () -> ()
    %add3A_13 = arith.constant 416 : i32
    %add3A_14 = arith.addi %mul3A_0, %add3A_13 : i32
    "tpu.region"() ({
      %run_scoped3A = tpu.sem_alloc : memref<!tpu.dma_semaphore, #tpu.memory_space<semaphore_mem>>
      %dma_start3A_230 = arith.constant 0 : i32
      %dma_start3A_231 = tpu.memref_slice %arg23[%add3A_14, %dma_start3A_230] : memref<10000x32xf32, #tpu.memory_space<vmem_shared>> -> memref<104x32xf32, #tpu.memory_space<vmem_shared>>
      %dma_start3A_232 = arith.constant 0 : i32
      %dma_start3A_233 = tpu.memref_slice %arg23[%add3A_14, %dma_start3A_232] : memref<10000x32xf32, #tpu.memory_space<vmem_shared>> -> memref<104x32xf32, #tpu.memory_space<vmem_shared>>
      tpu.enqueue_dma source(%arg18 : memref<104x32xf32, #tpu.memory_space<vmem>>) target(%dma_start3A_233 : memref<104x32xf32, #tpu.memory_space<vmem_shared>>) target_semaphore(%run_scoped3A : memref<!tpu.dma_semaphore, #tpu.memory_space<semaphore_mem>>)
      %dma_wait3A_234 = arith.constant 0 : i32
      %dma_wait3A_235 = tpu.memref_slice %arg23[%add3A_14, %dma_wait3A_234] : memref<10000x32xf32, #tpu.memory_space<vmem_shared>> -> memref<104x32xf32, #tpu.memory_space<vmem_shared>>
      %dma_wait3A_236 = arith.constant 0 : i32
      %dma_wait3A_237 = tpu.memref_slice %arg23[%add3A_14, %dma_wait3A_236] : memref<10000x32xf32, #tpu.memory_space<vmem_shared>> -> memref<104x32xf32, #tpu.memory_space<vmem_shared>>
      tpu.wait_dma2 semaphore(%run_scoped3A : memref<!tpu.dma_semaphore, #tpu.memory_space<semaphore_mem>>) src(%arg18 : memref<104x32xf32, #tpu.memory_space<vmem>>) dst(%dma_wait3A_237 : memref<104x32xf32, #tpu.memory_space<vmem_shared>>)
      tpu.yield
    }) : () -> ()
    %add3A_15 = arith.constant 520 : i32
    %add3A_16 = arith.addi %mul3A_0, %add3A_15 : i32
    "tpu.region"() ({
      %run_scoped3A = tpu.sem_alloc : memref<!tpu.dma_semaphore, #tpu.memory_space<semaphore_mem>>
      %dma_start3A_230 = arith.constant 0 : i32
      %dma_start3A_231 = tpu.memref_slice %arg23[%add3A_16, %dma_start3A_230] : memref<10000x32xf32, #tpu.memory_space<vmem_shared>> -> memref<104x32xf32, #tpu.memory_space<vmem_shared>>
      %dma_start3A_232 = arith.constant 0 : i32
      %dma_start3A_233 = tpu.memref_slice %arg23[%add3A_16, %dma_start3A_232] : memref<10000x32xf32, #tpu.memory_space<vmem_shared>> -> memref<104x32xf32, #tpu.memory_space<vmem_shared>>
      tpu.enqueue_dma source(%arg18 : memref<104x32xf32, #tpu.memory_space<vmem>>) target(%dma_start3A_233 : memref<104x32xf32, #tpu.memory_space<vmem_shared>>) target_semaphore(%run_scoped3A : memref<!tpu.dma_semaphore, #tpu.memory_space<semaphore_mem>>)
      %dma_wait3A_234 = arith.constant 0 : i32
      %dma_wait3A_235 = tpu.memref_slice %arg23[%add3A_16, %dma_wait3A_234] : memref<10000x32xf32, #tpu.memory_space<vmem_shared>> -> memref<104x32xf32, #tpu.memory_space<vmem_shared>>
      %dma_wait3A_236 = arith.constant 0 : i32
      %dma_wait3A_237 = tpu.memref_slice %arg23[%add3A_16, %dma_wait3A_236] : memref<10000x32xf32, #tpu.memory_space<vmem_shared>> -> memref<104x32xf32, #tpu.memory_space<vmem_shared>>
      tpu.wait_dma2 semaphore(%run_scoped3A : memref<!tpu.dma_semaphore, #tpu.memory_space<semaphore_mem>>) src(%arg18 : memref<104x32xf32, #tpu.memory_space<vmem>>) dst(%dma_wait3A_237 : memref<104x32xf32, #tpu.memory_space<vmem_shared>>)
      tpu.yield
    }) : () -> ()
    %add3A_17 = arith.constant 0 : i32
    %add3A_18 = arith.addi %mul3A_0, %add3A_17 : i32
    "tpu.region"() ({
      %run_scoped3A = tpu.sem_alloc : memref<!tpu.dma_semaphore, #tpu.memory_space<semaphore_mem>>
      %dma_start3A_230 = arith.constant 0 : i32
      %dma_start3A_231 = tpu.memref_slice %arg24[%add3A_18, %dma_start3A_230] : memref<10000x32xf32, #tpu.memory_space<vmem_shared>> -> memref<104x32xf32, #tpu.memory_space<vmem_shared>>
      %dma_start3A_232 = arith.constant 0 : i32
      %dma_start3A_233 = tpu.memref_slice %arg24[%add3A_18, %dma_start3A_232] : memref<10000x32xf32, #tpu.memory_space<vmem_shared>> -> memref<104x32xf32, #tpu.memory_space<vmem_shared>>
      tpu.enqueue_dma source(%arg18 : memref<104x32xf32, #tpu.memory_space<vmem>>) target(%dma_start3A_233 : memref<104x32xf32, #tpu.memory_space<vmem_shared>>) target_semaphore(%run_scoped3A : memref<!tpu.dma_semaphore, #tpu.memory_space<semaphore_mem>>)
      %dma_wait3A_234 = arith.constant 0 : i32
      %dma_wait3A_235 = tpu.memref_slice %arg24[%add3A_18, %dma_wait3A_234] : memref<10000x32xf32, #tpu.memory_space<vmem_shared>> -> memref<104x32xf32, #tpu.memory_space<vmem_shared>>
      %dma_wait3A_236 = arith.constant 0 : i32
      %dma_wait3A_237 = tpu.memref_slice %arg24[%add3A_18, %dma_wait3A_236] : memref<10000x32xf32, #tpu.memory_space<vmem_shared>> -> memref<104x32xf32, #tpu.memory_space<vmem_shared>>
      tpu.wait_dma2 semaphore(%run_scoped3A : memref<!tpu.dma_semaphore, #tpu.memory_space<semaphore_mem>>) src(%arg18 : memref<104x32xf32, #tpu.memory_space<vmem>>) dst(%dma_wait3A_237 : memref<104x32xf32, #tpu.memory_space<vmem_shared>>)
      tpu.yield
    }) : () -> ()
    %add3A_19 = arith.constant 104 : i32
    %add3A_20 = arith.addi %mul3A_0, %add3A_19 : i32
    "tpu.region"() ({
      %run_scoped3A = tpu.sem_alloc : memref<!tpu.dma_semaphore, #tpu.memory_space<semaphore_mem>>
      %dma_start3A_230 = arith.constant 0 : i32
      %dma_start3A_231 = tpu.memref_slice %arg24[%add3A_20, %dma_start3A_230] : memref<10000x32xf32, #tpu.memory_space<vmem_shared>> -> memref<104x32xf32, #tpu.memory_space<vmem_shared>>
      %dma_start3A_232 = arith.constant 0 : i32
      %dma_start3A_233 = tpu.memref_slice %arg24[%add3A_20, %dma_start3A_232] : memref<10000x32xf32, #tpu.memory_space<vmem_shared>> -> memref<104x32xf32, #tpu.memory_space<vmem_shared>>
      tpu.enqueue_dma source(%arg18 : memref<104x32xf32, #tpu.memory_space<vmem>>) target(%dma_start3A_233 : memref<104x32xf32, #tpu.memory_space<vmem_shared>>) target_semaphore(%run_scoped3A : memref<!tpu.dma_semaphore, #tpu.memory_space<semaphore_mem>>)
      %dma_wait3A_234 = arith.constant 0 : i32
      %dma_wait3A_235 = tpu.memref_slice %arg24[%add3A_20, %dma_wait3A_234] : memref<10000x32xf32, #tpu.memory_space<vmem_shared>> -> memref<104x32xf32, #tpu.memory_space<vmem_shared>>
      %dma_wait3A_236 = arith.constant 0 : i32
      %dma_wait3A_237 = tpu.memref_slice %arg24[%add3A_20, %dma_wait3A_236] : memref<10000x32xf32, #tpu.memory_space<vmem_shared>> -> memref<104x32xf32, #tpu.memory_space<vmem_shared>>
      tpu.wait_dma2 semaphore(%run_scoped3A : memref<!tpu.dma_semaphore, #tpu.memory_space<semaphore_mem>>) src(%arg18 : memref<104x32xf32, #tpu.memory_space<vmem>>) dst(%dma_wait3A_237 : memref<104x32xf32, #tpu.memory_space<vmem_shared>>)
      tpu.yield
    }) : () -> ()
    %add3A_21 = arith.constant 208 : i32
    %add3A_22 = arith.addi %mul3A_0, %add3A_21 : i32
    "tpu.region"() ({
      %run_scoped3A = tpu.sem_alloc : memref<!tpu.dma_semaphore, #tpu.memory_space<semaphore_mem>>
      %dma_start3A_230 = arith.constant 0 : i32
      %dma_start3A_231 = tpu.memref_slice %arg24[%add3A_22, %dma_start3A_230] : memref<10000x32xf32, #tpu.memory_space<vmem_shared>> -> memref<104x32xf32, #tpu.memory_space<vmem_shared>>
      %dma_start3A_232 = arith.constant 0 : i32
      %dma_start3A_233 = tpu.memref_slice %arg24[%add3A_22, %dma_start3A_232] : memref<10000x32xf32, #tpu.memory_space<vmem_shared>> -> memref<104x32xf32, #tpu.memory_space<vmem_shared>>
      tpu.enqueue_dma source(%arg18 : memref<104x32xf32, #tpu.memory_space<vmem>>) target(%dma_start3A_233 : memref<104x32xf32, #tpu.memory_space<vmem_shared>>) target_semaphore(%run_scoped3A : memref<!tpu.dma_semaphore, #tpu.memory_space<semaphore_mem>>)
      %dma_wait3A_234 = arith.constant 0 : i32
      %dma_wait3A_235 = tpu.memref_slice %arg24[%add3A_22, %dma_wait3A_234] : memref<10000x32xf32, #tpu.memory_space<vmem_shared>> -> memref<104x32xf32, #tpu.memory_space<vmem_shared>>
      %dma_wait3A_236 = arith.constant 0 : i32
      %dma_wait3A_237 = tpu.memref_slice %arg24[%add3A_22, %dma_wait3A_236] : memref<10000x32xf32, #tpu.memory_space<vmem_shared>> -> memref<104x32xf32, #tpu.memory_space<vmem_shared>>
      tpu.wait_dma2 semaphore(%run_scoped3A : memref<!tpu.dma_semaphore, #tpu.memory_space<semaphore_mem>>) src(%arg18 : memref<104x32xf32, #tpu.memory_space<vmem>>) dst(%dma_wait3A_237 : memref<104x32xf32, #tpu.memory_space<vmem_shared>>)
      tpu.yield
    }) : () -> ()
    %add3A_23 = arith.constant 312 : i32
    %add3A_24 = arith.addi %mul3A_0, %add3A_23 : i32
    "tpu.region"() ({
      %run_scoped3A = tpu.sem_alloc : memref<!tpu.dma_semaphore, #tpu.memory_space<semaphore_mem>>
      %dma_start3A_230 = arith.constant 0 : i32
      %dma_start3A_231 = tpu.memref_slice %arg24[%add3A_24, %dma_start3A_230] : memref<10000x32xf32, #tpu.memory_space<vmem_shared>> -> memref<104x32xf32, #tpu.memory_space<vmem_shared>>
      %dma_start3A_232 = arith.constant 0 : i32
      %dma_start3A_233 = tpu.memref_slice %arg24[%add3A_24, %dma_start3A_232] : memref<10000x32xf32, #tpu.memory_space<vmem_shared>> -> memref<104x32xf32, #tpu.memory_space<vmem_shared>>
      tpu.enqueue_dma source(%arg18 : memref<104x32xf32, #tpu.memory_space<vmem>>) target(%dma_start3A_233 : memref<104x32xf32, #tpu.memory_space<vmem_shared>>) target_semaphore(%run_scoped3A : memref<!tpu.dma_semaphore, #tpu.memory_space<semaphore_mem>>)
      %dma_wait3A_234 = arith.constant 0 : i32
      %dma_wait3A_235 = tpu.memref_slice %arg24[%add3A_24, %dma_wait3A_234] : memref<10000x32xf32, #tpu.memory_space<vmem_shared>> -> memref<104x32xf32, #tpu.memory_space<vmem_shared>>
      %dma_wait3A_236 = arith.constant 0 : i32
      %dma_wait3A_237 = tpu.memref_slice %arg24[%add3A_24, %dma_wait3A_236] : memref<10000x32xf32, #tpu.memory_space<vmem_shared>> -> memref<104x32xf32, #tpu.memory_space<vmem_shared>>
      tpu.wait_dma2 semaphore(%run_scoped3A : memref<!tpu.dma_semaphore, #tpu.memory_space<semaphore_mem>>) src(%arg18 : memref<104x32xf32, #tpu.memory_space<vmem>>) dst(%dma_wait3A_237 : memref<104x32xf32, #tpu.memory_space<vmem_shared>>)
      tpu.yield
    }) : () -> ()
    %add3A_25 = arith.constant 416 : i32
    %add3A_26 = arith.addi %mul3A_0, %add3A_25 : i32
    "tpu.region"() ({
      %run_scoped3A = tpu.sem_alloc : memref<!tpu.dma_semaphore, #tpu.memory_space<semaphore_mem>>
      %dma_start3A_230 = arith.constant 0 : i32
      %dma_start3A_231 = tpu.memref_slice %arg24[%add3A_26, %dma_start3A_230] : memref<10000x32xf32, #tpu.memory_space<vmem_shared>> -> memref<104x32xf32, #tpu.memory_space<vmem_shared>>
      %dma_start3A_232 = arith.constant 0 : i32
      %dma_start3A_233 = tpu.memref_slice %arg24[%add3A_26, %dma_start3A_232] : memref<10000x32xf32, #tpu.memory_space<vmem_shared>> -> memref<104x32xf32, #tpu.memory_space<vmem_shared>>
      tpu.enqueue_dma source(%arg18 : memref<104x32xf32, #tpu.memory_space<vmem>>) target(%dma_start3A_233 : memref<104x32xf32, #tpu.memory_space<vmem_shared>>) target_semaphore(%run_scoped3A : memref<!tpu.dma_semaphore, #tpu.memory_space<semaphore_mem>>)
      %dma_wait3A_234 = arith.constant 0 : i32
      %dma_wait3A_235 = tpu.memref_slice %arg24[%add3A_26, %dma_wait3A_234] : memref<10000x32xf32, #tpu.memory_space<vmem_shared>> -> memref<104x32xf32, #tpu.memory_space<vmem_shared>>
      %dma_wait3A_236 = arith.constant 0 : i32
      %dma_wait3A_237 = tpu.memref_slice %arg24[%add3A_26, %dma_wait3A_236] : memref<10000x32xf32, #tpu.memory_space<vmem_shared>> -> memref<104x32xf32, #tpu.memory_space<vmem_shared>>
      tpu.wait_dma2 semaphore(%run_scoped3A : memref<!tpu.dma_semaphore, #tpu.memory_space<semaphore_mem>>) src(%arg18 : memref<104x32xf32, #tpu.memory_space<vmem>>) dst(%dma_wait3A_237 : memref<104x32xf32, #tpu.memory_space<vmem_shared>>)
      tpu.yield
    }) : () -> ()
    %add3A_27 = arith.constant 520 : i32
    %add3A_28 = arith.addi %mul3A_0, %add3A_27 : i32
    "tpu.region"() ({
      %run_scoped3A = tpu.sem_alloc : memref<!tpu.dma_semaphore, #tpu.memory_space<semaphore_mem>>
      %dma_start3A_230 = arith.constant 0 : i32
      %dma_start3A_231 = tpu.memref_slice %arg24[%add3A_28, %dma_start3A_230] : memref<10000x32xf32, #tpu.memory_space<vmem_shared>> -> memref<104x32xf32, #tpu.memory_space<vmem_shared>>
      %dma_start3A_232 = arith.constant 0 : i32
      %dma_start3A_233 = tpu.memref_slice %arg24[%add3A_28, %dma_start3A_232] : memref<10000x32xf32, #tpu.memory_space<vmem_shared>> -> memref<104x32xf32, #tpu.memory_space<vmem_shared>>
      tpu.enqueue_dma source(%arg18 : memref<104x32xf32, #tpu.memory_space<vmem>>) target(%dma_start3A_233 : memref<104x32xf32, #tpu.memory_space<vmem_shared>>) target_semaphore(%run_scoped3A : memref<!tpu.dma_semaphore, #tpu.memory_space<semaphore_mem>>)
      %dma_wait3A_234 = arith.constant 0 : i32
      %dma_wait3A_235 = tpu.memref_slice %arg24[%add3A_28, %dma_wait3A_234] : memref<10000x32xf32, #tpu.memory_space<vmem_shared>> -> memref<104x32xf32, #tpu.memory_space<vmem_shared>>
      %dma_wait3A_236 = arith.constant 0 : i32
      %dma_wait3A_237 = tpu.memref_slice %arg24[%add3A_28, %dma_wait3A_236] : memref<10000x32xf32, #tpu.memory_space<vmem_shared>> -> memref<104x32xf32, #tpu.memory_space<vmem_shared>>
      tpu.wait_dma2 semaphore(%run_scoped3A : memref<!tpu.dma_semaphore, #tpu.memory_space<semaphore_mem>>) src(%arg18 : memref<104x32xf32, #tpu.memory_space<vmem>>) dst(%dma_wait3A_237 : memref<104x32xf32, #tpu.memory_space<vmem_shared>>)
      tpu.yield
    }) : () -> ()
    %mul3A_29 = arith.constant 2 : i32
    %mul3A_30 = arith.muli %mul3A_29, %arg1 : i32
    %add3A_31 = arith.addi %mul3A_30, %arg0 : i32
    "tpu.region"() ({
      %run_scoped3A = tpu.sem_alloc : memref<!tpu.dma_semaphore, #tpu.memory_space<semaphore_mem>>
      %dma_start3A_230 = arith.constant 0 : i32
      %dma_start3A_231 = arith.constant 0 : i32
      %dma_start3A_232 = tpu.memref_slice %arg4[%add3A_31, %dma_start3A_230, %dma_start3A_231] : memref<32x80x125xi32, #tpu.memory_space<hbm>> -> memref<1x80x125xi32, #tpu.memory_space<hbm>>
      %dma_start3A_233 = tpu.memref_squeeze %dma_start3A_232 : memref<1x80x125xi32, #tpu.memory_space<hbm>> -> memref<80x125xi32, #tpu.memory_space<hbm>>
      %dma_start3A_234 = arith.constant 0 : i32
      %dma_start3A_235 = arith.constant 0 : i32
      %dma_start3A_236 = tpu.memref_slice %arg4[%add3A_31, %dma_start3A_234, %dma_start3A_235] : memref<32x80x125xi32, #tpu.memory_space<hbm>> -> memref<1x80x125xi32, #tpu.memory_space<hbm>>
      %dma_start3A_237 = tpu.memref_squeeze %dma_start3A_236 : memref<1x80x125xi32, #tpu.memory_space<hbm>> -> memref<80x125xi32, #tpu.memory_space<hbm>>
      tpu.enqueue_dma source(%dma_start3A_237 : memref<80x125xi32, #tpu.memory_space<hbm>>) target(%arg12 : memref<80x125xi32, #tpu.memory_space<vmem>>) target_semaphore(%run_scoped3A : memref<!tpu.dma_semaphore, #tpu.memory_space<semaphore_mem>>)
      %dma_wait3A_238 = arith.constant 0 : i32
      %dma_wait3A_239 = arith.constant 0 : i32
      %dma_wait3A_240 = tpu.memref_slice %arg4[%add3A_31, %dma_wait3A_238, %dma_wait3A_239] : memref<32x80x125xi32, #tpu.memory_space<hbm>> -> memref<1x80x125xi32, #tpu.memory_space<hbm>>
      %dma_wait3A_241 = tpu.memref_squeeze %dma_wait3A_240 : memref<1x80x125xi32, #tpu.memory_space<hbm>> -> memref<80x125xi32, #tpu.memory_space<hbm>>
      %dma_wait3A_242 = arith.constant 0 : i32
      %dma_wait3A_243 = arith.constant 0 : i32
      %dma_wait3A_244 = tpu.memref_slice %arg4[%add3A_31, %dma_wait3A_242, %dma_wait3A_243] : memref<32x80x125xi32, #tpu.memory_space<hbm>> -> memref<1x80x125xi32, #tpu.memory_space<hbm>>
      %dma_wait3A_245 = tpu.memref_squeeze %dma_wait3A_244 : memref<1x80x125xi32, #tpu.memory_space<hbm>> -> memref<80x125xi32, #tpu.memory_space<hbm>>
      tpu.wait_dma2 semaphore(%run_scoped3A : memref<!tpu.dma_semaphore, #tpu.memory_space<semaphore_mem>>) src(%dma_wait3A_245 : memref<80x125xi32, #tpu.memory_space<hbm>>) dst(%arg12 : memref<80x125xi32, #tpu.memory_space<vmem>>)
      tpu.yield
    }) : () -> ()
    %mul3A_32 = arith.constant 2 : i32
    %mul3A_33 = arith.muli %mul3A_32, %arg1 : i32
    "tpu.region"() ({
      %run_scoped3A = tpu.sem_alloc : memref<!tpu.dma_semaphore, #tpu.memory_space<semaphore_mem>>
      %dma_start3A_230 = arith.constant 0 : i32
      %dma_start3A_231 = arith.constant 0 : i32
      %dma_start3A_232 = tpu.memref_slice %arg5[%mul3A_33, %dma_start3A_230, %dma_start3A_231] : memref<32x80x125xi32, #tpu.memory_space<hbm>> -> memref<2x80x125xi32, #tpu.memory_space<hbm>>
      %dma_start3A_233 = arith.constant 0 : i32
      %dma_start3A_234 = arith.constant 0 : i32
      %dma_start3A_235 = tpu.memref_slice %arg5[%mul3A_33, %dma_start3A_233, %dma_start3A_234] : memref<32x80x125xi32, #tpu.memory_space<hbm>> -> memref<2x80x125xi32, #tpu.memory_space<hbm>>
      tpu.enqueue_dma source(%dma_start3A_235 : memref<2x80x125xi32, #tpu.memory_space<hbm>>) target(%arg13 : memref<2x80x125xi32, #tpu.memory_space<vmem>>) target_semaphore(%run_scoped3A : memref<!tpu.dma_semaphore, #tpu.memory_space<semaphore_mem>>)
      %dma_wait3A_236 = arith.constant 0 : i32
      %dma_wait3A_237 = arith.constant 0 : i32
      %dma_wait3A_238 = tpu.memref_slice %arg5[%mul3A_33, %dma_wait3A_236, %dma_wait3A_237] : memref<32x80x125xi32, #tpu.memory_space<hbm>> -> memref<2x80x125xi32, #tpu.memory_space<hbm>>
      %dma_wait3A_239 = arith.constant 0 : i32
      %dma_wait3A_240 = arith.constant 0 : i32
      %dma_wait3A_241 = tpu.memref_slice %arg5[%mul3A_33, %dma_wait3A_239, %dma_wait3A_240] : memref<32x80x125xi32, #tpu.memory_space<hbm>> -> memref<2x80x125xi32, #tpu.memory_space<hbm>>
      tpu.wait_dma2 semaphore(%run_scoped3A : memref<!tpu.dma_semaphore, #tpu.memory_space<semaphore_mem>>) src(%dma_wait3A_241 : memref<2x80x125xi32, #tpu.memory_space<hbm>>) dst(%arg13 : memref<2x80x125xi32, #tpu.memory_space<vmem>>)
      tpu.yield
    }) : () -> ()
    "tpu.region"() ({
      %run_scoped3A = tpu.sem_alloc : memref<!tpu.dma_semaphore, #tpu.memory_space<semaphore_mem>>
      tpu.enqueue_dma source(%arg7 : memref<125x8xf32, #tpu.memory_space<hbm>>) target(%arg19 : memref<125x8xf32, #tpu.memory_space<vmem>>) target_semaphore(%run_scoped3A : memref<!tpu.dma_semaphore, #tpu.memory_space<semaphore_mem>>)
      tpu.wait_dma2 semaphore(%run_scoped3A : memref<!tpu.dma_semaphore, #tpu.memory_space<semaphore_mem>>) src(%arg7 : memref<125x8xf32, #tpu.memory_space<hbm>>) dst(%arg19 : memref<125x8xf32, #tpu.memory_space<vmem>>)
      tpu.yield
    }) : () -> ()
    "tpu.region"() ({
      %run_scoped3A = tpu.sem_alloc : memref<!tpu.dma_semaphore, #tpu.memory_space<semaphore_mem>>
      %dma_start3A_230 = arith.constant 0 : i32
      %dma_start3A_231 = tpu.memref_slice %arg33[%mul3A_0, %dma_start3A_230] : memref<10000x8xf32, #tpu.memory_space<vmem_shared>> -> memref<624x8xf32, #tpu.memory_space<vmem_shared>>
      %dma_start3A_232 = arith.constant 0 : i32
      %dma_start3A_233 = tpu.memref_slice %arg6[%mul3A_0, %dma_start3A_232] : memref<10000x8xf32, #tpu.memory_space<hbm>> -> memref<624x8xf32, #tpu.memory_space<hbm>>
      tpu.enqueue_dma source(%dma_start3A_233 : memref<624x8xf32, #tpu.memory_space<hbm>>) target(%dma_start3A_231 : memref<624x8xf32, #tpu.memory_space<vmem_shared>>) target_semaphore(%run_scoped3A : memref<!tpu.dma_semaphore, #tpu.memory_space<semaphore_mem>>)
      %dma_wait3A_234 = arith.constant 0 : i32
      %dma_wait3A_235 = tpu.memref_slice %arg33[%mul3A_0, %dma_wait3A_234] : memref<10000x8xf32, #tpu.memory_space<vmem_shared>> -> memref<624x8xf32, #tpu.memory_space<vmem_shared>>
      %dma_wait3A_236 = arith.constant 0 : i32
      %dma_wait3A_237 = tpu.memref_slice %arg6[%mul3A_0, %dma_wait3A_236] : memref<10000x8xf32, #tpu.memory_space<hbm>> -> memref<624x8xf32, #tpu.memory_space<hbm>>
      tpu.wait_dma2 semaphore(%run_scoped3A : memref<!tpu.dma_semaphore, #tpu.memory_space<semaphore_mem>>) src(%dma_wait3A_237 : memref<624x8xf32, #tpu.memory_space<hbm>>) dst(%dma_wait3A_235 : memref<624x8xf32, #tpu.memory_space<vmem_shared>>)
      tpu.yield
    }) : () -> ()
    %eq3A = arith.constant 0 : i32
    %eq3A_34 = arith.cmpi eq, %arg1, %eq3A : i32
    %convert_element_type3A = arith.extui %eq3A_34 : i1 to i32
    %cond3A = arith.constant 0 : i32
    %cond3A_35 = arith.cmpi ne, %convert_element_type3A, %cond3A : i32
    scf.if %cond3A_35 {
      "tpu.region"() ({
        %run_scoped3A = tpu.sem_alloc : memref<!tpu.dma_semaphore, #tpu.memory_space<semaphore_mem>>
        %dma_start3A_230 = arith.constant 0 : i32
        %dma_start3A_231 = arith.constant 0 : i32
        %dma_start3A_232 = tpu.memref_slice %arg18[%dma_start3A_230, %dma_start3A_231] : memref<104x32xf32, #tpu.memory_space<vmem>> -> memref<16x32xf32, #tpu.memory_space<vmem>>
        %dma_start3A_233 = arith.constant 9984 : i32
        %dma_start3A_234 = arith.constant 0 : i32
        %dma_start3A_235 = tpu.memref_slice %arg23[%dma_start3A_233, %dma_start3A_234] : memref<10000x32xf32, #tpu.memory_space<vmem_shared>> -> memref<16x32xf32, #tpu.memory_space<vmem_shared>>
        %dma_start3A_236 = arith.constant 9984 : i32
        %dma_start3A_237 = arith.constant 0 : i32
        %dma_start3A_238 = tpu.memref_slice %arg23[%dma_start3A_236, %dma_start3A_237] : memref<10000x32xf32, #tpu.memory_space<vmem_shared>> -> memref<16x32xf32, #tpu.memory_space<vmem_shared>>
        %dma_start3A_239 = arith.constant 0 : i32
        %dma_start3A_240 = arith.constant 0 : i32
        %dma_start3A_241 = tpu.memref_slice %arg18[%dma_start3A_239, %dma_start3A_240] : memref<104x32xf32, #tpu.memory_space<vmem>> -> memref<16x32xf32, #tpu.memory_space<vmem>>
        tpu.enqueue_dma source(%dma_start3A_241 : memref<16x32xf32, #tpu.memory_space<vmem>>) target(%dma_start3A_238 : memref<16x32xf32, #tpu.memory_space<vmem_shared>>) target_semaphore(%run_scoped3A : memref<!tpu.dma_semaphore, #tpu.memory_space<semaphore_mem>>)
        %dma_wait3A_242 = arith.constant 0 : i32
        %dma_wait3A_243 = arith.constant 0 : i32
        %dma_wait3A_244 = tpu.memref_slice %arg18[%dma_wait3A_242, %dma_wait3A_243] : memref<104x32xf32, #tpu.memory_space<vmem>> -> memref<16x32xf32, #tpu.memory_space<vmem>>
        %dma_wait3A_245 = arith.constant 9984 : i32
        %dma_wait3A_246 = arith.constant 0 : i32
        %dma_wait3A_247 = tpu.memref_slice %arg23[%dma_wait3A_245, %dma_wait3A_246] : memref<10000x32xf32, #tpu.memory_space<vmem_shared>> -> memref<16x32xf32, #tpu.memory_space<vmem_shared>>
        %dma_wait3A_248 = arith.constant 9984 : i32
        %dma_wait3A_249 = arith.constant 0 : i32
        %dma_wait3A_250 = tpu.memref_slice %arg23[%dma_wait3A_248, %dma_wait3A_249] : memref<10000x32xf32, #tpu.memory_space<vmem_shared>> -> memref<16x32xf32, #tpu.memory_space<vmem_shared>>
        %dma_wait3A_251 = arith.constant 0 : i32
        %dma_wait3A_252 = arith.constant 0 : i32
        %dma_wait3A_253 = tpu.memref_slice %arg18[%dma_wait3A_251, %dma_wait3A_252] : memref<104x32xf32, #tpu.memory_space<vmem>> -> memref<16x32xf32, #tpu.memory_space<vmem>>
        tpu.wait_dma2 semaphore(%run_scoped3A : memref<!tpu.dma_semaphore, #tpu.memory_space<semaphore_mem>>) src(%dma_wait3A_253 : memref<16x32xf32, #tpu.memory_space<vmem>>) dst(%dma_wait3A_250 : memref<16x32xf32, #tpu.memory_space<vmem_shared>>)
        tpu.yield
      }) : () -> ()
      "tpu.region"() ({
        %run_scoped3A = tpu.sem_alloc : memref<!tpu.dma_semaphore, #tpu.memory_space<semaphore_mem>>
        %dma_start3A_230 = arith.constant 0 : i32
        %dma_start3A_231 = arith.constant 0 : i32
        %dma_start3A_232 = tpu.memref_slice %arg18[%dma_start3A_230, %dma_start3A_231] : memref<104x32xf32, #tpu.memory_space<vmem>> -> memref<16x32xf32, #tpu.memory_space<vmem>>
        %dma_start3A_233 = arith.constant 9984 : i32
        %dma_start3A_234 = arith.constant 0 : i32
        %dma_start3A_235 = tpu.memref_slice %arg24[%dma_start3A_233, %dma_start3A_234] : memref<10000x32xf32, #tpu.memory_space<vmem_shared>> -> memref<16x32xf32, #tpu.memory_space<vmem_shared>>
        %dma_start3A_236 = arith.constant 9984 : i32
        %dma_start3A_237 = arith.constant 0 : i32
        %dma_start3A_238 = tpu.memref_slice %arg24[%dma_start3A_236, %dma_start3A_237] : memref<10000x32xf32, #tpu.memory_space<vmem_shared>> -> memref<16x32xf32, #tpu.memory_space<vmem_shared>>
        %dma_start3A_239 = arith.constant 0 : i32
        %dma_start3A_240 = arith.constant 0 : i32
        %dma_start3A_241 = tpu.memref_slice %arg18[%dma_start3A_239, %dma_start3A_240] : memref<104x32xf32, #tpu.memory_space<vmem>> -> memref<16x32xf32, #tpu.memory_space<vmem>>
        tpu.enqueue_dma source(%dma_start3A_241 : memref<16x32xf32, #tpu.memory_space<vmem>>) target(%dma_start3A_238 : memref<16x32xf32, #tpu.memory_space<vmem_shared>>) target_semaphore(%run_scoped3A : memref<!tpu.dma_semaphore, #tpu.memory_space<semaphore_mem>>)
        %dma_wait3A_242 = arith.constant 0 : i32
        %dma_wait3A_243 = arith.constant 0 : i32
        %dma_wait3A_244 = tpu.memref_slice %arg18[%dma_wait3A_242, %dma_wait3A_243] : memref<104x32xf32, #tpu.memory_space<vmem>> -> memref<16x32xf32, #tpu.memory_space<vmem>>
        %dma_wait3A_245 = arith.constant 9984 : i32
        %dma_wait3A_246 = arith.constant 0 : i32
        %dma_wait3A_247 = tpu.memref_slice %arg24[%dma_wait3A_245, %dma_wait3A_246] : memref<10000x32xf32, #tpu.memory_space<vmem_shared>> -> memref<16x32xf32, #tpu.memory_space<vmem_shared>>
        %dma_wait3A_248 = arith.constant 9984 : i32
        %dma_wait3A_249 = arith.constant 0 : i32
        %dma_wait3A_250 = tpu.memref_slice %arg24[%dma_wait3A_248, %dma_wait3A_249] : memref<10000x32xf32, #tpu.memory_space<vmem_shared>> -> memref<16x32xf32, #tpu.memory_space<vmem_shared>>
        %dma_wait3A_251 = arith.constant 0 : i32
        %dma_wait3A_252 = arith.constant 0 : i32
        %dma_wait3A_253 = tpu.memref_slice %arg18[%dma_wait3A_251, %dma_wait3A_252] : memref<104x32xf32, #tpu.memory_space<vmem>> -> memref<16x32xf32, #tpu.memory_space<vmem>>
        tpu.wait_dma2 semaphore(%run_scoped3A : memref<!tpu.dma_semaphore, #tpu.memory_space<semaphore_mem>>) src(%dma_wait3A_253 : memref<16x32xf32, #tpu.memory_space<vmem>>) dst(%dma_wait3A_250 : memref<16x32xf32, #tpu.memory_space<vmem_shared>>)
        tpu.yield
      }) : () -> ()
      "tpu.region"() ({
        %run_scoped3A = tpu.sem_alloc : memref<!tpu.dma_semaphore, #tpu.memory_space<semaphore_mem>>
        %dma_start3A_230 = arith.constant 9984 : i32
        %dma_start3A_231 = arith.constant 0 : i32
        %dma_start3A_232 = tpu.memref_slice %arg33[%dma_start3A_230, %dma_start3A_231] : memref<10000x8xf32, #tpu.memory_space<vmem_shared>> -> memref<16x8xf32, #tpu.memory_space<vmem_shared>>
        %dma_start3A_233 = arith.constant 9984 : i32
        %dma_start3A_234 = arith.constant 0 : i32
        %dma_start3A_235 = tpu.memref_slice %arg6[%dma_start3A_233, %dma_start3A_234] : memref<10000x8xf32, #tpu.memory_space<hbm>> -> memref<16x8xf32, #tpu.memory_space<hbm>>
        tpu.enqueue_dma source(%dma_start3A_235 : memref<16x8xf32, #tpu.memory_space<hbm>>) target(%dma_start3A_232 : memref<16x8xf32, #tpu.memory_space<vmem_shared>>) target_semaphore(%run_scoped3A : memref<!tpu.dma_semaphore, #tpu.memory_space<semaphore_mem>>)
        %dma_wait3A_236 = arith.constant 9984 : i32
        %dma_wait3A_237 = arith.constant 0 : i32
        %dma_wait3A_238 = tpu.memref_slice %arg33[%dma_wait3A_236, %dma_wait3A_237] : memref<10000x8xf32, #tpu.memory_space<vmem_shared>> -> memref<16x8xf32, #tpu.memory_space<vmem_shared>>
        %dma_wait3A_239 = arith.constant 9984 : i32
        %dma_wait3A_240 = arith.constant 0 : i32
        %dma_wait3A_241 = tpu.memref_slice %arg6[%dma_wait3A_239, %dma_wait3A_240] : memref<10000x8xf32, #tpu.memory_space<hbm>> -> memref<16x8xf32, #tpu.memory_space<hbm>>
        tpu.wait_dma2 semaphore(%run_scoped3A : memref<!tpu.dma_semaphore, #tpu.memory_space<semaphore_mem>>) src(%dma_wait3A_241 : memref<16x8xf32, #tpu.memory_space<hbm>>) dst(%dma_wait3A_238 : memref<16x8xf32, #tpu.memory_space<vmem_shared>>)
        tpu.yield
      }) : () -> ()
    } else {
    }
    %barrier3A = arith.constant 0 : index
    tpu.barrier barrier_id(%barrier3A)
    %dma_start3A = arith.constant 0 : i32
    %dma_start3A_36 = arith.constant 0 : i32
    %dma_start3A_37 = tpu.memref_slice %arg12[%dma_start3A, %dma_start3A_36] : memref<80x125xi32, #tpu.memory_space<vmem>> -> memref<1x125xi32, #tpu.memory_space<vmem>>
    %dma_start3A_38 = tpu.memref_squeeze %dma_start3A_37 : memref<1x125xi32, #tpu.memory_space<vmem>> -> memref<125xi32, #tpu.memory_space<vmem>>
    %dma_start3A_39 = arith.constant 0 : i32
    %dma_start3A_40 = arith.constant 0 : i32
    %dma_start3A_41 = tpu.memref_slice %arg2[%dma_start3A_39, %dma_start3A_40] : memref<10000x32xf32, #tpu.memory_space<hbm>> -> memref<10000x32xf32, #tpu.memory_space<hbm>>
    tpu.enqueue_indirect_dma source(%dma_start3A_41 : memref<10000x32xf32, #tpu.memory_space<hbm>>) target(%arg14 : memref<125x32xf32, #tpu.memory_space<vmem>>) offsets(%dma_start3A_38 : memref<125xi32, #tpu.memory_space<vmem>>) semaphore(%arg25 : memref<!tpu.dma_semaphore, #tpu.memory_space<semaphore_mem>>)
    %dma_start3A_42 = arith.constant 0 : i32
    %dma_start3A_43 = arith.constant 0 : i32
    %dma_start3A_44 = tpu.memref_slice %arg12[%dma_start3A_42, %dma_start3A_43] : memref<80x125xi32, #tpu.memory_space<vmem>> -> memref<1x125xi32, #tpu.memory_space<vmem>>
    %dma_start3A_45 = tpu.memref_squeeze %dma_start3A_44 : memref<1x125xi32, #tpu.memory_space<vmem>> -> memref<125xi32, #tpu.memory_space<vmem>>
    %dma_start3A_46 = arith.constant 0 : i32
    %dma_start3A_47 = arith.constant 0 : i32
    %dma_start3A_48 = tpu.memref_slice %arg3[%dma_start3A_46, %dma_start3A_47] : memref<10000x32xf32, #tpu.memory_space<hbm>> -> memref<10000x32xf32, #tpu.memory_space<hbm>>
    tpu.enqueue_indirect_dma source(%dma_start3A_48 : memref<10000x32xf32, #tpu.memory_space<hbm>>) target(%arg15 : memref<125x32xf32, #tpu.memory_space<vmem>>) offsets(%dma_start3A_45 : memref<125xi32, #tpu.memory_space<vmem>>) semaphore(%arg26 : memref<!tpu.dma_semaphore, #tpu.memory_space<semaphore_mem>>)
    %dma_start3A_49 = arith.constant 1 : i32
    %dma_start3A_50 = arith.constant 0 : i32
    %dma_start3A_51 = tpu.memref_slice %arg12[%dma_start3A_49, %dma_start3A_50] : memref<80x125xi32, #tpu.memory_space<vmem>> -> memref<1x125xi32, #tpu.memory_space<vmem>>
    %dma_start3A_52 = tpu.memref_squeeze %dma_start3A_51 : memref<1x125xi32, #tpu.memory_space<vmem>> -> memref<125xi32, #tpu.memory_space<vmem>>
    %dma_start3A_53 = arith.constant 0 : i32
    %dma_start3A_54 = arith.constant 0 : i32
    %dma_start3A_55 = tpu.memref_slice %arg2[%dma_start3A_53, %dma_start3A_54] : memref<10000x32xf32, #tpu.memory_space<hbm>> -> memref<10000x32xf32, #tpu.memory_space<hbm>>
    tpu.enqueue_indirect_dma source(%dma_start3A_55 : memref<10000x32xf32, #tpu.memory_space<hbm>>) target(%arg16 : memref<125x32xf32, #tpu.memory_space<vmem>>) offsets(%dma_start3A_52 : memref<125xi32, #tpu.memory_space<vmem>>) semaphore(%arg27 : memref<!tpu.dma_semaphore, #tpu.memory_space<semaphore_mem>>)
    %dma_start3A_56 = arith.constant 1 : i32
    %dma_start3A_57 = arith.constant 0 : i32
    %dma_start3A_58 = tpu.memref_slice %arg12[%dma_start3A_56, %dma_start3A_57] : memref<80x125xi32, #tpu.memory_space<vmem>> -> memref<1x125xi32, #tpu.memory_space<vmem>>
    %dma_start3A_59 = tpu.memref_squeeze %dma_start3A_58 : memref<1x125xi32, #tpu.memory_space<vmem>> -> memref<125xi32, #tpu.memory_space<vmem>>
    %dma_start3A_60 = arith.constant 0 : i32
    %dma_start3A_61 = arith.constant 0 : i32
    %dma_start3A_62 = tpu.memref_slice %arg3[%dma_start3A_60, %dma_start3A_61] : memref<10000x32xf32, #tpu.memory_space<hbm>> -> memref<10000x32xf32, #tpu.memory_space<hbm>>
    tpu.enqueue_indirect_dma source(%dma_start3A_62 : memref<10000x32xf32, #tpu.memory_space<hbm>>) target(%arg17 : memref<125x32xf32, #tpu.memory_space<vmem>>) offsets(%dma_start3A_59 : memref<125xi32, #tpu.memory_space<vmem>>) semaphore(%arg28 : memref<!tpu.dma_semaphore, #tpu.memory_space<semaphore_mem>>)
    %scan3A_63 = arith.constant 0 : i32
    %scan3A_64 = arith.constant 39 : i32
    %scan3A_65 = arith.addi %scan3A_63, %scan3A_64 : i32
    %scan3A_66 = arith.constant 1 : i32
    scf.for %scan3A_230 = %scan3A_63 to %scan3A_65 step %scan3A_66  : i32 {
      %mul3A_231 = arith.constant 1 : i32
      %mul3A_232 = arith.muli %scan3A_230, %mul3A_231 : i32
      %add3A_233 = arith.constant 0 : i32
      %add3A_234 = arith.addi %add3A_233, %mul3A_232 : i32
      %mul3A_235 = arith.constant 4 : i32
      %mul3A_236 = arith.muli %add3A_234, %mul3A_235 : i32
      %dma_wait3A_237 = arith.constant 0 : i32
      %dma_wait3A_238 = arith.constant 0 : i32
      %dma_wait3A_239 = tpu.memref_slice %arg2[%dma_wait3A_237, %dma_wait3A_238] : memref<10000x32xf32, #tpu.memory_space<hbm>> -> memref<125x32xf32, #tpu.memory_space<hbm>>
      %dma_wait3A_240 = arith.constant 0 : i32
      %dma_wait3A_241 = arith.constant 0 : i32
      %dma_wait3A_242 = tpu.memref_slice %arg2[%dma_wait3A_240, %dma_wait3A_241] : memref<10000x32xf32, #tpu.memory_space<hbm>> -> memref<125x32xf32, #tpu.memory_space<hbm>>
      tpu.wait_dma2 semaphore(%arg25 : memref<!tpu.dma_semaphore, #tpu.memory_space<semaphore_mem>>) src(%dma_wait3A_242 : memref<125x32xf32, #tpu.memory_space<hbm>>) dst(%arg14 : memref<125x32xf32, #tpu.memory_space<vmem>>)
      %add3A_243 = arith.constant 0 : i32
      %add3A_244 = arith.addi %mul3A_236, %add3A_243 : i32
      %jit3A = arith.constant 2 : i32
      %div3A = arith.divsi %add3A_244, %jit3A : i32
      %sign3A = arith.constant 0 : i32
      %sign3A_245 = arith.cmpi sgt, %add3A_244, %sign3A : i32
      %sign3A_246 = arith.extui %sign3A_245 : i1 to i32
      %sign3A_247 = arith.constant 0 : i32
      %sign3A_248 = arith.cmpi slt, %add3A_244, %sign3A_247 : i32
      %sign3A_249 = arith.extui %sign3A_248 : i1 to i32
      %sign3A_250 = arith.subi %sign3A_246, %sign3A_249 : i32
      %sign3A_251 = arith.constant 0 : i32
      %sign3A_252 = arith.cmpi sgt, %jit3A, %sign3A_251 : i32
      %sign3A_253 = arith.extui %sign3A_252 : i1 to i32
      %sign3A_254 = arith.constant 0 : i32
      %sign3A_255 = arith.cmpi slt, %jit3A, %sign3A_254 : i32
      %sign3A_256 = arith.extui %sign3A_255 : i1 to i32
      %sign3A_257 = arith.subi %sign3A_253, %sign3A_256 : i32
      %ne3A = arith.cmpi ne, %sign3A_250, %sign3A_257 : i32
      %rem3A = arith.remsi %add3A_244, %jit3A : i32
      %ne3A_258 = arith.constant 0 : i32
      %ne3A_259 = arith.cmpi ne, %rem3A, %ne3A_258 : i32
      %and3A = arith.andi %ne3A, %ne3A_259 : i1
      %sub3A = arith.constant 1 : i32
      %sub3A_260 = arith.subi %div3A, %sub3A : i32
      %select_n3A = arith.select %and3A, %sub3A_260, %div3A : i32
      %dma_start3A_261 = arith.constant 0 : i32
      %dma_start3A_262 = arith.constant 0 : i32
      %dma_start3A_263 = tpu.memref_slice %arg13[%arg0, %dma_start3A_261, %dma_start3A_262] : memref<2x80x125xi32, #tpu.memory_space<vmem>> -> memref<1x80x125xi32, #tpu.memory_space<vmem>>
      %dma_start3A_264 = tpu.memref_squeeze %dma_start3A_263 : memref<1x80x125xi32, #tpu.memory_space<vmem>> -> memref<80x125xi32, #tpu.memory_space<vmem>>
      %dma_start3A_265 = arith.constant 0 : i32
      %dma_start3A_266 = tpu.memref_slice %dma_start3A_264[%select_n3A, %dma_start3A_265] : memref<80x125xi32, #tpu.memory_space<vmem>> -> memref<1x125xi32, #tpu.memory_space<vmem>>
      %dma_start3A_267 = tpu.memref_squeeze %dma_start3A_266 : memref<1x125xi32, #tpu.memory_space<vmem>> -> memref<125xi32, #tpu.memory_space<vmem>>
      %dma_start3A_268 = arith.constant 0 : i32
      %dma_start3A_269 = arith.constant 0 : i32
      %dma_start3A_270 = tpu.memref_slice %arg23[%dma_start3A_268, %dma_start3A_269] : memref<10000x32xf32, #tpu.memory_space<vmem_shared>> -> memref<10000x32xf32, #tpu.memory_space<vmem_shared>>
      tpu.enqueue_indirect_dma source(%arg14 : memref<125x32xf32, #tpu.memory_space<vmem>>) target(%dma_start3A_270 : memref<10000x32xf32, #tpu.memory_space<vmem_shared>>) offsets(%dma_start3A_267 : memref<125xi32, #tpu.memory_space<vmem>>) semaphore(%arg29 : memref<!tpu.dma_semaphore, #tpu.memory_space<semaphore_mem>>) {add = true}
      %dma_start3A_271 = arith.constant 0 : i32
      %dma_start3A_272 = arith.constant 0 : i32
      %dma_start3A_273 = arith.constant 0 : i32
      %dma_start3A_274 = tpu.memref_slice %arg13[%dma_start3A_271, %dma_start3A_272, %dma_start3A_273] : memref<2x80x125xi32, #tpu.memory_space<vmem>> -> memref<1x80x125xi32, #tpu.memory_space<vmem>>
      %dma_start3A_275 = tpu.memref_squeeze %dma_start3A_274 : memref<1x80x125xi32, #tpu.memory_space<vmem>> -> memref<80x125xi32, #tpu.memory_space<vmem>>
      %dma_start3A_276 = arith.constant 0 : i32
      %dma_start3A_277 = tpu.memref_slice %dma_start3A_275[%select_n3A, %dma_start3A_276] : memref<80x125xi32, #tpu.memory_space<vmem>> -> memref<1x125xi32, #tpu.memory_space<vmem>>
      %dma_start3A_278 = tpu.memref_squeeze %dma_start3A_277 : memref<1x125xi32, #tpu.memory_space<vmem>> -> memref<125xi32, #tpu.memory_space<vmem>>
      %dma_start3A_279 = arith.constant 0 : i32
      %dma_start3A_280 = arith.constant 0 : i32
      %dma_start3A_281 = tpu.memref_slice %arg33[%dma_start3A_279, %dma_start3A_280] : memref<10000x8xf32, #tpu.memory_space<vmem_shared>> -> memref<10000x8xf32, #tpu.memory_space<vmem_shared>>
      tpu.enqueue_indirect_dma source(%arg19 : memref<125x8xf32, #tpu.memory_space<vmem>>) target(%dma_start3A_281 : memref<10000x8xf32, #tpu.memory_space<vmem_shared>>) offsets(%dma_start3A_278 : memref<125xi32, #tpu.memory_space<vmem>>) semaphore(%arg29 : memref<!tpu.dma_semaphore, #tpu.memory_space<semaphore_mem>>) {add = true}
      %dma_start3A_282 = arith.constant 1 : i32
      %dma_start3A_283 = arith.constant 0 : i32
      %dma_start3A_284 = arith.constant 0 : i32
      %dma_start3A_285 = tpu.memref_slice %arg13[%dma_start3A_282, %dma_start3A_283, %dma_start3A_284] : memref<2x80x125xi32, #tpu.memory_space<vmem>> -> memref<1x80x125xi32, #tpu.memory_space<vmem>>
      %dma_start3A_286 = tpu.memref_squeeze %dma_start3A_285 : memref<1x80x125xi32, #tpu.memory_space<vmem>> -> memref<80x125xi32, #tpu.memory_space<vmem>>
      %dma_start3A_287 = arith.constant 0 : i32
      %dma_start3A_288 = tpu.memref_slice %dma_start3A_286[%select_n3A, %dma_start3A_287] : memref<80x125xi32, #tpu.memory_space<vmem>> -> memref<1x125xi32, #tpu.memory_space<vmem>>
      %dma_start3A_289 = tpu.memref_squeeze %dma_start3A_288 : memref<1x125xi32, #tpu.memory_space<vmem>> -> memref<125xi32, #tpu.memory_space<vmem>>
      %dma_start3A_290 = arith.constant 0 : i32
      %dma_start3A_291 = arith.constant 0 : i32
      %dma_start3A_292 = tpu.memref_slice %arg33[%dma_start3A_290, %dma_start3A_291] : memref<10000x8xf32, #tpu.memory_space<vmem_shared>> -> memref<10000x8xf32, #tpu.memory_space<vmem_shared>>
      tpu.enqueue_indirect_dma source(%arg19 : memref<125x8xf32, #tpu.memory_space<vmem>>) target(%dma_start3A_292 : memref<10000x8xf32, #tpu.memory_space<vmem_shared>>) offsets(%dma_start3A_289 : memref<125xi32, #tpu.memory_space<vmem>>) semaphore(%arg29 : memref<!tpu.dma_semaphore, #tpu.memory_space<semaphore_mem>>) {add = true}
      %dma_wait3A_293 = arith.constant 0 : i32
      %dma_wait3A_294 = arith.constant 0 : i32
      %dma_wait3A_295 = tpu.memref_slice %arg2[%dma_wait3A_293, %dma_wait3A_294] : memref<10000x32xf32, #tpu.memory_space<hbm>> -> memref<125x32xf32, #tpu.memory_space<hbm>>
      %dma_wait3A_296 = arith.constant 0 : i32
      %dma_wait3A_297 = arith.constant 0 : i32
      %dma_wait3A_298 = tpu.memref_slice %arg2[%dma_wait3A_296, %dma_wait3A_297] : memref<10000x32xf32, #tpu.memory_space<hbm>> -> memref<125x32xf32, #tpu.memory_space<hbm>>
      tpu.wait_dma2 semaphore(%arg26 : memref<!tpu.dma_semaphore, #tpu.memory_space<semaphore_mem>>) src(%dma_wait3A_298 : memref<125x32xf32, #tpu.memory_space<hbm>>) dst(%arg15 : memref<125x32xf32, #tpu.memory_space<vmem>>)
      %add3A_299 = arith.constant 1 : i32
      %add3A_300 = arith.addi %mul3A_236, %add3A_299 : i32
      %jit3A_301 = arith.constant 2 : i32
      %div3A_302 = arith.divsi %add3A_300, %jit3A_301 : i32
      %sign3A_303 = arith.constant 0 : i32
      %sign3A_304 = arith.cmpi sgt, %add3A_300, %sign3A_303 : i32
      %sign3A_305 = arith.extui %sign3A_304 : i1 to i32
      %sign3A_306 = arith.constant 0 : i32
      %sign3A_307 = arith.cmpi slt, %add3A_300, %sign3A_306 : i32
      %sign3A_308 = arith.extui %sign3A_307 : i1 to i32
      %sign3A_309 = arith.subi %sign3A_305, %sign3A_308 : i32
      %sign3A_310 = arith.constant 0 : i32
      %sign3A_311 = arith.cmpi sgt, %jit3A_301, %sign3A_310 : i32
      %sign3A_312 = arith.extui %sign3A_311 : i1 to i32
      %sign3A_313 = arith.constant 0 : i32
      %sign3A_314 = arith.cmpi slt, %jit3A_301, %sign3A_313 : i32
      %sign3A_315 = arith.extui %sign3A_314 : i1 to i32
      %sign3A_316 = arith.subi %sign3A_312, %sign3A_315 : i32
      %ne3A_317 = arith.cmpi ne, %sign3A_309, %sign3A_316 : i32
      %rem3A_318 = arith.remsi %add3A_300, %jit3A_301 : i32
      %ne3A_319 = arith.constant 0 : i32
      %ne3A_320 = arith.cmpi ne, %rem3A_318, %ne3A_319 : i32
      %and3A_321 = arith.andi %ne3A_317, %ne3A_320 : i1
      %sub3A_322 = arith.constant 1 : i32
      %sub3A_323 = arith.subi %div3A_302, %sub3A_322 : i32
      %select_n3A_324 = arith.select %and3A_321, %sub3A_323, %div3A_302 : i32
      %dma_start3A_325 = arith.constant 0 : i32
      %dma_start3A_326 = arith.constant 0 : i32
      %dma_start3A_327 = tpu.memref_slice %arg13[%arg0, %dma_start3A_325, %dma_start3A_326] : memref<2x80x125xi32, #tpu.memory_space<vmem>> -> memref<1x80x125xi32, #tpu.memory_space<vmem>>
      %dma_start3A_328 = tpu.memref_squeeze %dma_start3A_327 : memref<1x80x125xi32, #tpu.memory_space<vmem>> -> memref<80x125xi32, #tpu.memory_space<vmem>>
      %dma_start3A_329 = arith.constant 0 : i32
      %dma_start3A_330 = tpu.memref_slice %dma_start3A_328[%select_n3A_324, %dma_start3A_329] : memref<80x125xi32, #tpu.memory_space<vmem>> -> memref<1x125xi32, #tpu.memory_space<vmem>>
      %dma_start3A_331 = tpu.memref_squeeze %dma_start3A_330 : memref<1x125xi32, #tpu.memory_space<vmem>> -> memref<125xi32, #tpu.memory_space<vmem>>
      %dma_start3A_332 = arith.constant 0 : i32
      %dma_start3A_333 = arith.constant 0 : i32
      %dma_start3A_334 = tpu.memref_slice %arg24[%dma_start3A_332, %dma_start3A_333] : memref<10000x32xf32, #tpu.memory_space<vmem_shared>> -> memref<10000x32xf32, #tpu.memory_space<vmem_shared>>
      tpu.enqueue_indirect_dma source(%arg15 : memref<125x32xf32, #tpu.memory_space<vmem>>) target(%dma_start3A_334 : memref<10000x32xf32, #tpu.memory_space<vmem_shared>>) offsets(%dma_start3A_331 : memref<125xi32, #tpu.memory_space<vmem>>) semaphore(%arg30 : memref<!tpu.dma_semaphore, #tpu.memory_space<semaphore_mem>>) {add = true}
      %dma_wait3A_335 = arith.constant 0 : i32
      %dma_wait3A_336 = arith.constant 0 : i32
      %dma_wait3A_337 = tpu.memref_slice %arg2[%dma_wait3A_335, %dma_wait3A_336] : memref<10000x32xf32, #tpu.memory_space<hbm>> -> memref<125x32xf32, #tpu.memory_space<hbm>>
      %dma_wait3A_338 = arith.constant 0 : i32
      %dma_wait3A_339 = arith.constant 0 : i32
      %dma_wait3A_340 = tpu.memref_slice %arg2[%dma_wait3A_338, %dma_wait3A_339] : memref<10000x32xf32, #tpu.memory_space<hbm>> -> memref<125x32xf32, #tpu.memory_space<hbm>>
      tpu.wait_dma2 semaphore(%arg29 : memref<!tpu.dma_semaphore, #tpu.memory_space<semaphore_mem>>) src(%dma_wait3A_340 : memref<125x32xf32, #tpu.memory_space<hbm>>) dst(%arg14 : memref<125x32xf32, #tpu.memory_space<vmem>>)
      tpu.wait_dma2 semaphore(%arg29 : memref<!tpu.dma_semaphore, #tpu.memory_space<semaphore_mem>>) src(%arg7 : memref<125x8xf32, #tpu.memory_space<hbm>>) dst(%arg19 : memref<125x8xf32, #tpu.memory_space<vmem>>)
      tpu.wait_dma2 semaphore(%arg29 : memref<!tpu.dma_semaphore, #tpu.memory_space<semaphore_mem>>) src(%arg7 : memref<125x8xf32, #tpu.memory_space<hbm>>) dst(%arg19 : memref<125x8xf32, #tpu.memory_space<vmem>>)
      %add3A_341 = arith.constant 4 : i32
      %add3A_342 = arith.addi %mul3A_236, %add3A_341 : i32
      %add3A_343 = arith.constant 0 : i32
      %add3A_344 = arith.addi %add3A_342, %add3A_343 : i32
      %jit3A_345 = arith.constant 2 : i32
      %div3A_346 = arith.divsi %add3A_344, %jit3A_345 : i32
      %sign3A_347 = arith.constant 0 : i32
      %sign3A_348 = arith.cmpi sgt, %add3A_344, %sign3A_347 : i32
      %sign3A_349 = arith.extui %sign3A_348 : i1 to i32
      %sign3A_350 = arith.constant 0 : i32
      %sign3A_351 = arith.cmpi slt, %add3A_344, %sign3A_350 : i32
      %sign3A_352 = arith.extui %sign3A_351 : i1 to i32
      %sign3A_353 = arith.subi %sign3A_349, %sign3A_352 : i32
      %sign3A_354 = arith.constant 0 : i32
      %sign3A_355 = arith.cmpi sgt, %jit3A_345, %sign3A_354 : i32
      %sign3A_356 = arith.extui %sign3A_355 : i1 to i32
      %sign3A_357 = arith.constant 0 : i32
      %sign3A_358 = arith.cmpi slt, %jit3A_345, %sign3A_357 : i32
      %sign3A_359 = arith.extui %sign3A_358 : i1 to i32
      %sign3A_360 = arith.subi %sign3A_356, %sign3A_359 : i32
      %ne3A_361 = arith.cmpi ne, %sign3A_353, %sign3A_360 : i32
      %rem3A_362 = arith.remsi %add3A_344, %jit3A_345 : i32
      %ne3A_363 = arith.constant 0 : i32
      %ne3A_364 = arith.cmpi ne, %rem3A_362, %ne3A_363 : i32
      %and3A_365 = arith.andi %ne3A_361, %ne3A_364 : i1
      %sub3A_366 = arith.constant 1 : i32
      %sub3A_367 = arith.subi %div3A_346, %sub3A_366 : i32
      %select_n3A_368 = arith.select %and3A_365, %sub3A_367, %div3A_346 : i32
      %dma_start3A_369 = arith.constant 0 : i32
      %dma_start3A_370 = tpu.memref_slice %arg12[%select_n3A_368, %dma_start3A_369] : memref<80x125xi32, #tpu.memory_space<vmem>> -> memref<1x125xi32, #tpu.memory_space<vmem>>
      %dma_start3A_371 = tpu.memref_squeeze %dma_start3A_370 : memref<1x125xi32, #tpu.memory_space<vmem>> -> memref<125xi32, #tpu.memory_space<vmem>>
      %dma_start3A_372 = arith.constant 0 : i32
      %dma_start3A_373 = arith.constant 0 : i32
      %dma_start3A_374 = tpu.memref_slice %arg2[%dma_start3A_372, %dma_start3A_373] : memref<10000x32xf32, #tpu.memory_space<hbm>> -> memref<10000x32xf32, #tpu.memory_space<hbm>>
      tpu.enqueue_indirect_dma source(%dma_start3A_374 : memref<10000x32xf32, #tpu.memory_space<hbm>>) target(%arg14 : memref<125x32xf32, #tpu.memory_space<vmem>>) offsets(%dma_start3A_371 : memref<125xi32, #tpu.memory_space<vmem>>) semaphore(%arg25 : memref<!tpu.dma_semaphore, #tpu.memory_space<semaphore_mem>>)
      %dma_wait3A_375 = arith.constant 0 : i32
      %dma_wait3A_376 = arith.constant 0 : i32
      %dma_wait3A_377 = tpu.memref_slice %arg2[%dma_wait3A_375, %dma_wait3A_376] : memref<10000x32xf32, #tpu.memory_space<hbm>> -> memref<125x32xf32, #tpu.memory_space<hbm>>
      %dma_wait3A_378 = arith.constant 0 : i32
      %dma_wait3A_379 = arith.constant 0 : i32
      %dma_wait3A_380 = tpu.memref_slice %arg2[%dma_wait3A_378, %dma_wait3A_379] : memref<10000x32xf32, #tpu.memory_space<hbm>> -> memref<125x32xf32, #tpu.memory_space<hbm>>
      tpu.wait_dma2 semaphore(%arg30 : memref<!tpu.dma_semaphore, #tpu.memory_space<semaphore_mem>>) src(%dma_wait3A_380 : memref<125x32xf32, #tpu.memory_space<hbm>>) dst(%arg15 : memref<125x32xf32, #tpu.memory_space<vmem>>)
      %add3A_381 = arith.constant 4 : i32
      %add3A_382 = arith.addi %mul3A_236, %add3A_381 : i32
      %add3A_383 = arith.constant 1 : i32
      %add3A_384 = arith.addi %add3A_382, %add3A_383 : i32
      %jit3A_385 = arith.constant 2 : i32
      %div3A_386 = arith.divsi %add3A_384, %jit3A_385 : i32
      %sign3A_387 = arith.constant 0 : i32
      %sign3A_388 = arith.cmpi sgt, %add3A_384, %sign3A_387 : i32
      %sign3A_389 = arith.extui %sign3A_388 : i1 to i32
      %sign3A_390 = arith.constant 0 : i32
      %sign3A_391 = arith.cmpi slt, %add3A_384, %sign3A_390 : i32
      %sign3A_392 = arith.extui %sign3A_391 : i1 to i32
      %sign3A_393 = arith.subi %sign3A_389, %sign3A_392 : i32
      %sign3A_394 = arith.constant 0 : i32
      %sign3A_395 = arith.cmpi sgt, %jit3A_385, %sign3A_394 : i32
      %sign3A_396 = arith.extui %sign3A_395 : i1 to i32
      %sign3A_397 = arith.constant 0 : i32
      %sign3A_398 = arith.cmpi slt, %jit3A_385, %sign3A_397 : i32
      %sign3A_399 = arith.extui %sign3A_398 : i1 to i32
      %sign3A_400 = arith.subi %sign3A_396, %sign3A_399 : i32
      %ne3A_401 = arith.cmpi ne, %sign3A_393, %sign3A_400 : i32
      %rem3A_402 = arith.remsi %add3A_384, %jit3A_385 : i32
      %ne3A_403 = arith.constant 0 : i32
      %ne3A_404 = arith.cmpi ne, %rem3A_402, %ne3A_403 : i32
      %and3A_405 = arith.andi %ne3A_401, %ne3A_404 : i1
      %sub3A_406 = arith.constant 1 : i32
      %sub3A_407 = arith.subi %div3A_386, %sub3A_406 : i32
      %select_n3A_408 = arith.select %and3A_405, %sub3A_407, %div3A_386 : i32
      %dma_start3A_409 = arith.constant 0 : i32
      %dma_start3A_410 = tpu.memref_slice %arg12[%select_n3A_408, %dma_start3A_409] : memref<80x125xi32, #tpu.memory_space<vmem>> -> memref<1x125xi32, #tpu.memory_space<vmem>>
      %dma_start3A_411 = tpu.memref_squeeze %dma_start3A_410 : memref<1x125xi32, #tpu.memory_space<vmem>> -> memref<125xi32, #tpu.memory_space<vmem>>
      %dma_start3A_412 = arith.constant 0 : i32
      %dma_start3A_413 = arith.constant 0 : i32
      %dma_start3A_414 = tpu.memref_slice %arg3[%dma_start3A_412, %dma_start3A_413] : memref<10000x32xf32, #tpu.memory_space<hbm>> -> memref<10000x32xf32, #tpu.memory_space<hbm>>
      tpu.enqueue_indirect_dma source(%dma_start3A_414 : memref<10000x32xf32, #tpu.memory_space<hbm>>) target(%arg15 : memref<125x32xf32, #tpu.memory_space<vmem>>) offsets(%dma_start3A_411 : memref<125xi32, #tpu.memory_space<vmem>>) semaphore(%arg26 : memref<!tpu.dma_semaphore, #tpu.memory_space<semaphore_mem>>)
      %dma_wait3A_415 = arith.constant 0 : i32
      %dma_wait3A_416 = arith.constant 0 : i32
      %dma_wait3A_417 = tpu.memref_slice %arg2[%dma_wait3A_415, %dma_wait3A_416] : memref<10000x32xf32, #tpu.memory_space<hbm>> -> memref<125x32xf32, #tpu.memory_space<hbm>>
      %dma_wait3A_418 = arith.constant 0 : i32
      %dma_wait3A_419 = arith.constant 0 : i32
      %dma_wait3A_420 = tpu.memref_slice %arg2[%dma_wait3A_418, %dma_wait3A_419] : memref<10000x32xf32, #tpu.memory_space<hbm>> -> memref<125x32xf32, #tpu.memory_space<hbm>>
      tpu.wait_dma2 semaphore(%arg27 : memref<!tpu.dma_semaphore, #tpu.memory_space<semaphore_mem>>) src(%dma_wait3A_420 : memref<125x32xf32, #tpu.memory_space<hbm>>) dst(%arg16 : memref<125x32xf32, #tpu.memory_space<vmem>>)
      %add3A_421 = arith.constant 2 : i32
      %add3A_422 = arith.addi %mul3A_236, %add3A_421 : i32
      %jit3A_423 = arith.constant 2 : i32
      %div3A_424 = arith.divsi %add3A_422, %jit3A_423 : i32
      %sign3A_425 = arith.constant 0 : i32
      %sign3A_426 = arith.cmpi sgt, %add3A_422, %sign3A_425 : i32
      %sign3A_427 = arith.extui %sign3A_426 : i1 to i32
      %sign3A_428 = arith.constant 0 : i32
      %sign3A_429 = arith.cmpi slt, %add3A_422, %sign3A_428 : i32
      %sign3A_430 = arith.extui %sign3A_429 : i1 to i32
      %sign3A_431 = arith.subi %sign3A_427, %sign3A_430 : i32
      %sign3A_432 = arith.constant 0 : i32
      %sign3A_433 = arith.cmpi sgt, %jit3A_423, %sign3A_432 : i32
      %sign3A_434 = arith.extui %sign3A_433 : i1 to i32
      %sign3A_435 = arith.constant 0 : i32
      %sign3A_436 = arith.cmpi slt, %jit3A_423, %sign3A_435 : i32
      %sign3A_437 = arith.extui %sign3A_436 : i1 to i32
      %sign3A_438 = arith.subi %sign3A_434, %sign3A_437 : i32
      %ne3A_439 = arith.cmpi ne, %sign3A_431, %sign3A_438 : i32
      %rem3A_440 = arith.remsi %add3A_422, %jit3A_423 : i32
      %ne3A_441 = arith.constant 0 : i32
      %ne3A_442 = arith.cmpi ne, %rem3A_440, %ne3A_441 : i32
      %and3A_443 = arith.andi %ne3A_439, %ne3A_442 : i1
      %sub3A_444 = arith.constant 1 : i32
      %sub3A_445 = arith.subi %div3A_424, %sub3A_444 : i32
      %select_n3A_446 = arith.select %and3A_443, %sub3A_445, %div3A_424 : i32
      %dma_start3A_447 = arith.constant 0 : i32
      %dma_start3A_448 = arith.constant 0 : i32
      %dma_start3A_449 = tpu.memref_slice %arg13[%arg0, %dma_start3A_447, %dma_start3A_448] : memref<2x80x125xi32, #tpu.memory_space<vmem>> -> memref<1x80x125xi32, #tpu.memory_space<vmem>>
      %dma_start3A_450 = tpu.memref_squeeze %dma_start3A_449 : memref<1x80x125xi32, #tpu.memory_space<vmem>> -> memref<80x125xi32, #tpu.memory_space<vmem>>
      %dma_start3A_451 = arith.constant 0 : i32
      %dma_start3A_452 = tpu.memref_slice %dma_start3A_450[%select_n3A_446, %dma_start3A_451] : memref<80x125xi32, #tpu.memory_space<vmem>> -> memref<1x125xi32, #tpu.memory_space<vmem>>
      %dma_start3A_453 = tpu.memref_squeeze %dma_start3A_452 : memref<1x125xi32, #tpu.memory_space<vmem>> -> memref<125xi32, #tpu.memory_space<vmem>>
      %dma_start3A_454 = arith.constant 0 : i32
      %dma_start3A_455 = arith.constant 0 : i32
      %dma_start3A_456 = tpu.memref_slice %arg23[%dma_start3A_454, %dma_start3A_455] : memref<10000x32xf32, #tpu.memory_space<vmem_shared>> -> memref<10000x32xf32, #tpu.memory_space<vmem_shared>>
      tpu.enqueue_indirect_dma source(%arg16 : memref<125x32xf32, #tpu.memory_space<vmem>>) target(%dma_start3A_456 : memref<10000x32xf32, #tpu.memory_space<vmem_shared>>) offsets(%dma_start3A_453 : memref<125xi32, #tpu.memory_space<vmem>>) semaphore(%arg31 : memref<!tpu.dma_semaphore, #tpu.memory_space<semaphore_mem>>) {add = true}
      %dma_start3A_457 = arith.constant 0 : i32
      %dma_start3A_458 = arith.constant 0 : i32
      %dma_start3A_459 = arith.constant 0 : i32
      %dma_start3A_460 = tpu.memref_slice %arg13[%dma_start3A_457, %dma_start3A_458, %dma_start3A_459] : memref<2x80x125xi32, #tpu.memory_space<vmem>> -> memref<1x80x125xi32, #tpu.memory_space<vmem>>
      %dma_start3A_461 = tpu.memref_squeeze %dma_start3A_460 : memref<1x80x125xi32, #tpu.memory_space<vmem>> -> memref<80x125xi32, #tpu.memory_space<vmem>>
      %dma_start3A_462 = arith.constant 0 : i32
      %dma_start3A_463 = tpu.memref_slice %dma_start3A_461[%select_n3A_446, %dma_start3A_462] : memref<80x125xi32, #tpu.memory_space<vmem>> -> memref<1x125xi32, #tpu.memory_space<vmem>>
      %dma_start3A_464 = tpu.memref_squeeze %dma_start3A_463 : memref<1x125xi32, #tpu.memory_space<vmem>> -> memref<125xi32, #tpu.memory_space<vmem>>
      %dma_start3A_465 = arith.constant 0 : i32
      %dma_start3A_466 = arith.constant 0 : i32
      %dma_start3A_467 = tpu.memref_slice %arg33[%dma_start3A_465, %dma_start3A_466] : memref<10000x8xf32, #tpu.memory_space<vmem_shared>> -> memref<10000x8xf32, #tpu.memory_space<vmem_shared>>
      tpu.enqueue_indirect_dma source(%arg19 : memref<125x8xf32, #tpu.memory_space<vmem>>) target(%dma_start3A_467 : memref<10000x8xf32, #tpu.memory_space<vmem_shared>>) offsets(%dma_start3A_464 : memref<125xi32, #tpu.memory_space<vmem>>) semaphore(%arg31 : memref<!tpu.dma_semaphore, #tpu.memory_space<semaphore_mem>>) {add = true}
      %dma_start3A_468 = arith.constant 1 : i32
      %dma_start3A_469 = arith.constant 0 : i32
      %dma_start3A_470 = arith.constant 0 : i32
      %dma_start3A_471 = tpu.memref_slice %arg13[%dma_start3A_468, %dma_start3A_469, %dma_start3A_470] : memref<2x80x125xi32, #tpu.memory_space<vmem>> -> memref<1x80x125xi32, #tpu.memory_space<vmem>>
      %dma_start3A_472 = tpu.memref_squeeze %dma_start3A_471 : memref<1x80x125xi32, #tpu.memory_space<vmem>> -> memref<80x125xi32, #tpu.memory_space<vmem>>
      %dma_start3A_473 = arith.constant 0 : i32
      %dma_start3A_474 = tpu.memref_slice %dma_start3A_472[%select_n3A_446, %dma_start3A_473] : memref<80x125xi32, #tpu.memory_space<vmem>> -> memref<1x125xi32, #tpu.memory_space<vmem>>
      %dma_start3A_475 = tpu.memref_squeeze %dma_start3A_474 : memref<1x125xi32, #tpu.memory_space<vmem>> -> memref<125xi32, #tpu.memory_space<vmem>>
      %dma_start3A_476 = arith.constant 0 : i32
      %dma_start3A_477 = arith.constant 0 : i32
      %dma_start3A_478 = tpu.memref_slice %arg33[%dma_start3A_476, %dma_start3A_477] : memref<10000x8xf32, #tpu.memory_space<vmem_shared>> -> memref<10000x8xf32, #tpu.memory_space<vmem_shared>>
      tpu.enqueue_indirect_dma source(%arg19 : memref<125x8xf32, #tpu.memory_space<vmem>>) target(%dma_start3A_478 : memref<10000x8xf32, #tpu.memory_space<vmem_shared>>) offsets(%dma_start3A_475 : memref<125xi32, #tpu.memory_space<vmem>>) semaphore(%arg31 : memref<!tpu.dma_semaphore, #tpu.memory_space<semaphore_mem>>) {add = true}
      %dma_wait3A_479 = arith.constant 0 : i32
      %dma_wait3A_480 = arith.constant 0 : i32
      %dma_wait3A_481 = tpu.memref_slice %arg2[%dma_wait3A_479, %dma_wait3A_480] : memref<10000x32xf32, #tpu.memory_space<hbm>> -> memref<125x32xf32, #tpu.memory_space<hbm>>
      %dma_wait3A_482 = arith.constant 0 : i32
      %dma_wait3A_483 = arith.constant 0 : i32
      %dma_wait3A_484 = tpu.memref_slice %arg2[%dma_wait3A_482, %dma_wait3A_483] : memref<10000x32xf32, #tpu.memory_space<hbm>> -> memref<125x32xf32, #tpu.memory_space<hbm>>
      tpu.wait_dma2 semaphore(%arg28 : memref<!tpu.dma_semaphore, #tpu.memory_space<semaphore_mem>>) src(%dma_wait3A_484 : memref<125x32xf32, #tpu.memory_space<hbm>>) dst(%arg17 : memref<125x32xf32, #tpu.memory_space<vmem>>)
      %add3A_485 = arith.constant 3 : i32
      %add3A_486 = arith.addi %mul3A_236, %add3A_485 : i32
      %jit3A_487 = arith.constant 2 : i32
      %div3A_488 = arith.divsi %add3A_486, %jit3A_487 : i32
      %sign3A_489 = arith.constant 0 : i32
      %sign3A_490 = arith.cmpi sgt, %add3A_486, %sign3A_489 : i32
      %sign3A_491 = arith.extui %sign3A_490 : i1 to i32
      %sign3A_492 = arith.constant 0 : i32
      %sign3A_493 = arith.cmpi slt, %add3A_486, %sign3A_492 : i32
      %sign3A_494 = arith.extui %sign3A_493 : i1 to i32
      %sign3A_495 = arith.subi %sign3A_491, %sign3A_494 : i32
      %sign3A_496 = arith.constant 0 : i32
      %sign3A_497 = arith.cmpi sgt, %jit3A_487, %sign3A_496 : i32
      %sign3A_498 = arith.extui %sign3A_497 : i1 to i32
      %sign3A_499 = arith.constant 0 : i32
      %sign3A_500 = arith.cmpi slt, %jit3A_487, %sign3A_499 : i32
      %sign3A_501 = arith.extui %sign3A_500 : i1 to i32
      %sign3A_502 = arith.subi %sign3A_498, %sign3A_501 : i32
      %ne3A_503 = arith.cmpi ne, %sign3A_495, %sign3A_502 : i32
      %rem3A_504 = arith.remsi %add3A_486, %jit3A_487 : i32
      %ne3A_505 = arith.constant 0 : i32
      %ne3A_506 = arith.cmpi ne, %rem3A_504, %ne3A_505 : i32
      %and3A_507 = arith.andi %ne3A_503, %ne3A_506 : i1
      %sub3A_508 = arith.constant 1 : i32
      %sub3A_509 = arith.subi %div3A_488, %sub3A_508 : i32
      %select_n3A_510 = arith.select %and3A_507, %sub3A_509, %div3A_488 : i32
      %dma_start3A_511 = arith.constant 0 : i32
      %dma_start3A_512 = arith.constant 0 : i32
      %dma_start3A_513 = tpu.memref_slice %arg13[%arg0, %dma_start3A_511, %dma_start3A_512] : memref<2x80x125xi32, #tpu.memory_space<vmem>> -> memref<1x80x125xi32, #tpu.memory_space<vmem>>
      %dma_start3A_514 = tpu.memref_squeeze %dma_start3A_513 : memref<1x80x125xi32, #tpu.memory_space<vmem>> -> memref<80x125xi32, #tpu.memory_space<vmem>>
      %dma_start3A_515 = arith.constant 0 : i32
      %dma_start3A_516 = tpu.memref_slice %dma_start3A_514[%select_n3A_510, %dma_start3A_515] : memref<80x125xi32, #tpu.memory_space<vmem>> -> memref<1x125xi32, #tpu.memory_space<vmem>>
      %dma_start3A_517 = tpu.memref_squeeze %dma_start3A_516 : memref<1x125xi32, #tpu.memory_space<vmem>> -> memref<125xi32, #tpu.memory_space<vmem>>
      %dma_start3A_518 = arith.constant 0 : i32
      %dma_start3A_519 = arith.constant 0 : i32
      %dma_start3A_520 = tpu.memref_slice %arg24[%dma_start3A_518, %dma_start3A_519] : memref<10000x32xf32, #tpu.memory_space<vmem_shared>> -> memref<10000x32xf32, #tpu.memory_space<vmem_shared>>
      tpu.enqueue_indirect_dma source(%arg17 : memref<125x32xf32, #tpu.memory_space<vmem>>) target(%dma_start3A_520 : memref<10000x32xf32, #tpu.memory_space<vmem_shared>>) offsets(%dma_start3A_517 : memref<125xi32, #tpu.memory_space<vmem>>) semaphore(%arg32 : memref<!tpu.dma_semaphore, #tpu.memory_space<semaphore_mem>>) {add = true}
      %dma_wait3A_521 = arith.constant 0 : i32
      %dma_wait3A_522 = arith.constant 0 : i32
      %dma_wait3A_523 = tpu.memref_slice %arg2[%dma_wait3A_521, %dma_wait3A_522] : memref<10000x32xf32, #tpu.memory_space<hbm>> -> memref<125x32xf32, #tpu.memory_space<hbm>>
      %dma_wait3A_524 = arith.constant 0 : i32
      %dma_wait3A_525 = arith.constant 0 : i32
      %dma_wait3A_526 = tpu.memref_slice %arg2[%dma_wait3A_524, %dma_wait3A_525] : memref<10000x32xf32, #tpu.memory_space<hbm>> -> memref<125x32xf32, #tpu.memory_space<hbm>>
      tpu.wait_dma2 semaphore(%arg31 : memref<!tpu.dma_semaphore, #tpu.memory_space<semaphore_mem>>) src(%dma_wait3A_526 : memref<125x32xf32, #tpu.memory_space<hbm>>) dst(%arg16 : memref<125x32xf32, #tpu.memory_space<vmem>>)
      tpu.wait_dma2 semaphore(%arg31 : memref<!tpu.dma_semaphore, #tpu.memory_space<semaphore_mem>>) src(%arg7 : memref<125x8xf32, #tpu.memory_space<hbm>>) dst(%arg19 : memref<125x8xf32, #tpu.memory_space<vmem>>)
      tpu.wait_dma2 semaphore(%arg31 : memref<!tpu.dma_semaphore, #tpu.memory_space<semaphore_mem>>) src(%arg7 : memref<125x8xf32, #tpu.memory_space<hbm>>) dst(%arg19 : memref<125x8xf32, #tpu.memory_space<vmem>>)
      %add3A_527 = arith.constant 4 : i32
      %add3A_528 = arith.addi %mul3A_236, %add3A_527 : i32
      %add3A_529 = arith.constant 2 : i32
      %add3A_530 = arith.addi %add3A_528, %add3A_529 : i32
      %jit3A_531 = arith.constant 2 : i32
      %div3A_532 = arith.divsi %add3A_530, %jit3A_531 : i32
      %sign3A_533 = arith.constant 0 : i32
      %sign3A_534 = arith.cmpi sgt, %add3A_530, %sign3A_533 : i32
      %sign3A_535 = arith.extui %sign3A_534 : i1 to i32
      %sign3A_536 = arith.constant 0 : i32
      %sign3A_537 = arith.cmpi slt, %add3A_530, %sign3A_536 : i32
      %sign3A_538 = arith.extui %sign3A_537 : i1 to i32
      %sign3A_539 = arith.subi %sign3A_535, %sign3A_538 : i32
      %sign3A_540 = arith.constant 0 : i32
      %sign3A_541 = arith.cmpi sgt, %jit3A_531, %sign3A_540 : i32
      %sign3A_542 = arith.extui %sign3A_541 : i1 to i32
      %sign3A_543 = arith.constant 0 : i32
      %sign3A_544 = arith.cmpi slt, %jit3A_531, %sign3A_543 : i32
      %sign3A_545 = arith.extui %sign3A_544 : i1 to i32
      %sign3A_546 = arith.subi %sign3A_542, %sign3A_545 : i32
      %ne3A_547 = arith.cmpi ne, %sign3A_539, %sign3A_546 : i32
      %rem3A_548 = arith.remsi %add3A_530, %jit3A_531 : i32
      %ne3A_549 = arith.constant 0 : i32
      %ne3A_550 = arith.cmpi ne, %rem3A_548, %ne3A_549 : i32
      %and3A_551 = arith.andi %ne3A_547, %ne3A_550 : i1
      %sub3A_552 = arith.constant 1 : i32
      %sub3A_553 = arith.subi %div3A_532, %sub3A_552 : i32
      %select_n3A_554 = arith.select %and3A_551, %sub3A_553, %div3A_532 : i32
      %dma_start3A_555 = arith.constant 0 : i32
      %dma_start3A_556 = tpu.memref_slice %arg12[%select_n3A_554, %dma_start3A_555] : memref<80x125xi32, #tpu.memory_space<vmem>> -> memref<1x125xi32, #tpu.memory_space<vmem>>
      %dma_start3A_557 = tpu.memref_squeeze %dma_start3A_556 : memref<1x125xi32, #tpu.memory_space<vmem>> -> memref<125xi32, #tpu.memory_space<vmem>>
      %dma_start3A_558 = arith.constant 0 : i32
      %dma_start3A_559 = arith.constant 0 : i32
      %dma_start3A_560 = tpu.memref_slice %arg2[%dma_start3A_558, %dma_start3A_559] : memref<10000x32xf32, #tpu.memory_space<hbm>> -> memref<10000x32xf32, #tpu.memory_space<hbm>>
      tpu.enqueue_indirect_dma source(%dma_start3A_560 : memref<10000x32xf32, #tpu.memory_space<hbm>>) target(%arg16 : memref<125x32xf32, #tpu.memory_space<vmem>>) offsets(%dma_start3A_557 : memref<125xi32, #tpu.memory_space<vmem>>) semaphore(%arg27 : memref<!tpu.dma_semaphore, #tpu.memory_space<semaphore_mem>>)
      %dma_wait3A_561 = arith.constant 0 : i32
      %dma_wait3A_562 = arith.constant 0 : i32
      %dma_wait3A_563 = tpu.memref_slice %arg2[%dma_wait3A_561, %dma_wait3A_562] : memref<10000x32xf32, #tpu.memory_space<hbm>> -> memref<125x32xf32, #tpu.memory_space<hbm>>
      %dma_wait3A_564 = arith.constant 0 : i32
      %dma_wait3A_565 = arith.constant 0 : i32
      %dma_wait3A_566 = tpu.memref_slice %arg2[%dma_wait3A_564, %dma_wait3A_565] : memref<10000x32xf32, #tpu.memory_space<hbm>> -> memref<125x32xf32, #tpu.memory_space<hbm>>
      tpu.wait_dma2 semaphore(%arg32 : memref<!tpu.dma_semaphore, #tpu.memory_space<semaphore_mem>>) src(%dma_wait3A_566 : memref<125x32xf32, #tpu.memory_space<hbm>>) dst(%arg17 : memref<125x32xf32, #tpu.memory_space<vmem>>)
      %add3A_567 = arith.constant 4 : i32
      %add3A_568 = arith.addi %mul3A_236, %add3A_567 : i32
      %add3A_569 = arith.constant 3 : i32
      %add3A_570 = arith.addi %add3A_568, %add3A_569 : i32
      %jit3A_571 = arith.constant 2 : i32
      %div3A_572 = arith.divsi %add3A_570, %jit3A_571 : i32
      %sign3A_573 = arith.constant 0 : i32
      %sign3A_574 = arith.cmpi sgt, %add3A_570, %sign3A_573 : i32
      %sign3A_575 = arith.extui %sign3A_574 : i1 to i32
      %sign3A_576 = arith.constant 0 : i32
      %sign3A_577 = arith.cmpi slt, %add3A_570, %sign3A_576 : i32
      %sign3A_578 = arith.extui %sign3A_577 : i1 to i32
      %sign3A_579 = arith.subi %sign3A_575, %sign3A_578 : i32
      %sign3A_580 = arith.constant 0 : i32
      %sign3A_581 = arith.cmpi sgt, %jit3A_571, %sign3A_580 : i32
      %sign3A_582 = arith.extui %sign3A_581 : i1 to i32
      %sign3A_583 = arith.constant 0 : i32
      %sign3A_584 = arith.cmpi slt, %jit3A_571, %sign3A_583 : i32
      %sign3A_585 = arith.extui %sign3A_584 : i1 to i32
      %sign3A_586 = arith.subi %sign3A_582, %sign3A_585 : i32
      %ne3A_587 = arith.cmpi ne, %sign3A_579, %sign3A_586 : i32
      %rem3A_588 = arith.remsi %add3A_570, %jit3A_571 : i32
      %ne3A_589 = arith.constant 0 : i32
      %ne3A_590 = arith.cmpi ne, %rem3A_588, %ne3A_589 : i32
      %and3A_591 = arith.andi %ne3A_587, %ne3A_590 : i1
      %sub3A_592 = arith.constant 1 : i32
      %sub3A_593 = arith.subi %div3A_572, %sub3A_592 : i32
      %select_n3A_594 = arith.select %and3A_591, %sub3A_593, %div3A_572 : i32
      %dma_start3A_595 = arith.constant 0 : i32
      %dma_start3A_596 = tpu.memref_slice %arg12[%select_n3A_594, %dma_start3A_595] : memref<80x125xi32, #tpu.memory_space<vmem>> -> memref<1x125xi32, #tpu.memory_space<vmem>>
      %dma_start3A_597 = tpu.memref_squeeze %dma_start3A_596 : memref<1x125xi32, #tpu.memory_space<vmem>> -> memref<125xi32, #tpu.memory_space<vmem>>
      %dma_start3A_598 = arith.constant 0 : i32
      %dma_start3A_599 = arith.constant 0 : i32
      %dma_start3A_600 = tpu.memref_slice %arg3[%dma_start3A_598, %dma_start3A_599] : memref<10000x32xf32, #tpu.memory_space<hbm>> -> memref<10000x32xf32, #tpu.memory_space<hbm>>
      tpu.enqueue_indirect_dma source(%dma_start3A_600 : memref<10000x32xf32, #tpu.memory_space<hbm>>) target(%arg17 : memref<125x32xf32, #tpu.memory_space<vmem>>) offsets(%dma_start3A_597 : memref<125xi32, #tpu.memory_space<vmem>>) semaphore(%arg28 : memref<!tpu.dma_semaphore, #tpu.memory_space<semaphore_mem>>)
    }
    %scan3A_67 = arith.constant 39 : i32
    %dma_wait3A = arith.constant 0 : i32
    %dma_wait3A_68 = arith.constant 0 : i32
    %dma_wait3A_69 = tpu.memref_slice %arg2[%dma_wait3A, %dma_wait3A_68] : memref<10000x32xf32, #tpu.memory_space<hbm>> -> memref<125x32xf32, #tpu.memory_space<hbm>>
    %dma_wait3A_70 = arith.constant 0 : i32
    %dma_wait3A_71 = arith.constant 0 : i32
    %dma_wait3A_72 = tpu.memref_slice %arg2[%dma_wait3A_70, %dma_wait3A_71] : memref<10000x32xf32, #tpu.memory_space<hbm>> -> memref<125x32xf32, #tpu.memory_space<hbm>>
    tpu.wait_dma2 semaphore(%arg25 : memref<!tpu.dma_semaphore, #tpu.memory_space<semaphore_mem>>) src(%dma_wait3A_72 : memref<125x32xf32, #tpu.memory_space<hbm>>) dst(%arg14 : memref<125x32xf32, #tpu.memory_space<vmem>>)
    %dma_start3A_73 = arith.constant 78 : i32
    %dma_start3A_74 = arith.constant 0 : i32
    %dma_start3A_75 = arith.constant 0 : i32
    %dma_start3A_76 = tpu.memref_slice %arg13[%arg0, %dma_start3A_74, %dma_start3A_75] : memref<2x80x125xi32, #tpu.memory_space<vmem>> -> memref<1x80x125xi32, #tpu.memory_space<vmem>>
    %dma_start3A_77 = tpu.memref_squeeze %dma_start3A_76 : memref<1x80x125xi32, #tpu.memory_space<vmem>> -> memref<80x125xi32, #tpu.memory_space<vmem>>
    %dma_start3A_78 = arith.constant 0 : i32
    %dma_start3A_79 = tpu.memref_slice %dma_start3A_77[%dma_start3A_73, %dma_start3A_78] : memref<80x125xi32, #tpu.memory_space<vmem>> -> memref<1x125xi32, #tpu.memory_space<vmem>>
    %dma_start3A_80 = tpu.memref_squeeze %dma_start3A_79 : memref<1x125xi32, #tpu.memory_space<vmem>> -> memref<125xi32, #tpu.memory_space<vmem>>
    %dma_start3A_81 = arith.constant 0 : i32
    %dma_start3A_82 = arith.constant 0 : i32
    %dma_start3A_83 = tpu.memref_slice %arg23[%dma_start3A_81, %dma_start3A_82] : memref<10000x32xf32, #tpu.memory_space<vmem_shared>> -> memref<10000x32xf32, #tpu.memory_space<vmem_shared>>
    tpu.enqueue_indirect_dma source(%arg14 : memref<125x32xf32, #tpu.memory_space<vmem>>) target(%dma_start3A_83 : memref<10000x32xf32, #tpu.memory_space<vmem_shared>>) offsets(%dma_start3A_80 : memref<125xi32, #tpu.memory_space<vmem>>) semaphore(%arg29 : memref<!tpu.dma_semaphore, #tpu.memory_space<semaphore_mem>>) {add = true}
    %dma_start3A_84 = arith.constant 0 : i32
    %dma_start3A_85 = arith.constant 78 : i32
    %dma_start3A_86 = arith.constant 0 : i32
    %dma_start3A_87 = arith.constant 0 : i32
    %dma_start3A_88 = tpu.memref_slice %arg13[%dma_start3A_84, %dma_start3A_86, %dma_start3A_87] : memref<2x80x125xi32, #tpu.memory_space<vmem>> -> memref<1x80x125xi32, #tpu.memory_space<vmem>>
    %dma_start3A_89 = tpu.memref_squeeze %dma_start3A_88 : memref<1x80x125xi32, #tpu.memory_space<vmem>> -> memref<80x125xi32, #tpu.memory_space<vmem>>
    %dma_start3A_90 = arith.constant 0 : i32
    %dma_start3A_91 = tpu.memref_slice %dma_start3A_89[%dma_start3A_85, %dma_start3A_90] : memref<80x125xi32, #tpu.memory_space<vmem>> -> memref<1x125xi32, #tpu.memory_space<vmem>>
    %dma_start3A_92 = tpu.memref_squeeze %dma_start3A_91 : memref<1x125xi32, #tpu.memory_space<vmem>> -> memref<125xi32, #tpu.memory_space<vmem>>
    %dma_start3A_93 = arith.constant 0 : i32
    %dma_start3A_94 = arith.constant 0 : i32
    %dma_start3A_95 = tpu.memref_slice %arg33[%dma_start3A_93, %dma_start3A_94] : memref<10000x8xf32, #tpu.memory_space<vmem_shared>> -> memref<10000x8xf32, #tpu.memory_space<vmem_shared>>
    tpu.enqueue_indirect_dma source(%arg19 : memref<125x8xf32, #tpu.memory_space<vmem>>) target(%dma_start3A_95 : memref<10000x8xf32, #tpu.memory_space<vmem_shared>>) offsets(%dma_start3A_92 : memref<125xi32, #tpu.memory_space<vmem>>) semaphore(%arg29 : memref<!tpu.dma_semaphore, #tpu.memory_space<semaphore_mem>>) {add = true}
    %dma_start3A_96 = arith.constant 1 : i32
    %dma_start3A_97 = arith.constant 78 : i32
    %dma_start3A_98 = arith.constant 0 : i32
    %dma_start3A_99 = arith.constant 0 : i32
    %dma_start3A_100 = tpu.memref_slice %arg13[%dma_start3A_96, %dma_start3A_98, %dma_start3A_99] : memref<2x80x125xi32, #tpu.memory_space<vmem>> -> memref<1x80x125xi32, #tpu.memory_space<vmem>>
    %dma_start3A_101 = tpu.memref_squeeze %dma_start3A_100 : memref<1x80x125xi32, #tpu.memory_space<vmem>> -> memref<80x125xi32, #tpu.memory_space<vmem>>
    %dma_start3A_102 = arith.constant 0 : i32
    %dma_start3A_103 = tpu.memref_slice %dma_start3A_101[%dma_start3A_97, %dma_start3A_102] : memref<80x125xi32, #tpu.memory_space<vmem>> -> memref<1x125xi32, #tpu.memory_space<vmem>>
    %dma_start3A_104 = tpu.memref_squeeze %dma_start3A_103 : memref<1x125xi32, #tpu.memory_space<vmem>> -> memref<125xi32, #tpu.memory_space<vmem>>
    %dma_start3A_105 = arith.constant 0 : i32
    %dma_start3A_106 = arith.constant 0 : i32
    %dma_start3A_107 = tpu.memref_slice %arg33[%dma_start3A_105, %dma_start3A_106] : memref<10000x8xf32, #tpu.memory_space<vmem_shared>> -> memref<10000x8xf32, #tpu.memory_space<vmem_shared>>
    tpu.enqueue_indirect_dma source(%arg19 : memref<125x8xf32, #tpu.memory_space<vmem>>) target(%dma_start3A_107 : memref<10000x8xf32, #tpu.memory_space<vmem_shared>>) offsets(%dma_start3A_104 : memref<125xi32, #tpu.memory_space<vmem>>) semaphore(%arg29 : memref<!tpu.dma_semaphore, #tpu.memory_space<semaphore_mem>>) {add = true}
    %dma_wait3A_108 = arith.constant 0 : i32
    %dma_wait3A_109 = arith.constant 0 : i32
    %dma_wait3A_110 = tpu.memref_slice %arg2[%dma_wait3A_108, %dma_wait3A_109] : memref<10000x32xf32, #tpu.memory_space<hbm>> -> memref<125x32xf32, #tpu.memory_space<hbm>>
    %dma_wait3A_111 = arith.constant 0 : i32
    %dma_wait3A_112 = arith.constant 0 : i32
    %dma_wait3A_113 = tpu.memref_slice %arg2[%dma_wait3A_111, %dma_wait3A_112] : memref<10000x32xf32, #tpu.memory_space<hbm>> -> memref<125x32xf32, #tpu.memory_space<hbm>>
    tpu.wait_dma2 semaphore(%arg26 : memref<!tpu.dma_semaphore, #tpu.memory_space<semaphore_mem>>) src(%dma_wait3A_113 : memref<125x32xf32, #tpu.memory_space<hbm>>) dst(%arg15 : memref<125x32xf32, #tpu.memory_space<vmem>>)
    %dma_start3A_114 = arith.constant 78 : i32
    %dma_start3A_115 = arith.constant 0 : i32
    %dma_start3A_116 = arith.constant 0 : i32
    %dma_start3A_117 = tpu.memref_slice %arg13[%arg0, %dma_start3A_115, %dma_start3A_116] : memref<2x80x125xi32, #tpu.memory_space<vmem>> -> memref<1x80x125xi32, #tpu.memory_space<vmem>>
    %dma_start3A_118 = tpu.memref_squeeze %dma_start3A_117 : memref<1x80x125xi32, #tpu.memory_space<vmem>> -> memref<80x125xi32, #tpu.memory_space<vmem>>
    %dma_start3A_119 = arith.constant 0 : i32
    %dma_start3A_120 = tpu.memref_slice %dma_start3A_118[%dma_start3A_114, %dma_start3A_119] : memref<80x125xi32, #tpu.memory_space<vmem>> -> memref<1x125xi32, #tpu.memory_space<vmem>>
    %dma_start3A_121 = tpu.memref_squeeze %dma_start3A_120 : memref<1x125xi32, #tpu.memory_space<vmem>> -> memref<125xi32, #tpu.memory_space<vmem>>
    %dma_start3A_122 = arith.constant 0 : i32
    %dma_start3A_123 = arith.constant 0 : i32
    %dma_start3A_124 = tpu.memref_slice %arg24[%dma_start3A_122, %dma_start3A_123] : memref<10000x32xf32, #tpu.memory_space<vmem_shared>> -> memref<10000x32xf32, #tpu.memory_space<vmem_shared>>
    tpu.enqueue_indirect_dma source(%arg15 : memref<125x32xf32, #tpu.memory_space<vmem>>) target(%dma_start3A_124 : memref<10000x32xf32, #tpu.memory_space<vmem_shared>>) offsets(%dma_start3A_121 : memref<125xi32, #tpu.memory_space<vmem>>) semaphore(%arg30 : memref<!tpu.dma_semaphore, #tpu.memory_space<semaphore_mem>>) {add = true}
    %dma_wait3A_125 = arith.constant 0 : i32
    %dma_wait3A_126 = arith.constant 0 : i32
    %dma_wait3A_127 = tpu.memref_slice %arg2[%dma_wait3A_125, %dma_wait3A_126] : memref<10000x32xf32, #tpu.memory_space<hbm>> -> memref<125x32xf32, #tpu.memory_space<hbm>>
    %dma_wait3A_128 = arith.constant 0 : i32
    %dma_wait3A_129 = arith.constant 0 : i32
    %dma_wait3A_130 = tpu.memref_slice %arg2[%dma_wait3A_128, %dma_wait3A_129] : memref<10000x32xf32, #tpu.memory_space<hbm>> -> memref<125x32xf32, #tpu.memory_space<hbm>>
    tpu.wait_dma2 semaphore(%arg27 : memref<!tpu.dma_semaphore, #tpu.memory_space<semaphore_mem>>) src(%dma_wait3A_130 : memref<125x32xf32, #tpu.memory_space<hbm>>) dst(%arg16 : memref<125x32xf32, #tpu.memory_space<vmem>>)
    %dma_start3A_131 = arith.constant 79 : i32
    %dma_start3A_132 = arith.constant 0 : i32
    %dma_start3A_133 = arith.constant 0 : i32
    %dma_start3A_134 = tpu.memref_slice %arg13[%arg0, %dma_start3A_132, %dma_start3A_133] : memref<2x80x125xi32, #tpu.memory_space<vmem>> -> memref<1x80x125xi32, #tpu.memory_space<vmem>>
    %dma_start3A_135 = tpu.memref_squeeze %dma_start3A_134 : memref<1x80x125xi32, #tpu.memory_space<vmem>> -> memref<80x125xi32, #tpu.memory_space<vmem>>
    %dma_start3A_136 = arith.constant 0 : i32
    %dma_start3A_137 = tpu.memref_slice %dma_start3A_135[%dma_start3A_131, %dma_start3A_136] : memref<80x125xi32, #tpu.memory_space<vmem>> -> memref<1x125xi32, #tpu.memory_space<vmem>>
    %dma_start3A_138 = tpu.memref_squeeze %dma_start3A_137 : memref<1x125xi32, #tpu.memory_space<vmem>> -> memref<125xi32, #tpu.memory_space<vmem>>
    %dma_start3A_139 = arith.constant 0 : i32
    %dma_start3A_140 = arith.constant 0 : i32
    %dma_start3A_141 = tpu.memref_slice %arg23[%dma_start3A_139, %dma_start3A_140] : memref<10000x32xf32, #tpu.memory_space<vmem_shared>> -> memref<10000x32xf32, #tpu.memory_space<vmem_shared>>
    tpu.enqueue_indirect_dma source(%arg16 : memref<125x32xf32, #tpu.memory_space<vmem>>) target(%dma_start3A_141 : memref<10000x32xf32, #tpu.memory_space<vmem_shared>>) offsets(%dma_start3A_138 : memref<125xi32, #tpu.memory_space<vmem>>) semaphore(%arg31 : memref<!tpu.dma_semaphore, #tpu.memory_space<semaphore_mem>>) {add = true}
    %dma_start3A_142 = arith.constant 0 : i32
    %dma_start3A_143 = arith.constant 79 : i32
    %dma_start3A_144 = arith.constant 0 : i32
    %dma_start3A_145 = arith.constant 0 : i32
    %dma_start3A_146 = tpu.memref_slice %arg13[%dma_start3A_142, %dma_start3A_144, %dma_start3A_145] : memref<2x80x125xi32, #tpu.memory_space<vmem>> -> memref<1x80x125xi32, #tpu.memory_space<vmem>>
    %dma_start3A_147 = tpu.memref_squeeze %dma_start3A_146 : memref<1x80x125xi32, #tpu.memory_space<vmem>> -> memref<80x125xi32, #tpu.memory_space<vmem>>
    %dma_start3A_148 = arith.constant 0 : i32
    %dma_start3A_149 = tpu.memref_slice %dma_start3A_147[%dma_start3A_143, %dma_start3A_148] : memref<80x125xi32, #tpu.memory_space<vmem>> -> memref<1x125xi32, #tpu.memory_space<vmem>>
    %dma_start3A_150 = tpu.memref_squeeze %dma_start3A_149 : memref<1x125xi32, #tpu.memory_space<vmem>> -> memref<125xi32, #tpu.memory_space<vmem>>
    %dma_start3A_151 = arith.constant 0 : i32
    %dma_start3A_152 = arith.constant 0 : i32
    %dma_start3A_153 = tpu.memref_slice %arg33[%dma_start3A_151, %dma_start3A_152] : memref<10000x8xf32, #tpu.memory_space<vmem_shared>> -> memref<10000x8xf32, #tpu.memory_space<vmem_shared>>
    tpu.enqueue_indirect_dma source(%arg19 : memref<125x8xf32, #tpu.memory_space<vmem>>) target(%dma_start3A_153 : memref<10000x8xf32, #tpu.memory_space<vmem_shared>>) offsets(%dma_start3A_150 : memref<125xi32, #tpu.memory_space<vmem>>) semaphore(%arg31 : memref<!tpu.dma_semaphore, #tpu.memory_space<semaphore_mem>>) {add = true}
    %dma_start3A_154 = arith.constant 1 : i32
    %dma_start3A_155 = arith.constant 79 : i32
    %dma_start3A_156 = arith.constant 0 : i32
    %dma_start3A_157 = arith.constant 0 : i32
    %dma_start3A_158 = tpu.memref_slice %arg13[%dma_start3A_154, %dma_start3A_156, %dma_start3A_157] : memref<2x80x125xi32, #tpu.memory_space<vmem>> -> memref<1x80x125xi32, #tpu.memory_space<vmem>>
    %dma_start3A_159 = tpu.memref_squeeze %dma_start3A_158 : memref<1x80x125xi32, #tpu.memory_space<vmem>> -> memref<80x125xi32, #tpu.memory_space<vmem>>
    %dma_start3A_160 = arith.constant 0 : i32
    %dma_start3A_161 = tpu.memref_slice %dma_start3A_159[%dma_start3A_155, %dma_start3A_160] : memref<80x125xi32, #tpu.memory_space<vmem>> -> memref<1x125xi32, #tpu.memory_space<vmem>>
    %dma_start3A_162 = tpu.memref_squeeze %dma_start3A_161 : memref<1x125xi32, #tpu.memory_space<vmem>> -> memref<125xi32, #tpu.memory_space<vmem>>
    %dma_start3A_163 = arith.constant 0 : i32
    %dma_start3A_164 = arith.constant 0 : i32
    %dma_start3A_165 = tpu.memref_slice %arg33[%dma_start3A_163, %dma_start3A_164] : memref<10000x8xf32, #tpu.memory_space<vmem_shared>> -> memref<10000x8xf32, #tpu.memory_space<vmem_shared>>
    tpu.enqueue_indirect_dma source(%arg19 : memref<125x8xf32, #tpu.memory_space<vmem>>) target(%dma_start3A_165 : memref<10000x8xf32, #tpu.memory_space<vmem_shared>>) offsets(%dma_start3A_162 : memref<125xi32, #tpu.memory_space<vmem>>) semaphore(%arg31 : memref<!tpu.dma_semaphore, #tpu.memory_space<semaphore_mem>>) {add = true}
    %dma_wait3A_166 = arith.constant 0 : i32
    %dma_wait3A_167 = arith.constant 0 : i32
    %dma_wait3A_168 = tpu.memref_slice %arg2[%dma_wait3A_166, %dma_wait3A_167] : memref<10000x32xf32, #tpu.memory_space<hbm>> -> memref<125x32xf32, #tpu.memory_space<hbm>>
    %dma_wait3A_169 = arith.constant 0 : i32
    %dma_wait3A_170 = arith.constant 0 : i32
    %dma_wait3A_171 = tpu.memref_slice %arg2[%dma_wait3A_169, %dma_wait3A_170] : memref<10000x32xf32, #tpu.memory_space<hbm>> -> memref<125x32xf32, #tpu.memory_space<hbm>>
    tpu.wait_dma2 semaphore(%arg28 : memref<!tpu.dma_semaphore, #tpu.memory_space<semaphore_mem>>) src(%dma_wait3A_171 : memref<125x32xf32, #tpu.memory_space<hbm>>) dst(%arg17 : memref<125x32xf32, #tpu.memory_space<vmem>>)
    %dma_start3A_172 = arith.constant 79 : i32
    %dma_start3A_173 = arith.constant 0 : i32
    %dma_start3A_174 = arith.constant 0 : i32
    %dma_start3A_175 = tpu.memref_slice %arg13[%arg0, %dma_start3A_173, %dma_start3A_174] : memref<2x80x125xi32, #tpu.memory_space<vmem>> -> memref<1x80x125xi32, #tpu.memory_space<vmem>>
    %dma_start3A_176 = tpu.memref_squeeze %dma_start3A_175 : memref<1x80x125xi32, #tpu.memory_space<vmem>> -> memref<80x125xi32, #tpu.memory_space<vmem>>
    %dma_start3A_177 = arith.constant 0 : i32
    %dma_start3A_178 = tpu.memref_slice %dma_start3A_176[%dma_start3A_172, %dma_start3A_177] : memref<80x125xi32, #tpu.memory_space<vmem>> -> memref<1x125xi32, #tpu.memory_space<vmem>>
    %dma_start3A_179 = tpu.memref_squeeze %dma_start3A_178 : memref<1x125xi32, #tpu.memory_space<vmem>> -> memref<125xi32, #tpu.memory_space<vmem>>
    %dma_start3A_180 = arith.constant 0 : i32
    %dma_start3A_181 = arith.constant 0 : i32
    %dma_start3A_182 = tpu.memref_slice %arg24[%dma_start3A_180, %dma_start3A_181] : memref<10000x32xf32, #tpu.memory_space<vmem_shared>> -> memref<10000x32xf32, #tpu.memory_space<vmem_shared>>
    tpu.enqueue_indirect_dma source(%arg17 : memref<125x32xf32, #tpu.memory_space<vmem>>) target(%dma_start3A_182 : memref<10000x32xf32, #tpu.memory_space<vmem_shared>>) offsets(%dma_start3A_179 : memref<125xi32, #tpu.memory_space<vmem>>) semaphore(%arg32 : memref<!tpu.dma_semaphore, #tpu.memory_space<semaphore_mem>>) {add = true}
    %dma_wait3A_183 = arith.constant 0 : i32
    %dma_wait3A_184 = arith.constant 0 : i32
    %dma_wait3A_185 = tpu.memref_slice %arg2[%dma_wait3A_183, %dma_wait3A_184] : memref<10000x32xf32, #tpu.memory_space<hbm>> -> memref<125x32xf32, #tpu.memory_space<hbm>>
    %dma_wait3A_186 = arith.constant 0 : i32
    %dma_wait3A_187 = arith.constant 0 : i32
    %dma_wait3A_188 = tpu.memref_slice %arg2[%dma_wait3A_186, %dma_wait3A_187] : memref<10000x32xf32, #tpu.memory_space<hbm>> -> memref<125x32xf32, #tpu.memory_space<hbm>>
    tpu.wait_dma2 semaphore(%arg29 : memref<!tpu.dma_semaphore, #tpu.memory_space<semaphore_mem>>) src(%dma_wait3A_188 : memref<125x32xf32, #tpu.memory_space<hbm>>) dst(%arg14 : memref<125x32xf32, #tpu.memory_space<vmem>>)
    tpu.wait_dma2 semaphore(%arg29 : memref<!tpu.dma_semaphore, #tpu.memory_space<semaphore_mem>>) src(%arg7 : memref<125x8xf32, #tpu.memory_space<hbm>>) dst(%arg19 : memref<125x8xf32, #tpu.memory_space<vmem>>)
    tpu.wait_dma2 semaphore(%arg29 : memref<!tpu.dma_semaphore, #tpu.memory_space<semaphore_mem>>) src(%arg7 : memref<125x8xf32, #tpu.memory_space<hbm>>) dst(%arg19 : memref<125x8xf32, #tpu.memory_space<vmem>>)
    %dma_wait3A_189 = arith.constant 0 : i32
    %dma_wait3A_190 = arith.constant 0 : i32
    %dma_wait3A_191 = tpu.memref_slice %arg2[%dma_wait3A_189, %dma_wait3A_190] : memref<10000x32xf32, #tpu.memory_space<hbm>> -> memref<125x32xf32, #tpu.memory_space<hbm>>
    %dma_wait3A_192 = arith.constant 0 : i32
    %dma_wait3A_193 = arith.constant 0 : i32
    %dma_wait3A_194 = tpu.memref_slice %arg2[%dma_wait3A_192, %dma_wait3A_193] : memref<10000x32xf32, #tpu.memory_space<hbm>> -> memref<125x32xf32, #tpu.memory_space<hbm>>
    tpu.wait_dma2 semaphore(%arg30 : memref<!tpu.dma_semaphore, #tpu.memory_space<semaphore_mem>>) src(%dma_wait3A_194 : memref<125x32xf32, #tpu.memory_space<hbm>>) dst(%arg15 : memref<125x32xf32, #tpu.memory_space<vmem>>)
    %dma_wait3A_195 = arith.constant 0 : i32
    %dma_wait3A_196 = arith.constant 0 : i32
    %dma_wait3A_197 = tpu.memref_slice %arg2[%dma_wait3A_195, %dma_wait3A_196] : memref<10000x32xf32, #tpu.memory_space<hbm>> -> memref<125x32xf32, #tpu.memory_space<hbm>>
    %dma_wait3A_198 = arith.constant 0 : i32
    %dma_wait3A_199 = arith.constant 0 : i32
    %dma_wait3A_200 = tpu.memref_slice %arg2[%dma_wait3A_198, %dma_wait3A_199] : memref<10000x32xf32, #tpu.memory_space<hbm>> -> memref<125x32xf32, #tpu.memory_space<hbm>>
    tpu.wait_dma2 semaphore(%arg31 : memref<!tpu.dma_semaphore, #tpu.memory_space<semaphore_mem>>) src(%dma_wait3A_200 : memref<125x32xf32, #tpu.memory_space<hbm>>) dst(%arg16 : memref<125x32xf32, #tpu.memory_space<vmem>>)
    tpu.wait_dma2 semaphore(%arg31 : memref<!tpu.dma_semaphore, #tpu.memory_space<semaphore_mem>>) src(%arg7 : memref<125x8xf32, #tpu.memory_space<hbm>>) dst(%arg19 : memref<125x8xf32, #tpu.memory_space<vmem>>)
    tpu.wait_dma2 semaphore(%arg31 : memref<!tpu.dma_semaphore, #tpu.memory_space<semaphore_mem>>) src(%arg7 : memref<125x8xf32, #tpu.memory_space<hbm>>) dst(%arg19 : memref<125x8xf32, #tpu.memory_space<vmem>>)
    %dma_wait3A_201 = arith.constant 0 : i32
    %dma_wait3A_202 = arith.constant 0 : i32
    %dma_wait3A_203 = tpu.memref_slice %arg2[%dma_wait3A_201, %dma_wait3A_202] : memref<10000x32xf32, #tpu.memory_space<hbm>> -> memref<125x32xf32, #tpu.memory_space<hbm>>
    %dma_wait3A_204 = arith.constant 0 : i32
    %dma_wait3A_205 = arith.constant 0 : i32
    %dma_wait3A_206 = tpu.memref_slice %arg2[%dma_wait3A_204, %dma_wait3A_205] : memref<10000x32xf32, #tpu.memory_space<hbm>> -> memref<125x32xf32, #tpu.memory_space<hbm>>
    tpu.wait_dma2 semaphore(%arg32 : memref<!tpu.dma_semaphore, #tpu.memory_space<semaphore_mem>>) src(%dma_wait3A_206 : memref<125x32xf32, #tpu.memory_space<hbm>>) dst(%arg17 : memref<125x32xf32, #tpu.memory_space<vmem>>)
    %barrier3A_207 = arith.constant 0 : index
    tpu.barrier barrier_id(%barrier3A_207)
    "tpu.region"() ({
      %run_scoped3A = tpu.sem_alloc : memref<!tpu.dma_semaphore, #tpu.memory_space<semaphore_mem>>
      %dma_start3A_230 = arith.constant 0 : i32
      %dma_start3A_231 = arith.constant 0 : i32
      %dma_start3A_232 = tpu.memref_slice %arg20[%dma_start3A_230, %dma_start3A_231] : memref<624x32xf32, #tpu.memory_space<vmem>> -> memref<624x32xf32, #tpu.memory_space<vmem>>
      %dma_start3A_233 = arith.constant 0 : i32
      %dma_start3A_234 = tpu.memref_slice %arg23[%mul3A_0, %dma_start3A_233] : memref<10000x32xf32, #tpu.memory_space<vmem_shared>> -> memref<624x32xf32, #tpu.memory_space<vmem_shared>>
      %dma_start3A_235 = arith.constant 0 : i32
      %dma_start3A_236 = arith.constant 0 : i32
      %dma_start3A_237 = tpu.memref_slice %arg20[%dma_start3A_235, %dma_start3A_236] : memref<624x32xf32, #tpu.memory_space<vmem>> -> memref<624x32xf32, #tpu.memory_space<vmem>>
      %dma_start3A_238 = arith.constant 0 : i32
      %dma_start3A_239 = tpu.memref_slice %arg23[%mul3A_0, %dma_start3A_238] : memref<10000x32xf32, #tpu.memory_space<vmem_shared>> -> memref<624x32xf32, #tpu.memory_space<vmem_shared>>
      tpu.enqueue_dma source(%dma_start3A_239 : memref<624x32xf32, #tpu.memory_space<vmem_shared>>) target(%dma_start3A_237 : memref<624x32xf32, #tpu.memory_space<vmem>>) target_semaphore(%run_scoped3A : memref<!tpu.dma_semaphore, #tpu.memory_space<semaphore_mem>>)
      %dma_wait3A_240 = arith.constant 0 : i32
      %dma_wait3A_241 = arith.constant 0 : i32
      %dma_wait3A_242 = tpu.memref_slice %arg20[%dma_wait3A_240, %dma_wait3A_241] : memref<624x32xf32, #tpu.memory_space<vmem>> -> memref<624x32xf32, #tpu.memory_space<vmem>>
      %dma_wait3A_243 = arith.constant 0 : i32
      %dma_wait3A_244 = tpu.memref_slice %arg23[%mul3A_0, %dma_wait3A_243] : memref<10000x32xf32, #tpu.memory_space<vmem_shared>> -> memref<624x32xf32, #tpu.memory_space<vmem_shared>>
      %dma_wait3A_245 = arith.constant 0 : i32
      %dma_wait3A_246 = arith.constant 0 : i32
      %dma_wait3A_247 = tpu.memref_slice %arg20[%dma_wait3A_245, %dma_wait3A_246] : memref<624x32xf32, #tpu.memory_space<vmem>> -> memref<624x32xf32, #tpu.memory_space<vmem>>
      %dma_wait3A_248 = arith.constant 0 : i32
      %dma_wait3A_249 = tpu.memref_slice %arg23[%mul3A_0, %dma_wait3A_248] : memref<10000x32xf32, #tpu.memory_space<vmem_shared>> -> memref<624x32xf32, #tpu.memory_space<vmem_shared>>
      tpu.wait_dma2 semaphore(%run_scoped3A : memref<!tpu.dma_semaphore, #tpu.memory_space<semaphore_mem>>) src(%dma_wait3A_249 : memref<624x32xf32, #tpu.memory_space<vmem_shared>>) dst(%dma_wait3A_247 : memref<624x32xf32, #tpu.memory_space<vmem>>)
      tpu.yield
    }) : () -> ()
    "tpu.region"() ({
      %run_scoped3A = tpu.sem_alloc : memref<!tpu.dma_semaphore, #tpu.memory_space<semaphore_mem>>
      %dma_start3A_230 = arith.constant 0 : i32
      %dma_start3A_231 = arith.constant 0 : i32
      %dma_start3A_232 = tpu.memref_slice %arg21[%dma_start3A_230, %dma_start3A_231] : memref<624x8xf32, #tpu.memory_space<vmem>> -> memref<624x8xf32, #tpu.memory_space<vmem>>
      %dma_start3A_233 = arith.constant 0 : i32
      %dma_start3A_234 = tpu.memref_slice %arg33[%mul3A_0, %dma_start3A_233] : memref<10000x8xf32, #tpu.memory_space<vmem_shared>> -> memref<624x8xf32, #tpu.memory_space<vmem_shared>>
      %dma_start3A_235 = arith.constant 0 : i32
      %dma_start3A_236 = arith.constant 0 : i32
      %dma_start3A_237 = tpu.memref_slice %arg21[%dma_start3A_235, %dma_start3A_236] : memref<624x8xf32, #tpu.memory_space<vmem>> -> memref<624x8xf32, #tpu.memory_space<vmem>>
      %dma_start3A_238 = arith.constant 0 : i32
      %dma_start3A_239 = tpu.memref_slice %arg33[%mul3A_0, %dma_start3A_238] : memref<10000x8xf32, #tpu.memory_space<vmem_shared>> -> memref<624x8xf32, #tpu.memory_space<vmem_shared>>
      tpu.enqueue_dma source(%dma_start3A_239 : memref<624x8xf32, #tpu.memory_space<vmem_shared>>) target(%dma_start3A_237 : memref<624x8xf32, #tpu.memory_space<vmem>>) target_semaphore(%run_scoped3A : memref<!tpu.dma_semaphore, #tpu.memory_space<semaphore_mem>>)
      %dma_wait3A_240 = arith.constant 0 : i32
      %dma_wait3A_241 = arith.constant 0 : i32
      %dma_wait3A_242 = tpu.memref_slice %arg21[%dma_wait3A_240, %dma_wait3A_241] : memref<624x8xf32, #tpu.memory_space<vmem>> -> memref<624x8xf32, #tpu.memory_space<vmem>>
      %dma_wait3A_243 = arith.constant 0 : i32
      %dma_wait3A_244 = tpu.memref_slice %arg33[%mul3A_0, %dma_wait3A_243] : memref<10000x8xf32, #tpu.memory_space<vmem_shared>> -> memref<624x8xf32, #tpu.memory_space<vmem_shared>>
      %dma_wait3A_245 = arith.constant 0 : i32
      %dma_wait3A_246 = arith.constant 0 : i32
      %dma_wait3A_247 = tpu.memref_slice %arg21[%dma_wait3A_245, %dma_wait3A_246] : memref<624x8xf32, #tpu.memory_space<vmem>> -> memref<624x8xf32, #tpu.memory_space<vmem>>
      %dma_wait3A_248 = arith.constant 0 : i32
      %dma_wait3A_249 = tpu.memref_slice %arg33[%mul3A_0, %dma_wait3A_248] : memref<10000x8xf32, #tpu.memory_space<vmem_shared>> -> memref<624x8xf32, #tpu.memory_space<vmem_shared>>
      tpu.wait_dma2 semaphore(%run_scoped3A : memref<!tpu.dma_semaphore, #tpu.memory_space<semaphore_mem>>) src(%dma_wait3A_249 : memref<624x8xf32, #tpu.memory_space<vmem_shared>>) dst(%dma_wait3A_247 : memref<624x8xf32, #tpu.memory_space<vmem>>)
      tpu.yield
    }) : () -> ()
    %scan3A_208 = arith.constant 0 : i32
    %scan3A_209 = arith.constant 39 : i32
    %scan3A_210 = arith.addi %scan3A_208, %scan3A_209 : i32
    %scan3A_211 = arith.constant 1 : i32
    scf.for %scan3A_230 = %scan3A_208 to %scan3A_210 step %scan3A_211  : i32 {
      %mul3A_231 = arith.constant 1 : i32
      %mul3A_232 = arith.muli %scan3A_230, %mul3A_231 : i32
      %add3A_233 = arith.constant 0 : i32
      %add3A_234 = arith.addi %add3A_233, %mul3A_232 : i32
      %mul3A_235 = arith.constant 16 : i32
      %mul3A_236 = arith.muli %add3A_234, %mul3A_235 : i32
      %add3A_237 = vector.broadcast %mul3A_236 : i32 to vector<16xi32>
      %add3A_238 = arith.addi %add3A_237, %iota3A : vector<16xi32>
      %gather3A = tpu.vector_load_idx %arg21[%add3A_238, %broadcast_in_dim3A_1] : memref<624x8xf32, #tpu.memory_space<vmem>>[vector<16xi32>, vector<16xi32>], vector<16xf32>,
      %max3A = arith.constant 1.000000e+00 : f32
      %max3A_239 = vector.broadcast %max3A : f32 to vector<16xf32>
      %max3A_240 = arith.maximumf %gather3A, %max3A_239 : vector<16xf32>
      %div3A = arith.constant 1.000000e+00 : f32
      %div3A_241 = vector.broadcast %div3A : f32 to vector<16xf32>
      %div3A_242 = arith.divf %div3A_241, %max3A_240 : vector<16xf32>
      %add3A_243 = arith.constant 0 : i32
      %add3A_244 = arith.addi %add3A_243, %add3A_234 : i32
      %swap3A = arith.index_cast %add3A_244 : i32 to index
      %swap3A_245 = arith.constant 0 : index
      %swap3A_246 = tpu.vector_load %arg22[%swap3A, %swap3A_245] {strides = array<i32>} : memref<40x16xf32, #tpu.memory_space<vmem>>, vector<16xf32>,
      tpu.vector_store %arg22[%swap3A, %swap3A_245], %div3A_242 {strides = array<i32>} : memref<40x16xf32, #tpu.memory_space<vmem>>, vector<16xf32>,
      %scan3A_247 = arith.constant 0 : i32
      %scan3A_248 = arith.constant 16 : i32
      %scan3A_249 = arith.addi %scan3A_247, %scan3A_248 : i32
      %scan3A_250 = arith.constant 1 : i32
      scf.for %scan3A_252 = %scan3A_247 to %scan3A_249 step %scan3A_250  : i32 {
        %mul3A_253 = arith.constant 1 : i32
        %mul3A_254 = arith.muli %scan3A_252, %mul3A_253 : i32
        %add3A_255 = arith.constant 0 : i32
        %add3A_256 = arith.addi %add3A_255, %mul3A_254 : i32
        %add3A_257 = arith.constant 0 : i32
        %add3A_258 = arith.addi %add3A_257, %add3A_234 : i32
        %broadcast_in_dim3A_259 = vector.broadcast %add3A_258 : i32 to vector<16xi32>
        %broadcast_in_dim3A_260 = vector.broadcast %add3A_256 : i32 to vector<16xi32>
        %gather3A_261 = tpu.vector_load_idx %arg22[%broadcast_in_dim3A_259, %broadcast_in_dim3A_260] : memref<40x16xf32, #tpu.memory_space<vmem>>[vector<16xi32>, vector<16xi32>], vector<16xf32>,
        %mul3A_262 = arith.constant 16 : i32
        %mul3A_263 = arith.muli %add3A_234, %mul3A_262 : i32
        %add3A_264 = arith.addi %mul3A_263, %add3A_256 : i32
        %get3A = arith.index_cast %add3A_264 : i32 to index
        %get3A_265 = arith.constant 0 : index
        %get3A_266 = tpu.vector_load %arg20[%get3A, %get3A_265] {strides = array<i32>} : memref<624x32xf32, #tpu.memory_space<vmem>>, vector<16xf32>,
        %mul3A_267 = arith.mulf %get3A_266, %gather3A_261 : vector<16xf32>
        %swap3A_268 = arith.index_cast %add3A_264 : i32 to index
        %swap3A_269 = arith.constant 0 : index
        %swap3A_270 = tpu.vector_load %arg20[%swap3A_268, %swap3A_269] {strides = array<i32>} : memref<624x32xf32, #tpu.memory_space<vmem>>, vector<16xf32>,
        tpu.vector_store %arg20[%swap3A_268, %swap3A_269], %mul3A_267 {strides = array<i32>} : memref<624x32xf32, #tpu.memory_space<vmem>>, vector<16xf32>,
        %get3A_271 = arith.index_cast %add3A_264 : i32 to index
        %get3A_272 = arith.constant 16 : index
        %get3A_273 = tpu.vector_load %arg20[%get3A_271, %get3A_272] {strides = array<i32>} : memref<624x32xf32, #tpu.memory_space<vmem>>, vector<16xf32>,
        %mul3A_274 = arith.mulf %get3A_273, %gather3A_261 : vector<16xf32>
        %swap3A_275 = arith.index_cast %add3A_264 : i32 to index
        %swap3A_276 = arith.constant 16 : index
        %swap3A_277 = tpu.vector_load %arg20[%swap3A_275, %swap3A_276] {strides = array<i32>} : memref<624x32xf32, #tpu.memory_space<vmem>>, vector<16xf32>,
        tpu.vector_store %arg20[%swap3A_275, %swap3A_276], %mul3A_274 {strides = array<i32>} : memref<624x32xf32, #tpu.memory_space<vmem>>, vector<16xf32>,
      }
      %scan3A_251 = arith.constant 16 : i32
    }
    %scan3A_212 = arith.constant 39 : i32
    "tpu.region"() ({
      %run_scoped3A = tpu.sem_alloc : memref<!tpu.dma_semaphore, #tpu.memory_space<semaphore_mem>>
      %dma_start3A_230 = arith.constant 0 : i32
      %dma_start3A_231 = arith.constant 0 : i32
      %dma_start3A_232 = tpu.memref_slice %arg9[%arg0, %dma_start3A_230, %dma_start3A_231] : memref<2x10000x32xf32, #tpu.memory_space<hbm>> -> memref<1x10000x32xf32, #tpu.memory_space<hbm>>
      %dma_start3A_233 = tpu.memref_squeeze %dma_start3A_232 : memref<1x10000x32xf32, #tpu.memory_space<hbm>> -> memref<10000x32xf32, #tpu.memory_space<hbm>>
      %dma_start3A_234 = arith.constant 0 : i32
      %dma_start3A_235 = tpu.memref_slice %dma_start3A_233[%mul3A_0, %dma_start3A_234] : memref<10000x32xf32, #tpu.memory_space<hbm>> -> memref<624x32xf32, #tpu.memory_space<hbm>>
      %dma_start3A_236 = arith.constant 0 : i32
      %dma_start3A_237 = arith.constant 0 : i32
      %dma_start3A_238 = tpu.memref_slice %arg9[%arg0, %dma_start3A_236, %dma_start3A_237] : memref<2x10000x32xf32, #tpu.memory_space<hbm>> -> memref<1x10000x32xf32, #tpu.memory_space<hbm>>
      %dma_start3A_239 = tpu.memref_squeeze %dma_start3A_238 : memref<1x10000x32xf32, #tpu.memory_space<hbm>> -> memref<10000x32xf32, #tpu.memory_space<hbm>>
      %dma_start3A_240 = arith.constant 0 : i32
      %dma_start3A_241 = tpu.memref_slice %dma_start3A_239[%mul3A_0, %dma_start3A_240] : memref<10000x32xf32, #tpu.memory_space<hbm>> -> memref<624x32xf32, #tpu.memory_space<hbm>>
      tpu.enqueue_dma source(%arg20 : memref<624x32xf32, #tpu.memory_space<vmem>>) target(%dma_start3A_241 : memref<624x32xf32, #tpu.memory_space<hbm>>) target_semaphore(%run_scoped3A : memref<!tpu.dma_semaphore, #tpu.memory_space<semaphore_mem>>)
      %dma_wait3A_242 = arith.constant 0 : i32
      %dma_wait3A_243 = arith.constant 0 : i32
      %dma_wait3A_244 = tpu.memref_slice %arg9[%arg0, %dma_wait3A_242, %dma_wait3A_243] : memref<2x10000x32xf32, #tpu.memory_space<hbm>> -> memref<1x10000x32xf32, #tpu.memory_space<hbm>>
      %dma_wait3A_245 = tpu.memref_squeeze %dma_wait3A_244 : memref<1x10000x32xf32, #tpu.memory_space<hbm>> -> memref<10000x32xf32, #tpu.memory_space<hbm>>
      %dma_wait3A_246 = arith.constant 0 : i32
      %dma_wait3A_247 = tpu.memref_slice %dma_wait3A_245[%mul3A_0, %dma_wait3A_246] : memref<10000x32xf32, #tpu.memory_space<hbm>> -> memref<624x32xf32, #tpu.memory_space<hbm>>
      %dma_wait3A_248 = arith.constant 0 : i32
      %dma_wait3A_249 = arith.constant 0 : i32
      %dma_wait3A_250 = tpu.memref_slice %arg9[%arg0, %dma_wait3A_248, %dma_wait3A_249] : memref<2x10000x32xf32, #tpu.memory_space<hbm>> -> memref<1x10000x32xf32, #tpu.memory_space<hbm>>
      %dma_wait3A_251 = tpu.memref_squeeze %dma_wait3A_250 : memref<1x10000x32xf32, #tpu.memory_space<hbm>> -> memref<10000x32xf32, #tpu.memory_space<hbm>>
      %dma_wait3A_252 = arith.constant 0 : i32
      %dma_wait3A_253 = tpu.memref_slice %dma_wait3A_251[%mul3A_0, %dma_wait3A_252] : memref<10000x32xf32, #tpu.memory_space<hbm>> -> memref<624x32xf32, #tpu.memory_space<hbm>>
      tpu.wait_dma2 semaphore(%run_scoped3A : memref<!tpu.dma_semaphore, #tpu.memory_space<semaphore_mem>>) src(%arg20 : memref<624x32xf32, #tpu.memory_space<vmem>>) dst(%dma_wait3A_253 : memref<624x32xf32, #tpu.memory_space<hbm>>)
      tpu.yield
    }) : () -> ()
    %mul3A_213 = arith.constant 40 : i32
    %mul3A_214 = arith.muli %mul3A_213, %arg1 : i32
    "tpu.region"() ({
      %run_scoped3A = tpu.sem_alloc : memref<!tpu.dma_semaphore, #tpu.memory_space<semaphore_mem>>
      %dma_start3A_230 = arith.constant 0 : i32
      %dma_start3A_231 = arith.constant 0 : i32
      %dma_start3A_232 = tpu.memref_slice %arg22[%dma_start3A_230, %dma_start3A_231] : memref<40x16xf32, #tpu.memory_space<vmem>> -> memref<39x16xf32, #tpu.memory_space<vmem>>
      %dma_start3A_233 = arith.constant 0 : i32
      %dma_start3A_234 = arith.constant 0 : i32
      %dma_start3A_235 = tpu.memref_slice %arg11[%arg0, %dma_start3A_233, %dma_start3A_234] : memref<2x648x16xf32, #tpu.memory_space<hbm>> -> memref<1x648x16xf32, #tpu.memory_space<hbm>>
      %dma_start3A_236 = tpu.memref_squeeze %dma_start3A_235 : memref<1x648x16xf32, #tpu.memory_space<hbm>> -> memref<648x16xf32, #tpu.memory_space<hbm>>
      %dma_start3A_237 = arith.constant 0 : i32
      %dma_start3A_238 = tpu.memref_slice %dma_start3A_236[%mul3A_214, %dma_start3A_237] : memref<648x16xf32, #tpu.memory_space<hbm>> -> memref<39x16xf32, #tpu.memory_space<hbm>>
      %dma_start3A_239 = arith.constant 0 : i32
      %dma_start3A_240 = arith.constant 0 : i32
      %dma_start3A_241 = tpu.memref_slice %arg11[%arg0, %dma_start3A_239, %dma_start3A_240] : memref<2x648x16xf32, #tpu.memory_space<hbm>> -> memref<1x648x16xf32, #tpu.memory_space<hbm>>
      %dma_start3A_242 = tpu.memref_squeeze %dma_start3A_241 : memref<1x648x16xf32, #tpu.memory_space<hbm>> -> memref<648x16xf32, #tpu.memory_space<hbm>>
      %dma_start3A_243 = arith.constant 0 : i32
      %dma_start3A_244 = tpu.memref_slice %dma_start3A_242[%mul3A_214, %dma_start3A_243] : memref<648x16xf32, #tpu.memory_space<hbm>> -> memref<39x16xf32, #tpu.memory_space<hbm>>
      %dma_start3A_245 = arith.constant 0 : i32
      %dma_start3A_246 = arith.constant 0 : i32
      %dma_start3A_247 = tpu.memref_slice %arg22[%dma_start3A_245, %dma_start3A_246] : memref<40x16xf32, #tpu.memory_space<vmem>> -> memref<39x16xf32, #tpu.memory_space<vmem>>
      tpu.enqueue_dma source(%dma_start3A_247 : memref<39x16xf32, #tpu.memory_space<vmem>>) target(%dma_start3A_244 : memref<39x16xf32, #tpu.memory_space<hbm>>) target_semaphore(%run_scoped3A : memref<!tpu.dma_semaphore, #tpu.memory_space<semaphore_mem>>)
      %dma_wait3A_248 = arith.constant 0 : i32
      %dma_wait3A_249 = arith.constant 0 : i32
      %dma_wait3A_250 = tpu.memref_slice %arg22[%dma_wait3A_248, %dma_wait3A_249] : memref<40x16xf32, #tpu.memory_space<vmem>> -> memref<39x16xf32, #tpu.memory_space<vmem>>
      %dma_wait3A_251 = arith.constant 0 : i32
      %dma_wait3A_252 = arith.constant 0 : i32
      %dma_wait3A_253 = tpu.memref_slice %arg11[%arg0, %dma_wait3A_251, %dma_wait3A_252] : memref<2x648x16xf32, #tpu.memory_space<hbm>> -> memref<1x648x16xf32, #tpu.memory_space<hbm>>
      %dma_wait3A_254 = tpu.memref_squeeze %dma_wait3A_253 : memref<1x648x16xf32, #tpu.memory_space<hbm>> -> memref<648x16xf32, #tpu.memory_space<hbm>>
      %dma_wait3A_255 = arith.constant 0 : i32
      %dma_wait3A_256 = tpu.memref_slice %dma_wait3A_254[%mul3A_214, %dma_wait3A_255] : memref<648x16xf32, #tpu.memory_space<hbm>> -> memref<39x16xf32, #tpu.memory_space<hbm>>
      %dma_wait3A_257 = arith.constant 0 : i32
      %dma_wait3A_258 = arith.constant 0 : i32
      %dma_wait3A_259 = tpu.memref_slice %arg11[%arg0, %dma_wait3A_257, %dma_wait3A_258] : memref<2x648x16xf32, #tpu.memory_space<hbm>> -> memref<1x648x16xf32, #tpu.memory_space<hbm>>
      %dma_wait3A_260 = tpu.memref_squeeze %dma_wait3A_259 : memref<1x648x16xf32, #tpu.memory_space<hbm>> -> memref<648x16xf32, #tpu.memory_space<hbm>>
      %dma_wait3A_261 = arith.constant 0 : i32
      %dma_wait3A_262 = tpu.memref_slice %dma_wait3A_260[%mul3A_214, %dma_wait3A_261] : memref<648x16xf32, #tpu.memory_space<hbm>> -> memref<39x16xf32, #tpu.memory_space<hbm>>
      %dma_wait3A_263 = arith.constant 0 : i32
      %dma_wait3A_264 = arith.constant 0 : i32
      %dma_wait3A_265 = tpu.memref_slice %arg22[%dma_wait3A_263, %dma_wait3A_264] : memref<40x16xf32, #tpu.memory_space<vmem>> -> memref<39x16xf32, #tpu.memory_space<vmem>>
      tpu.wait_dma2 semaphore(%run_scoped3A : memref<!tpu.dma_semaphore, #tpu.memory_space<semaphore_mem>>) src(%dma_wait3A_265 : memref<39x16xf32, #tpu.memory_space<vmem>>) dst(%dma_wait3A_262 : memref<39x16xf32, #tpu.memory_space<hbm>>)
      tpu.yield
    }) : () -> ()
    %eq3A_215 = arith.constant 0 : i32
    %eq3A_216 = arith.cmpi eq, %arg1, %eq3A_215 : i32
    %convert_element_type3A_217 = arith.extui %eq3A_216 : i1 to i32
    %cond3A_218 = arith.constant 0 : i32
    %cond3A_219 = arith.cmpi ne, %convert_element_type3A_217, %cond3A_218 : i32
    scf.if %cond3A_219 {
      "tpu.region"() ({
        %run_scoped3A = tpu.sem_alloc : memref<!tpu.dma_semaphore, #tpu.memory_space<semaphore_mem>>
        %dma_start3A_253 = arith.constant 0 : i32
        %dma_start3A_254 = arith.constant 0 : i32
        %dma_start3A_255 = tpu.memref_slice %arg20[%dma_start3A_253, %dma_start3A_254] : memref<624x32xf32, #tpu.memory_space<vmem>> -> memref<16x32xf32, #tpu.memory_space<vmem>>
        %dma_start3A_256 = arith.constant 9984 : i32
        %dma_start3A_257 = arith.constant 0 : i32
        %dma_start3A_258 = tpu.memref_slice %arg23[%dma_start3A_256, %dma_start3A_257] : memref<10000x32xf32, #tpu.memory_space<vmem_shared>> -> memref<16x32xf32, #tpu.memory_space<vmem_shared>>
        %dma_start3A_259 = arith.constant 0 : i32
        %dma_start3A_260 = arith.constant 0 : i32
        %dma_start3A_261 = tpu.memref_slice %arg20[%dma_start3A_259, %dma_start3A_260] : memref<624x32xf32, #tpu.memory_space<vmem>> -> memref<16x32xf32, #tpu.memory_space<vmem>>
        %dma_start3A_262 = arith.constant 9984 : i32
        %dma_start3A_263 = arith.constant 0 : i32
        %dma_start3A_264 = tpu.memref_slice %arg23[%dma_start3A_262, %dma_start3A_263] : memref<10000x32xf32, #tpu.memory_space<vmem_shared>> -> memref<16x32xf32, #tpu.memory_space<vmem_shared>>
        tpu.enqueue_dma source(%dma_start3A_264 : memref<16x32xf32, #tpu.memory_space<vmem_shared>>) target(%dma_start3A_261 : memref<16x32xf32, #tpu.memory_space<vmem>>) target_semaphore(%run_scoped3A : memref<!tpu.dma_semaphore, #tpu.memory_space<semaphore_mem>>)
        %dma_wait3A_265 = arith.constant 0 : i32
        %dma_wait3A_266 = arith.constant 0 : i32
        %dma_wait3A_267 = tpu.memref_slice %arg20[%dma_wait3A_265, %dma_wait3A_266] : memref<624x32xf32, #tpu.memory_space<vmem>> -> memref<16x32xf32, #tpu.memory_space<vmem>>
        %dma_wait3A_268 = arith.constant 9984 : i32
        %dma_wait3A_269 = arith.constant 0 : i32
        %dma_wait3A_270 = tpu.memref_slice %arg23[%dma_wait3A_268, %dma_wait3A_269] : memref<10000x32xf32, #tpu.memory_space<vmem_shared>> -> memref<16x32xf32, #tpu.memory_space<vmem_shared>>
        %dma_wait3A_271 = arith.constant 0 : i32
        %dma_wait3A_272 = arith.constant 0 : i32
        %dma_wait3A_273 = tpu.memref_slice %arg20[%dma_wait3A_271, %dma_wait3A_272] : memref<624x32xf32, #tpu.memory_space<vmem>> -> memref<16x32xf32, #tpu.memory_space<vmem>>
        %dma_wait3A_274 = arith.constant 9984 : i32
        %dma_wait3A_275 = arith.constant 0 : i32
        %dma_wait3A_276 = tpu.memref_slice %arg23[%dma_wait3A_274, %dma_wait3A_275] : memref<10000x32xf32, #tpu.memory_space<vmem_shared>> -> memref<16x32xf32, #tpu.memory_space<vmem_shared>>
        tpu.wait_dma2 semaphore(%run_scoped3A : memref<!tpu.dma_semaphore, #tpu.memory_space<semaphore_mem>>) src(%dma_wait3A_276 : memref<16x32xf32, #tpu.memory_space<vmem_shared>>) dst(%dma_wait3A_273 : memref<16x32xf32, #tpu.memory_space<vmem>>)
        tpu.yield
      }) : () -> ()
      "tpu.region"() ({
        %run_scoped3A = tpu.sem_alloc : memref<!tpu.dma_semaphore, #tpu.memory_space<semaphore_mem>>
        %dma_start3A_253 = arith.constant 0 : i32
        %dma_start3A_254 = arith.constant 0 : i32
        %dma_start3A_255 = tpu.memref_slice %arg21[%dma_start3A_253, %dma_start3A_254] : memref<624x8xf32, #tpu.memory_space<vmem>> -> memref<16x8xf32, #tpu.memory_space<vmem>>
        %dma_start3A_256 = arith.constant 9984 : i32
        %dma_start3A_257 = arith.constant 0 : i32
        %dma_start3A_258 = tpu.memref_slice %arg33[%dma_start3A_256, %dma_start3A_257] : memref<10000x8xf32, #tpu.memory_space<vmem_shared>> -> memref<16x8xf32, #tpu.memory_space<vmem_shared>>
        %dma_start3A_259 = arith.constant 0 : i32
        %dma_start3A_260 = arith.constant 0 : i32
        %dma_start3A_261 = tpu.memref_slice %arg21[%dma_start3A_259, %dma_start3A_260] : memref<624x8xf32, #tpu.memory_space<vmem>> -> memref<16x8xf32, #tpu.memory_space<vmem>>
        %dma_start3A_262 = arith.constant 9984 : i32
        %dma_start3A_263 = arith.constant 0 : i32
        %dma_start3A_264 = tpu.memref_slice %arg33[%dma_start3A_262, %dma_start3A_263] : memref<10000x8xf32, #tpu.memory_space<vmem_shared>> -> memref<16x8xf32, #tpu.memory_space<vmem_shared>>
        tpu.enqueue_dma source(%dma_start3A_264 : memref<16x8xf32, #tpu.memory_space<vmem_shared>>) target(%dma_start3A_261 : memref<16x8xf32, #tpu.memory_space<vmem>>) target_semaphore(%run_scoped3A : memref<!tpu.dma_semaphore, #tpu.memory_space<semaphore_mem>>)
        %dma_wait3A_265 = arith.constant 0 : i32
        %dma_wait3A_266 = arith.constant 0 : i32
        %dma_wait3A_267 = tpu.memref_slice %arg21[%dma_wait3A_265, %dma_wait3A_266] : memref<624x8xf32, #tpu.memory_space<vmem>> -> memref<16x8xf32, #tpu.memory_space<vmem>>
        %dma_wait3A_268 = arith.constant 9984 : i32
        %dma_wait3A_269 = arith.constant 0 : i32
        %dma_wait3A_270 = tpu.memref_slice %arg33[%dma_wait3A_268, %dma_wait3A_269] : memref<10000x8xf32, #tpu.memory_space<vmem_shared>> -> memref<16x8xf32, #tpu.memory_space<vmem_shared>>
        %dma_wait3A_271 = arith.constant 0 : i32
        %dma_wait3A_272 = arith.constant 0 : i32
        %dma_wait3A_273 = tpu.memref_slice %arg21[%dma_wait3A_271, %dma_wait3A_272] : memref<624x8xf32, #tpu.memory_space<vmem>> -> memref<16x8xf32, #tpu.memory_space<vmem>>
        %dma_wait3A_274 = arith.constant 9984 : i32
        %dma_wait3A_275 = arith.constant 0 : i32
        %dma_wait3A_276 = tpu.memref_slice %arg33[%dma_wait3A_274, %dma_wait3A_275] : memref<10000x8xf32, #tpu.memory_space<vmem_shared>> -> memref<16x8xf32, #tpu.memory_space<vmem_shared>>
        tpu.wait_dma2 semaphore(%run_scoped3A : memref<!tpu.dma_semaphore, #tpu.memory_space<semaphore_mem>>) src(%dma_wait3A_276 : memref<16x8xf32, #tpu.memory_space<vmem_shared>>) dst(%dma_wait3A_273 : memref<16x8xf32, #tpu.memory_space<vmem>>)
        tpu.yield
      }) : () -> ()
      %scan3A_230 = arith.constant 0 : i32
      %mul3A_231 = arith.constant 1 : i32
      %mul3A_232 = arith.muli %scan3A_230, %mul3A_231 : i32
      %add3A_233 = arith.constant 0 : i32
      %add3A_234 = arith.addi %add3A_233, %mul3A_232 : i32
      %mul3A_235 = arith.constant 16 : i32
      %mul3A_236 = arith.muli %add3A_234, %mul3A_235 : i32
      %add3A_237 = vector.broadcast %mul3A_236 : i32 to vector<16xi32>
      %add3A_238 = arith.addi %add3A_237, %iota3A : vector<16xi32>
      %gather3A = tpu.vector_load_idx %arg21[%add3A_238, %broadcast_in_dim3A_1] : memref<624x8xf32, #tpu.memory_space<vmem>>[vector<16xi32>, vector<16xi32>], vector<16xf32>,
      %max3A = arith.constant 1.000000e+00 : f32
      %max3A_239 = vector.broadcast %max3A : f32 to vector<16xf32>
      %max3A_240 = arith.maximumf %gather3A, %max3A_239 : vector<16xf32>
      %div3A = arith.constant 1.000000e+00 : f32
      %div3A_241 = vector.broadcast %div3A : f32 to vector<16xf32>
      %div3A_242 = arith.divf %div3A_241, %max3A_240 : vector<16xf32>
      %add3A_243 = arith.constant 39 : i32
      %add3A_244 = arith.addi %add3A_243, %add3A_234 : i32
      %swap3A = arith.index_cast %add3A_244 : i32 to index
      %swap3A_245 = arith.constant 0 : index
      %swap3A_246 = tpu.vector_load %arg22[%swap3A, %swap3A_245] {strides = array<i32>} : memref<40x16xf32, #tpu.memory_space<vmem>>, vector<16xf32>,
      tpu.vector_store %arg22[%swap3A, %swap3A_245], %div3A_242 {strides = array<i32>} : memref<40x16xf32, #tpu.memory_space<vmem>>, vector<16xf32>,
      %scan3A_247 = arith.constant 0 : i32
      %scan3A_248 = arith.constant 16 : i32
      %scan3A_249 = arith.addi %scan3A_247, %scan3A_248 : i32
      %scan3A_250 = arith.constant 1 : i32
      scf.for %scan3A_253 = %scan3A_247 to %scan3A_249 step %scan3A_250  : i32 {
        %mul3A_254 = arith.constant 1 : i32
        %mul3A_255 = arith.muli %scan3A_253, %mul3A_254 : i32
        %add3A_256 = arith.constant 0 : i32
        %add3A_257 = arith.addi %add3A_256, %mul3A_255 : i32
        %add3A_258 = arith.constant 39 : i32
        %add3A_259 = arith.addi %add3A_258, %add3A_234 : i32
        %broadcast_in_dim3A_260 = vector.broadcast %add3A_259 : i32 to vector<16xi32>
        %broadcast_in_dim3A_261 = vector.broadcast %add3A_257 : i32 to vector<16xi32>
        %gather3A_262 = tpu.vector_load_idx %arg22[%broadcast_in_dim3A_260, %broadcast_in_dim3A_261] : memref<40x16xf32, #tpu.memory_space<vmem>>[vector<16xi32>, vector<16xi32>], vector<16xf32>,
        %mul3A_263 = arith.constant 16 : i32
        %mul3A_264 = arith.muli %add3A_234, %mul3A_263 : i32
        %add3A_265 = arith.addi %mul3A_264, %add3A_257 : i32
        %get3A = arith.index_cast %add3A_265 : i32 to index
        %get3A_266 = arith.constant 0 : index
        %get3A_267 = tpu.vector_load %arg20[%get3A, %get3A_266] {strides = array<i32>} : memref<624x32xf32, #tpu.memory_space<vmem>>, vector<16xf32>,
        %mul3A_268 = arith.mulf %get3A_267, %gather3A_262 : vector<16xf32>
        %swap3A_269 = arith.index_cast %add3A_265 : i32 to index
        %swap3A_270 = arith.constant 0 : index
        %swap3A_271 = tpu.vector_load %arg20[%swap3A_269, %swap3A_270] {strides = array<i32>} : memref<624x32xf32, #tpu.memory_space<vmem>>, vector<16xf32>,
        tpu.vector_store %arg20[%swap3A_269, %swap3A_270], %mul3A_268 {strides = array<i32>} : memref<624x32xf32, #tpu.memory_space<vmem>>, vector<16xf32>,
        %get3A_272 = arith.index_cast %add3A_265 : i32 to index
        %get3A_273 = arith.constant 16 : index
        %get3A_274 = tpu.vector_load %arg20[%get3A_272, %get3A_273] {strides = array<i32>} : memref<624x32xf32, #tpu.memory_space<vmem>>, vector<16xf32>,
        %mul3A_275 = arith.mulf %get3A_274, %gather3A_262 : vector<16xf32>
        %swap3A_276 = arith.index_cast %add3A_265 : i32 to index
        %swap3A_277 = arith.constant 16 : index
        %swap3A_278 = tpu.vector_load %arg20[%swap3A_276, %swap3A_277] {strides = array<i32>} : memref<624x32xf32, #tpu.memory_space<vmem>>, vector<16xf32>,
        tpu.vector_store %arg20[%swap3A_276, %swap3A_277], %mul3A_275 {strides = array<i32>} : memref<624x32xf32, #tpu.memory_space<vmem>>, vector<16xf32>,
      }
      %scan3A_251 = arith.constant 16 : i32
      %scan3A_252 = arith.constant 1 : i32
      "tpu.region"() ({
        %run_scoped3A = tpu.sem_alloc : memref<!tpu.dma_semaphore, #tpu.memory_space<semaphore_mem>>
        %dma_start3A_253 = arith.constant 39 : i32
        %dma_start3A_254 = arith.constant 0 : i32
        %dma_start3A_255 = tpu.memref_slice %arg22[%dma_start3A_253, %dma_start3A_254] : memref<40x16xf32, #tpu.memory_space<vmem>> -> memref<1x16xf32, #tpu.memory_space<vmem>>
        %dma_start3A_256 = arith.constant 0 : i32
        %dma_start3A_257 = arith.constant 0 : i32
        %dma_start3A_258 = tpu.memref_slice %arg11[%arg0, %dma_start3A_256, %dma_start3A_257] : memref<2x648x16xf32, #tpu.memory_space<hbm>> -> memref<1x648x16xf32, #tpu.memory_space<hbm>>
        %dma_start3A_259 = tpu.memref_squeeze %dma_start3A_258 : memref<1x648x16xf32, #tpu.memory_space<hbm>> -> memref<648x16xf32, #tpu.memory_space<hbm>>
        %dma_start3A_260 = arith.constant 640 : i32
        %dma_start3A_261 = arith.constant 0 : i32
        %dma_start3A_262 = tpu.memref_slice %dma_start3A_259[%dma_start3A_260, %dma_start3A_261] : memref<648x16xf32, #tpu.memory_space<hbm>> -> memref<1x16xf32, #tpu.memory_space<hbm>>
        %dma_start3A_263 = arith.constant 0 : i32
        %dma_start3A_264 = arith.constant 0 : i32
        %dma_start3A_265 = tpu.memref_slice %arg11[%arg0, %dma_start3A_263, %dma_start3A_264] : memref<2x648x16xf32, #tpu.memory_space<hbm>> -> memref<1x648x16xf32, #tpu.memory_space<hbm>>
        %dma_start3A_266 = tpu.memref_squeeze %dma_start3A_265 : memref<1x648x16xf32, #tpu.memory_space<hbm>> -> memref<648x16xf32, #tpu.memory_space<hbm>>
        %dma_start3A_267 = arith.constant 640 : i32
        %dma_start3A_268 = arith.constant 0 : i32
        %dma_start3A_269 = tpu.memref_slice %dma_start3A_266[%dma_start3A_267, %dma_start3A_268] : memref<648x16xf32, #tpu.memory_space<hbm>> -> memref<1x16xf32, #tpu.memory_space<hbm>>
        %dma_start3A_270 = arith.constant 39 : i32
        %dma_start3A_271 = arith.constant 0 : i32
        %dma_start3A_272 = tpu.memref_slice %arg22[%dma_start3A_270, %dma_start3A_271] : memref<40x16xf32, #tpu.memory_space<vmem>> -> memref<1x16xf32, #tpu.memory_space<vmem>>
        tpu.enqueue_dma source(%dma_start3A_272 : memref<1x16xf32, #tpu.memory_space<vmem>>) target(%dma_start3A_269 : memref<1x16xf32, #tpu.memory_space<hbm>>) target_semaphore(%run_scoped3A : memref<!tpu.dma_semaphore, #tpu.memory_space<semaphore_mem>>)
        %dma_wait3A_273 = arith.constant 39 : i32
        %dma_wait3A_274 = arith.constant 0 : i32
        %dma_wait3A_275 = tpu.memref_slice %arg22[%dma_wait3A_273, %dma_wait3A_274] : memref<40x16xf32, #tpu.memory_space<vmem>> -> memref<1x16xf32, #tpu.memory_space<vmem>>
        %dma_wait3A_276 = arith.constant 0 : i32
        %dma_wait3A_277 = arith.constant 0 : i32
        %dma_wait3A_278 = tpu.memref_slice %arg11[%arg0, %dma_wait3A_276, %dma_wait3A_277] : memref<2x648x16xf32, #tpu.memory_space<hbm>> -> memref<1x648x16xf32, #tpu.memory_space<hbm>>
        %dma_wait3A_279 = tpu.memref_squeeze %dma_wait3A_278 : memref<1x648x16xf32, #tpu.memory_space<hbm>> -> memref<648x16xf32, #tpu.memory_space<hbm>>
        %dma_wait3A_280 = arith.constant 640 : i32
        %dma_wait3A_281 = arith.constant 0 : i32
        %dma_wait3A_282 = tpu.memref_slice %dma_wait3A_279[%dma_wait3A_280, %dma_wait3A_281] : memref<648x16xf32, #tpu.memory_space<hbm>> -> memref<1x16xf32, #tpu.memory_space<hbm>>
        %dma_wait3A_283 = arith.constant 0 : i32
        %dma_wait3A_284 = arith.constant 0 : i32
        %dma_wait3A_285 = tpu.memref_slice %arg11[%arg0, %dma_wait3A_283, %dma_wait3A_284] : memref<2x648x16xf32, #tpu.memory_space<hbm>> -> memref<1x648x16xf32, #tpu.memory_space<hbm>>
        %dma_wait3A_286 = tpu.memref_squeeze %dma_wait3A_285 : memref<1x648x16xf32, #tpu.memory_space<hbm>> -> memref<648x16xf32, #tpu.memory_space<hbm>>
        %dma_wait3A_287 = arith.constant 640 : i32
        %dma_wait3A_288 = arith.constant 0 : i32
        %dma_wait3A_289 = tpu.memref_slice %dma_wait3A_286[%dma_wait3A_287, %dma_wait3A_288] : memref<648x16xf32, #tpu.memory_space<hbm>> -> memref<1x16xf32, #tpu.memory_space<hbm>>
        %dma_wait3A_290 = arith.constant 39 : i32
        %dma_wait3A_291 = arith.constant 0 : i32
        %dma_wait3A_292 = tpu.memref_slice %arg22[%dma_wait3A_290, %dma_wait3A_291] : memref<40x16xf32, #tpu.memory_space<vmem>> -> memref<1x16xf32, #tpu.memory_space<vmem>>
        tpu.wait_dma2 semaphore(%run_scoped3A : memref<!tpu.dma_semaphore, #tpu.memory_space<semaphore_mem>>) src(%dma_wait3A_292 : memref<1x16xf32, #tpu.memory_space<vmem>>) dst(%dma_wait3A_289 : memref<1x16xf32, #tpu.memory_space<hbm>>)
        tpu.yield
      }) : () -> ()
      "tpu.region"() ({
        %run_scoped3A = tpu.sem_alloc : memref<!tpu.dma_semaphore, #tpu.memory_space<semaphore_mem>>
        %dma_start3A_253 = arith.constant 0 : i32
        %dma_start3A_254 = arith.constant 0 : i32
        %dma_start3A_255 = tpu.memref_slice %arg20[%dma_start3A_253, %dma_start3A_254] : memref<624x32xf32, #tpu.memory_space<vmem>> -> memref<16x32xf32, #tpu.memory_space<vmem>>
        %dma_start3A_256 = arith.constant 0 : i32
        %dma_start3A_257 = arith.constant 0 : i32
        %dma_start3A_258 = tpu.memref_slice %arg9[%arg0, %dma_start3A_256, %dma_start3A_257] : memref<2x10000x32xf32, #tpu.memory_space<hbm>> -> memref<1x10000x32xf32, #tpu.memory_space<hbm>>
        %dma_start3A_259 = tpu.memref_squeeze %dma_start3A_258 : memref<1x10000x32xf32, #tpu.memory_space<hbm>> -> memref<10000x32xf32, #tpu.memory_space<hbm>>
        %dma_start3A_260 = arith.constant 9984 : i32
        %dma_start3A_261 = arith.constant 0 : i32
        %dma_start3A_262 = tpu.memref_slice %dma_start3A_259[%dma_start3A_260, %dma_start3A_261] : memref<10000x32xf32, #tpu.memory_space<hbm>> -> memref<16x32xf32, #tpu.memory_space<hbm>>
        %dma_start3A_263 = arith.constant 0 : i32
        %dma_start3A_264 = arith.constant 0 : i32
        %dma_start3A_265 = tpu.memref_slice %arg9[%arg0, %dma_start3A_263, %dma_start3A_264] : memref<2x10000x32xf32, #tpu.memory_space<hbm>> -> memref<1x10000x32xf32, #tpu.memory_space<hbm>>
        %dma_start3A_266 = tpu.memref_squeeze %dma_start3A_265 : memref<1x10000x32xf32, #tpu.memory_space<hbm>> -> memref<10000x32xf32, #tpu.memory_space<hbm>>
        %dma_start3A_267 = arith.constant 9984 : i32
        %dma_start3A_268 = arith.constant 0 : i32
        %dma_start3A_269 = tpu.memref_slice %dma_start3A_266[%dma_start3A_267, %dma_start3A_268] : memref<10000x32xf32, #tpu.memory_space<hbm>> -> memref<16x32xf32, #tpu.memory_space<hbm>>
        %dma_start3A_270 = arith.constant 0 : i32
        %dma_start3A_271 = arith.constant 0 : i32
        %dma_start3A_272 = tpu.memref_slice %arg20[%dma_start3A_270, %dma_start3A_271] : memref<624x32xf32, #tpu.memory_space<vmem>> -> memref<16x32xf32, #tpu.memory_space<vmem>>
        tpu.enqueue_dma source(%dma_start3A_272 : memref<16x32xf32, #tpu.memory_space<vmem>>) target(%dma_start3A_269 : memref<16x32xf32, #tpu.memory_space<hbm>>) target_semaphore(%run_scoped3A : memref<!tpu.dma_semaphore, #tpu.memory_space<semaphore_mem>>)
        %dma_wait3A_273 = arith.constant 0 : i32
        %dma_wait3A_274 = arith.constant 0 : i32
        %dma_wait3A_275 = tpu.memref_slice %arg20[%dma_wait3A_273, %dma_wait3A_274] : memref<624x32xf32, #tpu.memory_space<vmem>> -> memref<16x32xf32, #tpu.memory_space<vmem>>
        %dma_wait3A_276 = arith.constant 0 : i32
        %dma_wait3A_277 = arith.constant 0 : i32
        %dma_wait3A_278 = tpu.memref_slice %arg9[%arg0, %dma_wait3A_276, %dma_wait3A_277] : memref<2x10000x32xf32, #tpu.memory_space<hbm>> -> memref<1x10000x32xf32, #tpu.memory_space<hbm>>
        %dma_wait3A_279 = tpu.memref_squeeze %dma_wait3A_278 : memref<1x10000x32xf32, #tpu.memory_space<hbm>> -> memref<10000x32xf32, #tpu.memory_space<hbm>>
        %dma_wait3A_280 = arith.constant 9984 : i32
        %dma_wait3A_281 = arith.constant 0 : i32
        %dma_wait3A_282 = tpu.memref_slice %dma_wait3A_279[%dma_wait3A_280, %dma_wait3A_281] : memref<10000x32xf32, #tpu.memory_space<hbm>> -> memref<16x32xf32, #tpu.memory_space<hbm>>
        %dma_wait3A_283 = arith.constant 0 : i32
        %dma_wait3A_284 = arith.constant 0 : i32
        %dma_wait3A_285 = tpu.memref_slice %arg9[%arg0, %dma_wait3A_283, %dma_wait3A_284] : memref<2x10000x32xf32, #tpu.memory_space<hbm>> -> memref<1x10000x32xf32, #tpu.memory_space<hbm>>
        %dma_wait3A_286 = tpu.memref_squeeze %dma_wait3A_285 : memref<1x10000x32xf32, #tpu.memory_space<hbm>> -> memref<10000x32xf32, #tpu.memory_space<hbm>>
        %dma_wait3A_287 = arith.constant 9984 : i32
        %dma_wait3A_288 = arith.constant 0 : i32
        %dma_wait3A_289 = tpu.memref_slice %dma_wait3A_286[%dma_wait3A_287, %dma_wait3A_288] : memref<10000x32xf32, #tpu.memory_space<hbm>> -> memref<16x32xf32, #tpu.memory_space<hbm>>
        %dma_wait3A_290 = arith.constant 0 : i32
        %dma_wait3A_291 = arith.constant 0 : i32
        %dma_wait3A_292 = tpu.memref_slice %arg20[%dma_wait3A_290, %dma_wait3A_291] : memref<624x32xf32, #tpu.memory_space<vmem>> -> memref<16x32xf32, #tpu.memory_space<vmem>>
        tpu.wait_dma2 semaphore(%run_scoped3A : memref<!tpu.dma_semaphore, #tpu.memory_space<semaphore_mem>>) src(%dma_wait3A_292 : memref<16x32xf32, #tpu.memory_space<vmem>>) dst(%dma_wait3A_289 : memref<16x32xf32, #tpu.memory_space<hbm>>)
        tpu.yield
      }) : () -> ()
    } else {
    }
    "tpu.region"() ({
      %run_scoped3A = tpu.sem_alloc : memref<!tpu.dma_semaphore, #tpu.memory_space<semaphore_mem>>
      %dma_start3A_230 = arith.constant 0 : i32
      %dma_start3A_231 = arith.constant 0 : i32
      %dma_start3A_232 = tpu.memref_slice %arg20[%dma_start3A_230, %dma_start3A_231] : memref<624x32xf32, #tpu.memory_space<vmem>> -> memref<624x32xf32, #tpu.memory_space<vmem>>
      %dma_start3A_233 = arith.constant 0 : i32
      %dma_start3A_234 = tpu.memref_slice %arg24[%mul3A_0, %dma_start3A_233] : memref<10000x32xf32, #tpu.memory_space<vmem_shared>> -> memref<624x32xf32, #tpu.memory_space<vmem_shared>>
      %dma_start3A_235 = arith.constant 0 : i32
      %dma_start3A_236 = arith.constant 0 : i32
      %dma_start3A_237 = tpu.memref_slice %arg20[%dma_start3A_235, %dma_start3A_236] : memref<624x32xf32, #tpu.memory_space<vmem>> -> memref<624x32xf32, #tpu.memory_space<vmem>>
      %dma_start3A_238 = arith.constant 0 : i32
      %dma_start3A_239 = tpu.memref_slice %arg24[%mul3A_0, %dma_start3A_238] : memref<10000x32xf32, #tpu.memory_space<vmem_shared>> -> memref<624x32xf32, #tpu.memory_space<vmem_shared>>
      tpu.enqueue_dma source(%dma_start3A_239 : memref<624x32xf32, #tpu.memory_space<vmem_shared>>) target(%dma_start3A_237 : memref<624x32xf32, #tpu.memory_space<vmem>>) target_semaphore(%run_scoped3A : memref<!tpu.dma_semaphore, #tpu.memory_space<semaphore_mem>>)
      %dma_wait3A_240 = arith.constant 0 : i32
      %dma_wait3A_241 = arith.constant 0 : i32
      %dma_wait3A_242 = tpu.memref_slice %arg20[%dma_wait3A_240, %dma_wait3A_241] : memref<624x32xf32, #tpu.memory_space<vmem>> -> memref<624x32xf32, #tpu.memory_space<vmem>>
      %dma_wait3A_243 = arith.constant 0 : i32
      %dma_wait3A_244 = tpu.memref_slice %arg24[%mul3A_0, %dma_wait3A_243] : memref<10000x32xf32, #tpu.memory_space<vmem_shared>> -> memref<624x32xf32, #tpu.memory_space<vmem_shared>>
      %dma_wait3A_245 = arith.constant 0 : i32
      %dma_wait3A_246 = arith.constant 0 : i32
      %dma_wait3A_247 = tpu.memref_slice %arg20[%dma_wait3A_245, %dma_wait3A_246] : memref<624x32xf32, #tpu.memory_space<vmem>> -> memref<624x32xf32, #tpu.memory_space<vmem>>
      %dma_wait3A_248 = arith.constant 0 : i32
      %dma_wait3A_249 = tpu.memref_slice %arg24[%mul3A_0, %dma_wait3A_248] : memref<10000x32xf32, #tpu.memory_space<vmem_shared>> -> memref<624x32xf32, #tpu.memory_space<vmem_shared>>
      tpu.wait_dma2 semaphore(%run_scoped3A : memref<!tpu.dma_semaphore, #tpu.memory_space<semaphore_mem>>) src(%dma_wait3A_249 : memref<624x32xf32, #tpu.memory_space<vmem_shared>>) dst(%dma_wait3A_247 : memref<624x32xf32, #tpu.memory_space<vmem>>)
      tpu.yield
    }) : () -> ()
    %scan3A_220 = arith.constant 0 : i32
    %scan3A_221 = arith.constant 39 : i32
    %scan3A_222 = arith.addi %scan3A_220, %scan3A_221 : i32
    %scan3A_223 = arith.constant 1 : i32
    scf.for %scan3A_230 = %scan3A_220 to %scan3A_222 step %scan3A_223  : i32 {
      %mul3A_231 = arith.constant 1 : i32
      %mul3A_232 = arith.muli %scan3A_230, %mul3A_231 : i32
      %add3A_233 = arith.constant 0 : i32
      %add3A_234 = arith.addi %add3A_233, %mul3A_232 : i32
      %scan3A_235 = arith.constant 0 : i32
      %scan3A_236 = arith.constant 16 : i32
      %scan3A_237 = arith.addi %scan3A_235, %scan3A_236 : i32
      %scan3A_238 = arith.constant 1 : i32
      scf.for %scan3A_240 = %scan3A_235 to %scan3A_237 step %scan3A_238  : i32 {
        %mul3A_241 = arith.constant 1 : i32
        %mul3A_242 = arith.muli %scan3A_240, %mul3A_241 : i32
        %add3A_243 = arith.constant 0 : i32
        %add3A_244 = arith.addi %add3A_243, %mul3A_242 : i32
        %add3A_245 = arith.constant 0 : i32
        %add3A_246 = arith.addi %add3A_245, %add3A_234 : i32
        %broadcast_in_dim3A_247 = vector.broadcast %add3A_246 : i32 to vector<16xi32>
        %broadcast_in_dim3A_248 = vector.broadcast %add3A_244 : i32 to vector<16xi32>
        %gather3A = tpu.vector_load_idx %arg22[%broadcast_in_dim3A_247, %broadcast_in_dim3A_248] : memref<40x16xf32, #tpu.memory_space<vmem>>[vector<16xi32>, vector<16xi32>], vector<16xf32>,
        %mul3A_249 = arith.constant 16 : i32
        %mul3A_250 = arith.muli %add3A_234, %mul3A_249 : i32
        %add3A_251 = arith.addi %mul3A_250, %add3A_244 : i32
        %get3A = arith.index_cast %add3A_251 : i32 to index
        %get3A_252 = arith.constant 0 : index
        %get3A_253 = tpu.vector_load %arg20[%get3A, %get3A_252] {strides = array<i32>} : memref<624x32xf32, #tpu.memory_space<vmem>>, vector<16xf32>,
        %mul3A_254 = arith.mulf %get3A_253, %gather3A : vector<16xf32>
        %swap3A = arith.index_cast %add3A_251 : i32 to index
        %swap3A_255 = arith.constant 0 : index
        %swap3A_256 = tpu.vector_load %arg20[%swap3A, %swap3A_255] {strides = array<i32>} : memref<624x32xf32, #tpu.memory_space<vmem>>, vector<16xf32>,
        tpu.vector_store %arg20[%swap3A, %swap3A_255], %mul3A_254 {strides = array<i32>} : memref<624x32xf32, #tpu.memory_space<vmem>>, vector<16xf32>,
        %get3A_257 = arith.index_cast %add3A_251 : i32 to index
        %get3A_258 = arith.constant 16 : index
        %get3A_259 = tpu.vector_load %arg20[%get3A_257, %get3A_258] {strides = array<i32>} : memref<624x32xf32, #tpu.memory_space<vmem>>, vector<16xf32>,
        %mul3A_260 = arith.mulf %get3A_259, %gather3A : vector<16xf32>
        %swap3A_261 = arith.index_cast %add3A_251 : i32 to index
        %swap3A_262 = arith.constant 16 : index
        %swap3A_263 = tpu.vector_load %arg20[%swap3A_261, %swap3A_262] {strides = array<i32>} : memref<624x32xf32, #tpu.memory_space<vmem>>, vector<16xf32>,
        tpu.vector_store %arg20[%swap3A_261, %swap3A_262], %mul3A_260 {strides = array<i32>} : memref<624x32xf32, #tpu.memory_space<vmem>>, vector<16xf32>,
      }
      %scan3A_239 = arith.constant 16 : i32
    }
    %scan3A_224 = arith.constant 39 : i32
    "tpu.region"() ({
      %run_scoped3A = tpu.sem_alloc : memref<!tpu.dma_semaphore, #tpu.memory_space<semaphore_mem>>
      %dma_start3A_230 = arith.constant 0 : i32
      %dma_start3A_231 = arith.constant 0 : i32
      %dma_start3A_232 = tpu.memref_slice %arg10[%arg0, %dma_start3A_230, %dma_start3A_231] : memref<2x10000x32xf32, #tpu.memory_space<hbm>> -> memref<1x10000x32xf32, #tpu.memory_space<hbm>>
      %dma_start3A_233 = tpu.memref_squeeze %dma_start3A_232 : memref<1x10000x32xf32, #tpu.memory_space<hbm>> -> memref<10000x32xf32, #tpu.memory_space<hbm>>
      %dma_start3A_234 = arith.constant 0 : i32
      %dma_start3A_235 = tpu.memref_slice %dma_start3A_233[%mul3A_0, %dma_start3A_234] : memref<10000x32xf32, #tpu.memory_space<hbm>> -> memref<624x32xf32, #tpu.memory_space<hbm>>
      %dma_start3A_236 = arith.constant 0 : i32
      %dma_start3A_237 = arith.constant 0 : i32
      %dma_start3A_238 = tpu.memref_slice %arg10[%arg0, %dma_start3A_236, %dma_start3A_237] : memref<2x10000x32xf32, #tpu.memory_space<hbm>> -> memref<1x10000x32xf32, #tpu.memory_space<hbm>>
      %dma_start3A_239 = tpu.memref_squeeze %dma_start3A_238 : memref<1x10000x32xf32, #tpu.memory_space<hbm>> -> memref<10000x32xf32, #tpu.memory_space<hbm>>
      %dma_start3A_240 = arith.constant 0 : i32
      %dma_start3A_241 = tpu.memref_slice %dma_start3A_239[%mul3A_0, %dma_start3A_240] : memref<10000x32xf32, #tpu.memory_space<hbm>> -> memref<624x32xf32, #tpu.memory_space<hbm>>
      tpu.enqueue_dma source(%arg20 : memref<624x32xf32, #tpu.memory_space<vmem>>) target(%dma_start3A_241 : memref<624x32xf32, #tpu.memory_space<hbm>>) target_semaphore(%run_scoped3A : memref<!tpu.dma_semaphore, #tpu.memory_space<semaphore_mem>>)
      %dma_wait3A_242 = arith.constant 0 : i32
      %dma_wait3A_243 = arith.constant 0 : i32
      %dma_wait3A_244 = tpu.memref_slice %arg10[%arg0, %dma_wait3A_242, %dma_wait3A_243] : memref<2x10000x32xf32, #tpu.memory_space<hbm>> -> memref<1x10000x32xf32, #tpu.memory_space<hbm>>
      %dma_wait3A_245 = tpu.memref_squeeze %dma_wait3A_244 : memref<1x10000x32xf32, #tpu.memory_space<hbm>> -> memref<10000x32xf32, #tpu.memory_space<hbm>>
      %dma_wait3A_246 = arith.constant 0 : i32
      %dma_wait3A_247 = tpu.memref_slice %dma_wait3A_245[%mul3A_0, %dma_wait3A_246] : memref<10000x32xf32, #tpu.memory_space<hbm>> -> memref<624x32xf32, #tpu.memory_space<hbm>>
      %dma_wait3A_248 = arith.constant 0 : i32
      %dma_wait3A_249 = arith.constant 0 : i32
      %dma_wait3A_250 = tpu.memref_slice %arg10[%arg0, %dma_wait3A_248, %dma_wait3A_249] : memref<2x10000x32xf32, #tpu.memory_space<hbm>> -> memref<1x10000x32xf32, #tpu.memory_space<hbm>>
      %dma_wait3A_251 = tpu.memref_squeeze %dma_wait3A_250 : memref<1x10000x32xf32, #tpu.memory_space<hbm>> -> memref<10000x32xf32, #tpu.memory_space<hbm>>
      %dma_wait3A_252 = arith.constant 0 : i32
      %dma_wait3A_253 = tpu.memref_slice %dma_wait3A_251[%mul3A_0, %dma_wait3A_252] : memref<10000x32xf32, #tpu.memory_space<hbm>> -> memref<624x32xf32, #tpu.memory_space<hbm>>
      tpu.wait_dma2 semaphore(%run_scoped3A : memref<!tpu.dma_semaphore, #tpu.memory_space<semaphore_mem>>) src(%arg20 : memref<624x32xf32, #tpu.memory_space<vmem>>) dst(%dma_wait3A_253 : memref<624x32xf32, #tpu.memory_space<hbm>>)
      tpu.yield
    }) : () -> ()
    %eq3A_225 = arith.constant 0 : i32
    %eq3A_226 = arith.cmpi eq, %arg1, %eq3A_225 : i32
    %convert_element_type3A_227 = arith.extui %eq3A_226 : i1 to i32
    %cond3A_228 = arith.constant 0 : i32
    %cond3A_229 = arith.cmpi ne, %convert_element_type3A_227, %cond3A_228 : i32
    scf.if %cond3A_229 {
      "tpu.region"() ({
        %run_scoped3A = tpu.sem_alloc : memref<!tpu.dma_semaphore, #tpu.memory_space<semaphore_mem>>
        %dma_start3A_241 = arith.constant 0 : i32
        %dma_start3A_242 = arith.constant 0 : i32
        %dma_start3A_243 = tpu.memref_slice %arg20[%dma_start3A_241, %dma_start3A_242] : memref<624x32xf32, #tpu.memory_space<vmem>> -> memref<16x32xf32, #tpu.memory_space<vmem>>
        %dma_start3A_244 = arith.constant 9984 : i32
        %dma_start3A_245 = arith.constant 0 : i32
        %dma_start3A_246 = tpu.memref_slice %arg24[%dma_start3A_244, %dma_start3A_245] : memref<10000x32xf32, #tpu.memory_space<vmem_shared>> -> memref<16x32xf32, #tpu.memory_space<vmem_shared>>
        %dma_start3A_247 = arith.constant 0 : i32
        %dma_start3A_248 = arith.constant 0 : i32
        %dma_start3A_249 = tpu.memref_slice %arg20[%dma_start3A_247, %dma_start3A_248] : memref<624x32xf32, #tpu.memory_space<vmem>> -> memref<16x32xf32, #tpu.memory_space<vmem>>
        %dma_start3A_250 = arith.constant 9984 : i32
        %dma_start3A_251 = arith.constant 0 : i32
        %dma_start3A_252 = tpu.memref_slice %arg24[%dma_start3A_250, %dma_start3A_251] : memref<10000x32xf32, #tpu.memory_space<vmem_shared>> -> memref<16x32xf32, #tpu.memory_space<vmem_shared>>
        tpu.enqueue_dma source(%dma_start3A_252 : memref<16x32xf32, #tpu.memory_space<vmem_shared>>) target(%dma_start3A_249 : memref<16x32xf32, #tpu.memory_space<vmem>>) target_semaphore(%run_scoped3A : memref<!tpu.dma_semaphore, #tpu.memory_space<semaphore_mem>>)
        %dma_wait3A_253 = arith.constant 0 : i32
        %dma_wait3A_254 = arith.constant 0 : i32
        %dma_wait3A_255 = tpu.memref_slice %arg20[%dma_wait3A_253, %dma_wait3A_254] : memref<624x32xf32, #tpu.memory_space<vmem>> -> memref<16x32xf32, #tpu.memory_space<vmem>>
        %dma_wait3A_256 = arith.constant 9984 : i32
        %dma_wait3A_257 = arith.constant 0 : i32
        %dma_wait3A_258 = tpu.memref_slice %arg24[%dma_wait3A_256, %dma_wait3A_257] : memref<10000x32xf32, #tpu.memory_space<vmem_shared>> -> memref<16x32xf32, #tpu.memory_space<vmem_shared>>
        %dma_wait3A_259 = arith.constant 0 : i32
        %dma_wait3A_260 = arith.constant 0 : i32
        %dma_wait3A_261 = tpu.memref_slice %arg20[%dma_wait3A_259, %dma_wait3A_260] : memref<624x32xf32, #tpu.memory_space<vmem>> -> memref<16x32xf32, #tpu.memory_space<vmem>>
        %dma_wait3A_262 = arith.constant 9984 : i32
        %dma_wait3A_263 = arith.constant 0 : i32
        %dma_wait3A_264 = tpu.memref_slice %arg24[%dma_wait3A_262, %dma_wait3A_263] : memref<10000x32xf32, #tpu.memory_space<vmem_shared>> -> memref<16x32xf32, #tpu.memory_space<vmem_shared>>
        tpu.wait_dma2 semaphore(%run_scoped3A : memref<!tpu.dma_semaphore, #tpu.memory_space<semaphore_mem>>) src(%dma_wait3A_264 : memref<16x32xf32, #tpu.memory_space<vmem_shared>>) dst(%dma_wait3A_261 : memref<16x32xf32, #tpu.memory_space<vmem>>)
        tpu.yield
      }) : () -> ()
      %scan3A_230 = arith.constant 0 : i32
      %mul3A_231 = arith.constant 1 : i32
      %mul3A_232 = arith.muli %scan3A_230, %mul3A_231 : i32
      %add3A_233 = arith.constant 0 : i32
      %add3A_234 = arith.addi %add3A_233, %mul3A_232 : i32
      %scan3A_235 = arith.constant 0 : i32
      %scan3A_236 = arith.constant 16 : i32
      %scan3A_237 = arith.addi %scan3A_235, %scan3A_236 : i32
      %scan3A_238 = arith.constant 1 : i32
      scf.for %scan3A_241 = %scan3A_235 to %scan3A_237 step %scan3A_238  : i32 {
        %mul3A_242 = arith.constant 1 : i32
        %mul3A_243 = arith.muli %scan3A_241, %mul3A_242 : i32
        %add3A_244 = arith.constant 0 : i32
        %add3A_245 = arith.addi %add3A_244, %mul3A_243 : i32
        %add3A_246 = arith.constant 39 : i32
        %add3A_247 = arith.addi %add3A_246, %add3A_234 : i32
        %broadcast_in_dim3A_248 = vector.broadcast %add3A_247 : i32 to vector<16xi32>
        %broadcast_in_dim3A_249 = vector.broadcast %add3A_245 : i32 to vector<16xi32>
        %gather3A = tpu.vector_load_idx %arg22[%broadcast_in_dim3A_248, %broadcast_in_dim3A_249] : memref<40x16xf32, #tpu.memory_space<vmem>>[vector<16xi32>, vector<16xi32>], vector<16xf32>,
        %mul3A_250 = arith.constant 16 : i32
        %mul3A_251 = arith.muli %add3A_234, %mul3A_250 : i32
        %add3A_252 = arith.addi %mul3A_251, %add3A_245 : i32
        %get3A = arith.index_cast %add3A_252 : i32 to index
        %get3A_253 = arith.constant 0 : index
        %get3A_254 = tpu.vector_load %arg20[%get3A, %get3A_253] {strides = array<i32>} : memref<624x32xf32, #tpu.memory_space<vmem>>, vector<16xf32>,
        %mul3A_255 = arith.mulf %get3A_254, %gather3A : vector<16xf32>
        %swap3A = arith.index_cast %add3A_252 : i32 to index
        %swap3A_256 = arith.constant 0 : index
        %swap3A_257 = tpu.vector_load %arg20[%swap3A, %swap3A_256] {strides = array<i32>} : memref<624x32xf32, #tpu.memory_space<vmem>>, vector<16xf32>,
        tpu.vector_store %arg20[%swap3A, %swap3A_256], %mul3A_255 {strides = array<i32>} : memref<624x32xf32, #tpu.memory_space<vmem>>, vector<16xf32>,
        %get3A_258 = arith.index_cast %add3A_252 : i32 to index
        %get3A_259 = arith.constant 16 : index
        %get3A_260 = tpu.vector_load %arg20[%get3A_258, %get3A_259] {strides = array<i32>} : memref<624x32xf32, #tpu.memory_space<vmem>>, vector<16xf32>,
        %mul3A_261 = arith.mulf %get3A_260, %gather3A : vector<16xf32>
        %swap3A_262 = arith.index_cast %add3A_252 : i32 to index
        %swap3A_263 = arith.constant 16 : index
        %swap3A_264 = tpu.vector_load %arg20[%swap3A_262, %swap3A_263] {strides = array<i32>} : memref<624x32xf32, #tpu.memory_space<vmem>>, vector<16xf32>,
        tpu.vector_store %arg20[%swap3A_262, %swap3A_263], %mul3A_261 {strides = array<i32>} : memref<624x32xf32, #tpu.memory_space<vmem>>, vector<16xf32>,
      }
      %scan3A_239 = arith.constant 16 : i32
      %scan3A_240 = arith.constant 1 : i32
      "tpu.region"() ({
        %run_scoped3A = tpu.sem_alloc : memref<!tpu.dma_semaphore, #tpu.memory_space<semaphore_mem>>
        %dma_start3A_241 = arith.constant 0 : i32
        %dma_start3A_242 = arith.constant 0 : i32
        %dma_start3A_243 = tpu.memref_slice %arg20[%dma_start3A_241, %dma_start3A_242] : memref<624x32xf32, #tpu.memory_space<vmem>> -> memref<16x32xf32, #tpu.memory_space<vmem>>
        %dma_start3A_244 = arith.constant 0 : i32
        %dma_start3A_245 = arith.constant 0 : i32
        %dma_start3A_246 = tpu.memref_slice %arg10[%arg0, %dma_start3A_244, %dma_start3A_245] : memref<2x10000x32xf32, #tpu.memory_space<hbm>> -> memref<1x10000x32xf32, #tpu.memory_space<hbm>>
        %dma_start3A_247 = tpu.memref_squeeze %dma_start3A_246 : memref<1x10000x32xf32, #tpu.memory_space<hbm>> -> memref<10000x32xf32, #tpu.memory_space<hbm>>
        %dma_start3A_248 = arith.constant 9984 : i32
        %dma_start3A_249 = arith.constant 0 : i32
        %dma_start3A_250 = tpu.memref_slice %dma_start3A_247[%dma_start3A_248, %dma_start3A_249] : memref<10000x32xf32, #tpu.memory_space<hbm>> -> memref<16x32xf32, #tpu.memory_space<hbm>>
        %dma_start3A_251 = arith.constant 0 : i32
        %dma_start3A_252 = arith.constant 0 : i32
        %dma_start3A_253 = tpu.memref_slice %arg10[%arg0, %dma_start3A_251, %dma_start3A_252] : memref<2x10000x32xf32, #tpu.memory_space<hbm>> -> memref<1x10000x32xf32, #tpu.memory_space<hbm>>
        %dma_start3A_254 = tpu.memref_squeeze %dma_start3A_253 : memref<1x10000x32xf32, #tpu.memory_space<hbm>> -> memref<10000x32xf32, #tpu.memory_space<hbm>>
        %dma_start3A_255 = arith.constant 9984 : i32
        %dma_start3A_256 = arith.constant 0 : i32
        %dma_start3A_257 = tpu.memref_slice %dma_start3A_254[%dma_start3A_255, %dma_start3A_256] : memref<10000x32xf32, #tpu.memory_space<hbm>> -> memref<16x32xf32, #tpu.memory_space<hbm>>
        %dma_start3A_258 = arith.constant 0 : i32
        %dma_start3A_259 = arith.constant 0 : i32
        %dma_start3A_260 = tpu.memref_slice %arg20[%dma_start3A_258, %dma_start3A_259] : memref<624x32xf32, #tpu.memory_space<vmem>> -> memref<16x32xf32, #tpu.memory_space<vmem>>
        tpu.enqueue_dma source(%dma_start3A_260 : memref<16x32xf32, #tpu.memory_space<vmem>>) target(%dma_start3A_257 : memref<16x32xf32, #tpu.memory_space<hbm>>) target_semaphore(%run_scoped3A : memref<!tpu.dma_semaphore, #tpu.memory_space<semaphore_mem>>)
        %dma_wait3A_261 = arith.constant 0 : i32
        %dma_wait3A_262 = arith.constant 0 : i32
        %dma_wait3A_263 = tpu.memref_slice %arg20[%dma_wait3A_261, %dma_wait3A_262] : memref<624x32xf32, #tpu.memory_space<vmem>> -> memref<16x32xf32, #tpu.memory_space<vmem>>
        %dma_wait3A_264 = arith.constant 0 : i32
        %dma_wait3A_265 = arith.constant 0 : i32
        %dma_wait3A_266 = tpu.memref_slice %arg10[%arg0, %dma_wait3A_264, %dma_wait3A_265] : memref<2x10000x32xf32, #tpu.memory_space<hbm>> -> memref<1x10000x32xf32, #tpu.memory_space<hbm>>
        %dma_wait3A_267 = tpu.memref_squeeze %dma_wait3A_266 : memref<1x10000x32xf32, #tpu.memory_space<hbm>> -> memref<10000x32xf32, #tpu.memory_space<hbm>>
        %dma_wait3A_268 = arith.constant 9984 : i32
        %dma_wait3A_269 = arith.constant 0 : i32
        %dma_wait3A_270 = tpu.memref_slice %dma_wait3A_267[%dma_wait3A_268, %dma_wait3A_269] : memref<10000x32xf32, #tpu.memory_space<hbm>> -> memref<16x32xf32, #tpu.memory_space<hbm>>
        %dma_wait3A_271 = arith.constant 0 : i32
        %dma_wait3A_272 = arith.constant 0 : i32
        %dma_wait3A_273 = tpu.memref_slice %arg10[%arg0, %dma_wait3A_271, %dma_wait3A_272] : memref<2x10000x32xf32, #tpu.memory_space<hbm>> -> memref<1x10000x32xf32, #tpu.memory_space<hbm>>
        %dma_wait3A_274 = tpu.memref_squeeze %dma_wait3A_273 : memref<1x10000x32xf32, #tpu.memory_space<hbm>> -> memref<10000x32xf32, #tpu.memory_space<hbm>>
        %dma_wait3A_275 = arith.constant 9984 : i32
        %dma_wait3A_276 = arith.constant 0 : i32
        %dma_wait3A_277 = tpu.memref_slice %dma_wait3A_274[%dma_wait3A_275, %dma_wait3A_276] : memref<10000x32xf32, #tpu.memory_space<hbm>> -> memref<16x32xf32, #tpu.memory_space<hbm>>
        %dma_wait3A_278 = arith.constant 0 : i32
        %dma_wait3A_279 = arith.constant 0 : i32
        %dma_wait3A_280 = tpu.memref_slice %arg20[%dma_wait3A_278, %dma_wait3A_279] : memref<624x32xf32, #tpu.memory_space<vmem>> -> memref<16x32xf32, #tpu.memory_space<vmem>>
        tpu.wait_dma2 semaphore(%run_scoped3A : memref<!tpu.dma_semaphore, #tpu.memory_space<semaphore_mem>>) src(%dma_wait3A_280 : memref<16x32xf32, #tpu.memory_space<vmem>>) dst(%dma_wait3A_277 : memref<16x32xf32, #tpu.memory_space<hbm>>)
        tpu.yield
      }) : () -> ()
    } else {
    }
    return
  }
}

#map = affine_map<(d0, d1) -> (0, 0)>
#map1 = affine_map<(d0, d1) -> (0, 0, 0)>
module attributes {stable_mosaic.version = 14 : i64} {
  func.func @body(%arg0: i32, %arg1: i32, %arg2: memref<10000x32xf32, #tpu.memory_space<hbm>>, %arg3: memref<32x80x125xi32, #tpu.memory_space<hbm>>, %arg4: memref<32x80x125xi32, #tpu.memory_space<hbm>>, %arg5: memref<10000x8xf32, #tpu.memory_space<hbm>>, %arg6: memref<125x8xf32, #tpu.memory_space<hbm>>, %arg7: memref<2x648x16xf32, #tpu.memory_space<hbm>>, %arg8: memref<2x10000x32xf32, #tpu.memory_space<hbm>>, %arg9: memref<80x125xi32, #tpu.memory_space<vmem>>, %arg10: memref<1x80x125xi32, #tpu.memory_space<vmem>>, %arg11: memref<125x32xf32, #tpu.memory_space<vmem>>, %arg12: memref<125x32xf32, #tpu.memory_space<vmem>>, %arg13: memref<125x32xf32, #tpu.memory_space<vmem>>, %arg14: memref<125x32xf32, #tpu.memory_space<vmem>>, %arg15: memref<104x32xf32, #tpu.memory_space<vmem>>, %arg16: memref<125x8xf32, #tpu.memory_space<vmem>>, %arg17: memref<624x32xf32, #tpu.memory_space<vmem>>, %arg18: memref<624x8xf32, #tpu.memory_space<vmem>>, %arg19: memref<40x16xf32, #tpu.memory_space<vmem>>, %arg20: memref<10000x32xf32, #tpu.memory_space<vmem_shared>>, %arg21: memref<!tpu.dma_semaphore, #tpu.memory_space<semaphore_mem>>, %arg22: memref<!tpu.dma_semaphore, #tpu.memory_space<semaphore_mem>>, %arg23: memref<!tpu.dma_semaphore, #tpu.memory_space<semaphore_mem>>, %arg24: memref<!tpu.dma_semaphore, #tpu.memory_space<semaphore_mem>>, %arg25: memref<!tpu.dma_semaphore, #tpu.memory_space<semaphore_mem>>, %arg26: memref<!tpu.dma_semaphore, #tpu.memory_space<semaphore_mem>>, %arg27: memref<!tpu.dma_semaphore, #tpu.memory_space<semaphore_mem>>, %arg28: memref<!tpu.dma_semaphore, #tpu.memory_space<semaphore_mem>>) attributes {dimension_semantics = [#tpu.dimension_semantics<core_parallel>, #tpu.dimension_semantics<subcore_parallel>], iteration_bounds = array<i64: 2, 16>, scalar_prefetch = 0 : i64, scratch_operands = 20 : i64, tpu.core_type = #tpu.core_type<sc_vector_subcore>, window_params = [{transform_indices = #map}, {transform_indices = #map1}, {transform_indices = #map1}, {transform_indices = #map}, {transform_indices = #map}, {transform_indices = #map1}, {transform_indices = #map1}]} {
    %mul3A = arith.constant 624 : i32
    %mul3A_0 = arith.muli %arg1, %mul3A : i32
    %iota3A = tpu.iota {dimensions = array<i32: 0>} : vector<16xi32>
    %broadcast_in_dim3A = arith.constant 0 : i32
    %broadcast_in_dim3A_1 = vector.broadcast %broadcast_in_dim3A : i32 to vector<16xi32>
    %scan3A = arith.constant 0 : i32
    %scan3A_2 = arith.constant 104 : i32
    %scan3A_3 = arith.addi %scan3A, %scan3A_2 : i32
    %scan3A_4 = arith.constant 1 : i32
    scf.for %scan3A_165 = %scan3A to %scan3A_3 step %scan3A_4  : i32 {
      %mul3A_166 = arith.constant 1 : i32
      %mul3A_167 = arith.muli %scan3A_165, %mul3A_166 : i32
      %add3A_168 = arith.constant 0 : i32
      %add3A_169 = arith.addi %add3A_168, %mul3A_167 : i32
      %broadcast_in_dim3A_170 = arith.constant 0.000000e+00 : f32
      %broadcast_in_dim3A_171 = vector.broadcast %broadcast_in_dim3A_170 : f32 to vector<16xf32>
      %swap3A = arith.index_cast %add3A_169 : i32 to index
      %swap3A_172 = arith.constant 0 : index
      %swap3A_173 = tpu.vector_load %arg15[%swap3A, %swap3A_172] {strides = array<i32>} : memref<104x32xf32, #tpu.memory_space<vmem>>, vector<16xf32>,
      tpu.vector_store %arg15[%swap3A, %swap3A_172], %broadcast_in_dim3A_171 {strides = array<i32>} : memref<104x32xf32, #tpu.memory_space<vmem>>, vector<16xf32>,
      %broadcast_in_dim3A_174 = arith.constant 0.000000e+00 : f32
      %broadcast_in_dim3A_175 = vector.broadcast %broadcast_in_dim3A_174 : f32 to vector<16xf32>
      %swap3A_176 = arith.index_cast %add3A_169 : i32 to index
      %swap3A_177 = arith.constant 16 : index
      %swap3A_178 = tpu.vector_load %arg15[%swap3A_176, %swap3A_177] {strides = array<i32>} : memref<104x32xf32, #tpu.memory_space<vmem>>, vector<16xf32>,
      tpu.vector_store %arg15[%swap3A_176, %swap3A_177], %broadcast_in_dim3A_175 {strides = array<i32>} : memref<104x32xf32, #tpu.memory_space<vmem>>, vector<16xf32>,
    }
    %scan3A_5 = arith.constant 104 : i32
    %add3A = arith.constant 0 : i32
    %add3A_6 = arith.addi %mul3A_0, %add3A : i32
    "tpu.region"() ({
      %run_scoped3A = tpu.sem_alloc : memref<!tpu.dma_semaphore, #tpu.memory_space<semaphore_mem>>
      %dma_start3A_165 = arith.constant 0 : i32
      %dma_start3A_166 = tpu.memref_slice %arg20[%add3A_6, %dma_start3A_165] : memref<10000x32xf32, #tpu.memory_space<vmem_shared>> -> memref<104x32xf32, #tpu.memory_space<vmem_shared>>
      %dma_start3A_167 = arith.constant 0 : i32
      %dma_start3A_168 = tpu.memref_slice %arg20[%add3A_6, %dma_start3A_167] : memref<10000x32xf32, #tpu.memory_space<vmem_shared>> -> memref<104x32xf32, #tpu.memory_space<vmem_shared>>
      tpu.enqueue_dma source(%arg15 : memref<104x32xf32, #tpu.memory_space<vmem>>) target(%dma_start3A_168 : memref<104x32xf32, #tpu.memory_space<vmem_shared>>) target_semaphore(%run_scoped3A : memref<!tpu.dma_semaphore, #tpu.memory_space<semaphore_mem>>)
      %dma_wait3A_169 = arith.constant 0 : i32
      %dma_wait3A_170 = tpu.memref_slice %arg20[%add3A_6, %dma_wait3A_169] : memref<10000x32xf32, #tpu.memory_space<vmem_shared>> -> memref<104x32xf32, #tpu.memory_space<vmem_shared>>
      %dma_wait3A_171 = arith.constant 0 : i32
      %dma_wait3A_172 = tpu.memref_slice %arg20[%add3A_6, %dma_wait3A_171] : memref<10000x32xf32, #tpu.memory_space<vmem_shared>> -> memref<104x32xf32, #tpu.memory_space<vmem_shared>>
      tpu.wait_dma2 semaphore(%run_scoped3A : memref<!tpu.dma_semaphore, #tpu.memory_space<semaphore_mem>>) src(%arg15 : memref<104x32xf32, #tpu.memory_space<vmem>>) dst(%dma_wait3A_172 : memref<104x32xf32, #tpu.memory_space<vmem_shared>>)
      tpu.yield
    }) : () -> ()
    %add3A_7 = arith.constant 104 : i32
    %add3A_8 = arith.addi %mul3A_0, %add3A_7 : i32
    "tpu.region"() ({
      %run_scoped3A = tpu.sem_alloc : memref<!tpu.dma_semaphore, #tpu.memory_space<semaphore_mem>>
      %dma_start3A_165 = arith.constant 0 : i32
      %dma_start3A_166 = tpu.memref_slice %arg20[%add3A_8, %dma_start3A_165] : memref<10000x32xf32, #tpu.memory_space<vmem_shared>> -> memref<104x32xf32, #tpu.memory_space<vmem_shared>>
      %dma_start3A_167 = arith.constant 0 : i32
      %dma_start3A_168 = tpu.memref_slice %arg20[%add3A_8, %dma_start3A_167] : memref<10000x32xf32, #tpu.memory_space<vmem_shared>> -> memref<104x32xf32, #tpu.memory_space<vmem_shared>>
      tpu.enqueue_dma source(%arg15 : memref<104x32xf32, #tpu.memory_space<vmem>>) target(%dma_start3A_168 : memref<104x32xf32, #tpu.memory_space<vmem_shared>>) target_semaphore(%run_scoped3A : memref<!tpu.dma_semaphore, #tpu.memory_space<semaphore_mem>>)
      %dma_wait3A_169 = arith.constant 0 : i32
      %dma_wait3A_170 = tpu.memref_slice %arg20[%add3A_8, %dma_wait3A_169] : memref<10000x32xf32, #tpu.memory_space<vmem_shared>> -> memref<104x32xf32, #tpu.memory_space<vmem_shared>>
      %dma_wait3A_171 = arith.constant 0 : i32
      %dma_wait3A_172 = tpu.memref_slice %arg20[%add3A_8, %dma_wait3A_171] : memref<10000x32xf32, #tpu.memory_space<vmem_shared>> -> memref<104x32xf32, #tpu.memory_space<vmem_shared>>
      tpu.wait_dma2 semaphore(%run_scoped3A : memref<!tpu.dma_semaphore, #tpu.memory_space<semaphore_mem>>) src(%arg15 : memref<104x32xf32, #tpu.memory_space<vmem>>) dst(%dma_wait3A_172 : memref<104x32xf32, #tpu.memory_space<vmem_shared>>)
      tpu.yield
    }) : () -> ()
    %add3A_9 = arith.constant 208 : i32
    %add3A_10 = arith.addi %mul3A_0, %add3A_9 : i32
    "tpu.region"() ({
      %run_scoped3A = tpu.sem_alloc : memref<!tpu.dma_semaphore, #tpu.memory_space<semaphore_mem>>
      %dma_start3A_165 = arith.constant 0 : i32
      %dma_start3A_166 = tpu.memref_slice %arg20[%add3A_10, %dma_start3A_165] : memref<10000x32xf32, #tpu.memory_space<vmem_shared>> -> memref<104x32xf32, #tpu.memory_space<vmem_shared>>
      %dma_start3A_167 = arith.constant 0 : i32
      %dma_start3A_168 = tpu.memref_slice %arg20[%add3A_10, %dma_start3A_167] : memref<10000x32xf32, #tpu.memory_space<vmem_shared>> -> memref<104x32xf32, #tpu.memory_space<vmem_shared>>
      tpu.enqueue_dma source(%arg15 : memref<104x32xf32, #tpu.memory_space<vmem>>) target(%dma_start3A_168 : memref<104x32xf32, #tpu.memory_space<vmem_shared>>) target_semaphore(%run_scoped3A : memref<!tpu.dma_semaphore, #tpu.memory_space<semaphore_mem>>)
      %dma_wait3A_169 = arith.constant 0 : i32
      %dma_wait3A_170 = tpu.memref_slice %arg20[%add3A_10, %dma_wait3A_169] : memref<10000x32xf32, #tpu.memory_space<vmem_shared>> -> memref<104x32xf32, #tpu.memory_space<vmem_shared>>
      %dma_wait3A_171 = arith.constant 0 : i32
      %dma_wait3A_172 = tpu.memref_slice %arg20[%add3A_10, %dma_wait3A_171] : memref<10000x32xf32, #tpu.memory_space<vmem_shared>> -> memref<104x32xf32, #tpu.memory_space<vmem_shared>>
      tpu.wait_dma2 semaphore(%run_scoped3A : memref<!tpu.dma_semaphore, #tpu.memory_space<semaphore_mem>>) src(%arg15 : memref<104x32xf32, #tpu.memory_space<vmem>>) dst(%dma_wait3A_172 : memref<104x32xf32, #tpu.memory_space<vmem_shared>>)
      tpu.yield
    }) : () -> ()
    %add3A_11 = arith.constant 312 : i32
    %add3A_12 = arith.addi %mul3A_0, %add3A_11 : i32
    "tpu.region"() ({
      %run_scoped3A = tpu.sem_alloc : memref<!tpu.dma_semaphore, #tpu.memory_space<semaphore_mem>>
      %dma_start3A_165 = arith.constant 0 : i32
      %dma_start3A_166 = tpu.memref_slice %arg20[%add3A_12, %dma_start3A_165] : memref<10000x32xf32, #tpu.memory_space<vmem_shared>> -> memref<104x32xf32, #tpu.memory_space<vmem_shared>>
      %dma_start3A_167 = arith.constant 0 : i32
      %dma_start3A_168 = tpu.memref_slice %arg20[%add3A_12, %dma_start3A_167] : memref<10000x32xf32, #tpu.memory_space<vmem_shared>> -> memref<104x32xf32, #tpu.memory_space<vmem_shared>>
      tpu.enqueue_dma source(%arg15 : memref<104x32xf32, #tpu.memory_space<vmem>>) target(%dma_start3A_168 : memref<104x32xf32, #tpu.memory_space<vmem_shared>>) target_semaphore(%run_scoped3A : memref<!tpu.dma_semaphore, #tpu.memory_space<semaphore_mem>>)
      %dma_wait3A_169 = arith.constant 0 : i32
      %dma_wait3A_170 = tpu.memref_slice %arg20[%add3A_12, %dma_wait3A_169] : memref<10000x32xf32, #tpu.memory_space<vmem_shared>> -> memref<104x32xf32, #tpu.memory_space<vmem_shared>>
      %dma_wait3A_171 = arith.constant 0 : i32
      %dma_wait3A_172 = tpu.memref_slice %arg20[%add3A_12, %dma_wait3A_171] : memref<10000x32xf32, #tpu.memory_space<vmem_shared>> -> memref<104x32xf32, #tpu.memory_space<vmem_shared>>
      tpu.wait_dma2 semaphore(%run_scoped3A : memref<!tpu.dma_semaphore, #tpu.memory_space<semaphore_mem>>) src(%arg15 : memref<104x32xf32, #tpu.memory_space<vmem>>) dst(%dma_wait3A_172 : memref<104x32xf32, #tpu.memory_space<vmem_shared>>)
      tpu.yield
    }) : () -> ()
    %add3A_13 = arith.constant 416 : i32
    %add3A_14 = arith.addi %mul3A_0, %add3A_13 : i32
    "tpu.region"() ({
      %run_scoped3A = tpu.sem_alloc : memref<!tpu.dma_semaphore, #tpu.memory_space<semaphore_mem>>
      %dma_start3A_165 = arith.constant 0 : i32
      %dma_start3A_166 = tpu.memref_slice %arg20[%add3A_14, %dma_start3A_165] : memref<10000x32xf32, #tpu.memory_space<vmem_shared>> -> memref<104x32xf32, #tpu.memory_space<vmem_shared>>
      %dma_start3A_167 = arith.constant 0 : i32
      %dma_start3A_168 = tpu.memref_slice %arg20[%add3A_14, %dma_start3A_167] : memref<10000x32xf32, #tpu.memory_space<vmem_shared>> -> memref<104x32xf32, #tpu.memory_space<vmem_shared>>
      tpu.enqueue_dma source(%arg15 : memref<104x32xf32, #tpu.memory_space<vmem>>) target(%dma_start3A_168 : memref<104x32xf32, #tpu.memory_space<vmem_shared>>) target_semaphore(%run_scoped3A : memref<!tpu.dma_semaphore, #tpu.memory_space<semaphore_mem>>)
      %dma_wait3A_169 = arith.constant 0 : i32
      %dma_wait3A_170 = tpu.memref_slice %arg20[%add3A_14, %dma_wait3A_169] : memref<10000x32xf32, #tpu.memory_space<vmem_shared>> -> memref<104x32xf32, #tpu.memory_space<vmem_shared>>
      %dma_wait3A_171 = arith.constant 0 : i32
      %dma_wait3A_172 = tpu.memref_slice %arg20[%add3A_14, %dma_wait3A_171] : memref<10000x32xf32, #tpu.memory_space<vmem_shared>> -> memref<104x32xf32, #tpu.memory_space<vmem_shared>>
      tpu.wait_dma2 semaphore(%run_scoped3A : memref<!tpu.dma_semaphore, #tpu.memory_space<semaphore_mem>>) src(%arg15 : memref<104x32xf32, #tpu.memory_space<vmem>>) dst(%dma_wait3A_172 : memref<104x32xf32, #tpu.memory_space<vmem_shared>>)
      tpu.yield
    }) : () -> ()
    %add3A_15 = arith.constant 520 : i32
    %add3A_16 = arith.addi %mul3A_0, %add3A_15 : i32
    "tpu.region"() ({
      %run_scoped3A = tpu.sem_alloc : memref<!tpu.dma_semaphore, #tpu.memory_space<semaphore_mem>>
      %dma_start3A_165 = arith.constant 0 : i32
      %dma_start3A_166 = tpu.memref_slice %arg20[%add3A_16, %dma_start3A_165] : memref<10000x32xf32, #tpu.memory_space<vmem_shared>> -> memref<104x32xf32, #tpu.memory_space<vmem_shared>>
      %dma_start3A_167 = arith.constant 0 : i32
      %dma_start3A_168 = tpu.memref_slice %arg20[%add3A_16, %dma_start3A_167] : memref<10000x32xf32, #tpu.memory_space<vmem_shared>> -> memref<104x32xf32, #tpu.memory_space<vmem_shared>>
      tpu.enqueue_dma source(%arg15 : memref<104x32xf32, #tpu.memory_space<vmem>>) target(%dma_start3A_168 : memref<104x32xf32, #tpu.memory_space<vmem_shared>>) target_semaphore(%run_scoped3A : memref<!tpu.dma_semaphore, #tpu.memory_space<semaphore_mem>>)
      %dma_wait3A_169 = arith.constant 0 : i32
      %dma_wait3A_170 = tpu.memref_slice %arg20[%add3A_16, %dma_wait3A_169] : memref<10000x32xf32, #tpu.memory_space<vmem_shared>> -> memref<104x32xf32, #tpu.memory_space<vmem_shared>>
      %dma_wait3A_171 = arith.constant 0 : i32
      %dma_wait3A_172 = tpu.memref_slice %arg20[%add3A_16, %dma_wait3A_171] : memref<10000x32xf32, #tpu.memory_space<vmem_shared>> -> memref<104x32xf32, #tpu.memory_space<vmem_shared>>
      tpu.wait_dma2 semaphore(%run_scoped3A : memref<!tpu.dma_semaphore, #tpu.memory_space<semaphore_mem>>) src(%arg15 : memref<104x32xf32, #tpu.memory_space<vmem>>) dst(%dma_wait3A_172 : memref<104x32xf32, #tpu.memory_space<vmem_shared>>)
      tpu.yield
    }) : () -> ()
    %mul3A_17 = arith.constant 2 : i32
    %mul3A_18 = arith.muli %mul3A_17, %arg1 : i32
    %add3A_19 = arith.addi %mul3A_18, %arg0 : i32
    "tpu.region"() ({
      %run_scoped3A = tpu.sem_alloc : memref<!tpu.dma_semaphore, #tpu.memory_space<semaphore_mem>>
      %dma_start3A_165 = arith.constant 0 : i32
      %dma_start3A_166 = arith.constant 0 : i32
      %dma_start3A_167 = tpu.memref_slice %arg3[%add3A_19, %dma_start3A_165, %dma_start3A_166] : memref<32x80x125xi32, #tpu.memory_space<hbm>> -> memref<1x80x125xi32, #tpu.memory_space<hbm>>
      %dma_start3A_168 = tpu.memref_squeeze %dma_start3A_167 : memref<1x80x125xi32, #tpu.memory_space<hbm>> -> memref<80x125xi32, #tpu.memory_space<hbm>>
      %dma_start3A_169 = arith.constant 0 : i32
      %dma_start3A_170 = arith.constant 0 : i32
      %dma_start3A_171 = tpu.memref_slice %arg3[%add3A_19, %dma_start3A_169, %dma_start3A_170] : memref<32x80x125xi32, #tpu.memory_space<hbm>> -> memref<1x80x125xi32, #tpu.memory_space<hbm>>
      %dma_start3A_172 = tpu.memref_squeeze %dma_start3A_171 : memref<1x80x125xi32, #tpu.memory_space<hbm>> -> memref<80x125xi32, #tpu.memory_space<hbm>>
      tpu.enqueue_dma source(%dma_start3A_172 : memref<80x125xi32, #tpu.memory_space<hbm>>) target(%arg9 : memref<80x125xi32, #tpu.memory_space<vmem>>) target_semaphore(%run_scoped3A : memref<!tpu.dma_semaphore, #tpu.memory_space<semaphore_mem>>)
      %dma_wait3A_173 = arith.constant 0 : i32
      %dma_wait3A_174 = arith.constant 0 : i32
      %dma_wait3A_175 = tpu.memref_slice %arg3[%add3A_19, %dma_wait3A_173, %dma_wait3A_174] : memref<32x80x125xi32, #tpu.memory_space<hbm>> -> memref<1x80x125xi32, #tpu.memory_space<hbm>>
      %dma_wait3A_176 = tpu.memref_squeeze %dma_wait3A_175 : memref<1x80x125xi32, #tpu.memory_space<hbm>> -> memref<80x125xi32, #tpu.memory_space<hbm>>
      %dma_wait3A_177 = arith.constant 0 : i32
      %dma_wait3A_178 = arith.constant 0 : i32
      %dma_wait3A_179 = tpu.memref_slice %arg3[%add3A_19, %dma_wait3A_177, %dma_wait3A_178] : memref<32x80x125xi32, #tpu.memory_space<hbm>> -> memref<1x80x125xi32, #tpu.memory_space<hbm>>
      %dma_wait3A_180 = tpu.memref_squeeze %dma_wait3A_179 : memref<1x80x125xi32, #tpu.memory_space<hbm>> -> memref<80x125xi32, #tpu.memory_space<hbm>>
      tpu.wait_dma2 semaphore(%run_scoped3A : memref<!tpu.dma_semaphore, #tpu.memory_space<semaphore_mem>>) src(%dma_wait3A_180 : memref<80x125xi32, #tpu.memory_space<hbm>>) dst(%arg9 : memref<80x125xi32, #tpu.memory_space<vmem>>)
      tpu.yield
    }) : () -> ()
    %mul3A_20 = arith.constant 2 : i32
    %mul3A_21 = arith.muli %mul3A_20, %arg1 : i32
    %add3A_22 = arith.addi %mul3A_21, %arg0 : i32
    "tpu.region"() ({
      %run_scoped3A = tpu.sem_alloc : memref<!tpu.dma_semaphore, #tpu.memory_space<semaphore_mem>>
      %dma_start3A_165 = arith.constant 0 : i32
      %dma_start3A_166 = arith.constant 0 : i32
      %dma_start3A_167 = tpu.memref_slice %arg4[%add3A_22, %dma_start3A_165, %dma_start3A_166] : memref<32x80x125xi32, #tpu.memory_space<hbm>> -> memref<1x80x125xi32, #tpu.memory_space<hbm>>
      %dma_start3A_168 = arith.constant 0 : i32
      %dma_start3A_169 = arith.constant 0 : i32
      %dma_start3A_170 = tpu.memref_slice %arg4[%add3A_22, %dma_start3A_168, %dma_start3A_169] : memref<32x80x125xi32, #tpu.memory_space<hbm>> -> memref<1x80x125xi32, #tpu.memory_space<hbm>>
      tpu.enqueue_dma source(%dma_start3A_170 : memref<1x80x125xi32, #tpu.memory_space<hbm>>) target(%arg10 : memref<1x80x125xi32, #tpu.memory_space<vmem>>) target_semaphore(%run_scoped3A : memref<!tpu.dma_semaphore, #tpu.memory_space<semaphore_mem>>)
      %dma_wait3A_171 = arith.constant 0 : i32
      %dma_wait3A_172 = arith.constant 0 : i32
      %dma_wait3A_173 = tpu.memref_slice %arg4[%add3A_22, %dma_wait3A_171, %dma_wait3A_172] : memref<32x80x125xi32, #tpu.memory_space<hbm>> -> memref<1x80x125xi32, #tpu.memory_space<hbm>>
      %dma_wait3A_174 = arith.constant 0 : i32
      %dma_wait3A_175 = arith.constant 0 : i32
      %dma_wait3A_176 = tpu.memref_slice %arg4[%add3A_22, %dma_wait3A_174, %dma_wait3A_175] : memref<32x80x125xi32, #tpu.memory_space<hbm>> -> memref<1x80x125xi32, #tpu.memory_space<hbm>>
      tpu.wait_dma2 semaphore(%run_scoped3A : memref<!tpu.dma_semaphore, #tpu.memory_space<semaphore_mem>>) src(%dma_wait3A_176 : memref<1x80x125xi32, #tpu.memory_space<hbm>>) dst(%arg10 : memref<1x80x125xi32, #tpu.memory_space<vmem>>)
      tpu.yield
    }) : () -> ()
    %mul3A_23 = arith.constant 40 : i32
    %mul3A_24 = arith.muli %mul3A_23, %arg1 : i32
    "tpu.region"() ({
      %run_scoped3A = tpu.sem_alloc : memref<!tpu.dma_semaphore, #tpu.memory_space<semaphore_mem>>
      %dma_start3A_165 = arith.constant 0 : i32
      %dma_start3A_166 = arith.constant 0 : i32
      %dma_start3A_167 = tpu.memref_slice %arg19[%dma_start3A_165, %dma_start3A_166] : memref<40x16xf32, #tpu.memory_space<vmem>> -> memref<39x16xf32, #tpu.memory_space<vmem>>
      %dma_start3A_168 = arith.constant 0 : i32
      %dma_start3A_169 = arith.constant 0 : i32
      %dma_start3A_170 = tpu.memref_slice %arg7[%arg0, %dma_start3A_168, %dma_start3A_169] : memref<2x648x16xf32, #tpu.memory_space<hbm>> -> memref<1x648x16xf32, #tpu.memory_space<hbm>>
      %dma_start3A_171 = tpu.memref_squeeze %dma_start3A_170 : memref<1x648x16xf32, #tpu.memory_space<hbm>> -> memref<648x16xf32, #tpu.memory_space<hbm>>
      %dma_start3A_172 = arith.constant 0 : i32
      %dma_start3A_173 = tpu.memref_slice %dma_start3A_171[%mul3A_24, %dma_start3A_172] : memref<648x16xf32, #tpu.memory_space<hbm>> -> memref<39x16xf32, #tpu.memory_space<hbm>>
      %dma_start3A_174 = arith.constant 0 : i32
      %dma_start3A_175 = arith.constant 0 : i32
      %dma_start3A_176 = tpu.memref_slice %arg19[%dma_start3A_174, %dma_start3A_175] : memref<40x16xf32, #tpu.memory_space<vmem>> -> memref<39x16xf32, #tpu.memory_space<vmem>>
      %dma_start3A_177 = arith.constant 0 : i32
      %dma_start3A_178 = arith.constant 0 : i32
      %dma_start3A_179 = tpu.memref_slice %arg7[%arg0, %dma_start3A_177, %dma_start3A_178] : memref<2x648x16xf32, #tpu.memory_space<hbm>> -> memref<1x648x16xf32, #tpu.memory_space<hbm>>
      %dma_start3A_180 = tpu.memref_squeeze %dma_start3A_179 : memref<1x648x16xf32, #tpu.memory_space<hbm>> -> memref<648x16xf32, #tpu.memory_space<hbm>>
      %dma_start3A_181 = arith.constant 0 : i32
      %dma_start3A_182 = tpu.memref_slice %dma_start3A_180[%mul3A_24, %dma_start3A_181] : memref<648x16xf32, #tpu.memory_space<hbm>> -> memref<39x16xf32, #tpu.memory_space<hbm>>
      tpu.enqueue_dma source(%dma_start3A_182 : memref<39x16xf32, #tpu.memory_space<hbm>>) target(%dma_start3A_176 : memref<39x16xf32, #tpu.memory_space<vmem>>) target_semaphore(%run_scoped3A : memref<!tpu.dma_semaphore, #tpu.memory_space<semaphore_mem>>)
      %dma_wait3A_183 = arith.constant 0 : i32
      %dma_wait3A_184 = arith.constant 0 : i32
      %dma_wait3A_185 = tpu.memref_slice %arg19[%dma_wait3A_183, %dma_wait3A_184] : memref<40x16xf32, #tpu.memory_space<vmem>> -> memref<39x16xf32, #tpu.memory_space<vmem>>
      %dma_wait3A_186 = arith.constant 0 : i32
      %dma_wait3A_187 = arith.constant 0 : i32
      %dma_wait3A_188 = tpu.memref_slice %arg7[%arg0, %dma_wait3A_186, %dma_wait3A_187] : memref<2x648x16xf32, #tpu.memory_space<hbm>> -> memref<1x648x16xf32, #tpu.memory_space<hbm>>
      %dma_wait3A_189 = tpu.memref_squeeze %dma_wait3A_188 : memref<1x648x16xf32, #tpu.memory_space<hbm>> -> memref<648x16xf32, #tpu.memory_space<hbm>>
      %dma_wait3A_190 = arith.constant 0 : i32
      %dma_wait3A_191 = tpu.memref_slice %dma_wait3A_189[%mul3A_24, %dma_wait3A_190] : memref<648x16xf32, #tpu.memory_space<hbm>> -> memref<39x16xf32, #tpu.memory_space<hbm>>
      %dma_wait3A_192 = arith.constant 0 : i32
      %dma_wait3A_193 = arith.constant 0 : i32
      %dma_wait3A_194 = tpu.memref_slice %arg19[%dma_wait3A_192, %dma_wait3A_193] : memref<40x16xf32, #tpu.memory_space<vmem>> -> memref<39x16xf32, #tpu.memory_space<vmem>>
      %dma_wait3A_195 = arith.constant 0 : i32
      %dma_wait3A_196 = arith.constant 0 : i32
      %dma_wait3A_197 = tpu.memref_slice %arg7[%arg0, %dma_wait3A_195, %dma_wait3A_196] : memref<2x648x16xf32, #tpu.memory_space<hbm>> -> memref<1x648x16xf32, #tpu.memory_space<hbm>>
      %dma_wait3A_198 = tpu.memref_squeeze %dma_wait3A_197 : memref<1x648x16xf32, #tpu.memory_space<hbm>> -> memref<648x16xf32, #tpu.memory_space<hbm>>
      %dma_wait3A_199 = arith.constant 0 : i32
      %dma_wait3A_200 = tpu.memref_slice %dma_wait3A_198[%mul3A_24, %dma_wait3A_199] : memref<648x16xf32, #tpu.memory_space<hbm>> -> memref<39x16xf32, #tpu.memory_space<hbm>>
      tpu.wait_dma2 semaphore(%run_scoped3A : memref<!tpu.dma_semaphore, #tpu.memory_space<semaphore_mem>>) src(%dma_wait3A_200 : memref<39x16xf32, #tpu.memory_space<hbm>>) dst(%dma_wait3A_194 : memref<39x16xf32, #tpu.memory_space<vmem>>)
      tpu.yield
    }) : () -> ()
    %eq3A = arith.constant 0 : i32
    %eq3A_25 = arith.cmpi eq, %arg1, %eq3A : i32
    %convert_element_type3A = arith.extui %eq3A_25 : i1 to i32
    %cond3A = arith.constant 0 : i32
    %cond3A_26 = arith.cmpi ne, %convert_element_type3A, %cond3A : i32
    scf.if %cond3A_26 {
      "tpu.region"() ({
        %run_scoped3A = tpu.sem_alloc : memref<!tpu.dma_semaphore, #tpu.memory_space<semaphore_mem>>
        %dma_start3A_165 = arith.constant 0 : i32
        %dma_start3A_166 = arith.constant 0 : i32
        %dma_start3A_167 = tpu.memref_slice %arg15[%dma_start3A_165, %dma_start3A_166] : memref<104x32xf32, #tpu.memory_space<vmem>> -> memref<16x32xf32, #tpu.memory_space<vmem>>
        %dma_start3A_168 = arith.constant 9984 : i32
        %dma_start3A_169 = arith.constant 0 : i32
        %dma_start3A_170 = tpu.memref_slice %arg20[%dma_start3A_168, %dma_start3A_169] : memref<10000x32xf32, #tpu.memory_space<vmem_shared>> -> memref<16x32xf32, #tpu.memory_space<vmem_shared>>
        %dma_start3A_171 = arith.constant 9984 : i32
        %dma_start3A_172 = arith.constant 0 : i32
        %dma_start3A_173 = tpu.memref_slice %arg20[%dma_start3A_171, %dma_start3A_172] : memref<10000x32xf32, #tpu.memory_space<vmem_shared>> -> memref<16x32xf32, #tpu.memory_space<vmem_shared>>
        %dma_start3A_174 = arith.constant 0 : i32
        %dma_start3A_175 = arith.constant 0 : i32
        %dma_start3A_176 = tpu.memref_slice %arg15[%dma_start3A_174, %dma_start3A_175] : memref<104x32xf32, #tpu.memory_space<vmem>> -> memref<16x32xf32, #tpu.memory_space<vmem>>
        tpu.enqueue_dma source(%dma_start3A_176 : memref<16x32xf32, #tpu.memory_space<vmem>>) target(%dma_start3A_173 : memref<16x32xf32, #tpu.memory_space<vmem_shared>>) target_semaphore(%run_scoped3A : memref<!tpu.dma_semaphore, #tpu.memory_space<semaphore_mem>>)
        %dma_wait3A_177 = arith.constant 0 : i32
        %dma_wait3A_178 = arith.constant 0 : i32
        %dma_wait3A_179 = tpu.memref_slice %arg15[%dma_wait3A_177, %dma_wait3A_178] : memref<104x32xf32, #tpu.memory_space<vmem>> -> memref<16x32xf32, #tpu.memory_space<vmem>>
        %dma_wait3A_180 = arith.constant 9984 : i32
        %dma_wait3A_181 = arith.constant 0 : i32
        %dma_wait3A_182 = tpu.memref_slice %arg20[%dma_wait3A_180, %dma_wait3A_181] : memref<10000x32xf32, #tpu.memory_space<vmem_shared>> -> memref<16x32xf32, #tpu.memory_space<vmem_shared>>
        %dma_wait3A_183 = arith.constant 9984 : i32
        %dma_wait3A_184 = arith.constant 0 : i32
        %dma_wait3A_185 = tpu.memref_slice %arg20[%dma_wait3A_183, %dma_wait3A_184] : memref<10000x32xf32, #tpu.memory_space<vmem_shared>> -> memref<16x32xf32, #tpu.memory_space<vmem_shared>>
        %dma_wait3A_186 = arith.constant 0 : i32
        %dma_wait3A_187 = arith.constant 0 : i32
        %dma_wait3A_188 = tpu.memref_slice %arg15[%dma_wait3A_186, %dma_wait3A_187] : memref<104x32xf32, #tpu.memory_space<vmem>> -> memref<16x32xf32, #tpu.memory_space<vmem>>
        tpu.wait_dma2 semaphore(%run_scoped3A : memref<!tpu.dma_semaphore, #tpu.memory_space<semaphore_mem>>) src(%dma_wait3A_188 : memref<16x32xf32, #tpu.memory_space<vmem>>) dst(%dma_wait3A_185 : memref<16x32xf32, #tpu.memory_space<vmem_shared>>)
        tpu.yield
      }) : () -> ()
    } else {
    }
    %barrier3A = arith.constant 0 : index
    tpu.barrier barrier_id(%barrier3A)
    %dma_start3A = arith.constant 0 : i32
    %dma_start3A_27 = arith.constant 0 : i32
    %dma_start3A_28 = tpu.memref_slice %arg9[%dma_start3A, %dma_start3A_27] : memref<80x125xi32, #tpu.memory_space<vmem>> -> memref<1x125xi32, #tpu.memory_space<vmem>>
    %dma_start3A_29 = tpu.memref_squeeze %dma_start3A_28 : memref<1x125xi32, #tpu.memory_space<vmem>> -> memref<125xi32, #tpu.memory_space<vmem>>
    %dma_start3A_30 = arith.constant 0 : i32
    %dma_start3A_31 = arith.constant 0 : i32
    %dma_start3A_32 = tpu.memref_slice %arg2[%dma_start3A_30, %dma_start3A_31] : memref<10000x32xf32, #tpu.memory_space<hbm>> -> memref<10000x32xf32, #tpu.memory_space<hbm>>
    tpu.enqueue_indirect_dma source(%dma_start3A_32 : memref<10000x32xf32, #tpu.memory_space<hbm>>) target(%arg11 : memref<125x32xf32, #tpu.memory_space<vmem>>) offsets(%dma_start3A_29 : memref<125xi32, #tpu.memory_space<vmem>>) semaphore(%arg21 : memref<!tpu.dma_semaphore, #tpu.memory_space<semaphore_mem>>)
    %dma_start3A_33 = arith.constant 1 : i32
    %dma_start3A_34 = arith.constant 0 : i32
    %dma_start3A_35 = tpu.memref_slice %arg9[%dma_start3A_33, %dma_start3A_34] : memref<80x125xi32, #tpu.memory_space<vmem>> -> memref<1x125xi32, #tpu.memory_space<vmem>>
    %dma_start3A_36 = tpu.memref_squeeze %dma_start3A_35 : memref<1x125xi32, #tpu.memory_space<vmem>> -> memref<125xi32, #tpu.memory_space<vmem>>
    %dma_start3A_37 = arith.constant 0 : i32
    %dma_start3A_38 = arith.constant 0 : i32
    %dma_start3A_39 = tpu.memref_slice %arg2[%dma_start3A_37, %dma_start3A_38] : memref<10000x32xf32, #tpu.memory_space<hbm>> -> memref<10000x32xf32, #tpu.memory_space<hbm>>
    tpu.enqueue_indirect_dma source(%dma_start3A_39 : memref<10000x32xf32, #tpu.memory_space<hbm>>) target(%arg12 : memref<125x32xf32, #tpu.memory_space<vmem>>) offsets(%dma_start3A_36 : memref<125xi32, #tpu.memory_space<vmem>>) semaphore(%arg22 : memref<!tpu.dma_semaphore, #tpu.memory_space<semaphore_mem>>)
    %dma_start3A_40 = arith.constant 2 : i32
    %dma_start3A_41 = arith.constant 0 : i32
    %dma_start3A_42 = tpu.memref_slice %arg9[%dma_start3A_40, %dma_start3A_41] : memref<80x125xi32, #tpu.memory_space<vmem>> -> memref<1x125xi32, #tpu.memory_space<vmem>>
    %dma_start3A_43 = tpu.memref_squeeze %dma_start3A_42 : memref<1x125xi32, #tpu.memory_space<vmem>> -> memref<125xi32, #tpu.memory_space<vmem>>
    %dma_start3A_44 = arith.constant 0 : i32
    %dma_start3A_45 = arith.constant 0 : i32
    %dma_start3A_46 = tpu.memref_slice %arg2[%dma_start3A_44, %dma_start3A_45] : memref<10000x32xf32, #tpu.memory_space<hbm>> -> memref<10000x32xf32, #tpu.memory_space<hbm>>
    tpu.enqueue_indirect_dma source(%dma_start3A_46 : memref<10000x32xf32, #tpu.memory_space<hbm>>) target(%arg13 : memref<125x32xf32, #tpu.memory_space<vmem>>) offsets(%dma_start3A_43 : memref<125xi32, #tpu.memory_space<vmem>>) semaphore(%arg23 : memref<!tpu.dma_semaphore, #tpu.memory_space<semaphore_mem>>)
    %dma_start3A_47 = arith.constant 3 : i32
    %dma_start3A_48 = arith.constant 0 : i32
    %dma_start3A_49 = tpu.memref_slice %arg9[%dma_start3A_47, %dma_start3A_48] : memref<80x125xi32, #tpu.memory_space<vmem>> -> memref<1x125xi32, #tpu.memory_space<vmem>>
    %dma_start3A_50 = tpu.memref_squeeze %dma_start3A_49 : memref<1x125xi32, #tpu.memory_space<vmem>> -> memref<125xi32, #tpu.memory_space<vmem>>
    %dma_start3A_51 = arith.constant 0 : i32
    %dma_start3A_52 = arith.constant 0 : i32
    %dma_start3A_53 = tpu.memref_slice %arg2[%dma_start3A_51, %dma_start3A_52] : memref<10000x32xf32, #tpu.memory_space<hbm>> -> memref<10000x32xf32, #tpu.memory_space<hbm>>
    tpu.enqueue_indirect_dma source(%dma_start3A_53 : memref<10000x32xf32, #tpu.memory_space<hbm>>) target(%arg14 : memref<125x32xf32, #tpu.memory_space<vmem>>) offsets(%dma_start3A_50 : memref<125xi32, #tpu.memory_space<vmem>>) semaphore(%arg24 : memref<!tpu.dma_semaphore, #tpu.memory_space<semaphore_mem>>)
    %scan3A_54 = arith.constant 0 : i32
    %scan3A_55 = arith.constant 19 : i32
    %scan3A_56 = arith.addi %scan3A_54, %scan3A_55 : i32
    %scan3A_57 = arith.constant 1 : i32
    scf.for %scan3A_165 = %scan3A_54 to %scan3A_56 step %scan3A_57  : i32 {
      %mul3A_166 = arith.constant 1 : i32
      %mul3A_167 = arith.muli %scan3A_165, %mul3A_166 : i32
      %add3A_168 = arith.constant 0 : i32
      %add3A_169 = arith.addi %add3A_168, %mul3A_167 : i32
      %mul3A_170 = arith.constant 4 : i32
      %mul3A_171 = arith.muli %add3A_169, %mul3A_170 : i32
      %dma_wait3A_172 = arith.constant 0 : i32
      %dma_wait3A_173 = arith.constant 0 : i32
      %dma_wait3A_174 = tpu.memref_slice %arg2[%dma_wait3A_172, %dma_wait3A_173] : memref<10000x32xf32, #tpu.memory_space<hbm>> -> memref<125x32xf32, #tpu.memory_space<hbm>>
      %dma_wait3A_175 = arith.constant 0 : i32
      %dma_wait3A_176 = arith.constant 0 : i32
      %dma_wait3A_177 = tpu.memref_slice %arg2[%dma_wait3A_175, %dma_wait3A_176] : memref<10000x32xf32, #tpu.memory_space<hbm>> -> memref<125x32xf32, #tpu.memory_space<hbm>>
      tpu.wait_dma2 semaphore(%arg21 : memref<!tpu.dma_semaphore, #tpu.memory_space<semaphore_mem>>) src(%dma_wait3A_177 : memref<125x32xf32, #tpu.memory_space<hbm>>) dst(%arg11 : memref<125x32xf32, #tpu.memory_space<vmem>>)
      %add3A_178 = arith.constant 0 : i32
      %add3A_179 = arith.addi %mul3A_171, %add3A_178 : i32
      %jit3A = arith.constant 1 : i32
      %div3A = arith.divsi %add3A_179, %jit3A : i32
      %sign3A = arith.constant 0 : i32
      %sign3A_180 = arith.cmpi sgt, %add3A_179, %sign3A : i32
      %sign3A_181 = arith.extui %sign3A_180 : i1 to i32
      %sign3A_182 = arith.constant 0 : i32
      %sign3A_183 = arith.cmpi slt, %add3A_179, %sign3A_182 : i32
      %sign3A_184 = arith.extui %sign3A_183 : i1 to i32
      %sign3A_185 = arith.subi %sign3A_181, %sign3A_184 : i32
      %sign3A_186 = arith.constant 0 : i32
      %sign3A_187 = arith.cmpi sgt, %jit3A, %sign3A_186 : i32
      %sign3A_188 = arith.extui %sign3A_187 : i1 to i32
      %sign3A_189 = arith.constant 0 : i32
      %sign3A_190 = arith.cmpi slt, %jit3A, %sign3A_189 : i32
      %sign3A_191 = arith.extui %sign3A_190 : i1 to i32
      %sign3A_192 = arith.subi %sign3A_188, %sign3A_191 : i32
      %ne3A = arith.cmpi ne, %sign3A_185, %sign3A_192 : i32
      %rem3A = arith.remsi %add3A_179, %jit3A : i32
      %ne3A_193 = arith.constant 0 : i32
      %ne3A_194 = arith.cmpi ne, %rem3A, %ne3A_193 : i32
      %and3A = arith.andi %ne3A, %ne3A_194 : i1
      %sub3A = arith.constant 1 : i32
      %sub3A_195 = arith.subi %div3A, %sub3A : i32
      %select_n3A = arith.select %and3A, %sub3A_195, %div3A : i32
      %dma_start3A_196 = arith.constant 0 : i32
      %dma_start3A_197 = arith.constant 0 : i32
      %dma_start3A_198 = arith.constant 0 : i32
      %dma_start3A_199 = tpu.memref_slice %arg10[%dma_start3A_196, %dma_start3A_197, %dma_start3A_198] : memref<1x80x125xi32, #tpu.memory_space<vmem>> -> memref<1x80x125xi32, #tpu.memory_space<vmem>>
      %dma_start3A_200 = tpu.memref_squeeze %dma_start3A_199 : memref<1x80x125xi32, #tpu.memory_space<vmem>> -> memref<80x125xi32, #tpu.memory_space<vmem>>
      %dma_start3A_201 = arith.constant 0 : i32
      %dma_start3A_202 = tpu.memref_slice %dma_start3A_200[%select_n3A, %dma_start3A_201] : memref<80x125xi32, #tpu.memory_space<vmem>> -> memref<1x125xi32, #tpu.memory_space<vmem>>
      %dma_start3A_203 = tpu.memref_squeeze %dma_start3A_202 : memref<1x125xi32, #tpu.memory_space<vmem>> -> memref<125xi32, #tpu.memory_space<vmem>>
      %dma_start3A_204 = arith.constant 0 : i32
      %dma_start3A_205 = arith.constant 0 : i32
      %dma_start3A_206 = tpu.memref_slice %arg20[%dma_start3A_204, %dma_start3A_205] : memref<10000x32xf32, #tpu.memory_space<vmem_shared>> -> memref<10000x32xf32, #tpu.memory_space<vmem_shared>>
      tpu.enqueue_indirect_dma source(%arg11 : memref<125x32xf32, #tpu.memory_space<vmem>>) target(%dma_start3A_206 : memref<10000x32xf32, #tpu.memory_space<vmem_shared>>) offsets(%dma_start3A_203 : memref<125xi32, #tpu.memory_space<vmem>>) semaphore(%arg25 : memref<!tpu.dma_semaphore, #tpu.memory_space<semaphore_mem>>) {add = true}
      %dma_wait3A_207 = arith.constant 0 : i32
      %dma_wait3A_208 = arith.constant 0 : i32
      %dma_wait3A_209 = tpu.memref_slice %arg2[%dma_wait3A_207, %dma_wait3A_208] : memref<10000x32xf32, #tpu.memory_space<hbm>> -> memref<125x32xf32, #tpu.memory_space<hbm>>
      %dma_wait3A_210 = arith.constant 0 : i32
      %dma_wait3A_211 = arith.constant 0 : i32
      %dma_wait3A_212 = tpu.memref_slice %arg2[%dma_wait3A_210, %dma_wait3A_211] : memref<10000x32xf32, #tpu.memory_space<hbm>> -> memref<125x32xf32, #tpu.memory_space<hbm>>
      tpu.wait_dma2 semaphore(%arg22 : memref<!tpu.dma_semaphore, #tpu.memory_space<semaphore_mem>>) src(%dma_wait3A_212 : memref<125x32xf32, #tpu.memory_space<hbm>>) dst(%arg12 : memref<125x32xf32, #tpu.memory_space<vmem>>)
      %add3A_213 = arith.constant 1 : i32
      %add3A_214 = arith.addi %mul3A_171, %add3A_213 : i32
      %jit3A_215 = arith.constant 1 : i32
      %div3A_216 = arith.divsi %add3A_214, %jit3A_215 : i32
      %sign3A_217 = arith.constant 0 : i32
      %sign3A_218 = arith.cmpi sgt, %add3A_214, %sign3A_217 : i32
      %sign3A_219 = arith.extui %sign3A_218 : i1 to i32
      %sign3A_220 = arith.constant 0 : i32
      %sign3A_221 = arith.cmpi slt, %add3A_214, %sign3A_220 : i32
      %sign3A_222 = arith.extui %sign3A_221 : i1 to i32
      %sign3A_223 = arith.subi %sign3A_219, %sign3A_222 : i32
      %sign3A_224 = arith.constant 0 : i32
      %sign3A_225 = arith.cmpi sgt, %jit3A_215, %sign3A_224 : i32
      %sign3A_226 = arith.extui %sign3A_225 : i1 to i32
      %sign3A_227 = arith.constant 0 : i32
      %sign3A_228 = arith.cmpi slt, %jit3A_215, %sign3A_227 : i32
      %sign3A_229 = arith.extui %sign3A_228 : i1 to i32
      %sign3A_230 = arith.subi %sign3A_226, %sign3A_229 : i32
      %ne3A_231 = arith.cmpi ne, %sign3A_223, %sign3A_230 : i32
      %rem3A_232 = arith.remsi %add3A_214, %jit3A_215 : i32
      %ne3A_233 = arith.constant 0 : i32
      %ne3A_234 = arith.cmpi ne, %rem3A_232, %ne3A_233 : i32
      %and3A_235 = arith.andi %ne3A_231, %ne3A_234 : i1
      %sub3A_236 = arith.constant 1 : i32
      %sub3A_237 = arith.subi %div3A_216, %sub3A_236 : i32
      %select_n3A_238 = arith.select %and3A_235, %sub3A_237, %div3A_216 : i32
      %dma_start3A_239 = arith.constant 0 : i32
      %dma_start3A_240 = arith.constant 0 : i32
      %dma_start3A_241 = arith.constant 0 : i32
      %dma_start3A_242 = tpu.memref_slice %arg10[%dma_start3A_239, %dma_start3A_240, %dma_start3A_241] : memref<1x80x125xi32, #tpu.memory_space<vmem>> -> memref<1x80x125xi32, #tpu.memory_space<vmem>>
      %dma_start3A_243 = tpu.memref_squeeze %dma_start3A_242 : memref<1x80x125xi32, #tpu.memory_space<vmem>> -> memref<80x125xi32, #tpu.memory_space<vmem>>
      %dma_start3A_244 = arith.constant 0 : i32
      %dma_start3A_245 = tpu.memref_slice %dma_start3A_243[%select_n3A_238, %dma_start3A_244] : memref<80x125xi32, #tpu.memory_space<vmem>> -> memref<1x125xi32, #tpu.memory_space<vmem>>
      %dma_start3A_246 = tpu.memref_squeeze %dma_start3A_245 : memref<1x125xi32, #tpu.memory_space<vmem>> -> memref<125xi32, #tpu.memory_space<vmem>>
      %dma_start3A_247 = arith.constant 0 : i32
      %dma_start3A_248 = arith.constant 0 : i32
      %dma_start3A_249 = tpu.memref_slice %arg20[%dma_start3A_247, %dma_start3A_248] : memref<10000x32xf32, #tpu.memory_space<vmem_shared>> -> memref<10000x32xf32, #tpu.memory_space<vmem_shared>>
      tpu.enqueue_indirect_dma source(%arg12 : memref<125x32xf32, #tpu.memory_space<vmem>>) target(%dma_start3A_249 : memref<10000x32xf32, #tpu.memory_space<vmem_shared>>) offsets(%dma_start3A_246 : memref<125xi32, #tpu.memory_space<vmem>>) semaphore(%arg26 : memref<!tpu.dma_semaphore, #tpu.memory_space<semaphore_mem>>) {add = true}
      %dma_wait3A_250 = arith.constant 0 : i32
      %dma_wait3A_251 = arith.constant 0 : i32
      %dma_wait3A_252 = tpu.memref_slice %arg2[%dma_wait3A_250, %dma_wait3A_251] : memref<10000x32xf32, #tpu.memory_space<hbm>> -> memref<125x32xf32, #tpu.memory_space<hbm>>
      %dma_wait3A_253 = arith.constant 0 : i32
      %dma_wait3A_254 = arith.constant 0 : i32
      %dma_wait3A_255 = tpu.memref_slice %arg2[%dma_wait3A_253, %dma_wait3A_254] : memref<10000x32xf32, #tpu.memory_space<hbm>> -> memref<125x32xf32, #tpu.memory_space<hbm>>
      tpu.wait_dma2 semaphore(%arg25 : memref<!tpu.dma_semaphore, #tpu.memory_space<semaphore_mem>>) src(%dma_wait3A_255 : memref<125x32xf32, #tpu.memory_space<hbm>>) dst(%arg11 : memref<125x32xf32, #tpu.memory_space<vmem>>)
      %add3A_256 = arith.constant 4 : i32
      %add3A_257 = arith.addi %mul3A_171, %add3A_256 : i32
      %add3A_258 = arith.constant 0 : i32
      %add3A_259 = arith.addi %add3A_257, %add3A_258 : i32
      %jit3A_260 = arith.constant 1 : i32
      %div3A_261 = arith.divsi %add3A_259, %jit3A_260 : i32
      %sign3A_262 = arith.constant 0 : i32
      %sign3A_263 = arith.cmpi sgt, %add3A_259, %sign3A_262 : i32
      %sign3A_264 = arith.extui %sign3A_263 : i1 to i32
      %sign3A_265 = arith.constant 0 : i32
      %sign3A_266 = arith.cmpi slt, %add3A_259, %sign3A_265 : i32
      %sign3A_267 = arith.extui %sign3A_266 : i1 to i32
      %sign3A_268 = arith.subi %sign3A_264, %sign3A_267 : i32
      %sign3A_269 = arith.constant 0 : i32
      %sign3A_270 = arith.cmpi sgt, %jit3A_260, %sign3A_269 : i32
      %sign3A_271 = arith.extui %sign3A_270 : i1 to i32
      %sign3A_272 = arith.constant 0 : i32
      %sign3A_273 = arith.cmpi slt, %jit3A_260, %sign3A_272 : i32
      %sign3A_274 = arith.extui %sign3A_273 : i1 to i32
      %sign3A_275 = arith.subi %sign3A_271, %sign3A_274 : i32
      %ne3A_276 = arith.cmpi ne, %sign3A_268, %sign3A_275 : i32
      %rem3A_277 = arith.remsi %add3A_259, %jit3A_260 : i32
      %ne3A_278 = arith.constant 0 : i32
      %ne3A_279 = arith.cmpi ne, %rem3A_277, %ne3A_278 : i32
      %and3A_280 = arith.andi %ne3A_276, %ne3A_279 : i1
      %sub3A_281 = arith.constant 1 : i32
      %sub3A_282 = arith.subi %div3A_261, %sub3A_281 : i32
      %select_n3A_283 = arith.select %and3A_280, %sub3A_282, %div3A_261 : i32
      %dma_start3A_284 = arith.constant 0 : i32
      %dma_start3A_285 = tpu.memref_slice %arg9[%select_n3A_283, %dma_start3A_284] : memref<80x125xi32, #tpu.memory_space<vmem>> -> memref<1x125xi32, #tpu.memory_space<vmem>>
      %dma_start3A_286 = tpu.memref_squeeze %dma_start3A_285 : memref<1x125xi32, #tpu.memory_space<vmem>> -> memref<125xi32, #tpu.memory_space<vmem>>
      %dma_start3A_287 = arith.constant 0 : i32
      %dma_start3A_288 = arith.constant 0 : i32
      %dma_start3A_289 = tpu.memref_slice %arg2[%dma_start3A_287, %dma_start3A_288] : memref<10000x32xf32, #tpu.memory_space<hbm>> -> memref<10000x32xf32, #tpu.memory_space<hbm>>
      tpu.enqueue_indirect_dma source(%dma_start3A_289 : memref<10000x32xf32, #tpu.memory_space<hbm>>) target(%arg11 : memref<125x32xf32, #tpu.memory_space<vmem>>) offsets(%dma_start3A_286 : memref<125xi32, #tpu.memory_space<vmem>>) semaphore(%arg21 : memref<!tpu.dma_semaphore, #tpu.memory_space<semaphore_mem>>)
      %dma_wait3A_290 = arith.constant 0 : i32
      %dma_wait3A_291 = arith.constant 0 : i32
      %dma_wait3A_292 = tpu.memref_slice %arg2[%dma_wait3A_290, %dma_wait3A_291] : memref<10000x32xf32, #tpu.memory_space<hbm>> -> memref<125x32xf32, #tpu.memory_space<hbm>>
      %dma_wait3A_293 = arith.constant 0 : i32
      %dma_wait3A_294 = arith.constant 0 : i32
      %dma_wait3A_295 = tpu.memref_slice %arg2[%dma_wait3A_293, %dma_wait3A_294] : memref<10000x32xf32, #tpu.memory_space<hbm>> -> memref<125x32xf32, #tpu.memory_space<hbm>>
      tpu.wait_dma2 semaphore(%arg26 : memref<!tpu.dma_semaphore, #tpu.memory_space<semaphore_mem>>) src(%dma_wait3A_295 : memref<125x32xf32, #tpu.memory_space<hbm>>) dst(%arg12 : memref<125x32xf32, #tpu.memory_space<vmem>>)
      %add3A_296 = arith.constant 4 : i32
      %add3A_297 = arith.addi %mul3A_171, %add3A_296 : i32
      %add3A_298 = arith.constant 1 : i32
      %add3A_299 = arith.addi %add3A_297, %add3A_298 : i32
      %jit3A_300 = arith.constant 1 : i32
      %div3A_301 = arith.divsi %add3A_299, %jit3A_300 : i32
      %sign3A_302 = arith.constant 0 : i32
      %sign3A_303 = arith.cmpi sgt, %add3A_299, %sign3A_302 : i32
      %sign3A_304 = arith.extui %sign3A_303 : i1 to i32
      %sign3A_305 = arith.constant 0 : i32
      %sign3A_306 = arith.cmpi slt, %add3A_299, %sign3A_305 : i32
      %sign3A_307 = arith.extui %sign3A_306 : i1 to i32
      %sign3A_308 = arith.subi %sign3A_304, %sign3A_307 : i32
      %sign3A_309 = arith.constant 0 : i32
      %sign3A_310 = arith.cmpi sgt, %jit3A_300, %sign3A_309 : i32
      %sign3A_311 = arith.extui %sign3A_310 : i1 to i32
      %sign3A_312 = arith.constant 0 : i32
      %sign3A_313 = arith.cmpi slt, %jit3A_300, %sign3A_312 : i32
      %sign3A_314 = arith.extui %sign3A_313 : i1 to i32
      %sign3A_315 = arith.subi %sign3A_311, %sign3A_314 : i32
      %ne3A_316 = arith.cmpi ne, %sign3A_308, %sign3A_315 : i32
      %rem3A_317 = arith.remsi %add3A_299, %jit3A_300 : i32
      %ne3A_318 = arith.constant 0 : i32
      %ne3A_319 = arith.cmpi ne, %rem3A_317, %ne3A_318 : i32
      %and3A_320 = arith.andi %ne3A_316, %ne3A_319 : i1
      %sub3A_321 = arith.constant 1 : i32
      %sub3A_322 = arith.subi %div3A_301, %sub3A_321 : i32
      %select_n3A_323 = arith.select %and3A_320, %sub3A_322, %div3A_301 : i32
      %dma_start3A_324 = arith.constant 0 : i32
      %dma_start3A_325 = tpu.memref_slice %arg9[%select_n3A_323, %dma_start3A_324] : memref<80x125xi32, #tpu.memory_space<vmem>> -> memref<1x125xi32, #tpu.memory_space<vmem>>
      %dma_start3A_326 = tpu.memref_squeeze %dma_start3A_325 : memref<1x125xi32, #tpu.memory_space<vmem>> -> memref<125xi32, #tpu.memory_space<vmem>>
      %dma_start3A_327 = arith.constant 0 : i32
      %dma_start3A_328 = arith.constant 0 : i32
      %dma_start3A_329 = tpu.memref_slice %arg2[%dma_start3A_327, %dma_start3A_328] : memref<10000x32xf32, #tpu.memory_space<hbm>> -> memref<10000x32xf32, #tpu.memory_space<hbm>>
      tpu.enqueue_indirect_dma source(%dma_start3A_329 : memref<10000x32xf32, #tpu.memory_space<hbm>>) target(%arg12 : memref<125x32xf32, #tpu.memory_space<vmem>>) offsets(%dma_start3A_326 : memref<125xi32, #tpu.memory_space<vmem>>) semaphore(%arg22 : memref<!tpu.dma_semaphore, #tpu.memory_space<semaphore_mem>>)
      %dma_wait3A_330 = arith.constant 0 : i32
      %dma_wait3A_331 = arith.constant 0 : i32
      %dma_wait3A_332 = tpu.memref_slice %arg2[%dma_wait3A_330, %dma_wait3A_331] : memref<10000x32xf32, #tpu.memory_space<hbm>> -> memref<125x32xf32, #tpu.memory_space<hbm>>
      %dma_wait3A_333 = arith.constant 0 : i32
      %dma_wait3A_334 = arith.constant 0 : i32
      %dma_wait3A_335 = tpu.memref_slice %arg2[%dma_wait3A_333, %dma_wait3A_334] : memref<10000x32xf32, #tpu.memory_space<hbm>> -> memref<125x32xf32, #tpu.memory_space<hbm>>
      tpu.wait_dma2 semaphore(%arg23 : memref<!tpu.dma_semaphore, #tpu.memory_space<semaphore_mem>>) src(%dma_wait3A_335 : memref<125x32xf32, #tpu.memory_space<hbm>>) dst(%arg13 : memref<125x32xf32, #tpu.memory_space<vmem>>)
      %add3A_336 = arith.constant 2 : i32
      %add3A_337 = arith.addi %mul3A_171, %add3A_336 : i32
      %jit3A_338 = arith.constant 1 : i32
      %div3A_339 = arith.divsi %add3A_337, %jit3A_338 : i32
      %sign3A_340 = arith.constant 0 : i32
      %sign3A_341 = arith.cmpi sgt, %add3A_337, %sign3A_340 : i32
      %sign3A_342 = arith.extui %sign3A_341 : i1 to i32
      %sign3A_343 = arith.constant 0 : i32
      %sign3A_344 = arith.cmpi slt, %add3A_337, %sign3A_343 : i32
      %sign3A_345 = arith.extui %sign3A_344 : i1 to i32
      %sign3A_346 = arith.subi %sign3A_342, %sign3A_345 : i32
      %sign3A_347 = arith.constant 0 : i32
      %sign3A_348 = arith.cmpi sgt, %jit3A_338, %sign3A_347 : i32
      %sign3A_349 = arith.extui %sign3A_348 : i1 to i32
      %sign3A_350 = arith.constant 0 : i32
      %sign3A_351 = arith.cmpi slt, %jit3A_338, %sign3A_350 : i32
      %sign3A_352 = arith.extui %sign3A_351 : i1 to i32
      %sign3A_353 = arith.subi %sign3A_349, %sign3A_352 : i32
      %ne3A_354 = arith.cmpi ne, %sign3A_346, %sign3A_353 : i32
      %rem3A_355 = arith.remsi %add3A_337, %jit3A_338 : i32
      %ne3A_356 = arith.constant 0 : i32
      %ne3A_357 = arith.cmpi ne, %rem3A_355, %ne3A_356 : i32
      %and3A_358 = arith.andi %ne3A_354, %ne3A_357 : i1
      %sub3A_359 = arith.constant 1 : i32
      %sub3A_360 = arith.subi %div3A_339, %sub3A_359 : i32
      %select_n3A_361 = arith.select %and3A_358, %sub3A_360, %div3A_339 : i32
      %dma_start3A_362 = arith.constant 0 : i32
      %dma_start3A_363 = arith.constant 0 : i32
      %dma_start3A_364 = arith.constant 0 : i32
      %dma_start3A_365 = tpu.memref_slice %arg10[%dma_start3A_362, %dma_start3A_363, %dma_start3A_364] : memref<1x80x125xi32, #tpu.memory_space<vmem>> -> memref<1x80x125xi32, #tpu.memory_space<vmem>>
      %dma_start3A_366 = tpu.memref_squeeze %dma_start3A_365 : memref<1x80x125xi32, #tpu.memory_space<vmem>> -> memref<80x125xi32, #tpu.memory_space<vmem>>
      %dma_start3A_367 = arith.constant 0 : i32
      %dma_start3A_368 = tpu.memref_slice %dma_start3A_366[%select_n3A_361, %dma_start3A_367] : memref<80x125xi32, #tpu.memory_space<vmem>> -> memref<1x125xi32, #tpu.memory_space<vmem>>
      %dma_start3A_369 = tpu.memref_squeeze %dma_start3A_368 : memref<1x125xi32, #tpu.memory_space<vmem>> -> memref<125xi32, #tpu.memory_space<vmem>>
      %dma_start3A_370 = arith.constant 0 : i32
      %dma_start3A_371 = arith.constant 0 : i32
      %dma_start3A_372 = tpu.memref_slice %arg20[%dma_start3A_370, %dma_start3A_371] : memref<10000x32xf32, #tpu.memory_space<vmem_shared>> -> memref<10000x32xf32, #tpu.memory_space<vmem_shared>>
      tpu.enqueue_indirect_dma source(%arg13 : memref<125x32xf32, #tpu.memory_space<vmem>>) target(%dma_start3A_372 : memref<10000x32xf32, #tpu.memory_space<vmem_shared>>) offsets(%dma_start3A_369 : memref<125xi32, #tpu.memory_space<vmem>>) semaphore(%arg27 : memref<!tpu.dma_semaphore, #tpu.memory_space<semaphore_mem>>) {add = true}
      %dma_wait3A_373 = arith.constant 0 : i32
      %dma_wait3A_374 = arith.constant 0 : i32
      %dma_wait3A_375 = tpu.memref_slice %arg2[%dma_wait3A_373, %dma_wait3A_374] : memref<10000x32xf32, #tpu.memory_space<hbm>> -> memref<125x32xf32, #tpu.memory_space<hbm>>
      %dma_wait3A_376 = arith.constant 0 : i32
      %dma_wait3A_377 = arith.constant 0 : i32
      %dma_wait3A_378 = tpu.memref_slice %arg2[%dma_wait3A_376, %dma_wait3A_377] : memref<10000x32xf32, #tpu.memory_space<hbm>> -> memref<125x32xf32, #tpu.memory_space<hbm>>
      tpu.wait_dma2 semaphore(%arg24 : memref<!tpu.dma_semaphore, #tpu.memory_space<semaphore_mem>>) src(%dma_wait3A_378 : memref<125x32xf32, #tpu.memory_space<hbm>>) dst(%arg14 : memref<125x32xf32, #tpu.memory_space<vmem>>)
      %add3A_379 = arith.constant 3 : i32
      %add3A_380 = arith.addi %mul3A_171, %add3A_379 : i32
      %jit3A_381 = arith.constant 1 : i32
      %div3A_382 = arith.divsi %add3A_380, %jit3A_381 : i32
      %sign3A_383 = arith.constant 0 : i32
      %sign3A_384 = arith.cmpi sgt, %add3A_380, %sign3A_383 : i32
      %sign3A_385 = arith.extui %sign3A_384 : i1 to i32
      %sign3A_386 = arith.constant 0 : i32
      %sign3A_387 = arith.cmpi slt, %add3A_380, %sign3A_386 : i32
      %sign3A_388 = arith.extui %sign3A_387 : i1 to i32
      %sign3A_389 = arith.subi %sign3A_385, %sign3A_388 : i32
      %sign3A_390 = arith.constant 0 : i32
      %sign3A_391 = arith.cmpi sgt, %jit3A_381, %sign3A_390 : i32
      %sign3A_392 = arith.extui %sign3A_391 : i1 to i32
      %sign3A_393 = arith.constant 0 : i32
      %sign3A_394 = arith.cmpi slt, %jit3A_381, %sign3A_393 : i32
      %sign3A_395 = arith.extui %sign3A_394 : i1 to i32
      %sign3A_396 = arith.subi %sign3A_392, %sign3A_395 : i32
      %ne3A_397 = arith.cmpi ne, %sign3A_389, %sign3A_396 : i32
      %rem3A_398 = arith.remsi %add3A_380, %jit3A_381 : i32
      %ne3A_399 = arith.constant 0 : i32
      %ne3A_400 = arith.cmpi ne, %rem3A_398, %ne3A_399 : i32
      %and3A_401 = arith.andi %ne3A_397, %ne3A_400 : i1
      %sub3A_402 = arith.constant 1 : i32
      %sub3A_403 = arith.subi %div3A_382, %sub3A_402 : i32
      %select_n3A_404 = arith.select %and3A_401, %sub3A_403, %div3A_382 : i32
      %dma_start3A_405 = arith.constant 0 : i32
      %dma_start3A_406 = arith.constant 0 : i32
      %dma_start3A_407 = arith.constant 0 : i32
      %dma_start3A_408 = tpu.memref_slice %arg10[%dma_start3A_405, %dma_start3A_406, %dma_start3A_407] : memref<1x80x125xi32, #tpu.memory_space<vmem>> -> memref<1x80x125xi32, #tpu.memory_space<vmem>>
      %dma_start3A_409 = tpu.memref_squeeze %dma_start3A_408 : memref<1x80x125xi32, #tpu.memory_space<vmem>> -> memref<80x125xi32, #tpu.memory_space<vmem>>
      %dma_start3A_410 = arith.constant 0 : i32
      %dma_start3A_411 = tpu.memref_slice %dma_start3A_409[%select_n3A_404, %dma_start3A_410] : memref<80x125xi32, #tpu.memory_space<vmem>> -> memref<1x125xi32, #tpu.memory_space<vmem>>
      %dma_start3A_412 = tpu.memref_squeeze %dma_start3A_411 : memref<1x125xi32, #tpu.memory_space<vmem>> -> memref<125xi32, #tpu.memory_space<vmem>>
      %dma_start3A_413 = arith.constant 0 : i32
      %dma_start3A_414 = arith.constant 0 : i32
      %dma_start3A_415 = tpu.memref_slice %arg20[%dma_start3A_413, %dma_start3A_414] : memref<10000x32xf32, #tpu.memory_space<vmem_shared>> -> memref<10000x32xf32, #tpu.memory_space<vmem_shared>>
      tpu.enqueue_indirect_dma source(%arg14 : memref<125x32xf32, #tpu.memory_space<vmem>>) target(%dma_start3A_415 : memref<10000x32xf32, #tpu.memory_space<vmem_shared>>) offsets(%dma_start3A_412 : memref<125xi32, #tpu.memory_space<vmem>>) semaphore(%arg28 : memref<!tpu.dma_semaphore, #tpu.memory_space<semaphore_mem>>) {add = true}
      %dma_wait3A_416 = arith.constant 0 : i32
      %dma_wait3A_417 = arith.constant 0 : i32
      %dma_wait3A_418 = tpu.memref_slice %arg2[%dma_wait3A_416, %dma_wait3A_417] : memref<10000x32xf32, #tpu.memory_space<hbm>> -> memref<125x32xf32, #tpu.memory_space<hbm>>
      %dma_wait3A_419 = arith.constant 0 : i32
      %dma_wait3A_420 = arith.constant 0 : i32
      %dma_wait3A_421 = tpu.memref_slice %arg2[%dma_wait3A_419, %dma_wait3A_420] : memref<10000x32xf32, #tpu.memory_space<hbm>> -> memref<125x32xf32, #tpu.memory_space<hbm>>
      tpu.wait_dma2 semaphore(%arg27 : memref<!tpu.dma_semaphore, #tpu.memory_space<semaphore_mem>>) src(%dma_wait3A_421 : memref<125x32xf32, #tpu.memory_space<hbm>>) dst(%arg13 : memref<125x32xf32, #tpu.memory_space<vmem>>)
      %add3A_422 = arith.constant 4 : i32
      %add3A_423 = arith.addi %mul3A_171, %add3A_422 : i32
      %add3A_424 = arith.constant 2 : i32
      %add3A_425 = arith.addi %add3A_423, %add3A_424 : i32
      %jit3A_426 = arith.constant 1 : i32
      %div3A_427 = arith.divsi %add3A_425, %jit3A_426 : i32
      %sign3A_428 = arith.constant 0 : i32
      %sign3A_429 = arith.cmpi sgt, %add3A_425, %sign3A_428 : i32
      %sign3A_430 = arith.extui %sign3A_429 : i1 to i32
      %sign3A_431 = arith.constant 0 : i32
      %sign3A_432 = arith.cmpi slt, %add3A_425, %sign3A_431 : i32
      %sign3A_433 = arith.extui %sign3A_432 : i1 to i32
      %sign3A_434 = arith.subi %sign3A_430, %sign3A_433 : i32
      %sign3A_435 = arith.constant 0 : i32
      %sign3A_436 = arith.cmpi sgt, %jit3A_426, %sign3A_435 : i32
      %sign3A_437 = arith.extui %sign3A_436 : i1 to i32
      %sign3A_438 = arith.constant 0 : i32
      %sign3A_439 = arith.cmpi slt, %jit3A_426, %sign3A_438 : i32
      %sign3A_440 = arith.extui %sign3A_439 : i1 to i32
      %sign3A_441 = arith.subi %sign3A_437, %sign3A_440 : i32
      %ne3A_442 = arith.cmpi ne, %sign3A_434, %sign3A_441 : i32
      %rem3A_443 = arith.remsi %add3A_425, %jit3A_426 : i32
      %ne3A_444 = arith.constant 0 : i32
      %ne3A_445 = arith.cmpi ne, %rem3A_443, %ne3A_444 : i32
      %and3A_446 = arith.andi %ne3A_442, %ne3A_445 : i1
      %sub3A_447 = arith.constant 1 : i32
      %sub3A_448 = arith.subi %div3A_427, %sub3A_447 : i32
      %select_n3A_449 = arith.select %and3A_446, %sub3A_448, %div3A_427 : i32
      %dma_start3A_450 = arith.constant 0 : i32
      %dma_start3A_451 = tpu.memref_slice %arg9[%select_n3A_449, %dma_start3A_450] : memref<80x125xi32, #tpu.memory_space<vmem>> -> memref<1x125xi32, #tpu.memory_space<vmem>>
      %dma_start3A_452 = tpu.memref_squeeze %dma_start3A_451 : memref<1x125xi32, #tpu.memory_space<vmem>> -> memref<125xi32, #tpu.memory_space<vmem>>
      %dma_start3A_453 = arith.constant 0 : i32
      %dma_start3A_454 = arith.constant 0 : i32
      %dma_start3A_455 = tpu.memref_slice %arg2[%dma_start3A_453, %dma_start3A_454] : memref<10000x32xf32, #tpu.memory_space<hbm>> -> memref<10000x32xf32, #tpu.memory_space<hbm>>
      tpu.enqueue_indirect_dma source(%dma_start3A_455 : memref<10000x32xf32, #tpu.memory_space<hbm>>) target(%arg13 : memref<125x32xf32, #tpu.memory_space<vmem>>) offsets(%dma_start3A_452 : memref<125xi32, #tpu.memory_space<vmem>>) semaphore(%arg23 : memref<!tpu.dma_semaphore, #tpu.memory_space<semaphore_mem>>)
      %dma_wait3A_456 = arith.constant 0 : i32
      %dma_wait3A_457 = arith.constant 0 : i32
      %dma_wait3A_458 = tpu.memref_slice %arg2[%dma_wait3A_456, %dma_wait3A_457] : memref<10000x32xf32, #tpu.memory_space<hbm>> -> memref<125x32xf32, #tpu.memory_space<hbm>>
      %dma_wait3A_459 = arith.constant 0 : i32
      %dma_wait3A_460 = arith.constant 0 : i32
      %dma_wait3A_461 = tpu.memref_slice %arg2[%dma_wait3A_459, %dma_wait3A_460] : memref<10000x32xf32, #tpu.memory_space<hbm>> -> memref<125x32xf32, #tpu.memory_space<hbm>>
      tpu.wait_dma2 semaphore(%arg28 : memref<!tpu.dma_semaphore, #tpu.memory_space<semaphore_mem>>) src(%dma_wait3A_461 : memref<125x32xf32, #tpu.memory_space<hbm>>) dst(%arg14 : memref<125x32xf32, #tpu.memory_space<vmem>>)
      %add3A_462 = arith.constant 4 : i32
      %add3A_463 = arith.addi %mul3A_171, %add3A_462 : i32
      %add3A_464 = arith.constant 3 : i32
      %add3A_465 = arith.addi %add3A_463, %add3A_464 : i32
      %jit3A_466 = arith.constant 1 : i32
      %div3A_467 = arith.divsi %add3A_465, %jit3A_466 : i32
      %sign3A_468 = arith.constant 0 : i32
      %sign3A_469 = arith.cmpi sgt, %add3A_465, %sign3A_468 : i32
      %sign3A_470 = arith.extui %sign3A_469 : i1 to i32
      %sign3A_471 = arith.constant 0 : i32
      %sign3A_472 = arith.cmpi slt, %add3A_465, %sign3A_471 : i32
      %sign3A_473 = arith.extui %sign3A_472 : i1 to i32
      %sign3A_474 = arith.subi %sign3A_470, %sign3A_473 : i32
      %sign3A_475 = arith.constant 0 : i32
      %sign3A_476 = arith.cmpi sgt, %jit3A_466, %sign3A_475 : i32
      %sign3A_477 = arith.extui %sign3A_476 : i1 to i32
      %sign3A_478 = arith.constant 0 : i32
      %sign3A_479 = arith.cmpi slt, %jit3A_466, %sign3A_478 : i32
      %sign3A_480 = arith.extui %sign3A_479 : i1 to i32
      %sign3A_481 = arith.subi %sign3A_477, %sign3A_480 : i32
      %ne3A_482 = arith.cmpi ne, %sign3A_474, %sign3A_481 : i32
      %rem3A_483 = arith.remsi %add3A_465, %jit3A_466 : i32
      %ne3A_484 = arith.constant 0 : i32
      %ne3A_485 = arith.cmpi ne, %rem3A_483, %ne3A_484 : i32
      %and3A_486 = arith.andi %ne3A_482, %ne3A_485 : i1
      %sub3A_487 = arith.constant 1 : i32
      %sub3A_488 = arith.subi %div3A_467, %sub3A_487 : i32
      %select_n3A_489 = arith.select %and3A_486, %sub3A_488, %div3A_467 : i32
      %dma_start3A_490 = arith.constant 0 : i32
      %dma_start3A_491 = tpu.memref_slice %arg9[%select_n3A_489, %dma_start3A_490] : memref<80x125xi32, #tpu.memory_space<vmem>> -> memref<1x125xi32, #tpu.memory_space<vmem>>
      %dma_start3A_492 = tpu.memref_squeeze %dma_start3A_491 : memref<1x125xi32, #tpu.memory_space<vmem>> -> memref<125xi32, #tpu.memory_space<vmem>>
      %dma_start3A_493 = arith.constant 0 : i32
      %dma_start3A_494 = arith.constant 0 : i32
      %dma_start3A_495 = tpu.memref_slice %arg2[%dma_start3A_493, %dma_start3A_494] : memref<10000x32xf32, #tpu.memory_space<hbm>> -> memref<10000x32xf32, #tpu.memory_space<hbm>>
      tpu.enqueue_indirect_dma source(%dma_start3A_495 : memref<10000x32xf32, #tpu.memory_space<hbm>>) target(%arg14 : memref<125x32xf32, #tpu.memory_space<vmem>>) offsets(%dma_start3A_492 : memref<125xi32, #tpu.memory_space<vmem>>) semaphore(%arg24 : memref<!tpu.dma_semaphore, #tpu.memory_space<semaphore_mem>>)
    }
    %scan3A_58 = arith.constant 19 : i32
    %dma_wait3A = arith.constant 0 : i32
    %dma_wait3A_59 = arith.constant 0 : i32
    %dma_wait3A_60 = tpu.memref_slice %arg2[%dma_wait3A, %dma_wait3A_59] : memref<10000x32xf32, #tpu.memory_space<hbm>> -> memref<125x32xf32, #tpu.memory_space<hbm>>
    %dma_wait3A_61 = arith.constant 0 : i32
    %dma_wait3A_62 = arith.constant 0 : i32
    %dma_wait3A_63 = tpu.memref_slice %arg2[%dma_wait3A_61, %dma_wait3A_62] : memref<10000x32xf32, #tpu.memory_space<hbm>> -> memref<125x32xf32, #tpu.memory_space<hbm>>
    tpu.wait_dma2 semaphore(%arg21 : memref<!tpu.dma_semaphore, #tpu.memory_space<semaphore_mem>>) src(%dma_wait3A_63 : memref<125x32xf32, #tpu.memory_space<hbm>>) dst(%arg11 : memref<125x32xf32, #tpu.memory_space<vmem>>)
    %dma_start3A_64 = arith.constant 0 : i32
    %dma_start3A_65 = arith.constant 76 : i32
    %dma_start3A_66 = arith.constant 0 : i32
    %dma_start3A_67 = arith.constant 0 : i32
    %dma_start3A_68 = tpu.memref_slice %arg10[%dma_start3A_64, %dma_start3A_66, %dma_start3A_67] : memref<1x80x125xi32, #tpu.memory_space<vmem>> -> memref<1x80x125xi32, #tpu.memory_space<vmem>>
    %dma_start3A_69 = tpu.memref_squeeze %dma_start3A_68 : memref<1x80x125xi32, #tpu.memory_space<vmem>> -> memref<80x125xi32, #tpu.memory_space<vmem>>
    %dma_start3A_70 = arith.constant 0 : i32
    %dma_start3A_71 = tpu.memref_slice %dma_start3A_69[%dma_start3A_65, %dma_start3A_70] : memref<80x125xi32, #tpu.memory_space<vmem>> -> memref<1x125xi32, #tpu.memory_space<vmem>>
    %dma_start3A_72 = tpu.memref_squeeze %dma_start3A_71 : memref<1x125xi32, #tpu.memory_space<vmem>> -> memref<125xi32, #tpu.memory_space<vmem>>
    %dma_start3A_73 = arith.constant 0 : i32
    %dma_start3A_74 = arith.constant 0 : i32
    %dma_start3A_75 = tpu.memref_slice %arg20[%dma_start3A_73, %dma_start3A_74] : memref<10000x32xf32, #tpu.memory_space<vmem_shared>> -> memref<10000x32xf32, #tpu.memory_space<vmem_shared>>
    tpu.enqueue_indirect_dma source(%arg11 : memref<125x32xf32, #tpu.memory_space<vmem>>) target(%dma_start3A_75 : memref<10000x32xf32, #tpu.memory_space<vmem_shared>>) offsets(%dma_start3A_72 : memref<125xi32, #tpu.memory_space<vmem>>) semaphore(%arg25 : memref<!tpu.dma_semaphore, #tpu.memory_space<semaphore_mem>>) {add = true}
    %dma_wait3A_76 = arith.constant 0 : i32
    %dma_wait3A_77 = arith.constant 0 : i32
    %dma_wait3A_78 = tpu.memref_slice %arg2[%dma_wait3A_76, %dma_wait3A_77] : memref<10000x32xf32, #tpu.memory_space<hbm>> -> memref<125x32xf32, #tpu.memory_space<hbm>>
    %dma_wait3A_79 = arith.constant 0 : i32
    %dma_wait3A_80 = arith.constant 0 : i32
    %dma_wait3A_81 = tpu.memref_slice %arg2[%dma_wait3A_79, %dma_wait3A_80] : memref<10000x32xf32, #tpu.memory_space<hbm>> -> memref<125x32xf32, #tpu.memory_space<hbm>>
    tpu.wait_dma2 semaphore(%arg22 : memref<!tpu.dma_semaphore, #tpu.memory_space<semaphore_mem>>) src(%dma_wait3A_81 : memref<125x32xf32, #tpu.memory_space<hbm>>) dst(%arg12 : memref<125x32xf32, #tpu.memory_space<vmem>>)
    %dma_start3A_82 = arith.constant 0 : i32
    %dma_start3A_83 = arith.constant 77 : i32
    %dma_start3A_84 = arith.constant 0 : i32
    %dma_start3A_85 = arith.constant 0 : i32
    %dma_start3A_86 = tpu.memref_slice %arg10[%dma_start3A_82, %dma_start3A_84, %dma_start3A_85] : memref<1x80x125xi32, #tpu.memory_space<vmem>> -> memref<1x80x125xi32, #tpu.memory_space<vmem>>
    %dma_start3A_87 = tpu.memref_squeeze %dma_start3A_86 : memref<1x80x125xi32, #tpu.memory_space<vmem>> -> memref<80x125xi32, #tpu.memory_space<vmem>>
    %dma_start3A_88 = arith.constant 0 : i32
    %dma_start3A_89 = tpu.memref_slice %dma_start3A_87[%dma_start3A_83, %dma_start3A_88] : memref<80x125xi32, #tpu.memory_space<vmem>> -> memref<1x125xi32, #tpu.memory_space<vmem>>
    %dma_start3A_90 = tpu.memref_squeeze %dma_start3A_89 : memref<1x125xi32, #tpu.memory_space<vmem>> -> memref<125xi32, #tpu.memory_space<vmem>>
    %dma_start3A_91 = arith.constant 0 : i32
    %dma_start3A_92 = arith.constant 0 : i32
    %dma_start3A_93 = tpu.memref_slice %arg20[%dma_start3A_91, %dma_start3A_92] : memref<10000x32xf32, #tpu.memory_space<vmem_shared>> -> memref<10000x32xf32, #tpu.memory_space<vmem_shared>>
    tpu.enqueue_indirect_dma source(%arg12 : memref<125x32xf32, #tpu.memory_space<vmem>>) target(%dma_start3A_93 : memref<10000x32xf32, #tpu.memory_space<vmem_shared>>) offsets(%dma_start3A_90 : memref<125xi32, #tpu.memory_space<vmem>>) semaphore(%arg26 : memref<!tpu.dma_semaphore, #tpu.memory_space<semaphore_mem>>) {add = true}
    %dma_wait3A_94 = arith.constant 0 : i32
    %dma_wait3A_95 = arith.constant 0 : i32
    %dma_wait3A_96 = tpu.memref_slice %arg2[%dma_wait3A_94, %dma_wait3A_95] : memref<10000x32xf32, #tpu.memory_space<hbm>> -> memref<125x32xf32, #tpu.memory_space<hbm>>
    %dma_wait3A_97 = arith.constant 0 : i32
    %dma_wait3A_98 = arith.constant 0 : i32
    %dma_wait3A_99 = tpu.memref_slice %arg2[%dma_wait3A_97, %dma_wait3A_98] : memref<10000x32xf32, #tpu.memory_space<hbm>> -> memref<125x32xf32, #tpu.memory_space<hbm>>
    tpu.wait_dma2 semaphore(%arg23 : memref<!tpu.dma_semaphore, #tpu.memory_space<semaphore_mem>>) src(%dma_wait3A_99 : memref<125x32xf32, #tpu.memory_space<hbm>>) dst(%arg13 : memref<125x32xf32, #tpu.memory_space<vmem>>)
    %dma_start3A_100 = arith.constant 0 : i32
    %dma_start3A_101 = arith.constant 78 : i32
    %dma_start3A_102 = arith.constant 0 : i32
    %dma_start3A_103 = arith.constant 0 : i32
    %dma_start3A_104 = tpu.memref_slice %arg10[%dma_start3A_100, %dma_start3A_102, %dma_start3A_103] : memref<1x80x125xi32, #tpu.memory_space<vmem>> -> memref<1x80x125xi32, #tpu.memory_space<vmem>>
    %dma_start3A_105 = tpu.memref_squeeze %dma_start3A_104 : memref<1x80x125xi32, #tpu.memory_space<vmem>> -> memref<80x125xi32, #tpu.memory_space<vmem>>
    %dma_start3A_106 = arith.constant 0 : i32
    %dma_start3A_107 = tpu.memref_slice %dma_start3A_105[%dma_start3A_101, %dma_start3A_106] : memref<80x125xi32, #tpu.memory_space<vmem>> -> memref<1x125xi32, #tpu.memory_space<vmem>>
    %dma_start3A_108 = tpu.memref_squeeze %dma_start3A_107 : memref<1x125xi32, #tpu.memory_space<vmem>> -> memref<125xi32, #tpu.memory_space<vmem>>
    %dma_start3A_109 = arith.constant 0 : i32
    %dma_start3A_110 = arith.constant 0 : i32
    %dma_start3A_111 = tpu.memref_slice %arg20[%dma_start3A_109, %dma_start3A_110] : memref<10000x32xf32, #tpu.memory_space<vmem_shared>> -> memref<10000x32xf32, #tpu.memory_space<vmem_shared>>
    tpu.enqueue_indirect_dma source(%arg13 : memref<125x32xf32, #tpu.memory_space<vmem>>) target(%dma_start3A_111 : memref<10000x32xf32, #tpu.memory_space<vmem_shared>>) offsets(%dma_start3A_108 : memref<125xi32, #tpu.memory_space<vmem>>) semaphore(%arg27 : memref<!tpu.dma_semaphore, #tpu.memory_space<semaphore_mem>>) {add = true}
    %dma_wait3A_112 = arith.constant 0 : i32
    %dma_wait3A_113 = arith.constant 0 : i32
    %dma_wait3A_114 = tpu.memref_slice %arg2[%dma_wait3A_112, %dma_wait3A_113] : memref<10000x32xf32, #tpu.memory_space<hbm>> -> memref<125x32xf32, #tpu.memory_space<hbm>>
    %dma_wait3A_115 = arith.constant 0 : i32
    %dma_wait3A_116 = arith.constant 0 : i32
    %dma_wait3A_117 = tpu.memref_slice %arg2[%dma_wait3A_115, %dma_wait3A_116] : memref<10000x32xf32, #tpu.memory_space<hbm>> -> memref<125x32xf32, #tpu.memory_space<hbm>>
    tpu.wait_dma2 semaphore(%arg24 : memref<!tpu.dma_semaphore, #tpu.memory_space<semaphore_mem>>) src(%dma_wait3A_117 : memref<125x32xf32, #tpu.memory_space<hbm>>) dst(%arg14 : memref<125x32xf32, #tpu.memory_space<vmem>>)
    %dma_start3A_118 = arith.constant 0 : i32
    %dma_start3A_119 = arith.constant 79 : i32
    %dma_start3A_120 = arith.constant 0 : i32
    %dma_start3A_121 = arith.constant 0 : i32
    %dma_start3A_122 = tpu.memref_slice %arg10[%dma_start3A_118, %dma_start3A_120, %dma_start3A_121] : memref<1x80x125xi32, #tpu.memory_space<vmem>> -> memref<1x80x125xi32, #tpu.memory_space<vmem>>
    %dma_start3A_123 = tpu.memref_squeeze %dma_start3A_122 : memref<1x80x125xi32, #tpu.memory_space<vmem>> -> memref<80x125xi32, #tpu.memory_space<vmem>>
    %dma_start3A_124 = arith.constant 0 : i32
    %dma_start3A_125 = tpu.memref_slice %dma_start3A_123[%dma_start3A_119, %dma_start3A_124] : memref<80x125xi32, #tpu.memory_space<vmem>> -> memref<1x125xi32, #tpu.memory_space<vmem>>
    %dma_start3A_126 = tpu.memref_squeeze %dma_start3A_125 : memref<1x125xi32, #tpu.memory_space<vmem>> -> memref<125xi32, #tpu.memory_space<vmem>>
    %dma_start3A_127 = arith.constant 0 : i32
    %dma_start3A_128 = arith.constant 0 : i32
    %dma_start3A_129 = tpu.memref_slice %arg20[%dma_start3A_127, %dma_start3A_128] : memref<10000x32xf32, #tpu.memory_space<vmem_shared>> -> memref<10000x32xf32, #tpu.memory_space<vmem_shared>>
    tpu.enqueue_indirect_dma source(%arg14 : memref<125x32xf32, #tpu.memory_space<vmem>>) target(%dma_start3A_129 : memref<10000x32xf32, #tpu.memory_space<vmem_shared>>) offsets(%dma_start3A_126 : memref<125xi32, #tpu.memory_space<vmem>>) semaphore(%arg28 : memref<!tpu.dma_semaphore, #tpu.memory_space<semaphore_mem>>) {add = true}
    %dma_wait3A_130 = arith.constant 0 : i32
    %dma_wait3A_131 = arith.constant 0 : i32
    %dma_wait3A_132 = tpu.memref_slice %arg2[%dma_wait3A_130, %dma_wait3A_131] : memref<10000x32xf32, #tpu.memory_space<hbm>> -> memref<125x32xf32, #tpu.memory_space<hbm>>
    %dma_wait3A_133 = arith.constant 0 : i32
    %dma_wait3A_134 = arith.constant 0 : i32
    %dma_wait3A_135 = tpu.memref_slice %arg2[%dma_wait3A_133, %dma_wait3A_134] : memref<10000x32xf32, #tpu.memory_space<hbm>> -> memref<125x32xf32, #tpu.memory_space<hbm>>
    tpu.wait_dma2 semaphore(%arg25 : memref<!tpu.dma_semaphore, #tpu.memory_space<semaphore_mem>>) src(%dma_wait3A_135 : memref<125x32xf32, #tpu.memory_space<hbm>>) dst(%arg11 : memref<125x32xf32, #tpu.memory_space<vmem>>)
    %dma_wait3A_136 = arith.constant 0 : i32
    %dma_wait3A_137 = arith.constant 0 : i32
    %dma_wait3A_138 = tpu.memref_slice %arg2[%dma_wait3A_136, %dma_wait3A_137] : memref<10000x32xf32, #tpu.memory_space<hbm>> -> memref<125x32xf32, #tpu.memory_space<hbm>>
    %dma_wait3A_139 = arith.constant 0 : i32
    %dma_wait3A_140 = arith.constant 0 : i32
    %dma_wait3A_141 = tpu.memref_slice %arg2[%dma_wait3A_139, %dma_wait3A_140] : memref<10000x32xf32, #tpu.memory_space<hbm>> -> memref<125x32xf32, #tpu.memory_space<hbm>>
    tpu.wait_dma2 semaphore(%arg26 : memref<!tpu.dma_semaphore, #tpu.memory_space<semaphore_mem>>) src(%dma_wait3A_141 : memref<125x32xf32, #tpu.memory_space<hbm>>) dst(%arg12 : memref<125x32xf32, #tpu.memory_space<vmem>>)
    %dma_wait3A_142 = arith.constant 0 : i32
    %dma_wait3A_143 = arith.constant 0 : i32
    %dma_wait3A_144 = tpu.memref_slice %arg2[%dma_wait3A_142, %dma_wait3A_143] : memref<10000x32xf32, #tpu.memory_space<hbm>> -> memref<125x32xf32, #tpu.memory_space<hbm>>
    %dma_wait3A_145 = arith.constant 0 : i32
    %dma_wait3A_146 = arith.constant 0 : i32
    %dma_wait3A_147 = tpu.memref_slice %arg2[%dma_wait3A_145, %dma_wait3A_146] : memref<10000x32xf32, #tpu.memory_space<hbm>> -> memref<125x32xf32, #tpu.memory_space<hbm>>
    tpu.wait_dma2 semaphore(%arg27 : memref<!tpu.dma_semaphore, #tpu.memory_space<semaphore_mem>>) src(%dma_wait3A_147 : memref<125x32xf32, #tpu.memory_space<hbm>>) dst(%arg13 : memref<125x32xf32, #tpu.memory_space<vmem>>)
    %dma_wait3A_148 = arith.constant 0 : i32
    %dma_wait3A_149 = arith.constant 0 : i32
    %dma_wait3A_150 = tpu.memref_slice %arg2[%dma_wait3A_148, %dma_wait3A_149] : memref<10000x32xf32, #tpu.memory_space<hbm>> -> memref<125x32xf32, #tpu.memory_space<hbm>>
    %dma_wait3A_151 = arith.constant 0 : i32
    %dma_wait3A_152 = arith.constant 0 : i32
    %dma_wait3A_153 = tpu.memref_slice %arg2[%dma_wait3A_151, %dma_wait3A_152] : memref<10000x32xf32, #tpu.memory_space<hbm>> -> memref<125x32xf32, #tpu.memory_space<hbm>>
    tpu.wait_dma2 semaphore(%arg28 : memref<!tpu.dma_semaphore, #tpu.memory_space<semaphore_mem>>) src(%dma_wait3A_153 : memref<125x32xf32, #tpu.memory_space<hbm>>) dst(%arg14 : memref<125x32xf32, #tpu.memory_space<vmem>>)
    %barrier3A_154 = arith.constant 0 : index
    tpu.barrier barrier_id(%barrier3A_154)
    "tpu.region"() ({
      %run_scoped3A = tpu.sem_alloc : memref<!tpu.dma_semaphore, #tpu.memory_space<semaphore_mem>>
      %dma_start3A_165 = arith.constant 0 : i32
      %dma_start3A_166 = arith.constant 0 : i32
      %dma_start3A_167 = tpu.memref_slice %arg17[%dma_start3A_165, %dma_start3A_166] : memref<624x32xf32, #tpu.memory_space<vmem>> -> memref<624x32xf32, #tpu.memory_space<vmem>>
      %dma_start3A_168 = arith.constant 0 : i32
      %dma_start3A_169 = tpu.memref_slice %arg20[%mul3A_0, %dma_start3A_168] : memref<10000x32xf32, #tpu.memory_space<vmem_shared>> -> memref<624x32xf32, #tpu.memory_space<vmem_shared>>
      %dma_start3A_170 = arith.constant 0 : i32
      %dma_start3A_171 = arith.constant 0 : i32
      %dma_start3A_172 = tpu.memref_slice %arg17[%dma_start3A_170, %dma_start3A_171] : memref<624x32xf32, #tpu.memory_space<vmem>> -> memref<624x32xf32, #tpu.memory_space<vmem>>
      %dma_start3A_173 = arith.constant 0 : i32
      %dma_start3A_174 = tpu.memref_slice %arg20[%mul3A_0, %dma_start3A_173] : memref<10000x32xf32, #tpu.memory_space<vmem_shared>> -> memref<624x32xf32, #tpu.memory_space<vmem_shared>>
      tpu.enqueue_dma source(%dma_start3A_174 : memref<624x32xf32, #tpu.memory_space<vmem_shared>>) target(%dma_start3A_172 : memref<624x32xf32, #tpu.memory_space<vmem>>) target_semaphore(%run_scoped3A : memref<!tpu.dma_semaphore, #tpu.memory_space<semaphore_mem>>)
      %dma_wait3A_175 = arith.constant 0 : i32
      %dma_wait3A_176 = arith.constant 0 : i32
      %dma_wait3A_177 = tpu.memref_slice %arg17[%dma_wait3A_175, %dma_wait3A_176] : memref<624x32xf32, #tpu.memory_space<vmem>> -> memref<624x32xf32, #tpu.memory_space<vmem>>
      %dma_wait3A_178 = arith.constant 0 : i32
      %dma_wait3A_179 = tpu.memref_slice %arg20[%mul3A_0, %dma_wait3A_178] : memref<10000x32xf32, #tpu.memory_space<vmem_shared>> -> memref<624x32xf32, #tpu.memory_space<vmem_shared>>
      %dma_wait3A_180 = arith.constant 0 : i32
      %dma_wait3A_181 = arith.constant 0 : i32
      %dma_wait3A_182 = tpu.memref_slice %arg17[%dma_wait3A_180, %dma_wait3A_181] : memref<624x32xf32, #tpu.memory_space<vmem>> -> memref<624x32xf32, #tpu.memory_space<vmem>>
      %dma_wait3A_183 = arith.constant 0 : i32
      %dma_wait3A_184 = tpu.memref_slice %arg20[%mul3A_0, %dma_wait3A_183] : memref<10000x32xf32, #tpu.memory_space<vmem_shared>> -> memref<624x32xf32, #tpu.memory_space<vmem_shared>>
      tpu.wait_dma2 semaphore(%run_scoped3A : memref<!tpu.dma_semaphore, #tpu.memory_space<semaphore_mem>>) src(%dma_wait3A_184 : memref<624x32xf32, #tpu.memory_space<vmem_shared>>) dst(%dma_wait3A_182 : memref<624x32xf32, #tpu.memory_space<vmem>>)
      tpu.yield
    }) : () -> ()
    %scan3A_155 = arith.constant 0 : i32
    %scan3A_156 = arith.constant 39 : i32
    %scan3A_157 = arith.addi %scan3A_155, %scan3A_156 : i32
    %scan3A_158 = arith.constant 1 : i32
    scf.for %scan3A_165 = %scan3A_155 to %scan3A_157 step %scan3A_158  : i32 {
      %mul3A_166 = arith.constant 1 : i32
      %mul3A_167 = arith.muli %scan3A_165, %mul3A_166 : i32
      %add3A_168 = arith.constant 0 : i32
      %add3A_169 = arith.addi %add3A_168, %mul3A_167 : i32
      %scan3A_170 = arith.constant 0 : i32
      %scan3A_171 = arith.constant 16 : i32
      %scan3A_172 = arith.addi %scan3A_170, %scan3A_171 : i32
      %scan3A_173 = arith.constant 1 : i32
      scf.for %scan3A_175 = %scan3A_170 to %scan3A_172 step %scan3A_173  : i32 {
        %mul3A_176 = arith.constant 1 : i32
        %mul3A_177 = arith.muli %scan3A_175, %mul3A_176 : i32
        %add3A_178 = arith.constant 0 : i32
        %add3A_179 = arith.addi %add3A_178, %mul3A_177 : i32
        %add3A_180 = arith.constant 0 : i32
        %add3A_181 = arith.addi %add3A_180, %add3A_169 : i32
        %broadcast_in_dim3A_182 = vector.broadcast %add3A_181 : i32 to vector<16xi32>
        %broadcast_in_dim3A_183 = vector.broadcast %add3A_179 : i32 to vector<16xi32>
        %gather3A = tpu.vector_load_idx %arg19[%broadcast_in_dim3A_182, %broadcast_in_dim3A_183] : memref<40x16xf32, #tpu.memory_space<vmem>>[vector<16xi32>, vector<16xi32>], vector<16xf32>,
        %mul3A_184 = arith.constant 16 : i32
        %mul3A_185 = arith.muli %add3A_169, %mul3A_184 : i32
        %add3A_186 = arith.addi %mul3A_185, %add3A_179 : i32
        %get3A = arith.index_cast %add3A_186 : i32 to index
        %get3A_187 = arith.constant 0 : index
        %get3A_188 = tpu.vector_load %arg17[%get3A, %get3A_187] {strides = array<i32>} : memref<624x32xf32, #tpu.memory_space<vmem>>, vector<16xf32>,
        %mul3A_189 = arith.mulf %get3A_188, %gather3A : vector<16xf32>
        %swap3A = arith.index_cast %add3A_186 : i32 to index
        %swap3A_190 = arith.constant 0 : index
        %swap3A_191 = tpu.vector_load %arg17[%swap3A, %swap3A_190] {strides = array<i32>} : memref<624x32xf32, #tpu.memory_space<vmem>>, vector<16xf32>,
        tpu.vector_store %arg17[%swap3A, %swap3A_190], %mul3A_189 {strides = array<i32>} : memref<624x32xf32, #tpu.memory_space<vmem>>, vector<16xf32>,
        %get3A_192 = arith.index_cast %add3A_186 : i32 to index
        %get3A_193 = arith.constant 16 : index
        %get3A_194 = tpu.vector_load %arg17[%get3A_192, %get3A_193] {strides = array<i32>} : memref<624x32xf32, #tpu.memory_space<vmem>>, vector<16xf32>,
        %mul3A_195 = arith.mulf %get3A_194, %gather3A : vector<16xf32>
        %swap3A_196 = arith.index_cast %add3A_186 : i32 to index
        %swap3A_197 = arith.constant 16 : index
        %swap3A_198 = tpu.vector_load %arg17[%swap3A_196, %swap3A_197] {strides = array<i32>} : memref<624x32xf32, #tpu.memory_space<vmem>>, vector<16xf32>,
        tpu.vector_store %arg17[%swap3A_196, %swap3A_197], %mul3A_195 {strides = array<i32>} : memref<624x32xf32, #tpu.memory_space<vmem>>, vector<16xf32>,
      }
      %scan3A_174 = arith.constant 16 : i32
    }
    %scan3A_159 = arith.constant 39 : i32
    "tpu.region"() ({
      %run_scoped3A = tpu.sem_alloc : memref<!tpu.dma_semaphore, #tpu.memory_space<semaphore_mem>>
      %dma_start3A_165 = arith.constant 0 : i32
      %dma_start3A_166 = arith.constant 0 : i32
      %dma_start3A_167 = tpu.memref_slice %arg8[%arg0, %dma_start3A_165, %dma_start3A_166] : memref<2x10000x32xf32, #tpu.memory_space<hbm>> -> memref<1x10000x32xf32, #tpu.memory_space<hbm>>
      %dma_start3A_168 = tpu.memref_squeeze %dma_start3A_167 : memref<1x10000x32xf32, #tpu.memory_space<hbm>> -> memref<10000x32xf32, #tpu.memory_space<hbm>>
      %dma_start3A_169 = arith.constant 0 : i32
      %dma_start3A_170 = tpu.memref_slice %dma_start3A_168[%mul3A_0, %dma_start3A_169] : memref<10000x32xf32, #tpu.memory_space<hbm>> -> memref<624x32xf32, #tpu.memory_space<hbm>>
      %dma_start3A_171 = arith.constant 0 : i32
      %dma_start3A_172 = arith.constant 0 : i32
      %dma_start3A_173 = tpu.memref_slice %arg8[%arg0, %dma_start3A_171, %dma_start3A_172] : memref<2x10000x32xf32, #tpu.memory_space<hbm>> -> memref<1x10000x32xf32, #tpu.memory_space<hbm>>
      %dma_start3A_174 = tpu.memref_squeeze %dma_start3A_173 : memref<1x10000x32xf32, #tpu.memory_space<hbm>> -> memref<10000x32xf32, #tpu.memory_space<hbm>>
      %dma_start3A_175 = arith.constant 0 : i32
      %dma_start3A_176 = tpu.memref_slice %dma_start3A_174[%mul3A_0, %dma_start3A_175] : memref<10000x32xf32, #tpu.memory_space<hbm>> -> memref<624x32xf32, #tpu.memory_space<hbm>>
      tpu.enqueue_dma source(%arg17 : memref<624x32xf32, #tpu.memory_space<vmem>>) target(%dma_start3A_176 : memref<624x32xf32, #tpu.memory_space<hbm>>) target_semaphore(%run_scoped3A : memref<!tpu.dma_semaphore, #tpu.memory_space<semaphore_mem>>)
      %dma_wait3A_177 = arith.constant 0 : i32
      %dma_wait3A_178 = arith.constant 0 : i32
      %dma_wait3A_179 = tpu.memref_slice %arg8[%arg0, %dma_wait3A_177, %dma_wait3A_178] : memref<2x10000x32xf32, #tpu.memory_space<hbm>> -> memref<1x10000x32xf32, #tpu.memory_space<hbm>>
      %dma_wait3A_180 = tpu.memref_squeeze %dma_wait3A_179 : memref<1x10000x32xf32, #tpu.memory_space<hbm>> -> memref<10000x32xf32, #tpu.memory_space<hbm>>
      %dma_wait3A_181 = arith.constant 0 : i32
      %dma_wait3A_182 = tpu.memref_slice %dma_wait3A_180[%mul3A_0, %dma_wait3A_181] : memref<10000x32xf32, #tpu.memory_space<hbm>> -> memref<624x32xf32, #tpu.memory_space<hbm>>
      %dma_wait3A_183 = arith.constant 0 : i32
      %dma_wait3A_184 = arith.constant 0 : i32
      %dma_wait3A_185 = tpu.memref_slice %arg8[%arg0, %dma_wait3A_183, %dma_wait3A_184] : memref<2x10000x32xf32, #tpu.memory_space<hbm>> -> memref<1x10000x32xf32, #tpu.memory_space<hbm>>
      %dma_wait3A_186 = tpu.memref_squeeze %dma_wait3A_185 : memref<1x10000x32xf32, #tpu.memory_space<hbm>> -> memref<10000x32xf32, #tpu.memory_space<hbm>>
      %dma_wait3A_187 = arith.constant 0 : i32
      %dma_wait3A_188 = tpu.memref_slice %dma_wait3A_186[%mul3A_0, %dma_wait3A_187] : memref<10000x32xf32, #tpu.memory_space<hbm>> -> memref<624x32xf32, #tpu.memory_space<hbm>>
      tpu.wait_dma2 semaphore(%run_scoped3A : memref<!tpu.dma_semaphore, #tpu.memory_space<semaphore_mem>>) src(%arg17 : memref<624x32xf32, #tpu.memory_space<vmem>>) dst(%dma_wait3A_188 : memref<624x32xf32, #tpu.memory_space<hbm>>)
      tpu.yield
    }) : () -> ()
    %eq3A_160 = arith.constant 0 : i32
    %eq3A_161 = arith.cmpi eq, %arg1, %eq3A_160 : i32
    %convert_element_type3A_162 = arith.extui %eq3A_161 : i1 to i32
    %cond3A_163 = arith.constant 0 : i32
    %cond3A_164 = arith.cmpi ne, %convert_element_type3A_162, %cond3A_163 : i32
    scf.if %cond3A_164 {
      "tpu.region"() ({
        %run_scoped3A = tpu.sem_alloc : memref<!tpu.dma_semaphore, #tpu.memory_space<semaphore_mem>>
        %dma_start3A_176 = arith.constant 39 : i32
        %dma_start3A_177 = arith.constant 0 : i32
        %dma_start3A_178 = tpu.memref_slice %arg19[%dma_start3A_176, %dma_start3A_177] : memref<40x16xf32, #tpu.memory_space<vmem>> -> memref<1x16xf32, #tpu.memory_space<vmem>>
        %dma_start3A_179 = arith.constant 0 : i32
        %dma_start3A_180 = arith.constant 0 : i32
        %dma_start3A_181 = tpu.memref_slice %arg7[%arg0, %dma_start3A_179, %dma_start3A_180] : memref<2x648x16xf32, #tpu.memory_space<hbm>> -> memref<1x648x16xf32, #tpu.memory_space<hbm>>
        %dma_start3A_182 = tpu.memref_squeeze %dma_start3A_181 : memref<1x648x16xf32, #tpu.memory_space<hbm>> -> memref<648x16xf32, #tpu.memory_space<hbm>>
        %dma_start3A_183 = arith.constant 640 : i32
        %dma_start3A_184 = arith.constant 0 : i32
        %dma_start3A_185 = tpu.memref_slice %dma_start3A_182[%dma_start3A_183, %dma_start3A_184] : memref<648x16xf32, #tpu.memory_space<hbm>> -> memref<1x16xf32, #tpu.memory_space<hbm>>
        %dma_start3A_186 = arith.constant 39 : i32
        %dma_start3A_187 = arith.constant 0 : i32
        %dma_start3A_188 = tpu.memref_slice %arg19[%dma_start3A_186, %dma_start3A_187] : memref<40x16xf32, #tpu.memory_space<vmem>> -> memref<1x16xf32, #tpu.memory_space<vmem>>
        %dma_start3A_189 = arith.constant 0 : i32
        %dma_start3A_190 = arith.constant 0 : i32
        %dma_start3A_191 = tpu.memref_slice %arg7[%arg0, %dma_start3A_189, %dma_start3A_190] : memref<2x648x16xf32, #tpu.memory_space<hbm>> -> memref<1x648x16xf32, #tpu.memory_space<hbm>>
        %dma_start3A_192 = tpu.memref_squeeze %dma_start3A_191 : memref<1x648x16xf32, #tpu.memory_space<hbm>> -> memref<648x16xf32, #tpu.memory_space<hbm>>
        %dma_start3A_193 = arith.constant 640 : i32
        %dma_start3A_194 = arith.constant 0 : i32
        %dma_start3A_195 = tpu.memref_slice %dma_start3A_192[%dma_start3A_193, %dma_start3A_194] : memref<648x16xf32, #tpu.memory_space<hbm>> -> memref<1x16xf32, #tpu.memory_space<hbm>>
        tpu.enqueue_dma source(%dma_start3A_195 : memref<1x16xf32, #tpu.memory_space<hbm>>) target(%dma_start3A_188 : memref<1x16xf32, #tpu.memory_space<vmem>>) target_semaphore(%run_scoped3A : memref<!tpu.dma_semaphore, #tpu.memory_space<semaphore_mem>>)
        %dma_wait3A_196 = arith.constant 39 : i32
        %dma_wait3A_197 = arith.constant 0 : i32
        %dma_wait3A_198 = tpu.memref_slice %arg19[%dma_wait3A_196, %dma_wait3A_197] : memref<40x16xf32, #tpu.memory_space<vmem>> -> memref<1x16xf32, #tpu.memory_space<vmem>>
        %dma_wait3A_199 = arith.constant 0 : i32
        %dma_wait3A_200 = arith.constant 0 : i32
        %dma_wait3A_201 = tpu.memref_slice %arg7[%arg0, %dma_wait3A_199, %dma_wait3A_200] : memref<2x648x16xf32, #tpu.memory_space<hbm>> -> memref<1x648x16xf32, #tpu.memory_space<hbm>>
        %dma_wait3A_202 = tpu.memref_squeeze %dma_wait3A_201 : memref<1x648x16xf32, #tpu.memory_space<hbm>> -> memref<648x16xf32, #tpu.memory_space<hbm>>
        %dma_wait3A_203 = arith.constant 640 : i32
        %dma_wait3A_204 = arith.constant 0 : i32
        %dma_wait3A_205 = tpu.memref_slice %dma_wait3A_202[%dma_wait3A_203, %dma_wait3A_204] : memref<648x16xf32, #tpu.memory_space<hbm>> -> memref<1x16xf32, #tpu.memory_space<hbm>>
        %dma_wait3A_206 = arith.constant 39 : i32
        %dma_wait3A_207 = arith.constant 0 : i32
        %dma_wait3A_208 = tpu.memref_slice %arg19[%dma_wait3A_206, %dma_wait3A_207] : memref<40x16xf32, #tpu.memory_space<vmem>> -> memref<1x16xf32, #tpu.memory_space<vmem>>
        %dma_wait3A_209 = arith.constant 0 : i32
        %dma_wait3A_210 = arith.constant 0 : i32
        %dma_wait3A_211 = tpu.memref_slice %arg7[%arg0, %dma_wait3A_209, %dma_wait3A_210] : memref<2x648x16xf32, #tpu.memory_space<hbm>> -> memref<1x648x16xf32, #tpu.memory_space<hbm>>
        %dma_wait3A_212 = tpu.memref_squeeze %dma_wait3A_211 : memref<1x648x16xf32, #tpu.memory_space<hbm>> -> memref<648x16xf32, #tpu.memory_space<hbm>>
        %dma_wait3A_213 = arith.constant 640 : i32
        %dma_wait3A_214 = arith.constant 0 : i32
        %dma_wait3A_215 = tpu.memref_slice %dma_wait3A_212[%dma_wait3A_213, %dma_wait3A_214] : memref<648x16xf32, #tpu.memory_space<hbm>> -> memref<1x16xf32, #tpu.memory_space<hbm>>
        tpu.wait_dma2 semaphore(%run_scoped3A : memref<!tpu.dma_semaphore, #tpu.memory_space<semaphore_mem>>) src(%dma_wait3A_215 : memref<1x16xf32, #tpu.memory_space<hbm>>) dst(%dma_wait3A_208 : memref<1x16xf32, #tpu.memory_space<vmem>>)
        tpu.yield
      }) : () -> ()
      "tpu.region"() ({
        %run_scoped3A = tpu.sem_alloc : memref<!tpu.dma_semaphore, #tpu.memory_space<semaphore_mem>>
        %dma_start3A_176 = arith.constant 0 : i32
        %dma_start3A_177 = arith.constant 0 : i32
        %dma_start3A_178 = tpu.memref_slice %arg17[%dma_start3A_176, %dma_start3A_177] : memref<624x32xf32, #tpu.memory_space<vmem>> -> memref<16x32xf32, #tpu.memory_space<vmem>>
        %dma_start3A_179 = arith.constant 9984 : i32
        %dma_start3A_180 = arith.constant 0 : i32
        %dma_start3A_181 = tpu.memref_slice %arg20[%dma_start3A_179, %dma_start3A_180] : memref<10000x32xf32, #tpu.memory_space<vmem_shared>> -> memref<16x32xf32, #tpu.memory_space<vmem_shared>>
        %dma_start3A_182 = arith.constant 0 : i32
        %dma_start3A_183 = arith.constant 0 : i32
        %dma_start3A_184 = tpu.memref_slice %arg17[%dma_start3A_182, %dma_start3A_183] : memref<624x32xf32, #tpu.memory_space<vmem>> -> memref<16x32xf32, #tpu.memory_space<vmem>>
        %dma_start3A_185 = arith.constant 9984 : i32
        %dma_start3A_186 = arith.constant 0 : i32
        %dma_start3A_187 = tpu.memref_slice %arg20[%dma_start3A_185, %dma_start3A_186] : memref<10000x32xf32, #tpu.memory_space<vmem_shared>> -> memref<16x32xf32, #tpu.memory_space<vmem_shared>>
        tpu.enqueue_dma source(%dma_start3A_187 : memref<16x32xf32, #tpu.memory_space<vmem_shared>>) target(%dma_start3A_184 : memref<16x32xf32, #tpu.memory_space<vmem>>) target_semaphore(%run_scoped3A : memref<!tpu.dma_semaphore, #tpu.memory_space<semaphore_mem>>)
        %dma_wait3A_188 = arith.constant 0 : i32
        %dma_wait3A_189 = arith.constant 0 : i32
        %dma_wait3A_190 = tpu.memref_slice %arg17[%dma_wait3A_188, %dma_wait3A_189] : memref<624x32xf32, #tpu.memory_space<vmem>> -> memref<16x32xf32, #tpu.memory_space<vmem>>
        %dma_wait3A_191 = arith.constant 9984 : i32
        %dma_wait3A_192 = arith.constant 0 : i32
        %dma_wait3A_193 = tpu.memref_slice %arg20[%dma_wait3A_191, %dma_wait3A_192] : memref<10000x32xf32, #tpu.memory_space<vmem_shared>> -> memref<16x32xf32, #tpu.memory_space<vmem_shared>>
        %dma_wait3A_194 = arith.constant 0 : i32
        %dma_wait3A_195 = arith.constant 0 : i32
        %dma_wait3A_196 = tpu.memref_slice %arg17[%dma_wait3A_194, %dma_wait3A_195] : memref<624x32xf32, #tpu.memory_space<vmem>> -> memref<16x32xf32, #tpu.memory_space<vmem>>
        %dma_wait3A_197 = arith.constant 9984 : i32
        %dma_wait3A_198 = arith.constant 0 : i32
        %dma_wait3A_199 = tpu.memref_slice %arg20[%dma_wait3A_197, %dma_wait3A_198] : memref<10000x32xf32, #tpu.memory_space<vmem_shared>> -> memref<16x32xf32, #tpu.memory_space<vmem_shared>>
        tpu.wait_dma2 semaphore(%run_scoped3A : memref<!tpu.dma_semaphore, #tpu.memory_space<semaphore_mem>>) src(%dma_wait3A_199 : memref<16x32xf32, #tpu.memory_space<vmem_shared>>) dst(%dma_wait3A_196 : memref<16x32xf32, #tpu.memory_space<vmem>>)
        tpu.yield
      }) : () -> ()
      %scan3A_165 = arith.constant 0 : i32
      %mul3A_166 = arith.constant 1 : i32
      %mul3A_167 = arith.muli %scan3A_165, %mul3A_166 : i32
      %add3A_168 = arith.constant 0 : i32
      %add3A_169 = arith.addi %add3A_168, %mul3A_167 : i32
      %scan3A_170 = arith.constant 0 : i32
      %scan3A_171 = arith.constant 16 : i32
      %scan3A_172 = arith.addi %scan3A_170, %scan3A_171 : i32
      %scan3A_173 = arith.constant 1 : i32
      scf.for %scan3A_176 = %scan3A_170 to %scan3A_172 step %scan3A_173  : i32 {
        %mul3A_177 = arith.constant 1 : i32
        %mul3A_178 = arith.muli %scan3A_176, %mul3A_177 : i32
        %add3A_179 = arith.constant 0 : i32
        %add3A_180 = arith.addi %add3A_179, %mul3A_178 : i32
        %add3A_181 = arith.constant 39 : i32
        %add3A_182 = arith.addi %add3A_181, %add3A_169 : i32
        %broadcast_in_dim3A_183 = vector.broadcast %add3A_182 : i32 to vector<16xi32>
        %broadcast_in_dim3A_184 = vector.broadcast %add3A_180 : i32 to vector<16xi32>
        %gather3A = tpu.vector_load_idx %arg19[%broadcast_in_dim3A_183, %broadcast_in_dim3A_184] : memref<40x16xf32, #tpu.memory_space<vmem>>[vector<16xi32>, vector<16xi32>], vector<16xf32>,
        %mul3A_185 = arith.constant 16 : i32
        %mul3A_186 = arith.muli %add3A_169, %mul3A_185 : i32
        %add3A_187 = arith.addi %mul3A_186, %add3A_180 : i32
        %get3A = arith.index_cast %add3A_187 : i32 to index
        %get3A_188 = arith.constant 0 : index
        %get3A_189 = tpu.vector_load %arg17[%get3A, %get3A_188] {strides = array<i32>} : memref<624x32xf32, #tpu.memory_space<vmem>>, vector<16xf32>,
        %mul3A_190 = arith.mulf %get3A_189, %gather3A : vector<16xf32>
        %swap3A = arith.index_cast %add3A_187 : i32 to index
        %swap3A_191 = arith.constant 0 : index
        %swap3A_192 = tpu.vector_load %arg17[%swap3A, %swap3A_191] {strides = array<i32>} : memref<624x32xf32, #tpu.memory_space<vmem>>, vector<16xf32>,
        tpu.vector_store %arg17[%swap3A, %swap3A_191], %mul3A_190 {strides = array<i32>} : memref<624x32xf32, #tpu.memory_space<vmem>>, vector<16xf32>,
        %get3A_193 = arith.index_cast %add3A_187 : i32 to index
        %get3A_194 = arith.constant 16 : index
        %get3A_195 = tpu.vector_load %arg17[%get3A_193, %get3A_194] {strides = array<i32>} : memref<624x32xf32, #tpu.memory_space<vmem>>, vector<16xf32>,
        %mul3A_196 = arith.mulf %get3A_195, %gather3A : vector<16xf32>
        %swap3A_197 = arith.index_cast %add3A_187 : i32 to index
        %swap3A_198 = arith.constant 16 : index
        %swap3A_199 = tpu.vector_load %arg17[%swap3A_197, %swap3A_198] {strides = array<i32>} : memref<624x32xf32, #tpu.memory_space<vmem>>, vector<16xf32>,
        tpu.vector_store %arg17[%swap3A_197, %swap3A_198], %mul3A_196 {strides = array<i32>} : memref<624x32xf32, #tpu.memory_space<vmem>>, vector<16xf32>,
      }
      %scan3A_174 = arith.constant 16 : i32
      %scan3A_175 = arith.constant 1 : i32
      "tpu.region"() ({
        %run_scoped3A = tpu.sem_alloc : memref<!tpu.dma_semaphore, #tpu.memory_space<semaphore_mem>>
        %dma_start3A_176 = arith.constant 0 : i32
        %dma_start3A_177 = arith.constant 0 : i32
        %dma_start3A_178 = tpu.memref_slice %arg17[%dma_start3A_176, %dma_start3A_177] : memref<624x32xf32, #tpu.memory_space<vmem>> -> memref<16x32xf32, #tpu.memory_space<vmem>>
        %dma_start3A_179 = arith.constant 0 : i32
        %dma_start3A_180 = arith.constant 0 : i32
        %dma_start3A_181 = tpu.memref_slice %arg8[%arg0, %dma_start3A_179, %dma_start3A_180] : memref<2x10000x32xf32, #tpu.memory_space<hbm>> -> memref<1x10000x32xf32, #tpu.memory_space<hbm>>
        %dma_start3A_182 = tpu.memref_squeeze %dma_start3A_181 : memref<1x10000x32xf32, #tpu.memory_space<hbm>> -> memref<10000x32xf32, #tpu.memory_space<hbm>>
        %dma_start3A_183 = arith.constant 9984 : i32
        %dma_start3A_184 = arith.constant 0 : i32
        %dma_start3A_185 = tpu.memref_slice %dma_start3A_182[%dma_start3A_183, %dma_start3A_184] : memref<10000x32xf32, #tpu.memory_space<hbm>> -> memref<16x32xf32, #tpu.memory_space<hbm>>
        %dma_start3A_186 = arith.constant 0 : i32
        %dma_start3A_187 = arith.constant 0 : i32
        %dma_start3A_188 = tpu.memref_slice %arg8[%arg0, %dma_start3A_186, %dma_start3A_187] : memref<2x10000x32xf32, #tpu.memory_space<hbm>> -> memref<1x10000x32xf32, #tpu.memory_space<hbm>>
        %dma_start3A_189 = tpu.memref_squeeze %dma_start3A_188 : memref<1x10000x32xf32, #tpu.memory_space<hbm>> -> memref<10000x32xf32, #tpu.memory_space<hbm>>
        %dma_start3A_190 = arith.constant 9984 : i32
        %dma_start3A_191 = arith.constant 0 : i32
        %dma_start3A_192 = tpu.memref_slice %dma_start3A_189[%dma_start3A_190, %dma_start3A_191] : memref<10000x32xf32, #tpu.memory_space<hbm>> -> memref<16x32xf32, #tpu.memory_space<hbm>>
        %dma_start3A_193 = arith.constant 0 : i32
        %dma_start3A_194 = arith.constant 0 : i32
        %dma_start3A_195 = tpu.memref_slice %arg17[%dma_start3A_193, %dma_start3A_194] : memref<624x32xf32, #tpu.memory_space<vmem>> -> memref<16x32xf32, #tpu.memory_space<vmem>>
        tpu.enqueue_dma source(%dma_start3A_195 : memref<16x32xf32, #tpu.memory_space<vmem>>) target(%dma_start3A_192 : memref<16x32xf32, #tpu.memory_space<hbm>>) target_semaphore(%run_scoped3A : memref<!tpu.dma_semaphore, #tpu.memory_space<semaphore_mem>>)
        %dma_wait3A_196 = arith.constant 0 : i32
        %dma_wait3A_197 = arith.constant 0 : i32
        %dma_wait3A_198 = tpu.memref_slice %arg17[%dma_wait3A_196, %dma_wait3A_197] : memref<624x32xf32, #tpu.memory_space<vmem>> -> memref<16x32xf32, #tpu.memory_space<vmem>>
        %dma_wait3A_199 = arith.constant 0 : i32
        %dma_wait3A_200 = arith.constant 0 : i32
        %dma_wait3A_201 = tpu.memref_slice %arg8[%arg0, %dma_wait3A_199, %dma_wait3A_200] : memref<2x10000x32xf32, #tpu.memory_space<hbm>> -> memref<1x10000x32xf32, #tpu.memory_space<hbm>>
        %dma_wait3A_202 = tpu.memref_squeeze %dma_wait3A_201 : memref<1x10000x32xf32, #tpu.memory_space<hbm>> -> memref<10000x32xf32, #tpu.memory_space<hbm>>
        %dma_wait3A_203 = arith.constant 9984 : i32
        %dma_wait3A_204 = arith.constant 0 : i32
        %dma_wait3A_205 = tpu.memref_slice %dma_wait3A_202[%dma_wait3A_203, %dma_wait3A_204] : memref<10000x32xf32, #tpu.memory_space<hbm>> -> memref<16x32xf32, #tpu.memory_space<hbm>>
        %dma_wait3A_206 = arith.constant 0 : i32
        %dma_wait3A_207 = arith.constant 0 : i32
        %dma_wait3A_208 = tpu.memref_slice %arg8[%arg0, %dma_wait3A_206, %dma_wait3A_207] : memref<2x10000x32xf32, #tpu.memory_space<hbm>> -> memref<1x10000x32xf32, #tpu.memory_space<hbm>>
        %dma_wait3A_209 = tpu.memref_squeeze %dma_wait3A_208 : memref<1x10000x32xf32, #tpu.memory_space<hbm>> -> memref<10000x32xf32, #tpu.memory_space<hbm>>
        %dma_wait3A_210 = arith.constant 9984 : i32
        %dma_wait3A_211 = arith.constant 0 : i32
        %dma_wait3A_212 = tpu.memref_slice %dma_wait3A_209[%dma_wait3A_210, %dma_wait3A_211] : memref<10000x32xf32, #tpu.memory_space<hbm>> -> memref<16x32xf32, #tpu.memory_space<hbm>>
        %dma_wait3A_213 = arith.constant 0 : i32
        %dma_wait3A_214 = arith.constant 0 : i32
        %dma_wait3A_215 = tpu.memref_slice %arg17[%dma_wait3A_213, %dma_wait3A_214] : memref<624x32xf32, #tpu.memory_space<vmem>> -> memref<16x32xf32, #tpu.memory_space<vmem>>
        tpu.wait_dma2 semaphore(%run_scoped3A : memref<!tpu.dma_semaphore, #tpu.memory_space<semaphore_mem>>) src(%dma_wait3A_215 : memref<16x32xf32, #tpu.memory_space<vmem>>) dst(%dma_wait3A_212 : memref<16x32xf32, #tpu.memory_space<hbm>>)
        tpu.yield
      }) : () -> ()
    } else {
    }
    return
  }
}

module attributes {stable_mosaic.version = 14 : i64} {
  func.func @_tc1_body(%arg0: i32, %arg1: memref<2500x512xf32, #tpu.memory_space<vmem>>, %arg2: memref<512x128xf32, #tpu.memory_space<vmem>>, %arg3: memref<512x128xf32, #tpu.memory_space<vmem>>, %arg4: memref<512x128xf32, #tpu.memory_space<vmem>>, %arg5: memref<512x128xf32, #tpu.memory_space<vmem>>, %arg6: memref<2500x128xf32, #tpu.memory_space<vmem>>, %arg7: memref<2500x128xf32, #tpu.memory_space<vmem>>, %arg8: memref<2500x128xf32, #tpu.memory_space<vmem>>, %arg9: memref<2500x128xf32, #tpu.memory_space<vmem>>) attributes {dimension_semantics = [#tpu.dimension_semantics<arbitrary>], iteration_bounds = array<i64: 1>, scalar_prefetch = 0 : i64, scratch_operands = 0 : i64, tpu.core_type = #tpu.core_type<tc>, window_params = [{pipeline_mode = #tpu.pipeline_mode<synchronous>, transform_indices = @transform_0, window_bounds = array<i64: 2500, 512>}, {pipeline_mode = #tpu.pipeline_mode<synchronous>, transform_indices = @transform_1, window_bounds = array<i64: 512, 128>}, {pipeline_mode = #tpu.pipeline_mode<synchronous>, transform_indices = @transform_2, window_bounds = array<i64: 512, 128>}, {pipeline_mode = #tpu.pipeline_mode<synchronous>, transform_indices = @transform_3, window_bounds = array<i64: 512, 128>}, {pipeline_mode = #tpu.pipeline_mode<synchronous>, transform_indices = @transform_4, window_bounds = array<i64: 512, 128>}, {pipeline_mode = #tpu.pipeline_mode<synchronous>, transform_indices = @transform_5, window_bounds = array<i64: 2500, 128>}, {pipeline_mode = #tpu.pipeline_mode<synchronous>, transform_indices = @transform_6, window_bounds = array<i64: 2500, 128>}, {pipeline_mode = #tpu.pipeline_mode<synchronous>, transform_indices = @transform_7, window_bounds = array<i64: 2500, 128>}, {pipeline_mode = #tpu.pipeline_mode<synchronous>, transform_indices = @transform_8, window_bounds = array<i64: 2500, 128>}]} {
    %get3A = arith.constant 0 : index
    %get3A_0 = arith.constant 0 : index
    %get3A_1 = vector.load %arg1[%get3A, %get3A_0] : memref<2500x512xf32, #tpu.memory_space<vmem>>, vector<2500x512xf32>
    %get3A_2 = arith.constant 0 : index
    %get3A_3 = arith.constant 0 : index
    %get3A_4 = vector.load %arg2[%get3A_2, %get3A_3] : memref<512x128xf32, #tpu.memory_space<vmem>>, vector<512x128xf32>
    %dot_general3A = arith.constant dense<0.000000e+00> : vector<2500x128xf32>
    %dot_general3A_5 = tpu.matmul %get3A_1, %get3A_4, %dot_general3A {dimension_numbers = #tpu.dot_dimension_numbers<[1], [0], [0], [1], [0, 0, 1, 1], [], []>, transpose_lhs_hint = false} : vector<2500x512xf32>, vector<512x128xf32>, vector<2500x128xf32> -> vector<2500x128xf32>
    %swap3A = arith.constant 0 : index
    %swap3A_6 = arith.constant 0 : index
    %swap3A_7 = vector.load %arg6[%swap3A, %swap3A_6] : memref<2500x128xf32, #tpu.memory_space<vmem>>, vector<2500x128xf32>
    tpu.vector_store %arg6[%swap3A, %swap3A_6], %dot_general3A_5 {strides = array<i32>} : memref<2500x128xf32, #tpu.memory_space<vmem>>, vector<2500x128xf32>,
    %get3A_8 = arith.constant 0 : index
    %get3A_9 = arith.constant 0 : index
    %get3A_10 = vector.load %arg3[%get3A_8, %get3A_9] : memref<512x128xf32, #tpu.memory_space<vmem>>, vector<512x128xf32>
    %dot_general3A_11 = arith.constant dense<0.000000e+00> : vector<2500x128xf32>
    %dot_general3A_12 = tpu.matmul %get3A_1, %get3A_10, %dot_general3A_11 {dimension_numbers = #tpu.dot_dimension_numbers<[1], [0], [0], [1], [0, 0, 1, 1], [], []>, transpose_lhs_hint = false} : vector<2500x512xf32>, vector<512x128xf32>, vector<2500x128xf32> -> vector<2500x128xf32>
    %swap3A_13 = arith.constant 0 : index
    %swap3A_14 = arith.constant 0 : index
    %swap3A_15 = vector.load %arg7[%swap3A_13, %swap3A_14] : memref<2500x128xf32, #tpu.memory_space<vmem>>, vector<2500x128xf32>
    tpu.vector_store %arg7[%swap3A_13, %swap3A_14], %dot_general3A_12 {strides = array<i32>} : memref<2500x128xf32, #tpu.memory_space<vmem>>, vector<2500x128xf32>,
    %get3A_16 = arith.constant 0 : index
    %get3A_17 = arith.constant 0 : index
    %get3A_18 = vector.load %arg4[%get3A_16, %get3A_17] : memref<512x128xf32, #tpu.memory_space<vmem>>, vector<512x128xf32>
    %dot_general3A_19 = arith.constant dense<0.000000e+00> : vector<2500x128xf32>
    %dot_general3A_20 = tpu.matmul %get3A_1, %get3A_18, %dot_general3A_19 {dimension_numbers = #tpu.dot_dimension_numbers<[1], [0], [0], [1], [0, 0, 1, 1], [], []>, transpose_lhs_hint = false} : vector<2500x512xf32>, vector<512x128xf32>, vector<2500x128xf32> -> vector<2500x128xf32>
    %swap3A_21 = arith.constant 0 : index
    %swap3A_22 = arith.constant 0 : index
    %swap3A_23 = vector.load %arg8[%swap3A_21, %swap3A_22] : memref<2500x128xf32, #tpu.memory_space<vmem>>, vector<2500x128xf32>
    tpu.vector_store %arg8[%swap3A_21, %swap3A_22], %dot_general3A_20 {strides = array<i32>} : memref<2500x128xf32, #tpu.memory_space<vmem>>, vector<2500x128xf32>,
    %get3A_24 = arith.constant 0 : index
    %get3A_25 = arith.constant 0 : index
    %get3A_26 = vector.load %arg5[%get3A_24, %get3A_25] : memref<512x128xf32, #tpu.memory_space<vmem>>, vector<512x128xf32>
    %dot_general3A_27 = arith.constant dense<0.000000e+00> : vector<2500x128xf32>
    %dot_general3A_28 = tpu.matmul %get3A_1, %get3A_26, %dot_general3A_27 {dimension_numbers = #tpu.dot_dimension_numbers<[1], [0], [0], [1], [0, 0, 1, 1], [], []>, transpose_lhs_hint = false} : vector<2500x512xf32>, vector<512x128xf32>, vector<2500x128xf32> -> vector<2500x128xf32>
    %swap3A_29 = arith.constant 0 : index
    %swap3A_30 = arith.constant 0 : index
    %swap3A_31 = vector.load %arg9[%swap3A_29, %swap3A_30] : memref<2500x128xf32, #tpu.memory_space<vmem>>, vector<2500x128xf32>
    tpu.vector_store %arg9[%swap3A_29, %swap3A_30], %dot_general3A_28 {strides = array<i32>} : memref<2500x128xf32, #tpu.memory_space<vmem>>, vector<2500x128xf32>,
    return
  }
  func.func @transform_0(%arg0: i32) -> (i32, i32) {
    %c0_i32 = arith.constant 0 : i32
    %c0_i32_0 = arith.constant 0 : i32
    %c0_i32_1 = arith.constant 0 : i32
    return %c0_i32, %c0_i32_0 : i32, i32
  }
  func.func @transform_1(%arg0: i32) -> (i32, i32) {
    %c0_i32 = arith.constant 0 : i32
    %c0_i32_0 = arith.constant 0 : i32
    %c0_i32_1 = arith.constant 0 : i32
    return %c0_i32, %c0_i32_0 : i32, i32
  }
  func.func @transform_2(%arg0: i32) -> (i32, i32) {
    %c0_i32 = arith.constant 0 : i32
    %c0_i32_0 = arith.constant 0 : i32
    %c0_i32_1 = arith.constant 0 : i32
    return %c0_i32, %c0_i32_0 : i32, i32
  }
  func.func @transform_3(%arg0: i32) -> (i32, i32) {
    %c0_i32 = arith.constant 0 : i32
    %c0_i32_0 = arith.constant 0 : i32
    %c0_i32_1 = arith.constant 0 : i32
    return %c0_i32, %c0_i32_0 : i32, i32
  }
  func.func @transform_4(%arg0: i32) -> (i32, i32) {
    %c0_i32 = arith.constant 0 : i32
    %c0_i32_0 = arith.constant 0 : i32
    %c0_i32_1 = arith.constant 0 : i32
    return %c0_i32, %c0_i32_0 : i32, i32
  }
  func.func @transform_5(%arg0: i32) -> (i32, i32) {
    %c0_i32 = arith.constant 0 : i32
    %c0_i32_0 = arith.constant 0 : i32
    %c0_i32_1 = arith.constant 0 : i32
    return %c0_i32, %c0_i32_0 : i32, i32
  }
  func.func @transform_6(%arg0: i32) -> (i32, i32) {
    %c0_i32 = arith.constant 0 : i32
    %c0_i32_0 = arith.constant 0 : i32
    %c0_i32_1 = arith.constant 0 : i32
    return %c0_i32, %c0_i32_0 : i32, i32
  }
  func.func @transform_7(%arg0: i32) -> (i32, i32) {
    %c0_i32 = arith.constant 0 : i32
    %c0_i32_0 = arith.constant 0 : i32
    %c0_i32_1 = arith.constant 0 : i32
    return %c0_i32, %c0_i32_0 : i32, i32
  }
  func.func @transform_8(%arg0: i32) -> (i32, i32) {
    %c0_i32 = arith.constant 0 : i32
    %c0_i32_0 = arith.constant 0 : i32
    %c0_i32_1 = arith.constant 0 : i32
    return %c0_i32, %c0_i32_0 : i32, i32
  }
}

module attributes {stable_mosaic.version = 14 : i64} {
  func.func @_tc3_body(%arg0: i32, %arg1: memref<5000x128xf32, #tpu.memory_space<vmem>>, %arg2: memref<2500x128xf32, #tpu.memory_space<vmem>>, %arg3: memref<1x128xf32, #tpu.memory_space<vmem>>, %arg4: memref<2500x128xf32, #tpu.memory_space<vmem>>) attributes {dimension_semantics = [#tpu.dimension_semantics<arbitrary>], iteration_bounds = array<i64: 1>, scalar_prefetch = 0 : i64, scratch_operands = 0 : i64, tpu.core_type = #tpu.core_type<tc>, window_params = [{pipeline_mode = #tpu.pipeline_mode<synchronous>, transform_indices = @transform_0, window_bounds = array<i64: 5000, 128>}, {pipeline_mode = #tpu.pipeline_mode<synchronous>, transform_indices = @transform_1, window_bounds = array<i64: 2500, 128>}, {pipeline_mode = #tpu.pipeline_mode<synchronous>, transform_indices = @transform_2, window_bounds = array<i64: 1, 128>}, {pipeline_mode = #tpu.pipeline_mode<synchronous>, transform_indices = @transform_3, window_bounds = array<i64: 2500, 128>}]} {
    %get3A = arith.constant 0 : index
    %get3A_0 = arith.constant 0 : index
    %get3A_1 = vector.load %arg1[%get3A, %get3A_0] : memref<5000x128xf32, #tpu.memory_space<vmem>>, vector<5000x128xf32>
    %reshape3A = vector.shape_cast %get3A_1 : vector<5000x128xf32> to vector<2x2500x128xf32>
    %slice3A = vector.extract_strided_slice %reshape3A {offsets = [0, 0, 0], sizes = [1, 2500, 128], strides = [1, 1, 1]} : vector<2x2500x128xf32> to vector<1x2500x128xf32>
    %squeeze3A = vector.shape_cast %slice3A : vector<1x2500x128xf32> to vector<2500x128xf32>
    %slice3A_2 = vector.extract_strided_slice %reshape3A {offsets = [1, 0, 0], sizes = [1, 2500, 128], strides = [1, 1, 1]} : vector<2x2500x128xf32> to vector<1x2500x128xf32>
    %squeeze3A_3 = vector.shape_cast %slice3A_2 : vector<1x2500x128xf32> to vector<2500x128xf32>
    %add3A = arith.addf %squeeze3A, %squeeze3A_3 : vector<2500x128xf32>
    %get3A_4 = arith.constant 0 : index
    %get3A_5 = arith.constant 0 : index
    %get3A_6 = vector.load %arg2[%get3A_4, %get3A_5] : memref<2500x128xf32, #tpu.memory_space<vmem>>, vector<2500x128xf32>
    %add3A_7 = arith.addf %add3A, %get3A_6 : vector<2500x128xf32>
    %get3A_8 = arith.constant 0 : index
    %get3A_9 = arith.constant 0 : index
    %get3A_10 = vector.load %arg3[%get3A_8, %get3A_9] : memref<1x128xf32, #tpu.memory_space<vmem>>, vector<1x128xf32>
    %add3A_11 = vector.broadcast %get3A_10 : vector<1x128xf32> to vector<2500x128xf32>
    %add3A_12 = arith.addf %add3A_7, %add3A_11 : vector<2500x128xf32>
    %max3A = arith.constant 0.000000e+00 : f32
    %max3A_13 = vector.broadcast %max3A : f32 to vector<2500x128xf32>
    %max3A_14 = arith.maximumf %add3A_12, %max3A_13 : vector<2500x128xf32>
    %swap3A = arith.constant 0 : index
    %swap3A_15 = arith.constant 0 : index
    %swap3A_16 = vector.load %arg4[%swap3A, %swap3A_15] : memref<2500x128xf32, #tpu.memory_space<vmem>>, vector<2500x128xf32>
    tpu.vector_store %arg4[%swap3A, %swap3A_15], %max3A_14 {strides = array<i32>} : memref<2500x128xf32, #tpu.memory_space<vmem>>, vector<2500x128xf32>,
    return
  }
  func.func @transform_0(%arg0: i32) -> (i32, i32) {
    %c0_i32 = arith.constant 0 : i32
    %c0_i32_0 = arith.constant 0 : i32
    %c0_i32_1 = arith.constant 0 : i32
    return %c0_i32, %c0_i32_0 : i32, i32
  }
  func.func @transform_1(%arg0: i32) -> (i32, i32) {
    %c0_i32 = arith.constant 0 : i32
    %c0_i32_0 = arith.constant 0 : i32
    %c0_i32_1 = arith.constant 0 : i32
    return %c0_i32, %c0_i32_0 : i32, i32
  }
  func.func @transform_2(%arg0: i32) -> (i32, i32) {
    %c0_i32 = arith.constant 0 : i32
    %c0_i32_0 = arith.constant 0 : i32
    %c0_i32_1 = arith.constant 0 : i32
    return %c0_i32, %c0_i32_0 : i32, i32
  }
  func.func @transform_3(%arg0: i32) -> (i32, i32) {
    %c0_i32 = arith.constant 0 : i32
    %c0_i32_0 = arith.constant 0 : i32
    %c0_i32_1 = arith.constant 0 : i32
    return %c0_i32, %c0_i32_0 : i32, i32
  }
}

module attributes {stable_mosaic.version = 14 : i64} {
  func.func @_tc2_body(%arg0: i32, %arg1: memref<5000x128xf32, #tpu.memory_space<vmem>>, %arg2: memref<5000x128xf32, #tpu.memory_space<vmem>>, %arg3: memref<2500x128xf32, #tpu.memory_space<vmem>>, %arg4: memref<2500x128xf32, #tpu.memory_space<vmem>>, %arg5: memref<1x128xf32, #tpu.memory_space<vmem>>, %arg6: memref<1x128xf32, #tpu.memory_space<vmem>>, %arg7: memref<128x128xf32, #tpu.memory_space<vmem>>, %arg8: memref<128x128xf32, #tpu.memory_space<vmem>>, %arg9: memref<128x128xf32, #tpu.memory_space<vmem>>, %arg10: memref<128x128xf32, #tpu.memory_space<vmem>>, %arg11: memref<2500x128xf32, #tpu.memory_space<vmem>>, %arg12: memref<2500x128xf32, #tpu.memory_space<vmem>>) attributes {dimension_semantics = [#tpu.dimension_semantics<arbitrary>], iteration_bounds = array<i64: 1>, scalar_prefetch = 0 : i64, scratch_operands = 0 : i64, tpu.core_type = #tpu.core_type<tc>, window_params = [{pipeline_mode = #tpu.pipeline_mode<synchronous>, transform_indices = @transform_0, window_bounds = array<i64: 5000, 128>}, {pipeline_mode = #tpu.pipeline_mode<synchronous>, transform_indices = @transform_1, window_bounds = array<i64: 5000, 128>}, {pipeline_mode = #tpu.pipeline_mode<synchronous>, transform_indices = @transform_2, window_bounds = array<i64: 2500, 128>}, {pipeline_mode = #tpu.pipeline_mode<synchronous>, transform_indices = @transform_3, window_bounds = array<i64: 2500, 128>}, {pipeline_mode = #tpu.pipeline_mode<synchronous>, transform_indices = @transform_4, window_bounds = array<i64: 1, 128>}, {pipeline_mode = #tpu.pipeline_mode<synchronous>, transform_indices = @transform_5, window_bounds = array<i64: 1, 128>}, {pipeline_mode = #tpu.pipeline_mode<synchronous>, transform_indices = @transform_6, window_bounds = array<i64: 128, 128>}, {pipeline_mode = #tpu.pipeline_mode<synchronous>, transform_indices = @transform_7, window_bounds = array<i64: 128, 128>}, {pipeline_mode = #tpu.pipeline_mode<synchronous>, transform_indices = @transform_8, window_bounds = array<i64: 128, 128>}, {pipeline_mode = #tpu.pipeline_mode<synchronous>, transform_indices = @transform_9, window_bounds = array<i64: 128, 128>}, {pipeline_mode = #tpu.pipeline_mode<synchronous>, transform_indices = @transform_10, window_bounds = array<i64: 2500, 128>}, {pipeline_mode = #tpu.pipeline_mode<synchronous>, transform_indices = @transform_11, window_bounds = array<i64: 2500, 128>}]} {
    %get3A = arith.constant 0 : index
    %get3A_0 = arith.constant 0 : index
    %get3A_1 = vector.load %arg1[%get3A, %get3A_0] : memref<5000x128xf32, #tpu.memory_space<vmem>>, vector<5000x128xf32>
    %reshape3A = vector.shape_cast %get3A_1 : vector<5000x128xf32> to vector<2x2500x128xf32>
    %get3A_2 = arith.constant 0 : index
    %get3A_3 = arith.constant 0 : index
    %get3A_4 = vector.load %arg2[%get3A_2, %get3A_3] : memref<5000x128xf32, #tpu.memory_space<vmem>>, vector<5000x128xf32>
    %reshape3A_5 = vector.shape_cast %get3A_4 : vector<5000x128xf32> to vector<2x2500x128xf32>
    %slice3A = vector.extract_strided_slice %reshape3A {offsets = [0, 0, 0], sizes = [1, 2500, 128], strides = [1, 1, 1]} : vector<2x2500x128xf32> to vector<1x2500x128xf32>
    %squeeze3A = vector.shape_cast %slice3A : vector<1x2500x128xf32> to vector<2500x128xf32>
    %slice3A_6 = vector.extract_strided_slice %reshape3A {offsets = [1, 0, 0], sizes = [1, 2500, 128], strides = [1, 1, 1]} : vector<2x2500x128xf32> to vector<1x2500x128xf32>
    %squeeze3A_7 = vector.shape_cast %slice3A_6 : vector<1x2500x128xf32> to vector<2500x128xf32>
    %add3A = arith.addf %squeeze3A, %squeeze3A_7 : vector<2500x128xf32>
    %get3A_8 = arith.constant 0 : index
    %get3A_9 = arith.constant 0 : index
    %get3A_10 = vector.load %arg3[%get3A_8, %get3A_9] : memref<2500x128xf32, #tpu.memory_space<vmem>>, vector<2500x128xf32>
    %add3A_11 = arith.addf %add3A, %get3A_10 : vector<2500x128xf32>
    %get3A_12 = arith.constant 0 : index
    %get3A_13 = arith.constant 0 : index
    %get3A_14 = vector.load %arg5[%get3A_12, %get3A_13] : memref<1x128xf32, #tpu.memory_space<vmem>>, vector<1x128xf32>
    %add3A_15 = vector.broadcast %get3A_14 : vector<1x128xf32> to vector<2500x128xf32>
    %add3A_16 = arith.addf %add3A_11, %add3A_15 : vector<2500x128xf32>
    %max3A = arith.constant 0.000000e+00 : f32
    %max3A_17 = vector.broadcast %max3A : f32 to vector<2500x128xf32>
    %max3A_18 = arith.maximumf %add3A_16, %max3A_17 : vector<2500x128xf32>
    %slice3A_19 = vector.extract_strided_slice %reshape3A_5 {offsets = [0, 0, 0], sizes = [1, 2500, 128], strides = [1, 1, 1]} : vector<2x2500x128xf32> to vector<1x2500x128xf32>
    %squeeze3A_20 = vector.shape_cast %slice3A_19 : vector<1x2500x128xf32> to vector<2500x128xf32>
    %slice3A_21 = vector.extract_strided_slice %reshape3A_5 {offsets = [1, 0, 0], sizes = [1, 2500, 128], strides = [1, 1, 1]} : vector<2x2500x128xf32> to vector<1x2500x128xf32>
    %squeeze3A_22 = vector.shape_cast %slice3A_21 : vector<1x2500x128xf32> to vector<2500x128xf32>
    %add3A_23 = arith.addf %squeeze3A_20, %squeeze3A_22 : vector<2500x128xf32>
    %get3A_24 = arith.constant 0 : index
    %get3A_25 = arith.constant 0 : index
    %get3A_26 = vector.load %arg4[%get3A_24, %get3A_25] : memref<2500x128xf32, #tpu.memory_space<vmem>>, vector<2500x128xf32>
    %add3A_27 = arith.addf %add3A_23, %get3A_26 : vector<2500x128xf32>
    %get3A_28 = arith.constant 0 : index
    %get3A_29 = arith.constant 0 : index
    %get3A_30 = vector.load %arg6[%get3A_28, %get3A_29] : memref<1x128xf32, #tpu.memory_space<vmem>>, vector<1x128xf32>
    %add3A_31 = vector.broadcast %get3A_30 : vector<1x128xf32> to vector<2500x128xf32>
    %add3A_32 = arith.addf %add3A_27, %add3A_31 : vector<2500x128xf32>
    %max3A_33 = arith.constant 0.000000e+00 : f32
    %max3A_34 = vector.broadcast %max3A_33 : f32 to vector<2500x128xf32>
    %max3A_35 = arith.maximumf %add3A_32, %max3A_34 : vector<2500x128xf32>
    %get3A_36 = arith.constant 0 : index
    %get3A_37 = arith.constant 0 : index
    %get3A_38 = vector.load %arg7[%get3A_36, %get3A_37] : memref<128x128xf32, #tpu.memory_space<vmem>>, vector<128x128xf32>
    %dot_general3A = arith.constant dense<0.000000e+00> : vector<2500x128xf32>
    %dot_general3A_39 = tpu.matmul %max3A_18, %get3A_38, %dot_general3A {dimension_numbers = #tpu.dot_dimension_numbers<[1], [0], [0], [1], [0, 0, 1, 1], [], []>, transpose_lhs_hint = false} : vector<2500x128xf32>, vector<128x128xf32>, vector<2500x128xf32> -> vector<2500x128xf32>
    %get3A_40 = arith.constant 0 : index
    %get3A_41 = arith.constant 0 : index
    %get3A_42 = vector.load %arg8[%get3A_40, %get3A_41] : memref<128x128xf32, #tpu.memory_space<vmem>>, vector<128x128xf32>
    %dot_general3A_43 = arith.constant dense<0.000000e+00> : vector<2500x128xf32>
    %dot_general3A_44 = tpu.matmul %max3A_35, %get3A_42, %dot_general3A_43 {dimension_numbers = #tpu.dot_dimension_numbers<[1], [0], [0], [1], [0, 0, 1, 1], [], []>, transpose_lhs_hint = false} : vector<2500x128xf32>, vector<128x128xf32>, vector<2500x128xf32> -> vector<2500x128xf32>
    %add3A_45 = arith.addf %dot_general3A_39, %dot_general3A_44 : vector<2500x128xf32>
    %swap3A = arith.constant 0 : index
    %swap3A_46 = arith.constant 0 : index
    %swap3A_47 = vector.load %arg11[%swap3A, %swap3A_46] : memref<2500x128xf32, #tpu.memory_space<vmem>>, vector<2500x128xf32>
    tpu.vector_store %arg11[%swap3A, %swap3A_46], %add3A_45 {strides = array<i32>} : memref<2500x128xf32, #tpu.memory_space<vmem>>, vector<2500x128xf32>,
    %get3A_48 = arith.constant 0 : index
    %get3A_49 = arith.constant 0 : index
    %get3A_50 = vector.load %arg9[%get3A_48, %get3A_49] : memref<128x128xf32, #tpu.memory_space<vmem>>, vector<128x128xf32>
    %dot_general3A_51 = arith.constant dense<0.000000e+00> : vector<2500x128xf32>
    %dot_general3A_52 = tpu.matmul %max3A_18, %get3A_50, %dot_general3A_51 {dimension_numbers = #tpu.dot_dimension_numbers<[1], [0], [0], [1], [0, 0, 1, 1], [], []>, transpose_lhs_hint = false} : vector<2500x128xf32>, vector<128x128xf32>, vector<2500x128xf32> -> vector<2500x128xf32>
    %get3A_53 = arith.constant 0 : index
    %get3A_54 = arith.constant 0 : index
    %get3A_55 = vector.load %arg10[%get3A_53, %get3A_54] : memref<128x128xf32, #tpu.memory_space<vmem>>, vector<128x128xf32>
    %dot_general3A_56 = arith.constant dense<0.000000e+00> : vector<2500x128xf32>
    %dot_general3A_57 = tpu.matmul %max3A_35, %get3A_55, %dot_general3A_56 {dimension_numbers = #tpu.dot_dimension_numbers<[1], [0], [0], [1], [0, 0, 1, 1], [], []>, transpose_lhs_hint = false} : vector<2500x128xf32>, vector<128x128xf32>, vector<2500x128xf32> -> vector<2500x128xf32>
    %add3A_58 = arith.addf %dot_general3A_52, %dot_general3A_57 : vector<2500x128xf32>
    %swap3A_59 = arith.constant 0 : index
    %swap3A_60 = arith.constant 0 : index
    %swap3A_61 = vector.load %arg12[%swap3A_59, %swap3A_60] : memref<2500x128xf32, #tpu.memory_space<vmem>>, vector<2500x128xf32>
    tpu.vector_store %arg12[%swap3A_59, %swap3A_60], %add3A_58 {strides = array<i32>} : memref<2500x128xf32, #tpu.memory_space<vmem>>, vector<2500x128xf32>,
    return
  }
  func.func @transform_0(%arg0: i32) -> (i32, i32) {
    %c0_i32 = arith.constant 0 : i32
    %c0_i32_0 = arith.constant 0 : i32
    %c0_i32_1 = arith.constant 0 : i32
    return %c0_i32, %c0_i32_0 : i32, i32
  }
  func.func @transform_1(%arg0: i32) -> (i32, i32) {
    %c0_i32 = arith.constant 0 : i32
    %c0_i32_0 = arith.constant 0 : i32
    %c0_i32_1 = arith.constant 0 : i32
    return %c0_i32, %c0_i32_0 : i32, i32
  }
  func.func @transform_2(%arg0: i32) -> (i32, i32) {
    %c0_i32 = arith.constant 0 : i32
    %c0_i32_0 = arith.constant 0 : i32
    %c0_i32_1 = arith.constant 0 : i32
    return %c0_i32, %c0_i32_0 : i32, i32
  }
  func.func @transform_3(%arg0: i32) -> (i32, i32) {
    %c0_i32 = arith.constant 0 : i32
    %c0_i32_0 = arith.constant 0 : i32
    %c0_i32_1 = arith.constant 0 : i32
    return %c0_i32, %c0_i32_0 : i32, i32
  }
  func.func @transform_4(%arg0: i32) -> (i32, i32) {
    %c0_i32 = arith.constant 0 : i32
    %c0_i32_0 = arith.constant 0 : i32
    %c0_i32_1 = arith.constant 0 : i32
    return %c0_i32, %c0_i32_0 : i32, i32
  }
  func.func @transform_5(%arg0: i32) -> (i32, i32) {
    %c0_i32 = arith.constant 0 : i32
    %c0_i32_0 = arith.constant 0 : i32
    %c0_i32_1 = arith.constant 0 : i32
    return %c0_i32, %c0_i32_0 : i32, i32
  }
  func.func @transform_6(%arg0: i32) -> (i32, i32) {
    %c0_i32 = arith.constant 0 : i32
    %c0_i32_0 = arith.constant 0 : i32
    %c0_i32_1 = arith.constant 0 : i32
    return %c0_i32, %c0_i32_0 : i32, i32
  }
  func.func @transform_7(%arg0: i32) -> (i32, i32) {
    %c0_i32 = arith.constant 0 : i32
    %c0_i32_0 = arith.constant 0 : i32
    %c0_i32_1 = arith.constant 0 : i32
    return %c0_i32, %c0_i32_0 : i32, i32
  }
  func.func @transform_8(%arg0: i32) -> (i32, i32) {
    %c0_i32 = arith.constant 0 : i32
    %c0_i32_0 = arith.constant 0 : i32
    %c0_i32_1 = arith.constant 0 : i32
    return %c0_i32, %c0_i32_0 : i32, i32
  }
  func.func @transform_9(%arg0: i32) -> (i32, i32) {
    %c0_i32 = arith.constant 0 : i32
    %c0_i32_0 = arith.constant 0 : i32
    %c0_i32_1 = arith.constant 0 : i32
    return %c0_i32, %c0_i32_0 : i32, i32
  }
  func.func @transform_10(%arg0: i32) -> (i32, i32) {
    %c0_i32 = arith.constant 0 : i32
    %c0_i32_0 = arith.constant 0 : i32
    %c0_i32_1 = arith.constant 0 : i32
    return %c0_i32, %c0_i32_0 : i32, i32
  }
  func.func @transform_11(%arg0: i32) -> (i32, i32) {
    %c0_i32 = arith.constant 0 : i32
    %c0_i32_0 = arith.constant 0 : i32
    %c0_i32_1 = arith.constant 0 : i32
    return %c0_i32, %c0_i32_0 : i32, i32
  }
}

</mosaic_0001>

<sc_bundles>
// kernel: kernel.10.cloned.1.call-start
scs
__scs_entry_jumppad:
0x0: {  	(pc) =	sbr.rel $0x88, $3  }
0x1: {  	(tag) =	ssettag $0x0;
	lr =	simm.s32 $0x1  }
0x2: {  	[smem:$0x3F99] =	sst lr;
	_ =	strace $0xD0000000  }
0x3: {  	_ = 	snop  }
0x4: {  	_ = 	snop  }
0x5: {  	_ = 	snop  }
0x6: {  	_ = 	snop  }
0x7: {  	_ = 	snop  }
__scs_overlays_trampoline_lowered:
0x8: {  	[smem:$0x3FA8] =	sst s0  }
0x9: {  	[smem:$0x3FA9] =	sst s1  }
0xa: {  	[smem:$0x3FAA] =	sst s2  }
0xb: {  	[smem:$0x3FAB] =	sst s3  }
0xc: {  	[smem:$0x3FAC] =	sst s4  }
0xd: {  	[smem:$0x3FAD] =	sst s5  }
0xe: {  	[smem:$0x3FAE] =	sst s6  }
0xf: {  	[smem:$0x3FAF] =	sst s7  }
0x10: {  	[smem:$0x3FB0] =	sst s8  }
0x11: {  	[smem:$0x3FB1] =	sst s9;
	s0 =	simm.s32 @!p0 $0x0  }
0x12: {  	s1 =	sld [smem:$0x3F97];
	s0 =	simm.s32 @p0 $0x1  }
0x13: {  	[smem:$0x3FB2] =	sst s0;
	s0 =	simm.s32 @!p1 $0x0  }
0x14: {  	s2 =	sld [smem:$0x3F96];
	s0 =	simm.s32 @p1 $0x1  }
0x15: {  	[smem:$0x3FB3] =	sst s0;
	s0 =	simm.s32 @!p2 $0x0  }
0x16: {  	s3 =	sld [smem:$0x3FDB];
	s0 =	simm.s32 @p2 $0x1  }
0x17: {  	s4 =	simm.s32 $0x1BF5;
	[smem:$0x3FB5] =	sst s0  }
0x18: {  	s0 =	sld [smem:$0x3F98];
	_ =	swait.ge [sflag:s4], $0x0  }
0x19: {  	s7 =	sld [smem:$0x3F99]  }
0x1a: {  	s8 =	sadd.s32 $0xFFFFE003, lr  }
0x1b: {  	s9 =	sadd.s32 $0xFFFFFEF7, lr;
	s5 =	simm.s32 $0xFFFFFFFF;
	p2 =	slt.u32 s8, $0xFFFFF086  }
0x1c: {  	p1 =	slt.u32 s9, $0xF7A;
	s5 =	simm.s32 @!p2 $0x0  }
0x1d: {  	s5 =	simm.s32 @p1 $0x1;
	p0 =	seq.s32 s7, s2  }
0x1e: {  	s7 =	smul.u32 @!p0 $0xF7A, s2;
	p2 =	seq.s32 @!p0 s5, $0x0  }
0x1f: {  	s9 =	smul.u32 $0xF7A, s1;
	s8 =	simm.s32 @!p0 $0x1BF5;
	p2 =	por !p2, p0  }
0x20: {  	[sflag:s8] =	ssyncset.s32 @!p0 $0xFFFFF086;
	s6 =	sadd.s32 @!p0 s3, s7;
	s7 =	simm.s32 @!p0 $0x108  }
0x21: {  	s3 =	sadd.s32 s3, s9;
	s6 =	sadd.s32 @!p0 $0x88, s6;
	s7 =	simm.s32 @p2 $0x1082  }
0x22: {  	[simem:s7], [sflag:s8] =	dma.local @!p0 [hbm:s6], $0xF7A  }
0x23: {  	s9 =	sor.u32 $0xD0000000, s2;
	s6 =	simm.s32 $0x108;
	_ =	swait.ge @!p0 [sflag:s8], $0x0  }
0x24: {  	s3 =	sadd.s32 $0x88, s3;
	s6 =	simm.s32 @!p1 $0x1082;
	[sflag:s4] =	ssyncset.s32 $0xFFFFF086  }
0x25: {  	[simem:s6], [sflag:s4] =	dma.local [hbm:s3], $0xF7A  }
0x26: {  	[smem:$0x3F99] =	sst s1;
	(tag) =	ssettag s2;
	_ =	strace s9  }
0x27: {  	s1 =	sld [smem:$0x3FA9]  }
0x28: {  	s2 =	sld [smem:$0x3FAA]  }
0x29: {  	s4 =	sld [smem:$0x3FAC]  }
0x2a: {  	p0 =	seq.s32 s5, $0x0;
	s5 =	sld [smem:$0x3FAD]  }
0x2b: {  	s6 =	sld [smem:$0x3FAE]  }
0x2c: {  	s7 =	sld [smem:$0x3FAF]  }
0x2d: {  	s3 =	simm.s32 $0x108;
	s8 =	sld [smem:$0x3FB0]  }
0x2e: {  	s3 =	simm.s32 @!p0 $0x1082;
	s9 =	sld [smem:$0x3FB1]  }
0x2f: {  	lr =	sadd.s32 s0, s3;
	s0 =	sld [smem:$0x3FA8]  }
0x30: {  	s3 =	sld [smem:$0x3FAB]  }
0x31: {  	[smem:$0x3FB4] =	sst s10  }
0x32: {  	s10 =	sld [smem:$0x3FB2];
	_ =	sdelay $0x3  }
0x33: {  	p0 =	seq.s32 s10, $0x1;
	s10 =	sld [smem:$0x3FB4];
	_ =	sdelay $0x3  }
0x34: {  	[smem:$0x3FB4] =	sst s10  }
0x35: {  	s10 =	sld [smem:$0x3FB3];
	_ =	sdelay $0x3  }
0x36: {  	p1 =	seq.s32 s10, $0x1;
	s10 =	sld [smem:$0x3FB4];
	_ =	sdelay $0x3  }
0x37: {  	[smem:$0x3FB4] =	sst s10  }
0x38: {  	s10 =	sld [smem:$0x3FB5]  }
0x39: {  	_ = 	snop;
	(pc) =	sbr.ind lr, $3  }
0x3a: {  	_ = 	snop  }
0x3b: {  	_ = 	snop  }
0x3c: {  	p2 =	seq.s32 s10, $0x1;
	s10 =	sld [smem:$0x3FB4]  }
0x3d: {  	_ =	shalt  }
0x3e: {  	_ =	shalt  }
0x3f: {  	_ =	shalt  }
0x40: {  	_ =	shalt  }
0x41: {  	_ =	shalt  }
0x42: {  	_ =	shalt  }
0x43: {  	_ =	shalt  }
0x44: {  	_ =	shalt  }
0x45: {  	_ =	shalt  }
0x46: {  	_ =	shalt  }
0x47: {  	_ =	shalt  }
0x48: {  	_ =	shalt  }
0x49: {  	_ =	shalt  }
0x4a: {  	_ =	shalt  }
0x4b: {  	_ =	shalt  }
0x4c: {  	_ =	shalt  }
0x4d: {  	_ =	shalt  }
0x4e: {  	_ =	shalt  }
0x4f: {  	_ =	shalt  }
0x50: {  	_ =	shalt  }
0x51: {  	_ =	shalt  }
0x52: {  	_ =	shalt  }
0x53: {  	_ =	shalt  }
0x54: {  	_ =	shalt  }
0x55: {  	_ =	shalt  }
0x56: {  	_ =	shalt  }
0x57: {  	_ =	shalt  }
0x58: {  	_ =	shalt  }
0x59: {  	_ =	shalt  }
0x5a: {  	_ =	shalt  }
0x5b: {  	_ =	shalt  }
0x5c: {  	_ =	shalt  }
0x5d: {  	_ =	shalt  }
0x5e: {  	_ =	shalt  }
0x5f: {  	_ =	shalt  }
0x60: {  	_ =	shalt  }
0x61: {  	_ =	shalt  }
0x62: {  	_ =	shalt  }
0x63: {  	_ =	shalt  }
0x64: {  	_ =	shalt  }
0x65: {  	_ =	shalt  }
0x66: {  	_ =	shalt  }
0x67: {  	_ =	shalt  }
0x68: {  	_ =	shalt  }
0x69: {  	_ =	shalt  }
0x6a: {  	_ =	shalt  }
0x6b: {  	_ =	shalt  }
0x6c: {  	_ =	shalt  }
0x6d: {  	_ =	shalt  }
0x6e: {  	_ =	shalt  }
0x6f: {  	_ =	shalt  }
0x70: {  	_ =	shalt  }
0x71: {  	_ =	shalt  }
0x72: {  	_ =	shalt  }
0x73: {  	_ =	shalt  }
0x74: {  	_ =	shalt  }
0x75: {  	_ =	shalt  }
0x76: {  	_ =	shalt  }
0x77: {  	_ =	shalt  }
0x78: {  	_ =	shalt  }
0x79: {  	_ =	shalt  }
0x7a: {  	_ =	shalt  }
0x7b: {  	_ =	shalt  }
0x7c: {  	_ =	shalt  }
0x7d: {  	_ =	shalt  }
0x7e: {  	_ =	shalt  }
0x7f: {  	_ =	shalt  }
0x80: {  	_ =	shalt  }
0x81: {  	_ =	shalt  }
0x82: {  	_ =	shalt  }
0x83: {  	_ =	shalt  }
0x84: {  	_ =	shalt  }
0x85: {  	_ =	shalt  }
0x86: {  	_ =	shalt  }
0x87: {  	_ =	shalt  }
.Lfunc_end0:
.L_simem_size_0:
called_computation.1_lowered:
.L_overlay_start_0:
0x88: {  	s2 =	sld [smem:$0x3FD9]  }
0x89: {  	s3 =	sld [smem:$0x3FFE];
	_ =	sdelay $0x1  }
0x8a: {  	s1 =	srdreg.scid  }
0x8b: {  	s0 =	sand.u32 $0x1, s1  }
0x8c: {  	s17 =	sshll.u32 s0, $0xA;
	s2 =	sadd.s32 s3, s2  }
0x8d: {  	s2 =	sadd.s32 s2, s17  }
0x8e: {  	[smem:$0x3FC0] =	sst s2  }
0x8f: {  	_ = 	snop  }
0x90: {  	s2 =	sld [smem:$0x3FD0];
	(tm) =	ssettm $0x1  }
0x91: {  	s18 =	sld [smem:$0x3FFB];
	_ =	sdelay $0x3  }
0x92: {  	_ =	strace s18  }
0x93: {  	s3 =	sld [smem:$0x3FFC];
	_ =	sdelay $0x3  }
0x94: {  	_ =	strace s3  }
0x95: {  	s3 =	sld [smem:$0x3FFD];
	_ =	sdelay $0x3  }
0x96: {  	_ =	strace s3  }
0x97: {  	_ =	strace $0x8FFFFFFF  }
0x98: {  	s19 =	sld [smem:$0x3FDB];
	_ =	sdelay $0x1  }
0x99: {  	s4 =	simm.s32 $_scs_section_size  }
0x9a: {  	s5 =	simm.s32 $_size__tile_overlayer_lowered;
	s6 =	simm.s32 $_tile_overlayer_lowered  }
0x9b: {  	s22 =	simm.s32 $0x1BFF;
	s21 =	sshll.u32 s6, $0x1;
	s3 =	sadd.s32 s4, s19  }
0x9c: {  	s7 =	simm.s32 $0x0;
	s20 =	sshll.u32 s5, $0x1;
	s5 =	sadd.s32 s21, s3  }
0x9d: {  	[timem:s7], [sflag:s22] =	dma.local [hbm:s5], s20  }
0x9e: {  	_ =	swait.ge [sflag:s22], s20  }
0x9f: {  	s4 =	ssub.s32 $0x0, s20;
	[sflag:s22] =	ssyncset.done $0x0  }
0xa0: {  	[sflag:s22] =	ssyncadd.s32 s4;
	_ =	sdelay $0x1  }
0xa1: {  	s23 =	simm.s32 $0x1B8B  }
0xa2: {  	_ =	swait.ge [sflag:s23], $0x1  }
0xa3: {  	[sflag:s23] =	ssyncset.done $0x0  }
0xa4: {  	s25 =	simm.s32 $0x1B8E;
	s24 =	sld [smem:$0x3FFE];
	[sflag:s23] =	ssyncadd.s32 $0xFFFFFFFF  }
0xa5: {  	s26 =	simm.s32 $execute0_lowered;
	[smem:$0x3FD2] =	sst s25  }
0xa6: {  	s5 =	sshll.u32 s26, $0x1;
	_ =	strace $0x80000049;
	[dreg:$0x1] =	wrdreg $0xFFFFFFFF  }
0xa7: {  	s28 =	simm.s32 $_size_execute0_lowered;
	s3 =	sadd.s32 s3, s5;
	[dreg:$0x0] =	wrdreg $0x0  }
0xa8: {  	s5 =	sshll.u32 s28, $0x1;
	[dreg:$0x2] =	wrdreg s3  }
0xa9: {  	[dreg:$0x3] =	wrdreg s5  }
0xaa: {  	[dreg:$0x4] =	wrdreg $0xC0  }
0xab: {  	_ =	task [dreg:s7], $0x5FFFF  }
0xac: {  	[dreg:$0x1] =	wrdreg $0xFFFFFFFF  }
0xad: {  	[dreg:$0x0] =	wrdreg $0x60  }
0xae: {  	[dreg:$0x2] =	wrdreg s2  }
0xaf: {  	[dreg:$0x3] =	wrdreg s24  }
0xb0: {  	[dreg:$0x4] =	wrdreg $0xEC000  }
0xb1: {  	[dreg:$0x5] =	wrdreg $0x9  }
0xb2: {  	_ =	task.clear_ibuf [dreg:s7], $0x6FFFF;
	_ =	strace $0x90000049  }
0xb3: {  	s29 =	simm.s32 $0x9;
	_ =	strace $0x8000004B  }
0xb4: {  	_ =	swait.ge [sflag:s29], $0x1  }
0xb5: {  	[sflag:s29] =	ssyncadd.s32 $0xFFFFFFFF  }
0xb6: {  	_ =	strace $0x9000004B  }
0xb7: {  	_ =	sfence  }
0xb8: {  	s30 =	sld [smem:$0x0];
	_ =	sdelay $0x2  }
0xb9: {  	s31 =	sshll.u32 s1, $0xD;
	s1 =	sshrl.u32 s1, $0x2  }
0xba: {  	s3 =	sand.u32 $0x4000, s31;
	s1 =	sadd.s32 s1, s30  }
0xbb: {  	s0 =	sor.u32 s3, s0;
	s1 =	sshll.u32 s1, $0x11  }
0xbc: {  	s0 =	sor.u32 s1, s0  }
0xbd: {  	s0 =	sadd.s32 $0x8F2B, s0  }
0xbe: {  	[sflag:s0] =	ssyncadd.remote.s32 $0x1  }
0xbf: {  	_ =	sfence.sel $0xFFFF  }
0xc0: {  	[dreg:$0x0] =	wrdreg $0xFFFFFFFF;
	(pc) =	sbr.abs _section_cstart, $3  }
0xc1: {  	[dreg:$0x1] =	wrdreg $0xFFFFFFFF  }
0xc2: {  	_ =	task.clear_ibuf [dreg:s7], $0x2FFFF;
	_ =	strace $0x9FFFFFFF  }
0xc3: {  	(tm) =	ssettm $0x7FFFFFFF  }
tec
execute0_lowered:
.L_overlay_start_1:
0x0: {  	(tag) =	ssettag $0x1  }
0x1: {  	s0 =	rddreg [dreg:$0x0];
	s1 =	srdreg.scid  }
0x2: {  	s5 =	stileid.u32;
	s4 =	rddreg [dreg:$0x1]  }
0x3: {  	s2 =	rddreg [dreg:$0x2];
	s16 =	simm.s32 $0x8E80;
	s17 =	simm.s32 $0x9  }
0x4: {  	s28 =	simm.s32 $0x6F40;
	s30 =	simm.s32 $0x7EE0;
	s31 =	simm.s32 $0x1  }
0x5: {  	s12 =	simm.s32 $0x5;
	s14 =	simm.s32 $0x6;
	s8 =	smul.u32 $0x13800, s5  }
0x6: {  	s18 =	simm.s32 $0x3;
	s29 =	simm.s32 $0x8;
	s10 =	smul.u32 $0x4E00, s5  }
0x7: {  	s1 =	sand.u32 $0x1, s1;
	s3 =	sshll.u32 s5, $0x1;
	s25 =	smul.u32 $0x50, s5  }
0x8: {  	s13 =	sadd.s32 $0x4E000, s2;
	p0 =	sne.s32 s5, $0x0;
	s7 =	smul.u32 $0x510, s1  }
0x9: {  	s5 =	simm.s32 $0x9B80;
	s6 =	sor.u32 s1, s3;
	s9 =	smul.u32 $0x9C40, s1  }
0xa: {  	s3 =	simm.s32 $0x0;
	s1 =	ssub.s32 $0x2, s1;
	s6 =	smul.u32 $0x500, s6  }
0xb: {  	[smem:$0x7FF] =	sst s3;
	s8 =	sshrl.u32 s8, $0x2;
	s19 =	sshrl.u32 s1, $0x1  }
0xc: {  	s26 =	sshrl.u32 s10, $0x3;
	_ =	strace $0x8000004A;
	s8 =	sadd.s32 s8, s2  }
0xd: {  	s7 =	sadd.s32 s7, s4;
	s9 =	sadd.s32 s9, s4;
	s11 =	sadd.s32 $0xD00, s8  }
0xe: {  	s1 =	ssub.s32 s1, s19;
	s20 =	sadd.s32 $0x1A00, s8;
	[dreg:$0x4] =	wrdreg s11  }
0xf: {  	s6 =	sadd.s32 s6, s4;
	s21 =	sadd.s32 $0x2700, s8;
	[dreg:$0x5] =	wrdreg s20  }
0x10: {  	s4 =	sadd.s32 s10, s2;
	s22 =	sadd.s32 $0x3400, s8;
	[dreg:$0x6] =	wrdreg s21  }
0x11: {  	s8 =	sadd.s32 $0x4100, s8;
	s24 =	sadd.s32 $0x4B400, s7;
	[dreg:$0x7] =	wrdreg s22  }
0x12: {  	s9 =	sadd.s32 $0x23400, s9;
	s1 =	smax.u32 s1, $0x1;
	[dreg:$0x8] =	wrdreg s8  }
0x13: {  	s23 =	sadd.s32 $0xCC00, s6;
	s6 =	sadd.s32 $0x2C00, s6;
	[dreg:$0xd] =	wrdreg s1  }
.Ltmp0:
0x14: {  	[dreg:$0xb] =	wrdreg s24;
	s19 =	sadd.s32 s25, s24;
	(pc) =	sbr.rel .LBB2_1-.Ltmp0, $4  }
0x15: {  	s20 =	simm.s32 $0xE980;
	s21 =	simm.s32 $0x7D;
	s22 =	simm.s32 $0x5000  }
0x16: {  	s24 =	simm.s32 $0x5FA0;
	[dreg:$0xc] =	wrdreg s9;
	s25 =	sadd.s32 s26, s9  }
0x17: {  	s1 =	simm.s32 $0x2;
	s26 =	simm.s32 $0x7;
	[dreg:$0x9] =	wrdreg s23  }
0x18: {  	v0 =	vimm.f32 $0.0e+00;
	[dreg:$0xa] =	wrdreg s6;
	s23 =	simm.s32 $0x4;
	s6 =	simm.s32 $0x0  }
.LBB2_13:
0x19: {  	s6 =	sadd.s32 $0x1, s6;
	s7 =	rddreg [dreg:$0xd]  }
0x1a: {  	p1 =	sne.s32 s6, s7  }
.Ltmp1:
0x1b: {  	_ = 	snop;
	(pc) =	sbr.rel @!p1 .LBB2_14-.Ltmp1, $1  }
0x1c: {  	_ =	sdelay $0x3  }
.LBB2_1:
0x1d: {  	s7 =	simm.s32 $0x80;
	s8 =	simm.s32 $0x0  }
.LBB2_2:
0x1e: {  	p1 =	sne.s32 s7, $0x3380;
	[tilespmem:s8+$0x8E80] =	vst v0;
	s9 =	smov.u32 s7;
	s7 =	sadd.s32 $0x80, s7  }
.Ltmp2:
0x1f: {  	[tilespmem:s8+$0x8E90] =	vst v0;
	(pc) =	sbr.rel @p1 .LBB2_2-.Ltmp2, $2  }
0x20: {  	_ =	sdelay $0x2  }
0x21: {  	s8 =	sshra.s32 s9, $0x2  }
0x22: {  	[tilespmem:s8+$0x8E80] =	vst v0  }
0x23: {  	[tilespmem:s8+$0x8E90] =	vst v0  }
0x24: {  	[spmem:s4] =	stream.linear.scatter [tilespmem:s16], [sflag:$0x9], $0xD00, $0x38;
	[tilespmem:$0x13A20] =	vst v63  }
0x25: {  	_ =	swait.ge [sflag:s17], $0xD00  }
0x26: {  	[sflag:s17] =	ssyncset.done $0x0  }
0x27: {  	s7 =	rddreg [dreg:$0x4];
	[sflag:s17] =	ssyncadd.s32 $0xFFFFF300  }
0x28: {  	[spmem:s7] =	stream.linear.scatter [tilespmem:s16], [sflag:$0x9], $0xD00, $0x38;
	[tilespmem:$0x13A20] =	vst v63  }
0x29: {  	_ =	swait.ge [sflag:s17], $0xD00  }
0x2a: {  	[sflag:s17] =	ssyncset.done $0x0  }
0x2b: {  	s10 =	rddreg [dreg:$0x5];
	[sflag:s17] =	ssyncadd.s32 $0xFFFFF300  }
0x2c: {  	[spmem:s10] =	stream.linear.scatter [tilespmem:s16], [sflag:$0x9], $0xD00, $0x38;
	[tilespmem:$0x13A20] =	vst v63  }
0x2d: {  	_ =	swait.ge [sflag:s17], $0xD00  }
0x2e: {  	[sflag:s17] =	ssyncset.done $0x0  }
0x2f: {  	s11 =	rddreg [dreg:$0x6];
	[sflag:s17] =	ssyncadd.s32 $0xFFFFF300  }
0x30: {  	[spmem:s11] =	stream.linear.scatter [tilespmem:s16], [sflag:$0x9], $0xD00, $0x38;
	[tilespmem:$0x13A20] =	vst v63  }
0x31: {  	_ =	swait.ge [sflag:s17], $0xD00  }
0x32: {  	[sflag:s17] =	ssyncset.done $0x0  }
0x33: {  	s15 =	rddreg [dreg:$0x7];
	[sflag:s17] =	ssyncadd.s32 $0xFFFFF300  }
0x34: {  	[spmem:s15] =	stream.linear.scatter [tilespmem:s16], [sflag:$0x9], $0xD00, $0x38;
	[tilespmem:$0x13A20] =	vst v63  }
0x35: {  	_ =	swait.ge [sflag:s17], $0xD00  }
0x36: {  	[sflag:s17] =	ssyncset.done $0x0  }
0x37: {  	s8 =	rddreg [dreg:$0x8];
	[sflag:s17] =	ssyncadd.s32 $0xFFFFF300  }
0x38: {  	[spmem:s8] =	stream.linear.scatter [tilespmem:s16], [sflag:$0x9], $0xD00, $0x38;
	[tilespmem:$0x13A20] =	vst v63  }
0x39: {  	_ =	swait.ge [sflag:s17], $0xD00  }
0x3a: {  	[sflag:s17] =	ssyncset.done $0x0  }
0x3b: {  	s9 =	rddreg [dreg:$0x9];
	[sflag:s17] =	ssyncadd.s32 $0xFFFFF300  }
0x3c: {  	[tilespmem:s3], [sflag:$0x9] =	stream.linear.gather [hbm4b:s9+s3], $0x2800, $0x38;
	[tilespmem:$0x13A20] =	vst v63  }
0x3d: {  	_ =	swait.ge [sflag:s17], $0x2800  }
0x3e: {  	[sflag:s17] =	ssyncset.done $0x0  }
0x3f: {  	s11 =	simm.s32 $0x2800;
	s10 =	rddreg [dreg:$0xa];
	[sflag:s17] =	ssyncadd.s32 $0xFFFFD800  }
0x40: {  	[tilespmem:s11], [sflag:$0x9] =	stream.linear.gather [hbm4b:s10+s3], $0x2800, $0x38;
	[tilespmem:$0x13A20] =	vst v63  }
0x41: {  	_ =	swait.ge [sflag:s17], $0x2800  }
0x42: {  	[sflag:s17] =	ssyncset.done $0x0  }
0x43: {  	[sflag:s17] =	ssyncadd.s32 $0xFFFFD800  }
0x44: {  	[tilespmem:s20], [sflag:$0x9] =	stream.linear.gather [hbm4b:s19+s3], $0x270, $0x38;
	[tilespmem:$0x13A20] =	vst v63  }
0x45: {  	_ =	swait.ge [sflag:s17], $0x270  }
0x46: {  	[sflag:s17] =	ssyncset.done $0x0  }
0x47: {  	s7 =	simm.s32 @!p0 $0x8E80;
	[sflag:s17] =	ssyncadd.s32 $0xFFFFFD90  }
0x48: {  	[spmem:s13] =	stream.linear.scatter @!p0 [tilespmem:s7], [sflag:$0x9], $0x200, $0x38;
	[tilespmem:$0x13A20] =	vst v63  }
0x49: {  	s7 =	simm.s32 @!p0 $0x9  }
0x4a: {  	_ =	swait.ge @!p0 [sflag:s7], $0x200  }
0x4b: {  	[sflag:s7] =	ssyncset.done @!p0 $0x0  }
0x4c: {  	[sflag:s7] =	ssyncadd.s32 @!p0 $0xFFFFFE00  }
0x4d: {  	s15 =	simm.s32 $0x0;
	[bflag:$0x0] =	sbarrier.arrive $0xFFFF  }
0x4e: {  	[tilespmem:s22], [sflag:$0x1] =	stream.indirect.gather [hbm4b:s0+s21], $0x20, s15, s21, $0xb8;
	[tilespmem:$0x13A20] =	vst v63  }
0x4f: {  	s8 =	simm.s32 $0x80  }
0x50: {  	[tilespmem:s24], [sflag:$0x2] =	stream.indirect.gather [hbm4b:s0+s21], $0x20, s8, s21, $0xb8;
	[tilespmem:$0x13A20] =	vst v63  }
0x51: {  	s9 =	simm.s32 $0x100  }
0x52: {  	[tilespmem:s28], [sflag:$0x3] =	stream.indirect.gather [hbm4b:s0+s21], $0x20, s9, s21, $0xb8;
	[tilespmem:$0x13A20] =	vst v63  }
0x53: {  	s10 =	simm.s32 $0x180  }
0x54: {  	[tilespmem:s30], [sflag:$0x4] =	stream.indirect.gather [hbm4b:s0+s21], $0x20, s10, s21, $0xb8;
	[tilespmem:$0x13A20] =	vst v63  }
0x55: {  	_ =	swait.ge [sflag:s31], $0xFA0  }
0x56: {  	[sflag:s31] =	ssyncset.done $0x0  }
0x57: {  	s11 =	simm.s32 $0x2800;
	[sflag:s31] =	ssyncadd.s32 $0xFFFFF060  }
0x58: {  	[spmem:s2] =	stream.indirect.scatter.add.f32 [tilespmem:s22], [sflag:$0x5], $0x20, s11, s21, $0xb8;
	[tilespmem:$0x13A20] =	vst v63  }
0x59: {  	_ =	swait.ge [sflag:s1], $0xFA0  }
0x5a: {  	[sflag:s1] =	ssyncset.done $0x0  }
0x5b: {  	s15 =	simm.s32 $0x2880;
	[sflag:s1] =	ssyncadd.s32 $0xFFFFF060  }
0x5c: {  	[spmem:s2] =	stream.indirect.scatter.add.f32 [tilespmem:s24], [sflag:$0x6], $0x20, s15, s21, $0xb8;
	[tilespmem:$0x13A20] =	vst v63  }
0x5d: {  	_ =	swait.ge [sflag:s12], $0xFA0  }
0x5e: {  	[sflag:s12] =	ssyncset.done $0x0  }
0x5f: {  	s8 =	simm.s32 $0x200;
	[sflag:s12] =	ssyncadd.s32 $0xFFFFF060  }
0x60: {  	[tilespmem:s22], [sflag:$0x1] =	stream.indirect.gather [hbm4b:s0+s21], $0x20, s8, s21, $0xb8;
	[tilespmem:$0x13A20] =	vst v63  }
0x61: {  	_ =	swait.ge [sflag:s14], $0xFA0  }
0x62: {  	[sflag:s14] =	ssyncset.done $0x0  }
0x63: {  	s9 =	simm.s32 $0x280;
	[sflag:s14] =	ssyncadd.s32 $0xFFFFF060  }
0x64: {  	[tilespmem:s24], [sflag:$0x2] =	stream.indirect.gather [hbm4b:s0+s21], $0x20, s9, s21, $0xb8;
	[tilespmem:$0x13A20] =	vst v63  }
0x65: {  	_ =	swait.ge [sflag:s18], $0xFA0  }
0x66: {  	[sflag:s18] =	ssyncset.done $0x0  }
0x67: {  	s10 =	simm.s32 $0x2900;
	[sflag:s18] =	ssyncadd.s32 $0xFFFFF060  }
0x68: {  	[spmem:s2] =	stream.indirect.scatter.add.f32 [tilespmem:s28], [sflag:$0x7], $0x20, s10, s21, $0xb8;
	[tilespmem:$0x13A20] =	vst v63  }
0x69: {  	_ =	swait.ge [sflag:s23], $0xFA0  }
0x6a: {  	[sflag:s23] =	ssyncset.done $0x0  }
0x6b: {  	s11 =	simm.s32 $0x2980;
	[sflag:s23] =	ssyncadd.s32 $0xFFFFF060  }
0x6c: {  	[spmem:s2] =	stream.indirect.scatter.add.f32 [tilespmem:s30], [sflag:$0x8], $0x20, s11, s21, $0xb8;
	[tilespmem:$0x13A20] =	vst v63  }
0x6d: {  	_ =	swait.ge [sflag:s26], $0xFA0  }
0x6e: {  	[sflag:s26] =	ssyncset.done $0x0  }
0x6f: {  	s15 =	simm.s32 $0x300;
	[sflag:s26] =	ssyncadd.s32 $0xFFFFF060  }
0x70: {  	[tilespmem:s28], [sflag:$0x3] =	stream.indirect.gather [hbm4b:s0+s21], $0x20, s15, s21, $0xb8;
	[tilespmem:$0x13A20] =	vst v63  }
0x71: {  	_ =	swait.ge [sflag:s29], $0xFA0  }
0x72: {  	[sflag:s29] =	ssyncset.done $0x0  }
0x73: {  	s7 =	simm.s32 $0x800;
	s8 =	simm.s32 $0x380;
	[sflag:s29] =	ssyncadd.s32 $0xFFFFF060  }
.LBB2_4:
0x74: {  	[tilespmem:s30], [sflag:$0x4] =	stream.indirect.gather [hbm4b:s0+s21], $0x20, s8, s21, $0xb8;
	[tilespmem:$0x13A20] =	vst v63  }
0x75: {  	s8 =	smov.u32 s7  }
0x76: {  	p1 =	sne.s32 s7, $0x9000;
	s7 =	sadd.s32 $0x800, s7;
	_ =	swait.ge [sflag:s31], $0xFA0  }
0x77: {  	s8 =	sshra.s32 s8, $0x2;
	[sflag:s31] =	ssyncset.done $0x0  }
0x78: {  	s9 =	sadd.s32 $0x2800, s8;
	[sflag:s31] =	ssyncadd.s32 $0xFFFFF060  }
0x79: {  	[spmem:s2] =	stream.indirect.scatter.add.f32 [tilespmem:s22], [sflag:$0x5], $0x20, s9, s21, $0xb8;
	[tilespmem:$0x13A20] =	vst v63  }
0x7a: {  	_ =	swait.ge [sflag:s1], $0xFA0  }
0x7b: {  	[sflag:s1] =	ssyncset.done $0x0  }
0x7c: {  	s9 =	sadd.s32 $0x2880, s8;
	[sflag:s1] =	ssyncadd.s32 $0xFFFFF060  }
0x7d: {  	[spmem:s2] =	stream.indirect.scatter.add.f32 [tilespmem:s24], [sflag:$0x6], $0x20, s9, s21, $0xb8;
	[tilespmem:$0x13A20] =	vst v63  }
0x7e: {  	_ =	swait.ge [sflag:s12], $0xFA0  }
0x7f: {  	[sflag:s12] =	ssyncset.done $0x0  }
0x80: {  	s9 =	sadd.s32 $0x200, s8;
	[sflag:s12] =	ssyncadd.s32 $0xFFFFF060  }
0x81: {  	[tilespmem:s22], [sflag:$0x1] =	stream.indirect.gather [hbm4b:s0+s21], $0x20, s9, s21, $0xb8;
	[tilespmem:$0x13A20] =	vst v63  }
0x82: {  	_ =	swait.ge [sflag:s14], $0xFA0  }
0x83: {  	[sflag:s14] =	ssyncset.done $0x0  }
0x84: {  	s9 =	sadd.s32 $0x280, s8;
	[sflag:s14] =	ssyncadd.s32 $0xFFFFF060  }
0x85: {  	[tilespmem:s24], [sflag:$0x2] =	stream.indirect.gather [hbm4b:s0+s21], $0x20, s9, s21, $0xb8;
	[tilespmem:$0x13A20] =	vst v63  }
0x86: {  	_ =	swait.ge [sflag:s18], $0xFA0  }
0x87: {  	[sflag:s18] =	ssyncset.done $0x0  }
0x88: {  	s9 =	sadd.s32 $0x2900, s8;
	[sflag:s18] =	ssyncadd.s32 $0xFFFFF060  }
0x89: {  	[spmem:s2] =	stream.indirect.scatter.add.f32 [tilespmem:s28], [sflag:$0x7], $0x20, s9, s21, $0xb8;
	[tilespmem:$0x13A20] =	vst v63  }
0x8a: {  	_ =	swait.ge [sflag:s23], $0xFA0  }
0x8b: {  	[sflag:s23] =	ssyncset.done $0x0  }
0x8c: {  	s9 =	sadd.s32 $0x2980, s8;
	[sflag:s23] =	ssyncadd.s32 $0xFFFFF060  }
0x8d: {  	[spmem:s2] =	stream.indirect.scatter.add.f32 [tilespmem:s30], [sflag:$0x8], $0x20, s9, s21, $0xb8;
	[tilespmem:$0x13A20] =	vst v63  }
0x8e: {  	_ =	swait.ge [sflag:s26], $0xFA0  }
0x8f: {  	[sflag:s26] =	ssyncset.done $0x0  }
.Ltmp3:
0x90: {  	s9 =	sadd.s32 $0x300, s8;
	[sflag:s26] =	ssyncadd.s32 $0xFFFFF060;
	(pc) =	sbr.rel @p1 .LBB2_4-.Ltmp3, $4  }
0x91: {  	[tilespmem:s28], [sflag:$0x3] =	stream.indirect.gather [hbm4b:s0+s21], $0x20, s9, s21, $0xb8;
	[tilespmem:$0x13A20] =	vst v63  }
0x92: {  	_ =	swait.ge [sflag:s29], $0xFA0  }
0x93: {  	[sflag:s29] =	ssyncset.done $0x0  }
0x94: {  	s8 =	sadd.s32 $0x380, s8;
	[sflag:s29] =	ssyncadd.s32 $0xFFFFF060  }
0x95: {  	[tilespmem:s30], [sflag:$0x4] =	stream.indirect.gather [hbm4b:s0+s21], $0x20, s8, s21, $0xb8;
	[tilespmem:$0x13A20] =	vst v63  }
0x96: {  	_ =	swait.ge [sflag:s31], $0xFA0  }
0x97: {  	[sflag:s31] =	ssyncset.done $0x0  }
0x98: {  	s7 =	simm.s32 $0x4E00;
	[sflag:s31] =	ssyncadd.s32 $0xFFFFF060  }
0x99: {  	[spmem:s2] =	stream.indirect.scatter.add.f32 [tilespmem:s22], [sflag:$0x5], $0x20, s7, s21, $0xb8;
	[tilespmem:$0x13A20] =	vst v63  }
0x9a: {  	_ =	swait.ge [sflag:s1], $0xFA0  }
0x9b: {  	[sflag:s1] =	ssyncset.done $0x0  }
0x9c: {  	s10 =	simm.s32 $0x4E80;
	[sflag:s1] =	ssyncadd.s32 $0xFFFFF060  }
0x9d: {  	[spmem:s2] =	stream.indirect.scatter.add.f32 [tilespmem:s24], [sflag:$0x6], $0x20, s10, s21, $0xb8;
	[tilespmem:$0x13A20] =	vst v63  }
0x9e: {  	_ =	swait.ge [sflag:s18], $0xFA0  }
0x9f: {  	[sflag:s18] =	ssyncset.done $0x0  }
0xa0: {  	s11 =	simm.s32 $0x4F00;
	[sflag:s18] =	ssyncadd.s32 $0xFFFFF060  }
0xa1: {  	[spmem:s2] =	stream.indirect.scatter.add.f32 [tilespmem:s28], [sflag:$0x7], $0x20, s11, s21, $0xb8;
	[tilespmem:$0x13A20] =	vst v63  }
0xa2: {  	_ =	swait.ge [sflag:s23], $0xFA0  }
0xa3: {  	[sflag:s23] =	ssyncset.done $0x0  }
0xa4: {  	s15 =	simm.s32 $0x4F80;
	[sflag:s23] =	ssyncadd.s32 $0xFFFFF060  }
0xa5: {  	[spmem:s2] =	stream.indirect.scatter.add.f32 [tilespmem:s30], [sflag:$0x8], $0x20, s15, s21, $0xb8;
	[tilespmem:$0x13A20] =	vst v63  }
0xa6: {  	_ =	swait.ge [sflag:s12], $0xFA0  }
0xa7: {  	[sflag:s12] =	ssyncset.done $0x0  }
0xa8: {  	[sflag:s12] =	ssyncadd.s32 $0xFFFFF060  }
0xa9: {  	_ =	swait.ge [sflag:s14], $0xFA0  }
0xaa: {  	[sflag:s14] =	ssyncset.done $0x0  }
0xab: {  	[sflag:s14] =	ssyncadd.s32 $0xFFFFF060  }
0xac: {  	_ =	swait.ge [sflag:s26], $0xFA0  }
0xad: {  	[sflag:s26] =	ssyncset.done $0x0  }
0xae: {  	[sflag:s26] =	ssyncadd.s32 $0xFFFFF060  }
0xaf: {  	_ =	swait.ge [sflag:s29], $0xFA0  }
0xb0: {  	[sflag:s29] =	ssyncset.done $0x0  }
0xb1: {  	[sflag:s29] =	ssyncadd.s32 $0xFFFFF060  }
0xb2: {  	[bflag:$0x0] =	sbarrier.arrive $0xFFFF  }
0xb3: {  	[tilespmem:s5], [sflag:$0x9] =	stream.linear.gather [spmem:s4], $0x4E00, $0x38;
	[tilespmem:$0x13A20] =	vst v63  }
0xb4: {  	_ =	swait.ge [sflag:s17], $0x4E00  }
0xb5: {  	s9 =	simm.s32 $0x0;
	[sflag:s17] =	ssyncset.done $0x0  }
0xb6: {  	s7 =	simm.s32 $0x0;
	s11 =	simm.s32 $0x9B90;
	[sflag:s17] =	ssyncadd.s32 $0xFFFFB200  }
.LBB2_6:
0xb7: {  	s8 =	sshll.u32 s9, $0x4;
	v2 =	vmov s7  }
0xb8: {  	v1 =	vmov s8;
	v2 =	vand.u32 $0xF, v2  }
0xb9: {  	v2 =	vor.u32 v1, v2  }
0xba: {  	v3 =	vbroadcast v2, $0x0;
	_ =	sdelay $0x3  }
0xbb: {  	v4 =	vld [tilespmem:s11+$0x0]  }
0xbc: {  	s15 =	simm.s32 $0x1;
	v2 =	vld [tilespmem:s11+$0xFFFFFFF0]  }
0xbd: {  	s10 =	smov.u32 s11;
	v5 =	vmov s15;
	s15 =	simm.s32 $0x2;
	s8 =	smov.u32 s11;
	v3 =	vld.idx.msk [tilespmem:v3+s20+$0x0], $0xffff  }
.LBB2_7:
0xbe: {  	p1 =	sne.s32 s15, $0xF;
	v5 =	vand.u32 $0xF, v5  }
0xbf: {  	v5 =	vor.u32 v1, v5  }
0xc0: {  	v5 =	vbroadcast v5, $0x0;
	_ =	sdelay $0x1  }
0xc1: {  	v2 =	vmul.f32 v2, v3;
	v3 =	vmul.f32 v4, v3  }
.Ltmp4:
0xc2: {  	(pc) =	sbr.rel @p1 .LBB2_7-.Ltmp4, $4  }
0xc3: {  	s10 =	sadd.s32 $0x20, s10;
	[tilespmem:s8+$0xFFFFFFF0] =	vst v2  }
0xc4: {  	v2 =	vld [tilespmem:s10+$0xFFFFFFF0];
	[tilespmem:s8+$0x0] =	vst v3;
	s8 =	smov.u32 s10  }
0xc5: {  	v3 =	vld.idx.msk [tilespmem:v5+s20+$0x0], $0xffff  }
0xc6: {  	v5 =	vmov s15;
	s15 =	sadd.s32 $0x1, s15;
	v4 =	vld [tilespmem:s10+$0x0]  }
0xc7: {  	v5 =	vand.u32 $0xF, v5  }
0xc8: {  	v1 =	vor.u32 v1, v5  }
0xc9: {  	v1 =	vbroadcast v1, $0x0;
	_ =	sdelay $0x1  }
0xca: {  	v2 =	vmul.f32 v2, v3  }
0xcb: {  	v3 =	vmul.f32 v4, v3  }
0xcc: {  	s10 =	sadd.s32 $0x20, s10;
	[tilespmem:s8+$0xFFFFFFF0] =	vst v2  }
0xcd: {  	v2 =	vld [tilespmem:s10+$0xFFFFFFF0];
	[tilespmem:s8+$0x0] =	vst v3  }
0xce: {  	v1 =	vld.idx.msk [tilespmem:v1+s20+$0x0], $0xffff  }
0xcf: {  	v3 =	vld [tilespmem:s10+$0x0]  }
0xd0: {  	s9 =	sadd.s32 $0x1, s9  }
0xd1: {  	p1 =	sne.s32 s9, $0x27  }
.Ltmp5:
0xd2: {  	_ = 	snop;
	(pc) =	sbr.rel @p1 .LBB2_6-.Ltmp5, $4  }
0xd3: {  	v2 =	vmul.f32 v2, v1  }
0xd4: {  	v1 =	vmul.f32 v3, v1  }
0xd5: {  	[tilespmem:s10+$0xFFFFFFF0] =	vst v2  }
0xd6: {  	s11 =	sadd.s32 $0x200, s11;
	[tilespmem:s10+$0x0] =	vst v1  }
.Ltmp6:
0xd7: {  	(pc) =	sbr.rel @p0 .LBB2_13-.Ltmp6, $4  }
0xd8: {  	[hbm4b:s25+s3] =	stream.linear.scatter [tilespmem:s5], [sflag:$0x9], $0x4E00, $0x38;
	[tilespmem:$0x13A20] =	vst v63  }
0xd9: {  	_ =	swait.ge [sflag:s17], $0x4E00  }
0xda: {  	[sflag:s17] =	ssyncset.done $0x0  }
0xdb: {  	[sflag:s17] =	ssyncadd.s32 $0xFFFFB200  }
0xdc: {  	s7 =	rddreg [dreg:$0xb]  }
0xdd: {  	s8 =	simm.s32 $0x0;
	s9 =	simm.s32 $0xEBF0;
	s7 =	sadd.s32 $0x500, s7  }
0xde: {  	v1 =	vmov s8;
	[tilespmem:s9], [sflag:$0x9] =	stream.linear.gather [hbm4b:s7+s8], $0x10, $0x38;
	[tilespmem:$0x13A20] =	vst v63  }
0xdf: {  	v1 =	vand.u32 $0xF, v1;
	_ =	swait.ge [sflag:s17], $0x10  }
0xe0: {  	v1 =	vor.u32 $0x270, v1;
	[sflag:s17] =	ssyncset.done $0x0  }
0xe1: {  	v2 =	vbroadcast v1, $0x0;
	[sflag:s17] =	ssyncadd.s32 $0xFFFFFFF0  }
0xe2: {  	[tilespmem:s5], [sflag:$0x9] =	stream.linear.gather [spmem:s13], $0x200, $0x38;
	[tilespmem:$0x13A20] =	vst v63  }
0xe3: {  	_ =	swait.ge [sflag:s17], $0x200  }
0xe4: {  	[sflag:s17] =	ssyncset.done $0x0  }
0xe5: {  	s7 =	simm.s32 $0x9B90;
	[sflag:s17] =	ssyncadd.s32 $0xFFFFFE00  }
0xe6: {  	v1 =	vld [tilespmem:s7+$0xFFFFFFF0]  }
0xe7: {  	s15 =	simm.s32 $0x1;
	v2 =	vld.idx.msk [tilespmem:v2+s20+$0x0], $0xffff  }
0xe8: {  	v4 =	vmov s15;
	s9 =	simm.s32 $0x2;
	s8 =	simm.s32 $0x9B90;
	v3 =	vld [tilespmem:s7+$0x0]  }
.LBB2_11:
0xe9: {  	p1 =	sne.s32 s9, $0xF;
	v4 =	vand.u32 $0xF, v4  }
0xea: {  	v4 =	vor.u32 $0x270, v4  }
0xeb: {  	v4 =	vbroadcast v4, $0x0;
	_ =	sdelay $0x1  }
0xec: {  	v1 =	vmul.f32 v1, v2;
	v2 =	vmul.f32 v3, v2  }
.Ltmp7:
0xed: {  	(pc) =	sbr.rel @p1 .LBB2_11-.Ltmp7, $4  }
0xee: {  	s8 =	sadd.s32 $0x20, s8;
	[tilespmem:s7+$0xFFFFFFF0] =	vst v1  }
0xef: {  	v1 =	vld [tilespmem:s8+$0xFFFFFFF0];
	[tilespmem:s7+$0x0] =	vst v2;
	s7 =	smov.u32 s8  }
0xf0: {  	v2 =	vld.idx.msk [tilespmem:v4+s20+$0x0], $0xffff  }
0xf1: {  	v4 =	vmov s9;
	s9 =	sadd.s32 $0x1, s9;
	v3 =	vld [tilespmem:s8+$0x0]  }
0xf2: {  	v4 =	vand.u32 $0xF, v4  }
0xf3: {  	v4 =	vor.u32 $0x270, v4  }
0xf4: {  	v4 =	vbroadcast v4, $0x0;
	_ =	sdelay $0x1  }
0xf5: {  	v1 =	vmul.f32 v1, v2  }
0xf6: {  	v2 =	vmul.f32 v3, v2  }
0xf7: {  	s8 =	sadd.s32 $0x20, s8;
	[tilespmem:s7+$0xFFFFFFF0] =	vst v1  }
0xf8: {  	v1 =	vld [tilespmem:s8+$0xFFFFFFF0];
	[tilespmem:s7+$0x0] =	vst v2  }
0xf9: {  	v2 =	vld.idx.msk [tilespmem:v4+s20+$0x0], $0xffff  }
0xfa: {  	v3 =	vld [tilespmem:s8+$0x0];
	_ =	sdelay $0x3  }
0xfb: {  	v1 =	vmul.f32 v1, v2  }
0xfc: {  	v2 =	vmul.f32 v3, v2  }
0xfd: {  	s15 =	rddreg [dreg:$0xc];
	[tilespmem:s8+$0xFFFFFFF0] =	vst v1  }
.Ltmp8:
0xfe: {  	s7 =	sadd.s32 $0x9C00, s15;
	[tilespmem:s8+$0x0] =	vst v2;
	(pc) =	sbr.rel .LBB2_13-.Ltmp8, $4  }
0xff: {  	[hbm4b:s7+s3] =	stream.linear.scatter [tilespmem:s5], [sflag:$0x9], $0x200, $0x38;
	[tilespmem:$0x13A20] =	vst v63  }
0x100: {  	_ =	swait.ge [sflag:s17], $0x200  }
0x101: {  	[sflag:s17] =	ssyncset.done $0x0  }
0x102: {  	[sflag:s17] =	ssyncadd.s32 $0xFFFFFE00  }
.LBB2_14:
0x103: {  	_ =	sfence.sel $0x180000  }
0x104: {  	[bflag:$0x0] =	sbarrier.arrive $0xFFFF  }
0x105: {  	_ =	strace $0x9000004A  }
0x106: {  	[bflag:$0x2] =	sbarrier.arrive $0xFFFF  }
0x107: {  	s0 =	rddreg [dreg:$0x3]  }
0x108: {  	s0 =	sadd.s32 @!p0 $0x100000, s0  }
0x109: {  	[sflag:s0] =	ssyncadd.tile.s32 @!p0 $0x1;
	_ =	shalt  }
.Lfunc_end2:
_tile_overlayer_lowered:
.L_overlay_start_2:
0x10a: {  	(tag) =	ssettag $0x2  }
0x10b: {  	s0 =	rddreg [dreg:$0x0];
	s2 =	stileid.u32  }
0x10c: {  	s1 =	rddreg [dreg:$0x1];
	p0 =	sne.s32 s2, $0x0  }
0x10d: {  	s3 =	rddreg [dreg:$0x2];
	[bflag:$0x3] =	sbarrier.arrive $0xFFFF;
	s2 =	simm.s32 @!p0 $0x1C09  }
0x10e: {  	[timem:s3], [sflag:s2] =	dma.local @!p0 [hbm:s0], s1  }
0x10f: {  	s0 =	simm.s32 @!p0 $0x9  }
0x110: {  	_ =	swait.ge @!p0 [sflag:s0], s1  }
0x111: {  	s1 =	ssub.s32 @!p0 $0x0, s1;
	[sflag:s0] =	ssyncset.done @!p0 $0x0  }
0x112: {  	[sflag:s0] =	ssyncadd.s32 @!p0 s1  }
0x113: {  	[bflag:$0x3] =	sbarrier.arrive $0xFFFF  }
0x114: {  	_ =	shalt  }

// kernel: kernel.7.cloned.1.call-start
scs
__scs_entry_jumppad:
0x0: {  	(pc) =	sbr.rel $0x88, $3  }
0x1: {  	(tag) =	ssettag $0x0;
	lr =	simm.s32 $0x1  }
0x2: {  	[smem:$0x3F99] =	sst lr;
	_ =	strace $0xD0000000  }
0x3: {  	_ = 	snop  }
0x4: {  	_ = 	snop  }
0x5: {  	_ = 	snop  }
0x6: {  	_ = 	snop  }
0x7: {  	_ = 	snop  }
__scs_overlays_trampoline_lowered:
0x8: {  	[smem:$0x3FA8] =	sst s0  }
0x9: {  	[smem:$0x3FA9] =	sst s1  }
0xa: {  	[smem:$0x3FAA] =	sst s2  }
0xb: {  	[smem:$0x3FAB] =	sst s3  }
0xc: {  	[smem:$0x3FAC] =	sst s4  }
0xd: {  	[smem:$0x3FAD] =	sst s5  }
0xe: {  	[smem:$0x3FAE] =	sst s6  }
0xf: {  	[smem:$0x3FAF] =	sst s7  }
0x10: {  	[smem:$0x3FB0] =	sst s8  }
0x11: {  	[smem:$0x3FB1] =	sst s9;
	s0 =	simm.s32 @!p0 $0x0  }
0x12: {  	s1 =	sld [smem:$0x3F97];
	s0 =	simm.s32 @p0 $0x1  }
0x13: {  	[smem:$0x3FB2] =	sst s0;
	s0 =	simm.s32 @!p1 $0x0  }
0x14: {  	s2 =	sld [smem:$0x3F96];
	s0 =	simm.s32 @p1 $0x1  }
0x15: {  	[smem:$0x3FB3] =	sst s0;
	s0 =	simm.s32 @!p2 $0x0  }
0x16: {  	s3 =	sld [smem:$0x3FDB];
	s0 =	simm.s32 @p2 $0x1  }
0x17: {  	s4 =	simm.s32 $0x1BF5;
	[smem:$0x3FB5] =	sst s0  }
0x18: {  	s0 =	sld [smem:$0x3F98];
	_ =	swait.ge [sflag:s4], $0x0  }
0x19: {  	s7 =	sld [smem:$0x3F99]  }
0x1a: {  	s8 =	sadd.s32 $0xFFFFE003, lr  }
0x1b: {  	s9 =	sadd.s32 $0xFFFFFEF7, lr;
	s5 =	simm.s32 $0xFFFFFFFF;
	p2 =	slt.u32 s8, $0xFFFFF086  }
0x1c: {  	p1 =	slt.u32 s9, $0xF7A;
	s5 =	simm.s32 @!p2 $0x0  }
0x1d: {  	s5 =	simm.s32 @p1 $0x1;
	p0 =	seq.s32 s7, s2  }
0x1e: {  	s7 =	smul.u32 @!p0 $0xF7A, s2;
	p2 =	seq.s32 @!p0 s5, $0x0  }
0x1f: {  	s9 =	smul.u32 $0xF7A, s1;
	s8 =	simm.s32 @!p0 $0x1BF5;
	p2 =	por !p2, p0  }
0x20: {  	[sflag:s8] =	ssyncset.s32 @!p0 $0xFFFFF086;
	s6 =	sadd.s32 @!p0 s3, s7;
	s7 =	simm.s32 @!p0 $0x108  }
0x21: {  	s3 =	sadd.s32 s3, s9;
	s6 =	sadd.s32 @!p0 $0x88, s6;
	s7 =	simm.s32 @p2 $0x1082  }
0x22: {  	[simem:s7], [sflag:s8] =	dma.local @!p0 [hbm:s6], $0xF7A  }
0x23: {  	s9 =	sor.u32 $0xD0000000, s2;
	s6 =	simm.s32 $0x108;
	_ =	swait.ge @!p0 [sflag:s8], $0x0  }
0x24: {  	s3 =	sadd.s32 $0x88, s3;
	s6 =	simm.s32 @!p1 $0x1082;
	[sflag:s4] =	ssyncset.s32 $0xFFFFF086  }
0x25: {  	[simem:s6], [sflag:s4] =	dma.local [hbm:s3], $0xF7A  }
0x26: {  	[smem:$0x3F99] =	sst s1;
	(tag) =	ssettag s2;
	_ =	strace s9  }
0x27: {  	s1 =	sld [smem:$0x3FA9]  }
0x28: {  	s2 =	sld [smem:$0x3FAA]  }
0x29: {  	s4 =	sld [smem:$0x3FAC]  }
0x2a: {  	p0 =	seq.s32 s5, $0x0;
	s5 =	sld [smem:$0x3FAD]  }
0x2b: {  	s6 =	sld [smem:$0x3FAE]  }
0x2c: {  	s7 =	sld [smem:$0x3FAF]  }
0x2d: {  	s3 =	simm.s32 $0x108;
	s8 =	sld [smem:$0x3FB0]  }
0x2e: {  	s3 =	simm.s32 @!p0 $0x1082;
	s9 =	sld [smem:$0x3FB1]  }
0x2f: {  	lr =	sadd.s32 s0, s3;
	s0 =	sld [smem:$0x3FA8]  }
0x30: {  	s3 =	sld [smem:$0x3FAB]  }
0x31: {  	[smem:$0x3FB4] =	sst s10  }
0x32: {  	s10 =	sld [smem:$0x3FB2];
	_ =	sdelay $0x3  }
0x33: {  	p0 =	seq.s32 s10, $0x1;
	s10 =	sld [smem:$0x3FB4];
	_ =	sdelay $0x3  }
0x34: {  	[smem:$0x3FB4] =	sst s10  }
0x35: {  	s10 =	sld [smem:$0x3FB3];
	_ =	sdelay $0x3  }
0x36: {  	p1 =	seq.s32 s10, $0x1;
	s10 =	sld [smem:$0x3FB4];
	_ =	sdelay $0x3  }
0x37: {  	[smem:$0x3FB4] =	sst s10  }
0x38: {  	s10 =	sld [smem:$0x3FB5]  }
0x39: {  	_ = 	snop;
	(pc) =	sbr.ind lr, $3  }
0x3a: {  	_ = 	snop  }
0x3b: {  	_ = 	snop  }
0x3c: {  	p2 =	seq.s32 s10, $0x1;
	s10 =	sld [smem:$0x3FB4]  }
0x3d: {  	_ =	shalt  }
0x3e: {  	_ =	shalt  }
0x3f: {  	_ =	shalt  }
0x40: {  	_ =	shalt  }
0x41: {  	_ =	shalt  }
0x42: {  	_ =	shalt  }
0x43: {  	_ =	shalt  }
0x44: {  	_ =	shalt  }
0x45: {  	_ =	shalt  }
0x46: {  	_ =	shalt  }
0x47: {  	_ =	shalt  }
0x48: {  	_ =	shalt  }
0x49: {  	_ =	shalt  }
0x4a: {  	_ =	shalt  }
0x4b: {  	_ =	shalt  }
0x4c: {  	_ =	shalt  }
0x4d: {  	_ =	shalt  }
0x4e: {  	_ =	shalt  }
0x4f: {  	_ =	shalt  }
0x50: {  	_ =	shalt  }
0x51: {  	_ =	shalt  }
0x52: {  	_ =	shalt  }
0x53: {  	_ =	shalt  }
0x54: {  	_ =	shalt  }
0x55: {  	_ =	shalt  }
0x56: {  	_ =	shalt  }
0x57: {  	_ =	shalt  }
0x58: {  	_ =	shalt  }
0x59: {  	_ =	shalt  }
0x5a: {  	_ =	shalt  }
0x5b: {  	_ =	shalt  }
0x5c: {  	_ =	shalt  }
0x5d: {  	_ =	shalt  }
0x5e: {  	_ =	shalt  }
0x5f: {  	_ =	shalt  }
0x60: {  	_ =	shalt  }
0x61: {  	_ =	shalt  }
0x62: {  	_ =	shalt  }
0x63: {  	_ =	shalt  }
0x64: {  	_ =	shalt  }
0x65: {  	_ =	shalt  }
0x66: {  	_ =	shalt  }
0x67: {  	_ =	shalt  }
0x68: {  	_ =	shalt  }
0x69: {  	_ =	shalt  }
0x6a: {  	_ =	shalt  }
0x6b: {  	_ =	shalt  }
0x6c: {  	_ =	shalt  }
0x6d: {  	_ =	shalt  }
0x6e: {  	_ =	shalt  }
0x6f: {  	_ =	shalt  }
0x70: {  	_ =	shalt  }
0x71: {  	_ =	shalt  }
0x72: {  	_ =	shalt  }
0x73: {  	_ =	shalt  }
0x74: {  	_ =	shalt  }
0x75: {  	_ =	shalt  }
0x76: {  	_ =	shalt  }
0x77: {  	_ =	shalt  }
0x78: {  	_ =	shalt  }
0x79: {  	_ =	shalt  }
0x7a: {  	_ =	shalt  }
0x7b: {  	_ =	shalt  }
0x7c: {  	_ =	shalt  }
0x7d: {  	_ =	shalt  }
0x7e: {  	_ =	shalt  }
0x7f: {  	_ =	shalt  }
0x80: {  	_ =	shalt  }
0x81: {  	_ =	shalt  }
0x82: {  	_ =	shalt  }
0x83: {  	_ =	shalt  }
0x84: {  	_ =	shalt  }
0x85: {  	_ =	shalt  }
0x86: {  	_ =	shalt  }
0x87: {  	_ =	shalt  }
.Lfunc_end0:
.L_simem_size_0:
called_computation_lowered:
.L_overlay_start_0:
0x88: {  	s2 =	sld [smem:$0x3FD9]  }
0x89: {  	s3 =	sld [smem:$0x3FFE];
	_ =	sdelay $0x1  }
0x8a: {  	s1 =	srdreg.scid  }
0x8b: {  	s0 =	sand.u32 $0x1, s1  }
0x8c: {  	s17 =	sshll.u32 s0, $0xA;
	s2 =	sadd.s32 s3, s2  }
0x8d: {  	s2 =	sadd.s32 s2, s17  }
0x8e: {  	[smem:$0x3FC0] =	sst s2  }
0x8f: {  	_ = 	snop  }
0x90: {  	s2 =	sld [smem:$0x3FD0];
	(tm) =	ssettm $0x1  }
0x91: {  	s18 =	sld [smem:$0x3FFB];
	_ =	sdelay $0x3  }
0x92: {  	_ =	strace s18  }
0x93: {  	s3 =	sld [smem:$0x3FFC];
	_ =	sdelay $0x3  }
0x94: {  	_ =	strace s3  }
0x95: {  	s3 =	sld [smem:$0x3FFD];
	_ =	sdelay $0x3  }
0x96: {  	_ =	strace s3  }
0x97: {  	_ =	strace $0x8FFFFFFF  }
0x98: {  	s19 =	sld [smem:$0x3FDB];
	_ =	sdelay $0x1  }
0x99: {  	s4 =	simm.s32 $_scs_section_size  }
0x9a: {  	s5 =	simm.s32 $_size__tile_overlayer_lowered;
	s6 =	simm.s32 $_tile_overlayer_lowered  }
0x9b: {  	s22 =	simm.s32 $0x1BFF;
	s21 =	sshll.u32 s6, $0x1;
	s3 =	sadd.s32 s4, s19  }
0x9c: {  	s7 =	simm.s32 $0x0;
	s20 =	sshll.u32 s5, $0x1;
	s5 =	sadd.s32 s21, s3  }
0x9d: {  	[timem:s7], [sflag:s22] =	dma.local [hbm:s5], s20  }
0x9e: {  	_ =	swait.ge [sflag:s22], s20  }
0x9f: {  	s4 =	ssub.s32 $0x0, s20;
	[sflag:s22] =	ssyncset.done $0x0  }
0xa0: {  	[sflag:s22] =	ssyncadd.s32 s4;
	_ =	sdelay $0x1  }
0xa1: {  	s23 =	simm.s32 $0x1B8B  }
0xa2: {  	_ =	swait.ge [sflag:s23], $0x1  }
0xa3: {  	[sflag:s23] =	ssyncset.done $0x0  }
0xa4: {  	s25 =	simm.s32 $0x1B8E;
	s24 =	sld [smem:$0x3FFE];
	[sflag:s23] =	ssyncadd.s32 $0xFFFFFFFF  }
0xa5: {  	s26 =	simm.s32 $execute0_lowered;
	[smem:$0x3FD2] =	sst s25  }
0xa6: {  	s5 =	sshll.u32 s26, $0x1;
	_ =	strace $0x80000046;
	[dreg:$0x1] =	wrdreg $0xFFFFFFFF  }
0xa7: {  	s28 =	simm.s32 $_size_execute0_lowered;
	s3 =	sadd.s32 s3, s5;
	[dreg:$0x0] =	wrdreg $0x0  }
0xa8: {  	s5 =	sshll.u32 s28, $0x1;
	[dreg:$0x2] =	wrdreg s3  }
0xa9: {  	[dreg:$0x3] =	wrdreg s5  }
0xaa: {  	[dreg:$0x4] =	wrdreg $0xC0  }
0xab: {  	_ =	task [dreg:s7], $0x5FFFF  }
0xac: {  	[dreg:$0x1] =	wrdreg $0xFFFFFFFF  }
0xad: {  	[dreg:$0x0] =	wrdreg $0x60  }
0xae: {  	[dreg:$0x2] =	wrdreg s2  }
0xaf: {  	[dreg:$0x3] =	wrdreg s24  }
0xb0: {  	[dreg:$0x4] =	wrdreg $0x12B680  }
0xb1: {  	[dreg:$0x5] =	wrdreg $0x179880  }
0xb2: {  	[dreg:$0x6] =	wrdreg $0x1C7A80  }
0xb3: {  	[dreg:$0x7] =	wrdreg $0x9  }
0xb4: {  	_ =	task.clear_ibuf [dreg:s7], $0x8FFFF;
	_ =	strace $0x90000046  }
0xb5: {  	s29 =	simm.s32 $0x9;
	_ =	strace $0x80000048  }
0xb6: {  	_ =	swait.ge [sflag:s29], $0x1  }
0xb7: {  	[sflag:s29] =	ssyncadd.s32 $0xFFFFFFFF  }
0xb8: {  	_ =	strace $0x90000048  }
0xb9: {  	_ =	sfence  }
0xba: {  	s30 =	sld [smem:$0x0];
	_ =	sdelay $0x2  }
0xbb: {  	s31 =	sshll.u32 s1, $0xD;
	s1 =	sshrl.u32 s1, $0x2  }
0xbc: {  	s3 =	sand.u32 $0x4000, s31;
	s1 =	sadd.s32 s1, s30  }
0xbd: {  	s0 =	sor.u32 s3, s0;
	s1 =	sshll.u32 s1, $0x11  }
0xbe: {  	s0 =	sor.u32 s1, s0  }
0xbf: {  	s0 =	sadd.s32 $0x8F2B, s0  }
0xc0: {  	[sflag:s0] =	ssyncadd.remote.s32 $0x1  }
0xc1: {  	_ =	sfence.sel $0xFFFF  }
0xc2: {  	[dreg:$0x0] =	wrdreg $0xFFFFFFFF;
	(pc) =	sbr.abs _section_cstart, $3  }
0xc3: {  	[dreg:$0x1] =	wrdreg $0xFFFFFFFF  }
0xc4: {  	_ =	task.clear_ibuf [dreg:s7], $0x2FFFF;
	_ =	strace $0x9FFFFFFF  }
0xc5: {  	(tm) =	ssettm $0x7FFFFFFF  }
tec
execute0_lowered:
.L_overlay_start_1:
0x0: {  	(tag) =	ssettag $0x1  }
0x1: {  	s0 =	rddreg [dreg:$0x0]  }
0x2: {  	s1 =	rddreg [dreg:$0x1];
	s3 =	srdreg.scid  }
0x3: {  	s19 =	stileid.u32;
	s2 =	rddreg [dreg:$0x2]  }
0x4: {  	s4 =	rddreg [dreg:$0x3];
	s8 =	simm.s32 $0x0;
	s7 =	smul.u32 $0xA00, s19  }
0x5: {  	s31 =	simm.s32 $0x7;
	[smem:$0x7FF] =	sst s8;
	s8 =	smul.u32 $0x1380, s19  }
0x6: {  	s3 =	sand.u32 $0x1, s3;
	s5 =	sshll.u32 s19, $0x1;
	s13 =	smul.u32 $0x4E00, s19  }
0x7: {  	p0 =	sne.s32 s19, $0x0;
	s6 =	sor.u32 s3, s5;
	s9 =	smul.u32 $0x9C40, s3  }
0x8: {  	s5 =	rddreg [dreg:$0x4];
	_ =	strace $0x80000047;
	s10 =	smul.u32 $0x510, s3  }
0x9: {  	s11 =	sshrl.u32 s8, $0x3;
	s29 =	sadd.s32 s8, s5;
	s8 =	sadd.s32 $0x23200, s1  }
0xa: {  	s12 =	ssub.s32 $0x2, s3;
	s3 =	smul.u32 $0xA000, s3;
	[dreg:$0x14] =	wrdreg s8  }
0xb: {  	s26 =	sadd.s32 $0xD00, s13;
	s30 =	sadd.s32 s13, s2;
	[dreg:$0x12] =	wrdreg s29  }
0xc: {  	s28 =	sadd.s32 $0x1A00, s13;
	s15 =	sadd.s32 s26, s2;
	[dreg:$0x18] =	wrdreg s30  }
0xd: {  	s16 =	sadd.s32 $0x2700, s13;
	s17 =	sadd.s32 s28, s2;
	[dreg:$0x6] =	wrdreg s15  }
0xe: {  	s14 =	sshrl.u32 s12, $0x1;
	s18 =	sadd.s32 s16, s2;
	[dreg:$0x7] =	wrdreg s17  }
0xf: {  	s12 =	ssub.s32 s12, s14;
	s14 =	sadd.s32 s26, s4;
	[dreg:$0x8] =	wrdreg s18  }
0x10: {  	s6 =	smul.u32 $0x500, s6;
	s22 =	sadd.s32 s28, s4;
	[dreg:$0xa] =	wrdreg s14  }
0x11: {  	s20 =	sadd.s32 $0x3400, s13;
	s23 =	sadd.s32 s16, s4;
	[dreg:$0xb] =	wrdreg s22  }
0x12: {  	s21 =	sadd.s32 $0x4100, s13;
	s24 =	sadd.s32 s20, s4;
	[dreg:$0xc] =	wrdreg s23  }
0x13: {  	s7 =	sadd.s32 s7, s1;
	s25 =	sadd.s32 s21, s2;
	[dreg:$0xd] =	wrdreg s24  }
0x14: {  	s11 =	sadd.s32 s11, s1;
	s26 =	sadd.s32 s21, s4;
	[dreg:$0xe] =	wrdreg s25  }
0x15: {  	s9 =	sadd.s32 s9, s1;
	s28 =	sadd.s32 $0x2C00, s7;
	[dreg:$0xf] =	wrdreg s26  }
0x16: {  	s10 =	sadd.s32 s10, s1;
	s16 =	sshrl.u32 s13, $0x3;
	[dreg:$0x11] =	wrdreg s28  }
0x17: {  	s3 =	sshrl.u32 s3, $0x2;
	s18 =	sadd.s32 s20, s2;
	[dreg:$0x1a] =	wrdreg s16  }
0x18: {  	s21 =	sadd.s32 $0x16C00, s1;
	s7 =	sadd.s32 $0x20A00, s11;
	[dreg:$0x9] =	wrdreg s18  }
0x19: {  	s6 =	sadd.s32 s6, s1;
	s1 =	sadd.s32 $0x23100, s1;
	[dreg:$0x13] =	wrdreg s7  }
0x1a: {  	s8 =	simm.s32 $0x8;
	s11 =	sadd.s32 $0x4F00, s3;
	[dreg:$0x15] =	wrdreg s1  }
0x1b: {  	s24 =	sadd.s32 $0x2800, s3;
	s14 =	sadd.s32 $0x4F80, s3;
	[dreg:$0x16] =	wrdreg s11  }
0x1c: {  	s15 =	sadd.s32 s13, s4;
	s17 =	smul.u32 $0x50, s19;
	[dreg:$0x17] =	wrdreg s14  }
0x1d: {  	s20 =	sadd.s32 $0x24000, s9;
	s22 =	sadd.s32 $0x37A00, s9;
	[dreg:$0x19] =	wrdreg s15  }
0x1e: {  	s23 =	smax.u32 s12, $0x1;
	s25 =	sadd.s32 $0x4E000, s2;
	[dreg:$0x1c] =	wrdreg s20  }
0x1f: {  	s26 =	sadd.s32 $0x4E000, s4;
	s28 =	sadd.s32 $0x13800, s5;
	[dreg:$0x1d] =	wrdreg s22  }
0x20: {  	s12 =	simm.s32 $0x9;
	s13 =	simm.s32 $0xC380;
	[dreg:$0x1e] =	wrdreg s23  }
0x21: {  	s16 =	simm.s32 $0x87A0;
	s3 =	simm.s32 $0x4;
	[smem:$0x7FB] =	sst s25  }
0x22: {  	s19 =	simm.s32 $0x128E8;
	s6 =	sadd.s32 $0xCC00, s6;
	[smem:$0x7FC] =	sst s26  }
0x23: {  	s18 =	sadd.s32 $0x4B400, s10;
	[smem:$0x7FD] =	sst s28;
	s14 =	simm.s32 $0x7D  }
.Ltmp0:
0x24: {  	s15 =	simm.s32 $0x7800;
	s20 =	simm.s32 $0xA6E0;
	(pc) =	sbr.rel .LBB2_1-.Ltmp0, $4  }
0x25: {  	s22 =	simm.s32 $0x1;
	s23 =	simm.s32 $0x2;
	s7 =	simm.s32 $0x6  }
0x26: {  	s10 =	simm.s32 $0x11568;
	s25 =	simm.s32 $0x0;
	[dreg:$0x10] =	wrdreg s6  }
0x27: {  	v1 =	vlaneseq.u32;
	[dreg:$0x1b] =	wrdreg s18;
	s1 =	sadd.s32 s17, s18;
	s18 =	simm.s32 $0x9740  }
0x28: {  	v0 =	vimm.f32 $0.0e+00;
	v1 =	vmul.u32 $0x8, v1;
	s17 =	simm.s32 $0x3;
	[dreg:$0x1f] =	wrdreg s1;
	s1 =	simm.s32 $0x5  }
.LBB2_21:
0x29: {  	s25 =	sadd.s32 $0x1, s25;
	s6 =	rddreg [dreg:$0x1e]  }
0x2a: {  	p1 =	sne.s32 s25, s6  }
.Ltmp1:
0x2b: {  	_ = 	snop;
	(pc) =	sbr.rel @!p1 .LBB2_22-.Ltmp1, $1  }
0x2c: {  	_ =	sdelay $0x3  }
.LBB2_1:
0x2d: {  	s6 =	simm.s32 $0x80;
	s9 =	simm.s32 $0x0  }
.LBB2_2:
0x2e: {  	p1 =	sne.s32 s6, $0x3380;
	[tilespmem:s9+$0xB680] =	vst v0;
	s26 =	smov.u32 s6;
	s6 =	sadd.s32 $0x80, s6  }
.Ltmp2:
0x2f: {  	[tilespmem:s9+$0xB690] =	vst v0;
	(pc) =	sbr.rel @p1 .LBB2_2-.Ltmp2, $2  }
0x30: {  	_ =	sdelay $0x2  }
0x31: {  	s9 =	sshra.s32 s26, $0x2  }
0x32: {  	[tilespmem:s9+$0xB680] =	vst v0  }
0x33: {  	[tilespmem:s9+$0xB690] =	vst v0;
	s9 =	simm.s32 $0xB680  }
0x34: {  	[spmem:s30] =	stream.linear.scatter [tilespmem:s9], [sflag:$0x9], $0xD00, $0x38;
	[tilespmem:$0x1DB30] =	vst v63  }
0x35: {  	_ =	swait.ge [sflag:s12], $0xD00  }
0x36: {  	[sflag:s12] =	ssyncset.done $0x0  }
0x37: {  	s6 =	rddreg [dreg:$0x6];
	[sflag:s12] =	ssyncadd.s32 $0xFFFFF300  }
0x38: {  	[spmem:s6] =	stream.linear.scatter [tilespmem:s9], [sflag:$0x9], $0xD00, $0x38;
	[tilespmem:$0x1DB30] =	vst v63  }
0x39: {  	_ =	swait.ge [sflag:s12], $0xD00  }
0x3a: {  	[sflag:s12] =	ssyncset.done $0x0  }
0x3b: {  	s28 =	rddreg [dreg:$0x7];
	[sflag:s12] =	ssyncadd.s32 $0xFFFFF300  }
0x3c: {  	[spmem:s28] =	stream.linear.scatter [tilespmem:s9], [sflag:$0x9], $0xD00, $0x38;
	[tilespmem:$0x1DB30] =	vst v63  }
0x3d: {  	_ =	swait.ge [sflag:s12], $0xD00  }
0x3e: {  	[sflag:s12] =	ssyncset.done $0x0  }
0x3f: {  	s11 =	rddreg [dreg:$0x8];
	[sflag:s12] =	ssyncadd.s32 $0xFFFFF300  }
0x40: {  	[spmem:s11] =	stream.linear.scatter [tilespmem:s9], [sflag:$0x9], $0xD00, $0x38;
	[tilespmem:$0x1DB30] =	vst v63  }
0x41: {  	_ =	swait.ge [sflag:s12], $0xD00  }
0x42: {  	[sflag:s12] =	ssyncset.done $0x0  }
0x43: {  	s26 =	rddreg [dreg:$0x9];
	[sflag:s12] =	ssyncadd.s32 $0xFFFFF300  }
0x44: {  	[spmem:s26] =	stream.linear.scatter [tilespmem:s9], [sflag:$0x9], $0xD00, $0x38;
	[tilespmem:$0x1DB30] =	vst v63  }
0x45: {  	_ =	swait.ge [sflag:s12], $0xD00  }
0x46: {  	[sflag:s12] =	ssyncset.done $0x0  }
0x47: {  	s28 =	rddreg [dreg:$0xe];
	[sflag:s12] =	ssyncadd.s32 $0xFFFFF300  }
0x48: {  	[spmem:s28] =	stream.linear.scatter [tilespmem:s9], [sflag:$0x9], $0xD00, $0x38;
	[tilespmem:$0x1DB30] =	vst v63  }
0x49: {  	_ =	swait.ge [sflag:s12], $0xD00  }
0x4a: {  	[sflag:s12] =	ssyncset.done $0x0  }
0x4b: {  	s11 =	rddreg [dreg:$0x19];
	[sflag:s12] =	ssyncadd.s32 $0xFFFFF300  }
0x4c: {  	[spmem:s11] =	stream.linear.scatter [tilespmem:s9], [sflag:$0x9], $0xD00, $0x38;
	[tilespmem:$0x1DB30] =	vst v63  }
0x4d: {  	_ =	swait.ge [sflag:s12], $0xD00  }
0x4e: {  	[sflag:s12] =	ssyncset.done $0x0  }
0x4f: {  	s26 =	rddreg [dreg:$0xa];
	[sflag:s12] =	ssyncadd.s32 $0xFFFFF300  }
0x50: {  	[spmem:s26] =	stream.linear.scatter [tilespmem:s9], [sflag:$0x9], $0xD00, $0x38;
	[tilespmem:$0x1DB30] =	vst v63  }
0x51: {  	_ =	swait.ge [sflag:s12], $0xD00  }
0x52: {  	[sflag:s12] =	ssyncset.done $0x0  }
0x53: {  	s28 =	rddreg [dreg:$0xb];
	[sflag:s12] =	ssyncadd.s32 $0xFFFFF300  }
0x54: {  	[spmem:s28] =	stream.linear.scatter [tilespmem:s9], [sflag:$0x9], $0xD00, $0x38;
	[tilespmem:$0x1DB30] =	vst v63  }
0x55: {  	_ =	swait.ge [sflag:s12], $0xD00  }
0x56: {  	[sflag:s12] =	ssyncset.done $0x0  }
0x57: {  	s11 =	rddreg [dreg:$0xc];
	[sflag:s12] =	ssyncadd.s32 $0xFFFFF300  }
0x58: {  	[spmem:s11] =	stream.linear.scatter [tilespmem:s9], [sflag:$0x9], $0xD00, $0x38;
	[tilespmem:$0x1DB30] =	vst v63  }
0x59: {  	_ =	swait.ge [sflag:s12], $0xD00  }
0x5a: {  	[sflag:s12] =	ssyncset.done $0x0  }
0x5b: {  	s26 =	rddreg [dreg:$0xd];
	[sflag:s12] =	ssyncadd.s32 $0xFFFFF300  }
0x5c: {  	[spmem:s26] =	stream.linear.scatter [tilespmem:s9], [sflag:$0x9], $0xD00, $0x38;
	[tilespmem:$0x1DB30] =	vst v63  }
0x5d: {  	_ =	swait.ge [sflag:s12], $0xD00  }
0x5e: {  	[sflag:s12] =	ssyncset.done $0x0  }
0x5f: {  	s28 =	rddreg [dreg:$0xf];
	[sflag:s12] =	ssyncadd.s32 $0xFFFFF300  }
0x60: {  	[spmem:s28] =	stream.linear.scatter [tilespmem:s9], [sflag:$0x9], $0xD00, $0x38;
	[tilespmem:$0x1DB30] =	vst v63  }
0x61: {  	_ =	swait.ge [sflag:s12], $0xD00  }
0x62: {  	[sflag:s12] =	ssyncset.done $0x0  }
0x63: {  	s6 =	simm.s32 $0x0;
	s11 =	rddreg [dreg:$0x10];
	[sflag:s12] =	ssyncadd.s32 $0xFFFFF300  }
0x64: {  	[tilespmem:s6], [sflag:$0x9] =	stream.linear.gather [hbm4b:s11+s6], $0x2800, $0x38;
	[tilespmem:$0x1DB30] =	vst v63  }
0x65: {  	_ =	swait.ge [sflag:s12], $0x2800  }
0x66: {  	[sflag:s12] =	ssyncset.done $0x0  }
0x67: {  	s11 =	simm.s32 $0x2800;
	s26 =	rddreg [dreg:$0x11];
	[sflag:s12] =	ssyncadd.s32 $0xFFFFD800  }
0x68: {  	[tilespmem:s11], [sflag:$0x9] =	stream.linear.gather [hbm4b:s26+s6], $0x5000, $0x38;
	[tilespmem:$0x1DB30] =	vst v63  }
0x69: {  	_ =	swait.ge [sflag:s12], $0x5000  }
0x6a: {  	[sflag:s12] =	ssyncset.done $0x0  }
0x6b: {  	s28 =	rddreg [dreg:$0x14];
	[sflag:s12] =	ssyncadd.s32 $0xFFFFB000  }
0x6c: {  	[tilespmem:s13], [sflag:$0x9] =	stream.linear.gather [hbm4b:s28+s6], $0x3E8, $0x38;
	[tilespmem:$0x1DB30] =	vst v63  }
0x6d: {  	s11 =	stileid.u32;
	_ =	swait.ge [sflag:s12], $0x3E8  }
0x6e: {  	s26 =	sshrl.u32 s29, $0x3;
	s6 =	sshll.u32 s11, $0x6;
	[sflag:s12] =	ssyncset.done $0x0  }
0x6f: {  	s6 =	sor.u32 $0x1C09, s6;
	s28 =	rddreg [dreg:$0x13];
	[sflag:s12] =	ssyncadd.s32 $0xFFFFFC18  }
0x70: {  	[spmem:s26], [sflag:s6] =	dma.local [hbm:s28], $0x270  }
0x71: {  	_ =	swait.ge [sflag:s12], $0x270  }
0x72: {  	s11 =	sld [smem:$0x7FB]  }
0x73: {  	[sflag:s12] =	ssyncset.done $0x0  }
0x74: {  	s9 =	simm.s32 @!p0 $0xB680;
	s26 =	simm.s32 @!p0 $0x9;
	[sflag:s12] =	ssyncadd.s32 $0xFFFFFD90  }
0x75: {  	[spmem:s11] =	stream.linear.scatter @!p0 [tilespmem:s9], [sflag:$0x9], $0x200, $0x38;
	[tilespmem:$0x1DB30] =	vst v63  }
0x76: {  	_ =	swait.ge @!p0 [sflag:s26], $0x200  }
0x77: {  	s11 =	sld [smem:$0x7FC]  }
0x78: {  	[sflag:s26] =	ssyncset.done @!p0 $0x0  }
0x79: {  	[sflag:s26] =	ssyncadd.s32 @!p0 $0xFFFFFE00  }
0x7a: {  	[spmem:s11] =	stream.linear.scatter @!p0 [tilespmem:s9], [sflag:$0x9], $0x200, $0x38;
	[tilespmem:$0x1DB30] =	vst v63  }
0x7b: {  	_ =	swait.ge @!p0 [sflag:s26], $0x200  }
0x7c: {  	s9 =	sld [smem:$0x7FD];
	_ =	sdelay $0x1  }
0x7d: {  	[sflag:s26] =	ssyncset.done @!p0 $0x0  }
0x7e: {  	s11 =	rddreg [dreg:$0x15];
	[sflag:s26] =	ssyncadd.s32 @!p0 $0xFFFFFE00;
	s9 =	sshrl.u32 @!p0 s9, $0x3  }
0x7f: {  	[spmem:s9], [sflag:s6] =	dma.local @!p0 [hbm:s11], $0x10  }
0x80: {  	_ =	swait.ge @!p0 [sflag:s26], $0x10  }
0x81: {  	[sflag:s26] =	ssyncset.done @!p0 $0x0  }
0x82: {  	[sflag:s26] =	ssyncadd.s32 @!p0 $0xFFFFFFF0  }
0x83: {  	s9 =	simm.s32 $0x0;
	[bflag:$0x0] =	sbarrier.arrive $0xFFFF  }
0x84: {  	[tilespmem:s15], [sflag:$0x1] =	stream.indirect.gather [hbm4b:s0+s14], $0x20, s9, s14, $0xb8;
	[tilespmem:$0x1DB30] =	vst v63  }
0x85: {  	_ = 	snop  }
0x86: {  	[tilespmem:s16], [sflag:$0x2] =	stream.indirect.gather [hbm4b:s21+s14], $0x20, s9, s14, $0xb8;
	[tilespmem:$0x1DB30] =	vst v63  }
0x87: {  	s11 =	simm.s32 $0x80  }
0x88: {  	[tilespmem:s18], [sflag:$0x3] =	stream.indirect.gather [hbm4b:s0+s14], $0x20, s11, s14, $0xb8;
	[tilespmem:$0x1DB30] =	vst v63  }
0x89: {  	_ = 	snop  }
0x8a: {  	[tilespmem:s20], [sflag:$0x4] =	stream.indirect.gather [hbm4b:s21+s14], $0x20, s11, s14, $0xb8;
	[tilespmem:$0x1DB30] =	vst v63  }
0x8b: {  	_ =	swait.ge [sflag:s22], $0xFA0  }
0x8c: {  	[sflag:s22] =	ssyncset.done $0x0  }
0x8d: {  	s6 =	sadd.s32 $0x0, s24;
	[sflag:s22] =	ssyncadd.s32 $0xFFFFF060  }
0x8e: {  	[spmem:s2] =	stream.indirect.scatter.add.f32 [tilespmem:s15], [sflag:$0x5], $0x20, s6, s14, $0xb8;
	[tilespmem:$0x1DB30] =	vst v63  }
0x8f: {  	s26 =	simm.s32 $0x2800  }
0x90: {  	[spmem:s5] =	stream.indirect.scatter.add.f32 [tilespmem:s13], [sflag:$0x5], $0x8, s26, s14, $0xb8;
	[tilespmem:$0x1DB30] =	vst v63  }
0x91: {  	s28 =	simm.s32 $0x5000  }
0x92: {  	[spmem:s5] =	stream.indirect.scatter.add.f32 [tilespmem:s13], [sflag:$0x5], $0x8, s28, s14, $0xb8;
	[tilespmem:$0x1DB30] =	vst v63  }
0x93: {  	_ =	swait.ge [sflag:s23], $0xFA0  }
0x94: {  	[sflag:s23] =	ssyncset.done $0x0  }
0x95: {  	[sflag:s23] =	ssyncadd.s32 $0xFFFFF060  }
0x96: {  	[spmem:s4] =	stream.indirect.scatter.add.f32 [tilespmem:s16], [sflag:$0x6], $0x20, s6, s14, $0xb8;
	[tilespmem:$0x1DB30] =	vst v63  }
0x97: {  	_ =	swait.ge [sflag:s1], $0xFA0  }
0x98: {  	[sflag:s1] =	ssyncset.done $0x0  }
0x99: {  	[sflag:s1] =	ssyncadd.s32 $0xFFFFF060  }
0x9a: {  	_ =	swait.ge [sflag:s1], $0x3E8  }
0x9b: {  	[sflag:s1] =	ssyncset.done $0x0  }
0x9c: {  	[sflag:s1] =	ssyncadd.s32 $0xFFFFFC18  }
0x9d: {  	_ =	swait.ge [sflag:s1], $0x3E8  }
0x9e: {  	[sflag:s1] =	ssyncset.done $0x0  }
0x9f: {  	s11 =	simm.s32 $0x100;
	[sflag:s1] =	ssyncadd.s32 $0xFFFFFC18  }
0xa0: {  	[tilespmem:s15], [sflag:$0x1] =	stream.indirect.gather [hbm4b:s0+s14], $0x20, s11, s14, $0xb8;
	[tilespmem:$0x1DB30] =	vst v63  }
0xa1: {  	_ =	swait.ge [sflag:s7], $0xFA0  }
0xa2: {  	[sflag:s7] =	ssyncset.done $0x0  }
0xa3: {  	[sflag:s7] =	ssyncadd.s32 $0xFFFFF060  }
0xa4: {  	[tilespmem:s16], [sflag:$0x2] =	stream.indirect.gather [hbm4b:s21+s14], $0x20, s11, s14, $0xb8;
	[tilespmem:$0x1DB30] =	vst v63  }
0xa5: {  	_ =	swait.ge [sflag:s17], $0xFA0  }
0xa6: {  	[sflag:s17] =	ssyncset.done $0x0  }
0xa7: {  	s6 =	sadd.s32 $0x80, s6;
	[sflag:s17] =	ssyncadd.s32 $0xFFFFF060  }
0xa8: {  	[spmem:s2] =	stream.indirect.scatter.add.f32 [tilespmem:s18], [sflag:$0x7], $0x20, s6, s14, $0xb8;
	[tilespmem:$0x1DB30] =	vst v63  }
0xa9: {  	s26 =	simm.s32 $0x2880  }
0xaa: {  	[spmem:s5] =	stream.indirect.scatter.add.f32 [tilespmem:s13], [sflag:$0x7], $0x8, s26, s14, $0xb8;
	[tilespmem:$0x1DB30] =	vst v63  }
0xab: {  	s28 =	simm.s32 $0x5080  }
0xac: {  	[spmem:s5] =	stream.indirect.scatter.add.f32 [tilespmem:s13], [sflag:$0x7], $0x8, s28, s14, $0xb8;
	[tilespmem:$0x1DB30] =	vst v63  }
0xad: {  	_ =	swait.ge [sflag:s3], $0xFA0  }
0xae: {  	[sflag:s3] =	ssyncset.done $0x0  }
0xaf: {  	[sflag:s3] =	ssyncadd.s32 $0xFFFFF060  }
0xb0: {  	[spmem:s4] =	stream.indirect.scatter.add.f32 [tilespmem:s20], [sflag:$0x8], $0x20, s6, s14, $0xb8;
	[tilespmem:$0x1DB30] =	vst v63  }
0xb1: {  	_ =	swait.ge [sflag:s31], $0xFA0  }
0xb2: {  	[sflag:s31] =	ssyncset.done $0x0  }
0xb3: {  	[sflag:s31] =	ssyncadd.s32 $0xFFFFF060  }
0xb4: {  	_ =	swait.ge [sflag:s31], $0x3E8  }
0xb5: {  	[sflag:s31] =	ssyncset.done $0x0  }
0xb6: {  	[sflag:s31] =	ssyncadd.s32 $0xFFFFFC18  }
0xb7: {  	_ =	swait.ge [sflag:s31], $0x3E8  }
0xb8: {  	[sflag:s31] =	ssyncset.done $0x0  }
0xb9: {  	s6 =	simm.s32 $0x180;
	[sflag:s31] =	ssyncadd.s32 $0xFFFFFC18  }
0xba: {  	[tilespmem:s18], [sflag:$0x3] =	stream.indirect.gather [hbm4b:s0+s14], $0x20, s6, s14, $0xb8;
	[tilespmem:$0x1DB30] =	vst v63  }
0xbb: {  	_ =	swait.ge [sflag:s8], $0xFA0  }
0xbc: {  	[sflag:s8] =	ssyncset.done $0x0  }
0xbd: {  	s26 =	simm.s32 $0x400;
	[sflag:s8] =	ssyncadd.s32 $0xFFFFF060  }
.LBB2_4:
0xbe: {  	[tilespmem:s20], [sflag:$0x4] =	stream.indirect.gather [hbm4b:s21+s14], $0x20, s6, s14, $0xb8;
	[tilespmem:$0x1DB30] =	vst v63  }
0xbf: {  	s6 =	smov.u32 s26  }
0xc0: {  	p1 =	sne.s32 s26, $0x9800;
	s26 =	sadd.s32 $0x400, s26;
	_ =	swait.ge [sflag:s22], $0xFA0  }
0xc1: {  	s28 =	sshra.s32 s6, $0x2;
	[sflag:s22] =	ssyncset.done $0x0  }
0xc2: {  	s6 =	sadd.s32 s28, s24;
	[sflag:s22] =	ssyncadd.s32 $0xFFFFF060  }
0xc3: {  	[spmem:s2] =	stream.indirect.scatter.add.f32 [tilespmem:s15], [sflag:$0x5], $0x20, s6, s14, $0xb8;
	[tilespmem:$0x1DB30] =	vst v63  }
0xc4: {  	s9 =	sadd.s32 $0x2800, s28  }
0xc5: {  	[spmem:s5] =	stream.indirect.scatter.add.f32 [tilespmem:s13], [sflag:$0x5], $0x8, s9, s14, $0xb8;
	[tilespmem:$0x1DB30] =	vst v63  }
0xc6: {  	s9 =	sadd.s32 $0x5000, s28  }
0xc7: {  	[spmem:s5] =	stream.indirect.scatter.add.f32 [tilespmem:s13], [sflag:$0x5], $0x8, s9, s14, $0xb8;
	[tilespmem:$0x1DB30] =	vst v63  }
0xc8: {  	_ =	swait.ge [sflag:s23], $0xFA0  }
0xc9: {  	[sflag:s23] =	ssyncset.done $0x0  }
0xca: {  	[sflag:s23] =	ssyncadd.s32 $0xFFFFF060  }
0xcb: {  	[spmem:s4] =	stream.indirect.scatter.add.f32 [tilespmem:s16], [sflag:$0x6], $0x20, s6, s14, $0xb8;
	[tilespmem:$0x1DB30] =	vst v63  }
0xcc: {  	_ =	swait.ge [sflag:s1], $0xFA0  }
0xcd: {  	[sflag:s1] =	ssyncset.done $0x0  }
0xce: {  	[sflag:s1] =	ssyncadd.s32 $0xFFFFF060  }
0xcf: {  	_ =	swait.ge [sflag:s1], $0x3E8  }
0xd0: {  	[sflag:s1] =	ssyncset.done $0x0  }
0xd1: {  	[sflag:s1] =	ssyncadd.s32 $0xFFFFFC18  }
0xd2: {  	_ =	swait.ge [sflag:s1], $0x3E8  }
0xd3: {  	[sflag:s1] =	ssyncset.done $0x0  }
0xd4: {  	s9 =	sadd.s32 $0x100, s28;
	[sflag:s1] =	ssyncadd.s32 $0xFFFFFC18  }
0xd5: {  	[tilespmem:s15], [sflag:$0x1] =	stream.indirect.gather [hbm4b:s0+s14], $0x20, s9, s14, $0xb8;
	[tilespmem:$0x1DB30] =	vst v63  }
0xd6: {  	_ =	swait.ge [sflag:s7], $0xFA0  }
0xd7: {  	[sflag:s7] =	ssyncset.done $0x0  }
0xd8: {  	[sflag:s7] =	ssyncadd.s32 $0xFFFFF060  }
0xd9: {  	[tilespmem:s16], [sflag:$0x2] =	stream.indirect.gather [hbm4b:s21+s14], $0x20, s9, s14, $0xb8;
	[tilespmem:$0x1DB30] =	vst v63  }
0xda: {  	_ =	swait.ge [sflag:s17], $0xFA0  }
0xdb: {  	[sflag:s17] =	ssyncset.done $0x0  }
0xdc: {  	s6 =	sadd.s32 $0x80, s6;
	[sflag:s17] =	ssyncadd.s32 $0xFFFFF060  }
0xdd: {  	[spmem:s2] =	stream.indirect.scatter.add.f32 [tilespmem:s18], [sflag:$0x7], $0x20, s6, s14, $0xb8;
	[tilespmem:$0x1DB30] =	vst v63  }
0xde: {  	s9 =	sadd.s32 $0x2880, s28  }
0xdf: {  	[spmem:s5] =	stream.indirect.scatter.add.f32 [tilespmem:s13], [sflag:$0x7], $0x8, s9, s14, $0xb8;
	[tilespmem:$0x1DB30] =	vst v63  }
0xe0: {  	s9 =	sadd.s32 $0x5080, s28  }
0xe1: {  	[spmem:s5] =	stream.indirect.scatter.add.f32 [tilespmem:s13], [sflag:$0x7], $0x8, s9, s14, $0xb8;
	[tilespmem:$0x1DB30] =	vst v63  }
0xe2: {  	_ =	swait.ge [sflag:s3], $0xFA0  }
0xe3: {  	[sflag:s3] =	ssyncset.done $0x0  }
0xe4: {  	[sflag:s3] =	ssyncadd.s32 $0xFFFFF060  }
0xe5: {  	[spmem:s4] =	stream.indirect.scatter.add.f32 [tilespmem:s20], [sflag:$0x8], $0x20, s6, s14, $0xb8;
	[tilespmem:$0x1DB30] =	vst v63  }
0xe6: {  	_ =	swait.ge [sflag:s31], $0xFA0  }
0xe7: {  	[sflag:s31] =	ssyncset.done $0x0  }
0xe8: {  	[sflag:s31] =	ssyncadd.s32 $0xFFFFF060  }
0xe9: {  	_ =	swait.ge [sflag:s31], $0x3E8  }
0xea: {  	[sflag:s31] =	ssyncset.done $0x0  }
0xeb: {  	[sflag:s31] =	ssyncadd.s32 $0xFFFFFC18  }
0xec: {  	_ =	swait.ge [sflag:s31], $0x3E8  }
0xed: {  	[sflag:s31] =	ssyncset.done $0x0  }
.Ltmp3:
0xee: {  	s6 =	sadd.s32 $0x180, s28;
	[sflag:s31] =	ssyncadd.s32 $0xFFFFFC18;
	(pc) =	sbr.rel @p1 .LBB2_4-.Ltmp3, $4  }
0xef: {  	[tilespmem:s18], [sflag:$0x3] =	stream.indirect.gather [hbm4b:s0+s14], $0x20, s6, s14, $0xb8;
	[tilespmem:$0x1DB30] =	vst v63  }
0xf0: {  	_ =	swait.ge [sflag:s8], $0xFA0  }
0xf1: {  	[sflag:s8] =	ssyncset.done $0x0  }
0xf2: {  	[sflag:s8] =	ssyncadd.s32 $0xFFFFF060  }
0xf3: {  	[tilespmem:s20], [sflag:$0x4] =	stream.indirect.gather [hbm4b:s21+s14], $0x20, s6, s14, $0xb8;
	[tilespmem:$0x1DB30] =	vst v63  }
0xf4: {  	_ =	swait.ge [sflag:s22], $0xFA0  }
0xf5: {  	[sflag:s22] =	ssyncset.done $0x0  }
0xf6: {  	s11 =	rddreg [dreg:$0x16];
	[sflag:s22] =	ssyncadd.s32 $0xFFFFF060  }
0xf7: {  	[spmem:s2] =	stream.indirect.scatter.add.f32 [tilespmem:s15], [sflag:$0x5], $0x20, s11, s14, $0xb8;
	[tilespmem:$0x1DB30] =	vst v63  }
0xf8: {  	s9 =	simm.s32 $0x4F00  }
0xf9: {  	[spmem:s5] =	stream.indirect.scatter.add.f32 [tilespmem:s13], [sflag:$0x5], $0x8, s9, s14, $0xb8;
	[tilespmem:$0x1DB30] =	vst v63  }
0xfa: {  	s26 =	simm.s32 $0x7700  }
0xfb: {  	[spmem:s5] =	stream.indirect.scatter.add.f32 [tilespmem:s13], [sflag:$0x5], $0x8, s26, s14, $0xb8;
	[tilespmem:$0x1DB30] =	vst v63  }
0xfc: {  	_ =	swait.ge [sflag:s23], $0xFA0  }
0xfd: {  	[sflag:s23] =	ssyncset.done $0x0  }
0xfe: {  	[sflag:s23] =	ssyncadd.s32 $0xFFFFF060  }
0xff: {  	[spmem:s4] =	stream.indirect.scatter.add.f32 [tilespmem:s16], [sflag:$0x6], $0x20, s11, s14, $0xb8;
	[tilespmem:$0x1DB30] =	vst v63  }
0x100: {  	_ =	swait.ge [sflag:s17], $0xFA0  }
0x101: {  	[sflag:s17] =	ssyncset.done $0x0  }
0x102: {  	s28 =	rddreg [dreg:$0x17];
	[sflag:s17] =	ssyncadd.s32 $0xFFFFF060  }
0x103: {  	[spmem:s2] =	stream.indirect.scatter.add.f32 [tilespmem:s18], [sflag:$0x7], $0x20, s28, s14, $0xb8;
	[tilespmem:$0x1DB30] =	vst v63  }
0x104: {  	s11 =	simm.s32 $0x4F80  }
0x105: {  	[spmem:s5] =	stream.indirect.scatter.add.f32 [tilespmem:s13], [sflag:$0x7], $0x8, s11, s14, $0xb8;
	[tilespmem:$0x1DB30] =	vst v63  }
0x106: {  	s26 =	simm.s32 $0x7780  }
0x107: {  	[spmem:s5] =	stream.indirect.scatter.add.f32 [tilespmem:s13], [sflag:$0x7], $0x8, s26, s14, $0xb8;
	[tilespmem:$0x1DB30] =	vst v63  }
0x108: {  	_ =	swait.ge [sflag:s3], $0xFA0  }
0x109: {  	[sflag:s3] =	ssyncset.done $0x0  }
0x10a: {  	[sflag:s3] =	ssyncadd.s32 $0xFFFFF060  }
0x10b: {  	[spmem:s4] =	stream.indirect.scatter.add.f32 [tilespmem:s20], [sflag:$0x8], $0x20, s28, s14, $0xb8;
	[tilespmem:$0x1DB30] =	vst v63  }
0x10c: {  	_ =	swait.ge [sflag:s1], $0xFA0  }
0x10d: {  	[sflag:s1] =	ssyncset.done $0x0  }
0x10e: {  	[sflag:s1] =	ssyncadd.s32 $0xFFFFF060  }
0x10f: {  	_ =	swait.ge [sflag:s1], $0x3E8  }
0x110: {  	[sflag:s1] =	ssyncset.done $0x0  }
0x111: {  	[sflag:s1] =	ssyncadd.s32 $0xFFFFFC18  }
0x112: {  	_ =	swait.ge [sflag:s1], $0x3E8  }
0x113: {  	[sflag:s1] =	ssyncset.done $0x0  }
0x114: {  	[sflag:s1] =	ssyncadd.s32 $0xFFFFFC18  }
0x115: {  	_ =	swait.ge [sflag:s7], $0xFA0  }
0x116: {  	[sflag:s7] =	ssyncset.done $0x0  }
0x117: {  	[sflag:s7] =	ssyncadd.s32 $0xFFFFF060  }
0x118: {  	_ =	swait.ge [sflag:s31], $0xFA0  }
0x119: {  	[sflag:s31] =	ssyncset.done $0x0  }
0x11a: {  	[sflag:s31] =	ssyncadd.s32 $0xFFFFF060  }
0x11b: {  	_ =	swait.ge [sflag:s31], $0x3E8  }
0x11c: {  	[sflag:s31] =	ssyncset.done $0x0  }
0x11d: {  	[sflag:s31] =	ssyncadd.s32 $0xFFFFFC18  }
0x11e: {  	_ =	swait.ge [sflag:s31], $0x3E8  }
0x11f: {  	[sflag:s31] =	ssyncset.done $0x0  }
0x120: {  	[sflag:s31] =	ssyncadd.s32 $0xFFFFFC18  }
0x121: {  	_ =	swait.ge [sflag:s8], $0xFA0  }
0x122: {  	[sflag:s8] =	ssyncset.done $0x0  }
0x123: {  	[sflag:s8] =	ssyncadd.s32 $0xFFFFF060  }
0x124: {  	s28 =	simm.s32 $0xC768;
	[bflag:$0x0] =	sbarrier.arrive $0xFFFF  }
0x125: {  	[tilespmem:s28], [sflag:$0x9] =	stream.linear.gather [spmem:s30], $0x4E00, $0x38;
	[tilespmem:$0x1DB30] =	vst v63  }
0x126: {  	_ =	swait.ge [sflag:s12], $0x4E00  }
0x127: {  	[sflag:s12] =	ssyncset.done $0x0  }
0x128: {  	[sflag:s12] =	ssyncadd.s32 $0xFFFFB200  }
0x129: {  	[tilespmem:s10], [sflag:$0x9] =	stream.linear.gather [spmem:s29], $0x1380, $0x38;
	[tilespmem:$0x1DB30] =	vst v63  }
0x12a: {  	_ =	swait.ge [sflag:s12], $0x1380  }
0x12b: {  	s9 =	simm.s32 $0xC778;
	[sflag:s12] =	ssyncset.done $0x0  }
0x12c: {  	s26 =	simm.s32 $0x0;
	s29 =	simm.s32 $0x0;
	[sflag:s12] =	ssyncadd.s32 $0xFFFFEC80  }
.LBB2_6:
0x12d: {  	s6 =	sshll.u32 s29, $0x4  }
0x12e: {  	v2 =	vmov s6  }
0x12f: {  	v3 =	vshll.u32 v2, $0x3  }
0x130: {  	v3 =	vor.u32 v1, v3;
	_ =	sdelay $0x4  }
0x131: {  	v3 =	vld.idx.msk [tilespmem:v3+s10+$0x0], $0xffff;
	_ =	sdelay $0x4  }
0x132: {  	v3 =	vmax.f32 v3, $1.000000000e+00  }
0x133: {  	(erf) = vrcp.f32 v3;
	_ =	sdelay $0x2  }
0x134: {  	v3 =	vmov s26  }
0x135: {  	v3 =	vand.u32 $0xF, v3  }
0x136: {  	v3 =	vor.u32 v2, v3  }
0x137: {  	v4 =	vbroadcast v3, $0x0;
	_ =	sdelay $0x2  }
0x138: {  	v3 =	vpop (erf)  }
0x139: {  	[tilespmem:s6+$0x128E8] =	vst v3  }
0x13a: {  	v3 =	vld [tilespmem:s9+$0xFFFFFFF0]  }
0x13b: {  	s11 =	simm.s32 $0x1;
	v4 =	vld.idx.msk [tilespmem:v4+s19+$0x0], $0xffff  }
0x13c: {  	s28 =	smov.u32 s9;
	s30 =	smov.u32 s9;
	v6 =	vmov s11;
	s6 =	simm.s32 $0x2;
	v5 =	vld [tilespmem:s9+$0x0]  }
.LBB2_7:
0x13d: {  	p1 =	sne.s32 s6, $0xF;
	v6 =	vand.u32 $0xF, v6  }
0x13e: {  	v6 =	vor.u32 v2, v6  }
0x13f: {  	v6 =	vbroadcast v6, $0x0;
	_ =	sdelay $0x1  }
0x140: {  	v3 =	vmul.f32 v3, v4;
	v4 =	vmul.f32 v5, v4  }
.Ltmp4:
0x141: {  	(pc) =	sbr.rel @p1 .LBB2_7-.Ltmp4, $4  }
0x142: {  	s30 =	sadd.s32 $0x20, s30;
	[tilespmem:s28+$0xFFFFFFF0] =	vst v3  }
0x143: {  	v3 =	vld [tilespmem:s30+$0xFFFFFFF0];
	[tilespmem:s28+$0x0] =	vst v4;
	s28 =	smov.u32 s30  }
0x144: {  	v4 =	vld.idx.msk [tilespmem:v6+s19+$0x0], $0xffff  }
0x145: {  	v6 =	vmov s6;
	s6 =	sadd.s32 $0x1, s6;
	v5 =	vld [tilespmem:s30+$0x0]  }
0x146: {  	v6 =	vand.u32 $0xF, v6  }
0x147: {  	v2 =	vor.u32 v2, v6  }
0x148: {  	v2 =	vbroadcast v2, $0x0;
	_ =	sdelay $0x1  }
0x149: {  	v3 =	vmul.f32 v3, v4  }
0x14a: {  	v63 =	vmul.f32 v5, v4  }
0x14b: {  	s6 =	sadd.s32 $0x20, s30;
	[tilespmem:s28+$0xFFFFFFF0] =	vst v3  }
0x14c: {  	v3 =	vld [tilespmem:s6+$0xFFFFFFF0];
	[tilespmem:s28+$0x0] =	vst v63  }
0x14d: {  	v2 =	vld.idx.msk [tilespmem:v2+s19+$0x0], $0xffff  }
0x14e: {  	v4 =	vld [tilespmem:s6+$0x0]  }
0x14f: {  	s29 =	sadd.s32 $0x1, s29  }
0x150: {  	p1 =	sne.s32 s29, $0x27  }
.Ltmp5:
0x151: {  	_ = 	snop;
	(pc) =	sbr.rel @p1 .LBB2_6-.Ltmp5, $4  }
0x152: {  	v3 =	vmul.f32 v3, v2  }
0x153: {  	v2 =	vmul.f32 v4, v2  }
0x154: {  	[tilespmem:s6+$0xFFFFFFF0] =	vst v3  }
0x155: {  	s9 =	sadd.s32 $0x200, s9;
	[tilespmem:s6+$0x0] =	vst v2  }
0x156: {  	s6 =	rddreg [dreg:$0x1a]  }
0x157: {  	s9 =	rddreg [dreg:$0x1c]  }
0x158: {  	s29 =	simm.s32 $0x0;
	s28 =	simm.s32 $0xC768;
	s6 =	sadd.s32 s6, s9  }
0x159: {  	[hbm4b:s6+s29] =	stream.linear.scatter [tilespmem:s28], [sflag:$0x9], $0x4E00, $0x38;
	[tilespmem:$0x1DB30] =	vst v63  }
0x15a: {  	_ =	swait.ge [sflag:s12], $0x4E00  }
0x15b: {  	[sflag:s12] =	ssyncset.done $0x0  }
.Ltmp6:
0x15c: {  	s30 =	rddreg [dreg:$0x1f];
	[sflag:s12] =	ssyncadd.s32 $0xFFFFB200;
	(pc) =	sbr.rel @p0 .LBB2_13-.Ltmp6, $4  }
0x15d: {  	[hbm4b:s30+s29] =	stream.linear.scatter [tilespmem:s19], [sflag:$0x9], $0x270, $0x38;
	[tilespmem:$0x1DB30] =	vst v63  }
0x15e: {  	_ =	swait.ge [sflag:s12], $0x270  }
0x15f: {  	[sflag:s12] =	ssyncset.done $0x0  }
0x160: {  	s11 =	simm.s32 $0x0;
	[sflag:s12] =	ssyncadd.s32 $0xFFFFFD90  }
0x161: {  	s6 =	sld [smem:$0x7FB];
	_ =	sdelay $0x2  }
0x162: {  	[tilespmem:s28], [sflag:$0x9] =	stream.linear.gather [spmem:s6], $0x200, $0x38;
	[tilespmem:$0x1DB30] =	vst v63  }
0x163: {  	_ =	swait.ge [sflag:s12], $0x200  }
0x164: {  	s26 =	sld [smem:$0x7FD]  }
0x165: {  	[sflag:s12] =	ssyncset.done $0x0  }
0x166: {  	[sflag:s12] =	ssyncadd.s32 $0xFFFFFE00  }
0x167: {  	[tilespmem:s10], [sflag:$0x9] =	stream.linear.gather [spmem:s26], $0x80, $0x38;
	[tilespmem:$0x1DB30] =	vst v63  }
0x168: {  	_ =	swait.ge [sflag:s12], $0x80  }
0x169: {  	[sflag:s12] =	ssyncset.done $0x0  }
0x16a: {  	[sflag:s12] =	ssyncadd.s32 $0xFFFFFF80  }
0x16b: {  	v2 =	vld.idx.msk [tilespmem:v1+s10+$0x0], $0xffff;
	_ =	sdelay $0x4  }
0x16c: {  	v2 =	vmax.f32 v2, $1.000000000e+00  }
0x16d: {  	(erf) = vrcp.f32 v2;
	_ =	sdelay $0x1  }
0x16e: {  	s29 =	simm.s32 $0x0  }
0x16f: {  	v2 =	vmov s29  }
0x170: {  	v2 =	vand.u32 $0xF, v2  }
0x171: {  	v2 =	vor.u32 $0x270, v2  }
0x172: {  	v3 =	vbroadcast v2, $0x0;
	_ =	sdelay $0x2  }
0x173: {  	v2 =	vpop (erf)  }
0x174: {  	s26 =	simm.s32 $0xC778;
	[tilespmem:$0x12B58] =	vst v2  }
0x175: {  	v2 =	vld [tilespmem:s26+$0xFFFFFFF0]  }
0x176: {  	s30 =	simm.s32 $0x1;
	v3 =	vld.idx.msk [tilespmem:v3+s19+$0x0], $0xffff  }
0x177: {  	s9 =	simm.s32 $0xC778;
	v5 =	vmov s30;
	s6 =	simm.s32 $0x2;
	v4 =	vld [tilespmem:s26+$0x0]  }
.LBB2_11:
0x178: {  	p1 =	sne.s32 s6, $0xF;
	v5 =	vand.u32 $0xF, v5  }
0x179: {  	v5 =	vor.u32 $0x270, v5  }
0x17a: {  	v5 =	vbroadcast v5, $0x0;
	_ =	sdelay $0x1  }
0x17b: {  	v2 =	vmul.f32 v2, v3;
	v3 =	vmul.f32 v4, v3  }
.Ltmp7:
0x17c: {  	(pc) =	sbr.rel @p1 .LBB2_11-.Ltmp7, $4  }
0x17d: {  	s9 =	sadd.s32 $0x20, s9;
	[tilespmem:s26+$0xFFFFFFF0] =	vst v2  }
0x17e: {  	v2 =	vld [tilespmem:s9+$0xFFFFFFF0];
	[tilespmem:s26+$0x0] =	vst v3;
	s26 =	smov.u32 s9  }
0x17f: {  	v3 =	vld.idx.msk [tilespmem:v5+s19+$0x0], $0xffff  }
0x180: {  	v5 =	vmov s6;
	s6 =	sadd.s32 $0x1, s6;
	v4 =	vld [tilespmem:s9+$0x0]  }
0x181: {  	v5 =	vand.u32 $0xF, v5  }
0x182: {  	v5 =	vor.u32 $0x270, v5  }
0x183: {  	v5 =	vbroadcast v5, $0x0;
	_ =	sdelay $0x1  }
0x184: {  	v2 =	vmul.f32 v2, v3  }
0x185: {  	v3 =	vmul.f32 v4, v3  }
0x186: {  	s6 =	sadd.s32 $0x20, s9;
	[tilespmem:s26+$0xFFFFFFF0] =	vst v2  }
0x187: {  	v2 =	vld [tilespmem:s6+$0xFFFFFFF0];
	[tilespmem:s26+$0x0] =	vst v3  }
0x188: {  	v3 =	vld.idx.msk [tilespmem:v5+s19+$0x0], $0xffff  }
0x189: {  	v63 =	vld [tilespmem:s6+$0x0];
	_ =	sdelay $0x3  }
0x18a: {  	v2 =	vmul.f32 v2, v3  }
0x18b: {  	v3 =	vmul.f32 v63, v3  }
0x18c: {  	s26 =	rddreg [dreg:$0x1b];
	[tilespmem:s6+$0xFFFFFFF0] =	vst v2  }
0x18d: {  	s29 =	simm.s32 $0x0;
	s11 =	simm.s32 $0x12B58;
	[tilespmem:s6+$0x0] =	vst v3;
	s6 =	sadd.s32 $0x500, s26  }
0x18e: {  	[hbm4b:s6+s29] =	stream.linear.scatter [tilespmem:s11], [sflag:$0x9], $0x10, $0x38;
	[tilespmem:$0x1DB30] =	vst v63  }
0x18f: {  	_ =	swait.ge [sflag:s12], $0x10  }
0x190: {  	[sflag:s12] =	ssyncset.done $0x0;
	s30 =	rddreg [dreg:$0x1c]  }
0x191: {  	[sflag:s12] =	ssyncadd.s32 $0xFFFFFFF0;
	s6 =	sadd.s32 $0x9C00, s30  }
0x192: {  	[hbm4b:s6+s29] =	stream.linear.scatter [tilespmem:s28], [sflag:$0x9], $0x200, $0x38;
	[tilespmem:$0x1DB30] =	vst v63  }
0x193: {  	_ =	swait.ge [sflag:s12], $0x200  }
0x194: {  	[sflag:s12] =	ssyncset.done $0x0  }
0x195: {  	s11 =	simm.s32 $0x0;
	[sflag:s12] =	ssyncadd.s32 $0xFFFFFE00  }
.LBB2_13:
0x196: {  	s6 =	rddreg [dreg:$0x19]  }
0x197: {  	[tilespmem:s28], [sflag:$0x9] =	stream.linear.gather [spmem:s6], $0x4E00, $0x38;
	[tilespmem:$0x1DB30] =	vst v63  }
0x198: {  	_ =	swait.ge [sflag:s12], $0x4E00  }
0x199: {  	s26 =	simm.s32 $0x0;
	[sflag:s12] =	ssyncset.done $0x0  }
0x19a: {  	s29 =	simm.s32 $0x0;
	s28 =	simm.s32 $0xC778;
	[sflag:s12] =	ssyncadd.s32 $0xFFFFB200  }
.LBB2_14:
0x19b: {  	s6 =	sshll.u32 s29, $0x4;
	v3 =	vmov s26  }
0x19c: {  	v2 =	vmov s6;
	v3 =	vand.u32 $0xF, v3  }
0x19d: {  	v3 =	vor.u32 v2, v3  }
0x19e: {  	v4 =	vbroadcast v3, $0x0;
	_ =	sdelay $0x3  }
0x19f: {  	v5 =	vld [tilespmem:s28+$0x0]  }
0x1a0: {  	s9 =	simm.s32 $0x1;
	v3 =	vld [tilespmem:s28+$0xFFFFFFF0]  }
0x1a1: {  	s30 =	smov.u32 s28;
	v6 =	vmov s9;
	s6 =	simm.s32 $0x2;
	s9 =	smov.u32 s28;
	v4 =	vld.idx.msk [tilespmem:v4+s19+$0x0], $0xffff  }
.LBB2_15:
0x1a2: {  	p1 =	sne.s32 s6, $0xF;
	v6 =	vand.u32 $0xF, v6  }
0x1a3: {  	v6 =	vor.u32 v2, v6  }
0x1a4: {  	v6 =	vbroadcast v6, $0x0;
	_ =	sdelay $0x1  }
0x1a5: {  	v3 =	vmul.f32 v3, v4;
	v4 =	vmul.f32 v5, v4  }
.Ltmp8:
0x1a6: {  	(pc) =	sbr.rel @p1 .LBB2_15-.Ltmp8, $4  }
0x1a7: {  	s9 =	sadd.s32 $0x20, s9;
	[tilespmem:s30+$0xFFFFFFF0] =	vst v3  }
0x1a8: {  	v3 =	vld [tilespmem:s9+$0xFFFFFFF0];
	[tilespmem:s30+$0x0] =	vst v4;
	s30 =	smov.u32 s9  }
0x1a9: {  	v4 =	vld.idx.msk [tilespmem:v6+s19+$0x0], $0xffff  }
0x1aa: {  	v6 =	vmov s6;
	s6 =	sadd.s32 $0x1, s6;
	v5 =	vld [tilespmem:s9+$0x0]  }
0x1ab: {  	v6 =	vand.u32 $0xF, v6  }
0x1ac: {  	v2 =	vor.u32 v2, v6  }
0x1ad: {  	v2 =	vbroadcast v2, $0x0;
	_ =	sdelay $0x1  }
0x1ae: {  	v3 =	vmul.f32 v3, v4  }
0x1af: {  	v63 =	vmul.f32 v5, v4  }
0x1b0: {  	s6 =	sadd.s32 $0x20, s9;
	[tilespmem:s30+$0xFFFFFFF0] =	vst v3  }
0x1b1: {  	v3 =	vld [tilespmem:s6+$0xFFFFFFF0];
	[tilespmem:s30+$0x0] =	vst v63  }
0x1b2: {  	v2 =	vld.idx.msk [tilespmem:v2+s19+$0x0], $0xffff  }
0x1b3: {  	v4 =	vld [tilespmem:s6+$0x0]  }
0x1b4: {  	s29 =	sadd.s32 $0x1, s29  }
0x1b5: {  	p1 =	sne.s32 s29, $0x27  }
.Ltmp9:
0x1b6: {  	_ = 	snop;
	(pc) =	sbr.rel @p1 .LBB2_14-.Ltmp9, $4  }
0x1b7: {  	v3 =	vmul.f32 v3, v2  }
0x1b8: {  	v2 =	vmul.f32 v4, v2  }
0x1b9: {  	[tilespmem:s6+$0xFFFFFFF0] =	vst v3  }
0x1ba: {  	s28 =	sadd.s32 $0x200, s28;
	[tilespmem:s6+$0x0] =	vst v2  }
0x1bb: {  	s6 =	rddreg [dreg:$0x1a]  }
0x1bc: {  	s9 =	rddreg [dreg:$0x1d]  }
.Ltmp10:
0x1bd: {  	s28 =	simm.s32 $0xC768;
	s6 =	sadd.s32 s6, s9;
	(pc) =	sbr.rel @p0 .LBB2_21-.Ltmp10, $4  }
0x1be: {  	[hbm4b:s6+s11] =	stream.linear.scatter [tilespmem:s28], [sflag:$0x9], $0x4E00, $0x38;
	[tilespmem:$0x1DB30] =	vst v63  }
0x1bf: {  	_ =	swait.ge [sflag:s12], $0x4E00  }
0x1c0: {  	[sflag:s12] =	ssyncset.done $0x0;
	s29 =	rddreg [dreg:$0x12]  }
0x1c1: {  	s30 =	rddreg [dreg:$0x18];
	[sflag:s12] =	ssyncadd.s32 $0xFFFFB200  }
0x1c2: {  	s6 =	simm.s32 $0x0  }
0x1c3: {  	s26 =	sld [smem:$0x7FC];
	v2 =	vmov s6  }
0x1c4: {  	v2 =	vand.u32 $0xF, v2  }
0x1c5: {  	v2 =	vor.u32 $0x270, v2  }
0x1c6: {  	[tilespmem:s28], [sflag:$0x9] =	stream.linear.gather [spmem:s26], $0x200, $0x38;
	v3 =	vbroadcast v2, $0x0;
	[tilespmem:$0x1DB30] =	vst v63  }
0x1c7: {  	_ =	swait.ge [sflag:s12], $0x200  }
0x1c8: {  	[sflag:s12] =	ssyncset.done $0x0  }
0x1c9: {  	s26 =	simm.s32 $0xC778;
	[sflag:s12] =	ssyncadd.s32 $0xFFFFFE00  }
0x1ca: {  	v2 =	vld [tilespmem:s26+$0xFFFFFFF0]  }
0x1cb: {  	s9 =	simm.s32 $0x1;
	v4 =	vld [tilespmem:s26+$0x0]  }
0x1cc: {  	v5 =	vmov s9;
	s6 =	simm.s32 $0x2;
	s9 =	simm.s32 $0xC778;
	v3 =	vld.idx.msk [tilespmem:v3+s19+$0x0], $0xffff  }
.LBB2_19:
0x1cd: {  	p1 =	sne.s32 s6, $0xF;
	v5 =	vand.u32 $0xF, v5  }
0x1ce: {  	v5 =	vor.u32 $0x270, v5  }
0x1cf: {  	v5 =	vbroadcast v5, $0x0;
	_ =	sdelay $0x1  }
0x1d0: {  	v2 =	vmul.f32 v2, v3;
	v3 =	vmul.f32 v4, v3  }
.Ltmp11:
0x1d1: {  	(pc) =	sbr.rel @p1 .LBB2_19-.Ltmp11, $4  }
0x1d2: {  	s9 =	sadd.s32 $0x20, s9;
	[tilespmem:s26+$0xFFFFFFF0] =	vst v2  }
0x1d3: {  	v2 =	vld [tilespmem:s9+$0xFFFFFFF0];
	[tilespmem:s26+$0x0] =	vst v3;
	s26 =	smov.u32 s9  }
0x1d4: {  	v3 =	vld.idx.msk [tilespmem:v5+s19+$0x0], $0xffff  }
0x1d5: {  	v5 =	vmov s6;
	s6 =	sadd.s32 $0x1, s6;
	v4 =	vld [tilespmem:s9+$0x0]  }
0x1d6: {  	v5 =	vand.u32 $0xF, v5  }
0x1d7: {  	v5 =	vor.u32 $0x270, v5  }
0x1d8: {  	v5 =	vbroadcast v5, $0x0;
	_ =	sdelay $0x1  }
0x1d9: {  	v2 =	vmul.f32 v2, v3  }
0x1da: {  	v3 =	vmul.f32 v4, v3  }
0x1db: {  	s6 =	sadd.s32 $0x20, s9;
	[tilespmem:s26+$0xFFFFFFF0] =	vst v2  }
0x1dc: {  	v2 =	vld [tilespmem:s6+$0xFFFFFFF0];
	[tilespmem:s26+$0x0] =	vst v3  }
0x1dd: {  	v3 =	vld.idx.msk [tilespmem:v5+s19+$0x0], $0xffff  }
0x1de: {  	v63 =	vld [tilespmem:s6+$0x0];
	_ =	sdelay $0x3  }
0x1df: {  	v2 =	vmul.f32 v2, v3  }
0x1e0: {  	v3 =	vmul.f32 v63, v3  }
0x1e1: {  	s26 =	rddreg [dreg:$0x1d];
	[tilespmem:s6+$0xFFFFFFF0] =	vst v2  }
.Ltmp12:
0x1e2: {  	[tilespmem:s6+$0x0] =	vst v3;
	s6 =	sadd.s32 $0x9C00, s26;
	(pc) =	sbr.rel .LBB2_21-.Ltmp12, $4  }
0x1e3: {  	[hbm4b:s6+s11] =	stream.linear.scatter [tilespmem:s28], [sflag:$0x9], $0x200, $0x38;
	[tilespmem:$0x1DB30] =	vst v63  }
0x1e4: {  	_ =	swait.ge [sflag:s12], $0x200  }
0x1e5: {  	[sflag:s12] =	ssyncset.done $0x0  }
0x1e6: {  	[sflag:s12] =	ssyncadd.s32 $0xFFFFFE00  }
.LBB2_22:
0x1e7: {  	_ =	sfence.sel $0x180000  }
0x1e8: {  	[bflag:$0x0] =	sbarrier.arrive $0xFFFF  }
0x1e9: {  	_ =	strace $0x90000047  }
0x1ea: {  	[bflag:$0x2] =	sbarrier.arrive $0xFFFF  }
0x1eb: {  	s0 =	rddreg [dreg:$0x5]  }
0x1ec: {  	s0 =	sadd.s32 @!p0 $0x100000, s0  }
0x1ed: {  	[sflag:s0] =	ssyncadd.tile.s32 @!p0 $0x1;
	_ =	shalt  }
.Lfunc_end2:
_tile_overlayer_lowered:
.L_overlay_start_2:
0x1ee: {  	(tag) =	ssettag $0x2  }
0x1ef: {  	s0 =	rddreg [dreg:$0x0];
	s2 =	stileid.u32  }
0x1f0: {  	s1 =	rddreg [dreg:$0x1];
	p0 =	sne.s32 s2, $0x0  }
0x1f1: {  	s3 =	rddreg [dreg:$0x2];
	[bflag:$0x3] =	sbarrier.arrive $0xFFFF;
	s2 =	simm.s32 @!p0 $0x1C09  }
0x1f2: {  	[timem:s3], [sflag:s2] =	dma.local @!p0 [hbm:s0], s1  }
0x1f3: {  	s0 =	simm.s32 @!p0 $0x9  }
0x1f4: {  	_ =	swait.ge @!p0 [sflag:s0], s1  }
0x1f5: {  	s1 =	ssub.s32 @!p0 $0x0, s1;
	[sflag:s0] =	ssyncset.done @!p0 $0x0  }
0x1f6: {  	[sflag:s0] =	ssyncadd.s32 @!p0 s1  }
0x1f7: {  	[bflag:$0x3] =	sbarrier.arrive $0xFFFF  }
0x1f8: {  	_ =	shalt  }

</sc_bundles>
